<compile_context>
chip_gen: v7x
topology: tpu7x:2x2x1
jax: 0.10.2.dev20260603
libtpu: 0.0.44.dev20260713+nightly
codegen_flags: <defaults>
</compile_context>

<pallas_src>
import jax
import jax.numpy as jnp
from jax import lax
from jax.experimental import pallas as pl
from jax.experimental.pallas import tpu as pltpu
from jax.experimental.pallas import tpu_sc as plsc

_NC = 2
_NS = 16
_L = 16

_CHUNK = 2000
_SUB = _CHUNK // _L

_STAGE = 6256
_DRAINB = 3128


def _rsqrt(q):
  qi = lax.bitcast_convert_type(q, jnp.int32)
  yi = jnp.int32(0x5F3759DF) - (qi >> 1)
  y = lax.bitcast_convert_type(yi, jnp.float32)
  h = q * jnp.float32(0.5)
  y = y * (jnp.float32(1.5) - h * y * y)
  y = y * (jnp.float32(1.5) - h * y * y)
  return y


def _sc_edge_kernel(n_nodes, n_edges):
  epw = n_edges // (_NC * _NS)
  n_chunks = epw // _CHUNK
  assert n_chunks % 2 == 0
  n3 = 3 * n_nodes
  stage_last = n_nodes - 15 * _STAGE

  mesh = plsc.VectorSubcoreMesh(core_axis_name="c", subcore_axis_name="s")

  def body(na_hbm, nb_hbm, pe_hbm, pa_hbm, pi_hbm, cx_hbm, cz_hbm, p0_hbm,
           p1_hbm, p2_hbm, out0_hbm, out1_hbm,
           tab_cx, tab_cz, tab_p0, tab_p1, tab_p2, acc_x, acc_y, acc_z,
           idxab0, idxab1, pe0, pe1, pa0, pa1, pi0, pi1,
           g_cx0, g_cx1, g_cz0, g_cz1, g_p00, g_p01, g_p10, g_p11,
           g_p20, g_p21, f_x, f_y, f_z, dr_v,
           isem, gsem, ssem):
    cid = lax.axis_index("c")
    sid = lax.axis_index("s")
    wid = cid * _NS + sid
    tabs = (tab_cx, tab_cz, tab_p0, tab_p1, tab_p2)
    accs = (acc_x, acc_y, acc_z)

    idxab = (idxab0, idxab1)
    pes = (pe0, pe1)
    pas = (pa0, pa1)
    pis = (pi0, pi1)
    gbufs = ((g_cx0, g_cz0, g_p00, g_p10, g_p20),
             (g_cx1, g_cz1, g_p01, g_p11, g_p21))

    cols = (cx_hbm, cz_hbm, p0_hbm, p1_hbm, p2_hbm)
    half = _STAGE // 2

    def stage_tab(srcr, ref, cnt, off):
      pltpu.sync_copy(srcr.at[pl.ds(off, cnt)], dr_v.at[pl.ds(0, cnt)])
      pltpu.sync_copy(dr_v.at[pl.ds(0, cnt)], ref.at[pl.ds(off, cnt)])

    @pl.when(sid < _NS - 1)
    def _():
      off = pl.multiple_of(sid * _STAGE, 8)
      for srcr, ref in zip(cols, tabs):
        stage_tab(srcr, ref, half, off)
        stage_tab(srcr, ref, half, off + half)

    @pl.when(sid == _NS - 1)
    def _():
      for srcr, ref in zip(cols, tabs):
        stage_tab(srcr, ref, half, 15 * _STAGE)
        stage_tab(srcr, ref, stage_last - half, 15 * _STAGE + half)

    def zero_step(j, _):
      dr_v[pl.ds(j * _L, _L)] = jnp.zeros((_L,), jnp.float32)
      return 0
    lax.fori_loop(0, _DRAINB // _L, zero_step, 0)

    @pl.when(sid < _NS - 1)
    def _():
      off = pl.multiple_of(sid * _STAGE, 8)
      for a in accs:
        pltpu.sync_copy(dr_v.at[pl.ds(0, half)], a.at[pl.ds(off, half)])
        pltpu.sync_copy(dr_v.at[pl.ds(0, half)],
                        a.at[pl.ds(off + half, half)])

    @pl.when(sid == _NS - 1)
    def _():
      for a in accs:
        pltpu.sync_copy(dr_v.at[pl.ds(0, half)],
                        a.at[pl.ds(15 * _STAGE, half)])
        pltpu.sync_copy(dr_v.at[pl.ds(0, stage_last - half)],
                        a.at[pl.ds(15 * _STAGE + half, stage_last - half)])

    plsc.subcore_barrier()

    def base_of(k):
      return pl.multiple_of(wid * epw + k * _CHUNK, 8)

    def in_descs(k, p):
      b = base_of(k)
      return (
          (na_hbm.at[pl.ds(b, _CHUNK)], idxab[p].at[pl.ds(0, _CHUNK)]),
          (nb_hbm.at[pl.ds(b, _CHUNK)], idxab[p].at[pl.ds(_CHUNK, _CHUNK)]),
          (pe_hbm.at[pl.ds(b, _CHUNK)], pes[p]),
          (pa_hbm.at[pl.ds(b, _CHUNK)], pas[p]),
          (pi_hbm.at[pl.ds(b, _CHUNK)], pis[p]),
      )

    def fire_in(k, p):
      for s, d in in_descs(k, p):
        pltpu.async_copy(s, d, isem)

    def wait_in(k, p):
      for s, d in in_descs(k, p):
        pltpu.make_async_copy(s, d, isem).wait()

    def g_descs(p):
      ix = idxab[p]
      return tuple(
          (t.at[ix], gg) for t, gg in zip(tabs, gbufs[p]))

    def fire_gathers(p):
      for s, d in g_descs(p):
        pltpu.async_copy(s, d, gsem)

    def wait_gathers(p):
      for s, d in g_descs(p):
        pltpu.make_async_copy(s, d, gsem).wait()

    def s_descs(p):
      ix = idxab[p]
      return ((f_x, acc_x.at[ix]), (f_y, acc_y.at[ix]), (f_z, acc_z.at[ix]))

    def fire_scatters(p):
      for s, d in s_descs(p):
        pltpu.async_copy(s, d, ssem, add=True)

    def wait_scatters(p):
      for s, d in s_descs(p):
        pltpu.make_async_copy(s, d, ssem).wait()

    def compute(p):
      g_cx, g_cz, g_p0, g_p1, g_p2 = gbufs[p]
      pe_v, pa_v, pi_v = pes[p], pas[p], pis[p]

      def comp(i, _):
        sl = pl.ds(i * _L, _L)
        slb = pl.ds(_CHUNK + i * _L, _L)
        cxa = g_cx[sl]
        cza = g_cz[sl]
        cxb = g_cx[slb]
        czb = g_cz[slb]
        p0a = g_p0[sl]
        p1a = g_p1[sl]
        p2a = g_p2[sl]
        p0b = g_p0[slb]
        p1b = g_p1[slb]
        p2b = g_p2[slb]
        pe = pe_v[sl]
        pa = pa_v[sl]
        pi = pi_v[sl]

        dx = cxb - cxa
        dz = czb - cza
        q = dx * dx + dz * dz + jnp.float32(1e-10)
        r = _rsqrt(q)
        l0 = q * r
        eps = jnp.float32(1e-10)
        inv1 = jnp.float32(1.0) / (l0 + eps)
        l02 = l0 * l0
        inv2 = jnp.float32(1.0) / (l02 + eps)
        inv3 = jnp.float32(1.0) / (l02 * l0 + eps)
        c = dx * inv1
        s = dz * inv1
        ea = pe * pa
        ei = pe * pi
        k_ax = ea * inv1
        k_bend = ei * inv1
        k_sw = ei * inv2
        k_tr = ei * inv3
        ta = -p2a
        tb = -p2b
        ua = c * p0a + s * p1a
        wa = c * p1a - s * p0a
        ub = c * p0b + s * p1b
        wb = c * p1b - s * p0b
        du = ua - ub
        dw = wa - wb
        tsum = ta + tb
        f0 = k_ax * du
        f1 = jnp.float32(12.0) * k_tr * dw + jnp.float32(6.0) * k_sw * tsum
        sw6 = jnp.float32(6.0) * k_sw * dw
        f2 = sw6 + k_bend * (jnp.float32(4.0) * ta + jnp.float32(2.0) * tb)
        f5 = sw6 + k_bend * (jnp.float32(2.0) * ta + jnp.float32(4.0) * tb)
        fxa = c * f0 - s * f1
        fya = s * f0 + c * f1
        f_x[sl] = fxa
        f_y[sl] = fya
        f_z[sl] = f2
        f_x[slb] = -fxa
        f_y[slb] = -fya
        f_z[slb] = f5
        return 0
      lax.fori_loop(0, _SUB, comp, 0)

    def stage_k(k, p, first=False, last=False):
      if not first:
        wait_scatters(1 - p)
      if not last:
        fire_in(k + 1, 1 - p)
      wait_gathers(p)
      compute(p)
      fire_scatters(p)
      if not last:
        wait_in(k + 1, 1 - p)
        fire_gathers(1 - p)

    fire_in(0, 0)
    wait_in(0, 0)
    fire_gathers(0)
    stage_k(0, 0, first=True)

    def pair(j, _):
      stage_k(2 * j + 1, 1)
      stage_k(2 * j + 2, 0)
      return 0
    lax.fori_loop(0, (n_chunks - 2) // 2, pair, 0)

    stage_k(n_chunks - 1, 1, last=True)
    wait_scatters(1)

    plsc.subcore_barrier()

    for c, o_hbm in ((0, out0_hbm), (1, out1_hbm)):
      @pl.when(jnp.logical_and(cid == c, sid < _NS - 1))
      def _():
        off = pl.multiple_of(sid * _STAGE, 8)
        for t, a in enumerate(accs):
          for so in (0, half):
            pltpu.sync_copy(a.at[pl.ds(off + so, half)],
                            dr_v.at[pl.ds(0, half)])
            pltpu.sync_copy(dr_v.at[pl.ds(0, half)],
                            o_hbm.at[pl.ds(t * n_nodes + off + so, half)])

      @pl.when(jnp.logical_and(cid == c, sid == _NS - 1))
      def _():
        for t, a in enumerate(accs):
          for so, cnt in ((0, half), (half, stage_last - half)):
            pltpu.sync_copy(a.at[pl.ds(15 * _STAGE + so, cnt)],
                            dr_v.at[pl.ds(0, cnt)])
            pltpu.sync_copy(
                dr_v.at[pl.ds(0, cnt)],
                o_hbm.at[pl.ds(t * n_nodes + 15 * _STAGE + so, cnt)])

  n3p = n3 + 3104
  return pl.kernel(
      body,
      out_type=(jax.ShapeDtypeStruct((n3p,), jnp.float32),
                jax.ShapeDtypeStruct((n3p,), jnp.float32)),
      mesh=mesh,
      compiler_params=pltpu.CompilerParams(needs_layout_passes=False),
      scratch_types=[
          pltpu.VMEM_SHARED((n_nodes,), jnp.float32),
          pltpu.VMEM_SHARED((n_nodes,), jnp.float32),
          pltpu.VMEM_SHARED((n_nodes,), jnp.float32),
          pltpu.VMEM_SHARED((n_nodes,), jnp.float32),
          pltpu.VMEM_SHARED((n_nodes,), jnp.float32),
          pltpu.VMEM_SHARED((n_nodes,), jnp.float32),
          pltpu.VMEM_SHARED((n_nodes,), jnp.float32),
          pltpu.VMEM_SHARED((n_nodes,), jnp.float32),
      ]
      + [pltpu.VMEM((2 * _CHUNK,), jnp.int32) for _ in range(2)]
      + [pltpu.VMEM((_CHUNK,), jnp.float32) for _ in range(6)]
      + [pltpu.VMEM((2 * _CHUNK,), jnp.float32) for _ in range(10)]
      + [pltpu.VMEM((2 * _CHUNK,), jnp.float32) for _ in range(3)]
      + [
          pltpu.VMEM((_DRAINB,), jnp.float32),
          pltpu.SemaphoreType.DMA,
          pltpu.SemaphoreType.DMA,
          pltpu.SemaphoreType.DMA,
      ],
  )


def _tc_combine(n3p):
  blk = n3p // 8
  assert blk % 1024 == 0

  def body(p0_ref, p1_ref, f_ref):
    f_ref[...] = p0_ref[...] + p1_ref[...]

  return pl.pallas_call(
      body,
      grid=(8,),
      in_specs=[pl.BlockSpec((blk,), lambda j: (j,)),
                pl.BlockSpec((blk,), lambda j: (j,))],
      out_specs=pl.BlockSpec((blk,), lambda j: (j,)),
      out_shape=jax.ShapeDtypeStruct((n3p,), jnp.float32),
  )


def _tc_phys(n_nodes):
  blk = n_nodes // 10

  def body(pred_ref, sc_ref, ph_ref):
    ph_ref[...] = pred_ref[...] * sc_ref[...]

  return pl.pallas_call(
      body,
      grid=(10,),
      in_specs=[
          pl.BlockSpec((blk, 4), lambda j: (j, 0)),
          pl.BlockSpec((1, 4), lambda j: (0, 0)),
      ],
      out_specs=pl.BlockSpec((blk, 4), lambda j: (j, 0)),
      out_shape=jax.ShapeDtypeStruct((n_nodes, 4), jnp.float32),
  )


def kernel(pred_norm, connectivity, coords_norm, prop_E_norm, prop_A_norm,
           prop_I22_norm, F_ext_norm, u_scale, theta_scale):
  n_nodes = pred_norm.shape[0]
  n_edges = connectivity.shape[0]

  part0, part1 = _sc_edge_kernel(n_nodes, n_edges)(
      connectivity[:, 0], connectivity[:, 1],
      prop_E_norm, prop_A_norm, prop_I22_norm,
      coords_norm[:, 0], coords_norm[:, 2],
      pred_norm[:, 0], pred_norm[:, 1], pred_norm[:, 2])

  n3 = 3 * n_nodes
  forces_flat = _tc_combine(part0.shape[0])(part0, part1)
  forces = forces_flat[:n3].reshape(3, n_nodes).T

  scales = jnp.concatenate(
      [u_scale, u_scale, theta_scale, jnp.zeros((1,), jnp.float32)]
  ).reshape(1, 4)
  pred4 = jnp.pad(pred_norm, ((0, 0), (0, 1)))
  phys_disp = _tc_phys(n_nodes)(pred4, scales)[:, :3]
  return (forces, F_ext_norm, phys_disp)

# --- scband reference (transcript-rebuilt; emitter-appended) ---
"""Pipeline reference for scband-corotational-beam2-dnormalized-42734924595225 (READ-ONLY COPY).

The authoritative reference and input builder live on the scoring server;
editing this copy changes nothing except your own understanding.
"""

import jax, jax.numpy as jnp
import numpy as np

N_NODES = 100000
N_EDGES = 6400000

def setup_inputs(seed: int = 0) -> dict:
    key = jax.random.key(seed)
    ks = jax.random.split(key, 9)
    pred_norm = jax.random.uniform(ks[0], (N_NODES, 3), dtype=jnp.float32)
    connectivity = jax.random.randint(ks[1], (N_EDGES, 2), 0, N_NODES, dtype=jnp.int32)
    coords_norm = jax.random.uniform(ks[2], (N_NODES, 3), dtype=jnp.float32)
    prop_E_norm = jax.random.uniform(ks[3], (N_EDGES,), dtype=jnp.float32)
    prop_A_norm = jax.random.uniform(ks[4], (N_EDGES,), dtype=jnp.float32)
    prop_I22_norm = jax.random.uniform(ks[5], (N_EDGES,), dtype=jnp.float32)
    F_ext_norm = jax.random.normal(ks[6], (N_NODES, 3), dtype=jnp.float32)
    u_scale = jax.random.uniform(ks[7], (1,), dtype=jnp.float32)
    theta_scale = jax.random.uniform(ks[8], (1,), dtype=jnp.float32)
    return {"pred_norm": pred_norm, "connectivity": connectivity, "coords_norm": coords_norm,
            "prop_E_norm": prop_E_norm, "prop_A_norm": prop_A_norm, "prop_I22_norm": prop_I22_norm,
            "F_ext_norm": F_ext_norm, "u_scale": u_scale, "theta_scale": theta_scale}

def reference(pred_norm, connectivity, coords_norm, prop_E_norm, prop_A_norm, prop_I22_norm, F_ext_norm, u_scale, theta_scale):
    nA = connectivity[:, 0]
    nB = connectivity[:, 1]
    dx0 = coords_norm[nB, 0] - coords_norm[nA, 0]
    dz0 = coords_norm[nB, 2] - coords_norm[nA, 2]
    l0 = jnp.sqrt(dx0 ** 2 + dz0 ** 2 + 1e-10)
    c = dx0 / (l0 + 1e-10)
    s = dz0 / (l0 + 1e-10)
    EA = prop_E_norm * prop_A_norm
    EI = prop_E_norm * prop_I22_norm
    k_ax = EA / (l0 + 1e-10)
    k_bend = EI / (l0 + 1e-10)
    k_sw = EI / (l0 ** 2 + 1e-10)
    k_tr = EI / (l0 ** 3 + 1e-10)
    d0 = pred_norm[nA, 0]
    d1 = pred_norm[nA, 1]
    d2 = -pred_norm[nA, 2]
    d3 = pred_norm[nB, 0]
    d4 = pred_norm[nB, 1]
    d5 = -pred_norm[nB, 2]
    ua = c * d0 + s * d1
    wa = -s * d0 + c * d1
    ta = d2
    ub = c * d3 + s * d4
    wb = -s * d3 + c * d4
    tb = d5
    f0 = k_ax * (ua - ub)
    f3 = k_ax * (ub - ua)
    f1 = 12.0 * k_tr * (wa - wb) + 6.0 * k_sw * (ta + tb)
    f4 = 12.0 * k_tr * (wb - wa) - 6.0 * k_sw * (ta + tb)
    f2 = 6.0 * k_sw * (wa - wb) + k_bend * (4.0 * ta + 2.0 * tb)
    f5 = 6.0 * k_sw * (wa - wb) + k_bend * (2.0 * ta + 4.0 * tb)
    fgA = jnp.stack([c * f0 - s * f1, s * f0 + c * f1, f2], axis=1)
    fgB = jnp.stack([c * f3 - s * f4, s * f3 + c * f4, f5], axis=1)
    nodal_forces_norm = jnp.zeros((pred_norm.shape[0], 3), dtype=pred_norm.dtype)
    nodal_forces_norm = nodal_forces_norm.at[nA].add(fgA)
    nodal_forces_norm = nodal_forces_norm.at[nB].add(fgB)
    F_ext_norm_ordered = F_ext_norm
    phys_disp = jnp.stack([pred_norm[:, 0] * u_scale[0],
                           pred_norm[:, 1] * u_scale[0],
                           pred_norm[:, 2] * theta_scale[0]], axis=1)
    return (nodal_forces_norm, F_ext_norm_ordered, phys_disp)

if __name__ == "__main__":
    import jax
    _d = setup_inputs()
    print(jax.jit(kernel)(*tuple(_d.values())))

</pallas_src>

<mosaic_0001>
#map = affine_map<(d0, d1) -> (0)>
module attributes {stable_mosaic.version = 14 : i64} {
  func.func @body(%arg0: i32, %arg1: i32, %arg2: memref<6400000xi32, #tpu.memory_space<hbm>>, %arg3: memref<6400000xi32, #tpu.memory_space<hbm>>, %arg4: memref<6400000xf32, #tpu.memory_space<hbm>>, %arg5: memref<6400000xf32, #tpu.memory_space<hbm>>, %arg6: memref<6400000xf32, #tpu.memory_space<hbm>>, %arg7: memref<100000xf32, #tpu.memory_space<hbm>>, %arg8: memref<100000xf32, #tpu.memory_space<hbm>>, %arg9: memref<100000xf32, #tpu.memory_space<hbm>>, %arg10: memref<100000xf32, #tpu.memory_space<hbm>>, %arg11: memref<100000xf32, #tpu.memory_space<hbm>>, %arg12: memref<303104xf32, #tpu.memory_space<hbm>>, %arg13: memref<303104xf32, #tpu.memory_space<hbm>>, %arg14: memref<100000xf32, #tpu.memory_space<vmem_shared>>, %arg15: memref<100000xf32, #tpu.memory_space<vmem_shared>>, %arg16: memref<100000xf32, #tpu.memory_space<vmem_shared>>, %arg17: memref<100000xf32, #tpu.memory_space<vmem_shared>>, %arg18: memref<100000xf32, #tpu.memory_space<vmem_shared>>, %arg19: memref<100000xf32, #tpu.memory_space<vmem_shared>>, %arg20: memref<100000xf32, #tpu.memory_space<vmem_shared>>, %arg21: memref<100000xf32, #tpu.memory_space<vmem_shared>>, %arg22: memref<4000xi32, #tpu.memory_space<vmem>>, %arg23: memref<4000xi32, #tpu.memory_space<vmem>>, %arg24: memref<2000xf32, #tpu.memory_space<vmem>>, %arg25: memref<2000xf32, #tpu.memory_space<vmem>>, %arg26: memref<2000xf32, #tpu.memory_space<vmem>>, %arg27: memref<2000xf32, #tpu.memory_space<vmem>>, %arg28: memref<2000xf32, #tpu.memory_space<vmem>>, %arg29: memref<2000xf32, #tpu.memory_space<vmem>>, %arg30: memref<4000xf32, #tpu.memory_space<vmem>>, %arg31: memref<4000xf32, #tpu.memory_space<vmem>>, %arg32: memref<4000xf32, #tpu.memory_space<vmem>>, %arg33: memref<4000xf32, #tpu.memory_space<vmem>>, %arg34: memref<4000xf32, #tpu.memory_space<vmem>>, %arg35: memref<4000xf32, #tpu.memory_space<vmem>>, %arg36: memref<4000xf32, #tpu.memory_space<vmem>>, %arg37: memref<4000xf32, #tpu.memory_space<vmem>>, %arg38: memref<4000xf32, #tpu.memory_space<vmem>>, %arg39: memref<4000xf32, #tpu.memory_space<vmem>>, %arg40: memref<4000xf32, #tpu.memory_space<vmem>>, %arg41: memref<4000xf32, #tpu.memory_space<vmem>>, %arg42: memref<4000xf32, #tpu.memory_space<vmem>>, %arg43: memref<3128xf32, #tpu.memory_space<vmem>>, %arg44: memref<!tpu.dma_semaphore, #tpu.memory_space<semaphore_mem>>, %arg45: memref<!tpu.dma_semaphore, #tpu.memory_space<semaphore_mem>>, %arg46: memref<!tpu.dma_semaphore, #tpu.memory_space<semaphore_mem>>) attributes {dimension_semantics = [#tpu.dimension_semantics<core_parallel>, #tpu.dimension_semantics<subcore_parallel>], iteration_bounds = array<i64: 2, 16>, scalar_prefetch = 0 : i64, scratch_operands = 33 : i64, tpu.core_type = #tpu.core_type<sc_vector_subcore>, window_params = [{transform_indices = #map}, {transform_indices = #map}, {transform_indices = #map}, {transform_indices = #map}, {transform_indices = #map}, {transform_indices = #map}, {transform_indices = #map}, {transform_indices = #map}, {transform_indices = #map}, {transform_indices = #map}, {transform_indices = #map}, {transform_indices = #map}]} {
    %mul3A = arith.constant 16 : i32
    %mul3A_0 = arith.muli %arg0, %mul3A : i32
    %add3A = arith.addi %mul3A_0, %arg1 : i32
    %lt3A = arith.constant 15 : i32
    %lt3A_1 = arith.cmpi slt, %arg1, %lt3A : i32
    %convert_element_type3A = arith.extui %lt3A_1 : i1 to i32
    %cond3A = arith.constant 0 : i32
    %cond3A_2 = arith.cmpi ne, %convert_element_type3A, %cond3A : i32
    scf.if %cond3A_2 {
      %mul3A_229 = arith.constant 6256 : i32
      %mul3A_230 = arith.muli %arg1, %mul3A_229 : i32
      %multiple_of3A_231 = tpu.assume_multiple %mul3A_230, 8 : i32
      "tpu.region"() ({
        %run_scoped3A = tpu.sem_alloc : memref<!tpu.dma_semaphore, #tpu.memory_space<semaphore_mem>>
        %dma_start3A_242 = arith.constant 0 : i32
        %dma_start3A_243 = tpu.memref_slice %arg43[%dma_start3A_242] : memref<3128xf32, #tpu.memory_space<vmem>> -> memref<3128xf32, #tpu.memory_space<vmem>>
        %dma_start3A_244 = tpu.memref_slice %arg7[%multiple_of3A_231] : memref<100000xf32, #tpu.memory_space<hbm>> -> memref<3128xf32, #tpu.memory_space<hbm>>
        %dma_start3A_245 = arith.constant 0 : i32
        %dma_start3A_246 = tpu.memref_slice %arg43[%dma_start3A_245] : memref<3128xf32, #tpu.memory_space<vmem>> -> memref<3128xf32, #tpu.memory_space<vmem>>
        %dma_start3A_247 = tpu.memref_slice %arg7[%multiple_of3A_231] : memref<100000xf32, #tpu.memory_space<hbm>> -> memref<3128xf32, #tpu.memory_space<hbm>>
        tpu.enqueue_dma source(%dma_start3A_247 : memref<3128xf32, #tpu.memory_space<hbm>>) target(%dma_start3A_246 : memref<3128xf32, #tpu.memory_space<vmem>>) target_semaphore(%run_scoped3A : memref<!tpu.dma_semaphore, #tpu.memory_space<semaphore_mem>>)
        %dma_wait3A_248 = arith.constant 0 : i32
        %dma_wait3A_249 = tpu.memref_slice %arg43[%dma_wait3A_248] : memref<3128xf32, #tpu.memory_space<vmem>> -> memref<3128xf32, #tpu.memory_space<vmem>>
        %dma_wait3A_250 = tpu.memref_slice %arg7[%multiple_of3A_231] : memref<100000xf32, #tpu.memory_space<hbm>> -> memref<3128xf32, #tpu.memory_space<hbm>>
        %dma_wait3A_251 = arith.constant 0 : i32
        %dma_wait3A_252 = tpu.memref_slice %arg43[%dma_wait3A_251] : memref<3128xf32, #tpu.memory_space<vmem>> -> memref<3128xf32, #tpu.memory_space<vmem>>
        %dma_wait3A_253 = tpu.memref_slice %arg7[%multiple_of3A_231] : memref<100000xf32, #tpu.memory_space<hbm>> -> memref<3128xf32, #tpu.memory_space<hbm>>
        tpu.wait_dma2 semaphore(%run_scoped3A : memref<!tpu.dma_semaphore, #tpu.memory_space<semaphore_mem>>) src(%dma_wait3A_253 : memref<3128xf32, #tpu.memory_space<hbm>>) dst(%dma_wait3A_252 : memref<3128xf32, #tpu.memory_space<vmem>>)
        tpu.yield
      }) : () -> ()
      "tpu.region"() ({
        %run_scoped3A = tpu.sem_alloc : memref<!tpu.dma_semaphore, #tpu.memory_space<semaphore_mem>>
        %dma_start3A_242 = arith.constant 0 : i32
        %dma_start3A_243 = tpu.memref_slice %arg43[%dma_start3A_242] : memref<3128xf32, #tpu.memory_space<vmem>> -> memref<3128xf32, #tpu.memory_space<vmem>>
        %dma_start3A_244 = tpu.memref_slice %arg14[%multiple_of3A_231] : memref<100000xf32, #tpu.memory_space<vmem_shared>> -> memref<3128xf32, #tpu.memory_space<vmem_shared>>
        %dma_start3A_245 = tpu.memref_slice %arg14[%multiple_of3A_231] : memref<100000xf32, #tpu.memory_space<vmem_shared>> -> memref<3128xf32, #tpu.memory_space<vmem_shared>>
        %dma_start3A_246 = arith.constant 0 : i32
        %dma_start3A_247 = tpu.memref_slice %arg43[%dma_start3A_246] : memref<3128xf32, #tpu.memory_space<vmem>> -> memref<3128xf32, #tpu.memory_space<vmem>>
        tpu.enqueue_dma source(%dma_start3A_247 : memref<3128xf32, #tpu.memory_space<vmem>>) target(%dma_start3A_245 : memref<3128xf32, #tpu.memory_space<vmem_shared>>) target_semaphore(%run_scoped3A : memref<!tpu.dma_semaphore, #tpu.memory_space<semaphore_mem>>)
        %dma_wait3A_248 = arith.constant 0 : i32
        %dma_wait3A_249 = tpu.memref_slice %arg43[%dma_wait3A_248] : memref<3128xf32, #tpu.memory_space<vmem>> -> memref<3128xf32, #tpu.memory_space<vmem>>
        %dma_wait3A_250 = tpu.memref_slice %arg14[%multiple_of3A_231] : memref<100000xf32, #tpu.memory_space<vmem_shared>> -> memref<3128xf32, #tpu.memory_space<vmem_shared>>
        %dma_wait3A_251 = tpu.memref_slice %arg14[%multiple_of3A_231] : memref<100000xf32, #tpu.memory_space<vmem_shared>> -> memref<3128xf32, #tpu.memory_space<vmem_shared>>
        %dma_wait3A_252 = arith.constant 0 : i32
        %dma_wait3A_253 = tpu.memref_slice %arg43[%dma_wait3A_252] : memref<3128xf32, #tpu.memory_space<vmem>> -> memref<3128xf32, #tpu.memory_space<vmem>>
        tpu.wait_dma2 semaphore(%run_scoped3A : memref<!tpu.dma_semaphore, #tpu.memory_space<semaphore_mem>>) src(%dma_wait3A_253 : memref<3128xf32, #tpu.memory_space<vmem>>) dst(%dma_wait3A_251 : memref<3128xf32, #tpu.memory_space<vmem_shared>>)
        tpu.yield
      }) : () -> ()
      %add3A_232 = arith.constant 3128 : i32
      %add3A_233 = arith.addi %multiple_of3A_231, %add3A_232 : i32
      "tpu.region"() ({
        %run_scoped3A = tpu.sem_alloc : memref<!tpu.dma_semaphore, #tpu.memory_space<semaphore_mem>>
        %dma_start3A_242 = arith.constant 0 : i32
        %dma_start3A_243 = tpu.memref_slice %arg43[%dma_start3A_242] : memref<3128xf32, #tpu.memory_space<vmem>> -> memref<3128xf32, #tpu.memory_space<vmem>>
        %dma_start3A_244 = tpu.memref_slice %arg7[%add3A_233] : memref<100000xf32, #tpu.memory_space<hbm>> -> memref<3128xf32, #tpu.memory_space<hbm>>
        %dma_start3A_245 = arith.constant 0 : i32
        %dma_start3A_246 = tpu.memref_slice %arg43[%dma_start3A_245] : memref<3128xf32, #tpu.memory_space<vmem>> -> memref<3128xf32, #tpu.memory_space<vmem>>
        %dma_start3A_247 = tpu.memref_slice %arg7[%add3A_233] : memref<100000xf32, #tpu.memory_space<hbm>> -> memref<3128xf32, #tpu.memory_space<hbm>>
        tpu.enqueue_dma source(%dma_start3A_247 : memref<3128xf32, #tpu.memory_space<hbm>>) target(%dma_start3A_246 : memref<3128xf32, #tpu.memory_space<vmem>>) target_semaphore(%run_scoped3A : memref<!tpu.dma_semaphore, #tpu.memory_space<semaphore_mem>>)
        %dma_wait3A_248 = arith.constant 0 : i32
        %dma_wait3A_249 = tpu.memref_slice %arg43[%dma_wait3A_248] : memref<3128xf32, #tpu.memory_space<vmem>> -> memref<3128xf32, #tpu.memory_space<vmem>>
        %dma_wait3A_250 = tpu.memref_slice %arg7[%add3A_233] : memref<100000xf32, #tpu.memory_space<hbm>> -> memref<3128xf32, #tpu.memory_space<hbm>>
        %dma_wait3A_251 = arith.constant 0 : i32
        %dma_wait3A_252 = tpu.memref_slice %arg43[%dma_wait3A_251] : memref<3128xf32, #tpu.memory_space<vmem>> -> memref<3128xf32, #tpu.memory_space<vmem>>
        %dma_wait3A_253 = tpu.memref_slice %arg7[%add3A_233] : memref<100000xf32, #tpu.memory_space<hbm>> -> memref<3128xf32, #tpu.memory_space<hbm>>
        tpu.wait_dma2 semaphore(%run_scoped3A : memref<!tpu.dma_semaphore, #tpu.memory_space<semaphore_mem>>) src(%dma_wait3A_253 : memref<3128xf32, #tpu.memory_space<hbm>>) dst(%dma_wait3A_252 : memref<3128xf32, #tpu.memory_space<vmem>>)
        tpu.yield
      }) : () -> ()
      "tpu.region"() ({
        %run_scoped3A = tpu.sem_alloc : memref<!tpu.dma_semaphore, #tpu.memory_space<semaphore_mem>>
        %dma_start3A_242 = arith.constant 0 : i32
        %dma_start3A_243 = tpu.memref_slice %arg43[%dma_start3A_242] : memref<3128xf32, #tpu.memory_space<vmem>> -> memref<3128xf32, #tpu.memory_space<vmem>>
        %dma_start3A_244 = tpu.memref_slice %arg14[%add3A_233] : memref<100000xf32, #tpu.memory_space<vmem_shared>> -> memref<3128xf32, #tpu.memory_space<vmem_shared>>
        %dma_start3A_245 = tpu.memref_slice %arg14[%add3A_233] : memref<100000xf32, #tpu.memory_space<vmem_shared>> -> memref<3128xf32, #tpu.memory_space<vmem_shared>>
        %dma_start3A_246 = arith.constant 0 : i32
        %dma_start3A_247 = tpu.memref_slice %arg43[%dma_start3A_246] : memref<3128xf32, #tpu.memory_space<vmem>> -> memref<3128xf32, #tpu.memory_space<vmem>>
        tpu.enqueue_dma source(%dma_start3A_247 : memref<3128xf32, #tpu.memory_space<vmem>>) target(%dma_start3A_245 : memref<3128xf32, #tpu.memory_space<vmem_shared>>) target_semaphore(%run_scoped3A : memref<!tpu.dma_semaphore, #tpu.memory_space<semaphore_mem>>)
        %dma_wait3A_248 = arith.constant 0 : i32
        %dma_wait3A_249 = tpu.memref_slice %arg43[%dma_wait3A_248] : memref<3128xf32, #tpu.memory_space<vmem>> -> memref<3128xf32, #tpu.memory_space<vmem>>
        %dma_wait3A_250 = tpu.memref_slice %arg14[%add3A_233] : memref<100000xf32, #tpu.memory_space<vmem_shared>> -> memref<3128xf32, #tpu.memory_space<vmem_shared>>
        %dma_wait3A_251 = tpu.memref_slice %arg14[%add3A_233] : memref<100000xf32, #tpu.memory_space<vmem_shared>> -> memref<3128xf32, #tpu.memory_space<vmem_shared>>
        %dma_wait3A_252 = arith.constant 0 : i32
        %dma_wait3A_253 = tpu.memref_slice %arg43[%dma_wait3A_252] : memref<3128xf32, #tpu.memory_space<vmem>> -> memref<3128xf32, #tpu.memory_space<vmem>>
        tpu.wait_dma2 semaphore(%run_scoped3A : memref<!tpu.dma_semaphore, #tpu.memory_space<semaphore_mem>>) src(%dma_wait3A_253 : memref<3128xf32, #tpu.memory_space<vmem>>) dst(%dma_wait3A_251 : memref<3128xf32, #tpu.memory_space<vmem_shared>>)
        tpu.yield
      }) : () -> ()
      "tpu.region"() ({
        %run_scoped3A = tpu.sem_alloc : memref<!tpu.dma_semaphore, #tpu.memory_space<semaphore_mem>>
        %dma_start3A_242 = arith.constant 0 : i32
        %dma_start3A_243 = tpu.memref_slice %arg43[%dma_start3A_242] : memref<3128xf32, #tpu.memory_space<vmem>> -> memref<3128xf32, #tpu.memory_space<vmem>>
        %dma_start3A_244 = tpu.memref_slice %arg8[%multiple_of3A_231] : memref<100000xf32, #tpu.memory_space<hbm>> -> memref<3128xf32, #tpu.memory_space<hbm>>
        %dma_start3A_245 = arith.constant 0 : i32
        %dma_start3A_246 = tpu.memref_slice %arg43[%dma_start3A_245] : memref<3128xf32, #tpu.memory_space<vmem>> -> memref<3128xf32, #tpu.memory_space<vmem>>
        %dma_start3A_247 = tpu.memref_slice %arg8[%multiple_of3A_231] : memref<100000xf32, #tpu.memory_space<hbm>> -> memref<3128xf32, #tpu.memory_space<hbm>>
        tpu.enqueue_dma source(%dma_start3A_247 : memref<3128xf32, #tpu.memory_space<hbm>>) target(%dma_start3A_246 : memref<3128xf32, #tpu.memory_space<vmem>>) target_semaphore(%run_scoped3A : memref<!tpu.dma_semaphore, #tpu.memory_space<semaphore_mem>>)
        %dma_wait3A_248 = arith.constant 0 : i32
        %dma_wait3A_249 = tpu.memref_slice %arg43[%dma_wait3A_248] : memref<3128xf32, #tpu.memory_space<vmem>> -> memref<3128xf32, #tpu.memory_space<vmem>>
        %dma_wait3A_250 = tpu.memref_slice %arg8[%multiple_of3A_231] : memref<100000xf32, #tpu.memory_space<hbm>> -> memref<3128xf32, #tpu.memory_space<hbm>>
        %dma_wait3A_251 = arith.constant 0 : i32
        %dma_wait3A_252 = tpu.memref_slice %arg43[%dma_wait3A_251] : memref<3128xf32, #tpu.memory_space<vmem>> -> memref<3128xf32, #tpu.memory_space<vmem>>
        %dma_wait3A_253 = tpu.memref_slice %arg8[%multiple_of3A_231] : memref<100000xf32, #tpu.memory_space<hbm>> -> memref<3128xf32, #tpu.memory_space<hbm>>
        tpu.wait_dma2 semaphore(%run_scoped3A : memref<!tpu.dma_semaphore, #tpu.memory_space<semaphore_mem>>) src(%dma_wait3A_253 : memref<3128xf32, #tpu.memory_space<hbm>>) dst(%dma_wait3A_252 : memref<3128xf32, #tpu.memory_space<vmem>>)
        tpu.yield
      }) : () -> ()
      "tpu.region"() ({
        %run_scoped3A = tpu.sem_alloc : memref<!tpu.dma_semaphore, #tpu.memory_space<semaphore_mem>>
        %dma_start3A_242 = arith.constant 0 : i32
        %dma_start3A_243 = tpu.memref_slice %arg43[%dma_start3A_242] : memref<3128xf32, #tpu.memory_space<vmem>> -> memref<3128xf32, #tpu.memory_space<vmem>>
        %dma_start3A_244 = tpu.memref_slice %arg15[%multiple_of3A_231] : memref<100000xf32, #tpu.memory_space<vmem_shared>> -> memref<3128xf32, #tpu.memory_space<vmem_shared>>
        %dma_start3A_245 = tpu.memref_slice %arg15[%multiple_of3A_231] : memref<100000xf32, #tpu.memory_space<vmem_shared>> -> memref<3128xf32, #tpu.memory_space<vmem_shared>>
        %dma_start3A_246 = arith.constant 0 : i32
        %dma_start3A_247 = tpu.memref_slice %arg43[%dma_start3A_246] : memref<3128xf32, #tpu.memory_space<vmem>> -> memref<3128xf32, #tpu.memory_space<vmem>>
        tpu.enqueue_dma source(%dma_start3A_247 : memref<3128xf32, #tpu.memory_space<vmem>>) target(%dma_start3A_245 : memref<3128xf32, #tpu.memory_space<vmem_shared>>) target_semaphore(%run_scoped3A : memref<!tpu.dma_semaphore, #tpu.memory_space<semaphore_mem>>)
        %dma_wait3A_248 = arith.constant 0 : i32
        %dma_wait3A_249 = tpu.memref_slice %arg43[%dma_wait3A_248] : memref<3128xf32, #tpu.memory_space<vmem>> -> memref<3128xf32, #tpu.memory_space<vmem>>
        %dma_wait3A_250 = tpu.memref_slice %arg15[%multiple_of3A_231] : memref<100000xf32, #tpu.memory_space<vmem_shared>> -> memref<3128xf32, #tpu.memory_space<vmem_shared>>
        %dma_wait3A_251 = tpu.memref_slice %arg15[%multiple_of3A_231] : memref<100000xf32, #tpu.memory_space<vmem_shared>> -> memref<3128xf32, #tpu.memory_space<vmem_shared>>
        %dma_wait3A_252 = arith.constant 0 : i32
        %dma_wait3A_253 = tpu.memref_slice %arg43[%dma_wait3A_252] : memref<3128xf32, #tpu.memory_space<vmem>> -> memref<3128xf32, #tpu.memory_space<vmem>>
        tpu.wait_dma2 semaphore(%run_scoped3A : memref<!tpu.dma_semaphore, #tpu.memory_space<semaphore_mem>>) src(%dma_wait3A_253 : memref<3128xf32, #tpu.memory_space<vmem>>) dst(%dma_wait3A_251 : memref<3128xf32, #tpu.memory_space<vmem_shared>>)
        tpu.yield
      }) : () -> ()
      %add3A_234 = arith.constant 3128 : i32
      %add3A_235 = arith.addi %multiple_of3A_231, %add3A_234 : i32
      "tpu.region"() ({
        %run_scoped3A = tpu.sem_alloc : memref<!tpu.dma_semaphore, #tpu.memory_space<semaphore_mem>>
        %dma_start3A_242 = arith.constant 0 : i32
        %dma_start3A_243 = tpu.memref_slice %arg43[%dma_start3A_242] : memref<3128xf32, #tpu.memory_space<vmem>> -> memref<3128xf32, #tpu.memory_space<vmem>>
        %dma_start3A_244 = tpu.memref_slice %arg8[%add3A_235] : memref<100000xf32, #tpu.memory_space<hbm>> -> memref<3128xf32, #tpu.memory_space<hbm>>
        %dma_start3A_245 = arith.constant 0 : i32
        %dma_start3A_246 = tpu.memref_slice %arg43[%dma_start3A_245] : memref<3128xf32, #tpu.memory_space<vmem>> -> memref<3128xf32, #tpu.memory_space<vmem>>
        %dma_start3A_247 = tpu.memref_slice %arg8[%add3A_235] : memref<100000xf32, #tpu.memory_space<hbm>> -> memref<3128xf32, #tpu.memory_space<hbm>>
        tpu.enqueue_dma source(%dma_start3A_247 : memref<3128xf32, #tpu.memory_space<hbm>>) target(%dma_start3A_246 : memref<3128xf32, #tpu.memory_space<vmem>>) target_semaphore(%run_scoped3A : memref<!tpu.dma_semaphore, #tpu.memory_space<semaphore_mem>>)
        %dma_wait3A_248 = arith.constant 0 : i32
        %dma_wait3A_249 = tpu.memref_slice %arg43[%dma_wait3A_248] : memref<3128xf32, #tpu.memory_space<vmem>> -> memref<3128xf32, #tpu.memory_space<vmem>>
        %dma_wait3A_250 = tpu.memref_slice %arg8[%add3A_235] : memref<100000xf32, #tpu.memory_space<hbm>> -> memref<3128xf32, #tpu.memory_space<hbm>>
        %dma_wait3A_251 = arith.constant 0 : i32
        %dma_wait3A_252 = tpu.memref_slice %arg43[%dma_wait3A_251] : memref<3128xf32, #tpu.memory_space<vmem>> -> memref<3128xf32, #tpu.memory_space<vmem>>
        %dma_wait3A_253 = tpu.memref_slice %arg8[%add3A_235] : memref<100000xf32, #tpu.memory_space<hbm>> -> memref<3128xf32, #tpu.memory_space<hbm>>
        tpu.wait_dma2 semaphore(%run_scoped3A : memref<!tpu.dma_semaphore, #tpu.memory_space<semaphore_mem>>) src(%dma_wait3A_253 : memref<3128xf32, #tpu.memory_space<hbm>>) dst(%dma_wait3A_252 : memref<3128xf32, #tpu.memory_space<vmem>>)
        tpu.yield
      }) : () -> ()
      "tpu.region"() ({
        %run_scoped3A = tpu.sem_alloc : memref<!tpu.dma_semaphore, #tpu.memory_space<semaphore_mem>>
        %dma_start3A_242 = arith.constant 0 : i32
        %dma_start3A_243 = tpu.memref_slice %arg43[%dma_start3A_242] : memref<3128xf32, #tpu.memory_space<vmem>> -> memref<3128xf32, #tpu.memory_space<vmem>>
        %dma_start3A_244 = tpu.memref_slice %arg15[%add3A_235] : memref<100000xf32, #tpu.memory_space<vmem_shared>> -> memref<3128xf32, #tpu.memory_space<vmem_shared>>
        %dma_start3A_245 = tpu.memref_slice %arg15[%add3A_235] : memref<100000xf32, #tpu.memory_space<vmem_shared>> -> memref<3128xf32, #tpu.memory_space<vmem_shared>>
        %dma_start3A_246 = arith.constant 0 : i32
        %dma_start3A_247 = tpu.memref_slice %arg43[%dma_start3A_246] : memref<3128xf32, #tpu.memory_space<vmem>> -> memref<3128xf32, #tpu.memory_space<vmem>>
        tpu.enqueue_dma source(%dma_start3A_247 : memref<3128xf32, #tpu.memory_space<vmem>>) target(%dma_start3A_245 : memref<3128xf32, #tpu.memory_space<vmem_shared>>) target_semaphore(%run_scoped3A : memref<!tpu.dma_semaphore, #tpu.memory_space<semaphore_mem>>)
        %dma_wait3A_248 = arith.constant 0 : i32
        %dma_wait3A_249 = tpu.memref_slice %arg43[%dma_wait3A_248] : memref<3128xf32, #tpu.memory_space<vmem>> -> memref<3128xf32, #tpu.memory_space<vmem>>
        %dma_wait3A_250 = tpu.memref_slice %arg15[%add3A_235] : memref<100000xf32, #tpu.memory_space<vmem_shared>> -> memref<3128xf32, #tpu.memory_space<vmem_shared>>
        %dma_wait3A_251 = tpu.memref_slice %arg15[%add3A_235] : memref<100000xf32, #tpu.memory_space<vmem_shared>> -> memref<3128xf32, #tpu.memory_space<vmem_shared>>
        %dma_wait3A_252 = arith.constant 0 : i32
        %dma_wait3A_253 = tpu.memref_slice %arg43[%dma_wait3A_252] : memref<3128xf32, #tpu.memory_space<vmem>> -> memref<3128xf32, #tpu.memory_space<vmem>>
        tpu.wait_dma2 semaphore(%run_scoped3A : memref<!tpu.dma_semaphore, #tpu.memory_space<semaphore_mem>>) src(%dma_wait3A_253 : memref<3128xf32, #tpu.memory_space<vmem>>) dst(%dma_wait3A_251 : memref<3128xf32, #tpu.memory_space<vmem_shared>>)
        tpu.yield
      }) : () -> ()
      "tpu.region"() ({
        %run_scoped3A = tpu.sem_alloc : memref<!tpu.dma_semaphore, #tpu.memory_space<semaphore_mem>>
        %dma_start3A_242 = arith.constant 0 : i32
        %dma_start3A_243 = tpu.memref_slice %arg43[%dma_start3A_242] : memref<3128xf32, #tpu.memory_space<vmem>> -> memref<3128xf32, #tpu.memory_space<vmem>>
        %dma_start3A_244 = tpu.memref_slice %arg9[%multiple_of3A_231] : memref<100000xf32, #tpu.memory_space<hbm>> -> memref<3128xf32, #tpu.memory_space<hbm>>
        %dma_start3A_245 = arith.constant 0 : i32
        %dma_start3A_246 = tpu.memref_slice %arg43[%dma_start3A_245] : memref<3128xf32, #tpu.memory_space<vmem>> -> memref<3128xf32, #tpu.memory_space<vmem>>
        %dma_start3A_247 = tpu.memref_slice %arg9[%multiple_of3A_231] : memref<100000xf32, #tpu.memory_space<hbm>> -> memref<3128xf32, #tpu.memory_space<hbm>>
        tpu.enqueue_dma source(%dma_start3A_247 : memref<3128xf32, #tpu.memory_space<hbm>>) target(%dma_start3A_246 : memref<3128xf32, #tpu.memory_space<vmem>>) target_semaphore(%run_scoped3A : memref<!tpu.dma_semaphore, #tpu.memory_space<semaphore_mem>>)
        %dma_wait3A_248 = arith.constant 0 : i32
        %dma_wait3A_249 = tpu.memref_slice %arg43[%dma_wait3A_248] : memref<3128xf32, #tpu.memory_space<vmem>> -> memref<3128xf32, #tpu.memory_space<vmem>>
        %dma_wait3A_250 = tpu.memref_slice %arg9[%multiple_of3A_231] : memref<100000xf32, #tpu.memory_space<hbm>> -> memref<3128xf32, #tpu.memory_space<hbm>>
        %dma_wait3A_251 = arith.constant 0 : i32
        %dma_wait3A_252 = tpu.memref_slice %arg43[%dma_wait3A_251] : memref<3128xf32, #tpu.memory_space<vmem>> -> memref<3128xf32, #tpu.memory_space<vmem>>
        %dma_wait3A_253 = tpu.memref_slice %arg9[%multiple_of3A_231] : memref<100000xf32, #tpu.memory_space<hbm>> -> memref<3128xf32, #tpu.memory_space<hbm>>
        tpu.wait_dma2 semaphore(%run_scoped3A : memref<!tpu.dma_semaphore, #tpu.memory_space<semaphore_mem>>) src(%dma_wait3A_253 : memref<3128xf32, #tpu.memory_space<hbm>>) dst(%dma_wait3A_252 : memref<3128xf32, #tpu.memory_space<vmem>>)
        tpu.yield
      }) : () -> ()
      "tpu.region"() ({
        %run_scoped3A = tpu.sem_alloc : memref<!tpu.dma_semaphore, #tpu.memory_space<semaphore_mem>>
        %dma_start3A_242 = arith.constant 0 : i32
        %dma_start3A_243 = tpu.memref_slice %arg43[%dma_start3A_242] : memref<3128xf32, #tpu.memory_space<vmem>> -> memref<3128xf32, #tpu.memory_space<vmem>>
        %dma_start3A_244 = tpu.memref_slice %arg16[%multiple_of3A_231] : memref<100000xf32, #tpu.memory_space<vmem_shared>> -> memref<3128xf32, #tpu.memory_space<vmem_shared>>
        %dma_start3A_245 = tpu.memref_slice %arg16[%multiple_of3A_231] : memref<100000xf32, #tpu.memory_space<vmem_shared>> -> memref<3128xf32, #tpu.memory_space<vmem_shared>>
        %dma_start3A_246 = arith.constant 0 : i32
        %dma_start3A_247 = tpu.memref_slice %arg43[%dma_start3A_246] : memref<3128xf32, #tpu.memory_space<vmem>> -> memref<3128xf32, #tpu.memory_space<vmem>>
        tpu.enqueue_dma source(%dma_start3A_247 : memref<3128xf32, #tpu.memory_space<vmem>>) target(%dma_start3A_245 : memref<3128xf32, #tpu.memory_space<vmem_shared>>) target_semaphore(%run_scoped3A : memref<!tpu.dma_semaphore, #tpu.memory_space<semaphore_mem>>)
        %dma_wait3A_248 = arith.constant 0 : i32
        %dma_wait3A_249 = tpu.memref_slice %arg43[%dma_wait3A_248] : memref<3128xf32, #tpu.memory_space<vmem>> -> memref<3128xf32, #tpu.memory_space<vmem>>
        %dma_wait3A_250 = tpu.memref_slice %arg16[%multiple_of3A_231] : memref<100000xf32, #tpu.memory_space<vmem_shared>> -> memref<3128xf32, #tpu.memory_space<vmem_shared>>
        %dma_wait3A_251 = tpu.memref_slice %arg16[%multiple_of3A_231] : memref<100000xf32, #tpu.memory_space<vmem_shared>> -> memref<3128xf32, #tpu.memory_space<vmem_shared>>
        %dma_wait3A_252 = arith.constant 0 : i32
        %dma_wait3A_253 = tpu.memref_slice %arg43[%dma_wait3A_252] : memref<3128xf32, #tpu.memory_space<vmem>> -> memref<3128xf32, #tpu.memory_space<vmem>>
        tpu.wait_dma2 semaphore(%run_scoped3A : memref<!tpu.dma_semaphore, #tpu.memory_space<semaphore_mem>>) src(%dma_wait3A_253 : memref<3128xf32, #tpu.memory_space<vmem>>) dst(%dma_wait3A_251 : memref<3128xf32, #tpu.memory_space<vmem_shared>>)
        tpu.yield
      }) : () -> ()
      %add3A_236 = arith.constant 3128 : i32
      %add3A_237 = arith.addi %multiple_of3A_231, %add3A_236 : i32
      "tpu.region"() ({
        %run_scoped3A = tpu.sem_alloc : memref<!tpu.dma_semaphore, #tpu.memory_space<semaphore_mem>>
        %dma_start3A_242 = arith.constant 0 : i32
        %dma_start3A_243 = tpu.memref_slice %arg43[%dma_start3A_242] : memref<3128xf32, #tpu.memory_space<vmem>> -> memref<3128xf32, #tpu.memory_space<vmem>>
        %dma_start3A_244 = tpu.memref_slice %arg9[%add3A_237] : memref<100000xf32, #tpu.memory_space<hbm>> -> memref<3128xf32, #tpu.memory_space<hbm>>
        %dma_start3A_245 = arith.constant 0 : i32
        %dma_start3A_246 = tpu.memref_slice %arg43[%dma_start3A_245] : memref<3128xf32, #tpu.memory_space<vmem>> -> memref<3128xf32, #tpu.memory_space<vmem>>
        %dma_start3A_247 = tpu.memref_slice %arg9[%add3A_237] : memref<100000xf32, #tpu.memory_space<hbm>> -> memref<3128xf32, #tpu.memory_space<hbm>>
        tpu.enqueue_dma source(%dma_start3A_247 : memref<3128xf32, #tpu.memory_space<hbm>>) target(%dma_start3A_246 : memref<3128xf32, #tpu.memory_space<vmem>>) target_semaphore(%run_scoped3A : memref<!tpu.dma_semaphore, #tpu.memory_space<semaphore_mem>>)
        %dma_wait3A_248 = arith.constant 0 : i32
        %dma_wait3A_249 = tpu.memref_slice %arg43[%dma_wait3A_248] : memref<3128xf32, #tpu.memory_space<vmem>> -> memref<3128xf32, #tpu.memory_space<vmem>>
        %dma_wait3A_250 = tpu.memref_slice %arg9[%add3A_237] : memref<100000xf32, #tpu.memory_space<hbm>> -> memref<3128xf32, #tpu.memory_space<hbm>>
        %dma_wait3A_251 = arith.constant 0 : i32
        %dma_wait3A_252 = tpu.memref_slice %arg43[%dma_wait3A_251] : memref<3128xf32, #tpu.memory_space<vmem>> -> memref<3128xf32, #tpu.memory_space<vmem>>
        %dma_wait3A_253 = tpu.memref_slice %arg9[%add3A_237] : memref<100000xf32, #tpu.memory_space<hbm>> -> memref<3128xf32, #tpu.memory_space<hbm>>
        tpu.wait_dma2 semaphore(%run_scoped3A : memref<!tpu.dma_semaphore, #tpu.memory_space<semaphore_mem>>) src(%dma_wait3A_253 : memref<3128xf32, #tpu.memory_space<hbm>>) dst(%dma_wait3A_252 : memref<3128xf32, #tpu.memory_space<vmem>>)
        tpu.yield
      }) : () -> ()
      "tpu.region"() ({
        %run_scoped3A = tpu.sem_alloc : memref<!tpu.dma_semaphore, #tpu.memory_space<semaphore_mem>>
        %dma_start3A_242 = arith.constant 0 : i32
        %dma_start3A_243 = tpu.memref_slice %arg43[%dma_start3A_242] : memref<3128xf32, #tpu.memory_space<vmem>> -> memref<3128xf32, #tpu.memory_space<vmem>>
        %dma_start3A_244 = tpu.memref_slice %arg16[%add3A_237] : memref<100000xf32, #tpu.memory_space<vmem_shared>> -> memref<3128xf32, #tpu.memory_space<vmem_shared>>
        %dma_start3A_245 = tpu.memref_slice %arg16[%add3A_237] : memref<100000xf32, #tpu.memory_space<vmem_shared>> -> memref<3128xf32, #tpu.memory_space<vmem_shared>>
        %dma_start3A_246 = arith.constant 0 : i32
        %dma_start3A_247 = tpu.memref_slice %arg43[%dma_start3A_246] : memref<3128xf32, #tpu.memory_space<vmem>> -> memref<3128xf32, #tpu.memory_space<vmem>>
        tpu.enqueue_dma source(%dma_start3A_247 : memref<3128xf32, #tpu.memory_space<vmem>>) target(%dma_start3A_245 : memref<3128xf32, #tpu.memory_space<vmem_shared>>) target_semaphore(%run_scoped3A : memref<!tpu.dma_semaphore, #tpu.memory_space<semaphore_mem>>)
        %dma_wait3A_248 = arith.constant 0 : i32
        %dma_wait3A_249 = tpu.memref_slice %arg43[%dma_wait3A_248] : memref<3128xf32, #tpu.memory_space<vmem>> -> memref<3128xf32, #tpu.memory_space<vmem>>
        %dma_wait3A_250 = tpu.memref_slice %arg16[%add3A_237] : memref<100000xf32, #tpu.memory_space<vmem_shared>> -> memref<3128xf32, #tpu.memory_space<vmem_shared>>
        %dma_wait3A_251 = tpu.memref_slice %arg16[%add3A_237] : memref<100000xf32, #tpu.memory_space<vmem_shared>> -> memref<3128xf32, #tpu.memory_space<vmem_shared>>
        %dma_wait3A_252 = arith.constant 0 : i32
        %dma_wait3A_253 = tpu.memref_slice %arg43[%dma_wait3A_252] : memref<3128xf32, #tpu.memory_space<vmem>> -> memref<3128xf32, #tpu.memory_space<vmem>>
        tpu.wait_dma2 semaphore(%run_scoped3A : memref<!tpu.dma_semaphore, #tpu.memory_space<semaphore_mem>>) src(%dma_wait3A_253 : memref<3128xf32, #tpu.memory_space<vmem>>) dst(%dma_wait3A_251 : memref<3128xf32, #tpu.memory_space<vmem_shared>>)
        tpu.yield
      }) : () -> ()
      "tpu.region"() ({
        %run_scoped3A = tpu.sem_alloc : memref<!tpu.dma_semaphore, #tpu.memory_space<semaphore_mem>>
        %dma_start3A_242 = arith.constant 0 : i32
        %dma_start3A_243 = tpu.memref_slice %arg43[%dma_start3A_242] : memref<3128xf32, #tpu.memory_space<vmem>> -> memref<3128xf32, #tpu.memory_space<vmem>>
        %dma_start3A_244 = tpu.memref_slice %arg10[%multiple_of3A_231] : memref<100000xf32, #tpu.memory_space<hbm>> -> memref<3128xf32, #tpu.memory_space<hbm>>
        %dma_start3A_245 = arith.constant 0 : i32
        %dma_start3A_246 = tpu.memref_slice %arg43[%dma_start3A_245] : memref<3128xf32, #tpu.memory_space<vmem>> -> memref<3128xf32, #tpu.memory_space<vmem>>
        %dma_start3A_247 = tpu.memref_slice %arg10[%multiple_of3A_231] : memref<100000xf32, #tpu.memory_space<hbm>> -> memref<3128xf32, #tpu.memory_space<hbm>>
        tpu.enqueue_dma source(%dma_start3A_247 : memref<3128xf32, #tpu.memory_space<hbm>>) target(%dma_start3A_246 : memref<3128xf32, #tpu.memory_space<vmem>>) target_semaphore(%run_scoped3A : memref<!tpu.dma_semaphore, #tpu.memory_space<semaphore_mem>>)
        %dma_wait3A_248 = arith.constant 0 : i32
        %dma_wait3A_249 = tpu.memref_slice %arg43[%dma_wait3A_248] : memref<3128xf32, #tpu.memory_space<vmem>> -> memref<3128xf32, #tpu.memory_space<vmem>>
        %dma_wait3A_250 = tpu.memref_slice %arg10[%multiple_of3A_231] : memref<100000xf32, #tpu.memory_space<hbm>> -> memref<3128xf32, #tpu.memory_space<hbm>>
        %dma_wait3A_251 = arith.constant 0 : i32
        %dma_wait3A_252 = tpu.memref_slice %arg43[%dma_wait3A_251] : memref<3128xf32, #tpu.memory_space<vmem>> -> memref<3128xf32, #tpu.memory_space<vmem>>
        %dma_wait3A_253 = tpu.memref_slice %arg10[%multiple_of3A_231] : memref<100000xf32, #tpu.memory_space<hbm>> -> memref<3128xf32, #tpu.memory_space<hbm>>
        tpu.wait_dma2 semaphore(%run_scoped3A : memref<!tpu.dma_semaphore, #tpu.memory_space<semaphore_mem>>) src(%dma_wait3A_253 : memref<3128xf32, #tpu.memory_space<hbm>>) dst(%dma_wait3A_252 : memref<3128xf32, #tpu.memory_space<vmem>>)
        tpu.yield
      }) : () -> ()
      "tpu.region"() ({
        %run_scoped3A = tpu.sem_alloc : memref<!tpu.dma_semaphore, #tpu.memory_space<semaphore_mem>>
        %dma_start3A_242 = arith.constant 0 : i32
        %dma_start3A_243 = tpu.memref_slice %arg43[%dma_start3A_242] : memref<3128xf32, #tpu.memory_space<vmem>> -> memref<3128xf32, #tpu.memory_space<vmem>>
        %dma_start3A_244 = tpu.memref_slice %arg17[%multiple_of3A_231] : memref<100000xf32, #tpu.memory_space<vmem_shared>> -> memref<3128xf32, #tpu.memory_space<vmem_shared>>
        %dma_start3A_245 = tpu.memref_slice %arg17[%multiple_of3A_231] : memref<100000xf32, #tpu.memory_space<vmem_shared>> -> memref<3128xf32, #tpu.memory_space<vmem_shared>>
        %dma_start3A_246 = arith.constant 0 : i32
        %dma_start3A_247 = tpu.memref_slice %arg43[%dma_start3A_246] : memref<3128xf32, #tpu.memory_space<vmem>> -> memref<3128xf32, #tpu.memory_space<vmem>>
        tpu.enqueue_dma source(%dma_start3A_247 : memref<3128xf32, #tpu.memory_space<vmem>>) target(%dma_start3A_245 : memref<3128xf32, #tpu.memory_space<vmem_shared>>) target_semaphore(%run_scoped3A : memref<!tpu.dma_semaphore, #tpu.memory_space<semaphore_mem>>)
        %dma_wait3A_248 = arith.constant 0 : i32
        %dma_wait3A_249 = tpu.memref_slice %arg43[%dma_wait3A_248] : memref<3128xf32, #tpu.memory_space<vmem>> -> memref<3128xf32, #tpu.memory_space<vmem>>
        %dma_wait3A_250 = tpu.memref_slice %arg17[%multiple_of3A_231] : memref<100000xf32, #tpu.memory_space<vmem_shared>> -> memref<3128xf32, #tpu.memory_space<vmem_shared>>
        %dma_wait3A_251 = tpu.memref_slice %arg17[%multiple_of3A_231] : memref<100000xf32, #tpu.memory_space<vmem_shared>> -> memref<3128xf32, #tpu.memory_space<vmem_shared>>
        %dma_wait3A_252 = arith.constant 0 : i32
        %dma_wait3A_253 = tpu.memref_slice %arg43[%dma_wait3A_252] : memref<3128xf32, #tpu.memory_space<vmem>> -> memref<3128xf32, #tpu.memory_space<vmem>>
        tpu.wait_dma2 semaphore(%run_scoped3A : memref<!tpu.dma_semaphore, #tpu.memory_space<semaphore_mem>>) src(%dma_wait3A_253 : memref<3128xf32, #tpu.memory_space<vmem>>) dst(%dma_wait3A_251 : memref<3128xf32, #tpu.memory_space<vmem_shared>>)
        tpu.yield
      }) : () -> ()
      %add3A_238 = arith.constant 3128 : i32
      %add3A_239 = arith.addi %multiple_of3A_231, %add3A_238 : i32
      "tpu.region"() ({
        %run_scoped3A = tpu.sem_alloc : memref<!tpu.dma_semaphore, #tpu.memory_space<semaphore_mem>>
        %dma_start3A_242 = arith.constant 0 : i32
        %dma_start3A_243 = tpu.memref_slice %arg43[%dma_start3A_242] : memref<3128xf32, #tpu.memory_space<vmem>> -> memref<3128xf32, #tpu.memory_space<vmem>>
        %dma_start3A_244 = tpu.memref_slice %arg10[%add3A_239] : memref<100000xf32, #tpu.memory_space<hbm>> -> memref<3128xf32, #tpu.memory_space<hbm>>
        %dma_start3A_245 = arith.constant 0 : i32
        %dma_start3A_246 = tpu.memref_slice %arg43[%dma_start3A_245] : memref<3128xf32, #tpu.memory_space<vmem>> -> memref<3128xf32, #tpu.memory_space<vmem>>
        %dma_start3A_247 = tpu.memref_slice %arg10[%add3A_239] : memref<100000xf32, #tpu.memory_space<hbm>> -> memref<3128xf32, #tpu.memory_space<hbm>>
        tpu.enqueue_dma source(%dma_start3A_247 : memref<3128xf32, #tpu.memory_space<hbm>>) target(%dma_start3A_246 : memref<3128xf32, #tpu.memory_space<vmem>>) target_semaphore(%run_scoped3A : memref<!tpu.dma_semaphore, #tpu.memory_space<semaphore_mem>>)
        %dma_wait3A_248 = arith.constant 0 : i32
        %dma_wait3A_249 = tpu.memref_slice %arg43[%dma_wait3A_248] : memref<3128xf32, #tpu.memory_space<vmem>> -> memref<3128xf32, #tpu.memory_space<vmem>>
        %dma_wait3A_250 = tpu.memref_slice %arg10[%add3A_239] : memref<100000xf32, #tpu.memory_space<hbm>> -> memref<3128xf32, #tpu.memory_space<hbm>>
        %dma_wait3A_251 = arith.constant 0 : i32
        %dma_wait3A_252 = tpu.memref_slice %arg43[%dma_wait3A_251] : memref<3128xf32, #tpu.memory_space<vmem>> -> memref<3128xf32, #tpu.memory_space<vmem>>
        %dma_wait3A_253 = tpu.memref_slice %arg10[%add3A_239] : memref<100000xf32, #tpu.memory_space<hbm>> -> memref<3128xf32, #tpu.memory_space<hbm>>
        tpu.wait_dma2 semaphore(%run_scoped3A : memref<!tpu.dma_semaphore, #tpu.memory_space<semaphore_mem>>) src(%dma_wait3A_253 : memref<3128xf32, #tpu.memory_space<hbm>>) dst(%dma_wait3A_252 : memref<3128xf32, #tpu.memory_space<vmem>>)
        tpu.yield
      }) : () -> ()
      "tpu.region"() ({
        %run_scoped3A = tpu.sem_alloc : memref<!tpu.dma_semaphore, #tpu.memory_space<semaphore_mem>>
        %dma_start3A_242 = arith.constant 0 : i32
        %dma_start3A_243 = tpu.memref_slice %arg43[%dma_start3A_242] : memref<3128xf32, #tpu.memory_space<vmem>> -> memref<3128xf32, #tpu.memory_space<vmem>>
        %dma_start3A_244 = tpu.memref_slice %arg17[%add3A_239] : memref<100000xf32, #tpu.memory_space<vmem_shared>> -> memref<3128xf32, #tpu.memory_space<vmem_shared>>
        %dma_start3A_245 = tpu.memref_slice %arg17[%add3A_239] : memref<100000xf32, #tpu.memory_space<vmem_shared>> -> memref<3128xf32, #tpu.memory_space<vmem_shared>>
        %dma_start3A_246 = arith.constant 0 : i32
        %dma_start3A_247 = tpu.memref_slice %arg43[%dma_start3A_246] : memref<3128xf32, #tpu.memory_space<vmem>> -> memref<3128xf32, #tpu.memory_space<vmem>>
        tpu.enqueue_dma source(%dma_start3A_247 : memref<3128xf32, #tpu.memory_space<vmem>>) target(%dma_start3A_245 : memref<3128xf32, #tpu.memory_space<vmem_shared>>) target_semaphore(%run_scoped3A : memref<!tpu.dma_semaphore, #tpu.memory_space<semaphore_mem>>)
        %dma_wait3A_248 = arith.constant 0 : i32
        %dma_wait3A_249 = tpu.memref_slice %arg43[%dma_wait3A_248] : memref<3128xf32, #tpu.memory_space<vmem>> -> memref<3128xf32, #tpu.memory_space<vmem>>
        %dma_wait3A_250 = tpu.memref_slice %arg17[%add3A_239] : memref<100000xf32, #tpu.memory_space<vmem_shared>> -> memref<3128xf32, #tpu.memory_space<vmem_shared>>
        %dma_wait3A_251 = tpu.memref_slice %arg17[%add3A_239] : memref<100000xf32, #tpu.memory_space<vmem_shared>> -> memref<3128xf32, #tpu.memory_space<vmem_shared>>
        %dma_wait3A_252 = arith.constant 0 : i32
        %dma_wait3A_253 = tpu.memref_slice %arg43[%dma_wait3A_252] : memref<3128xf32, #tpu.memory_space<vmem>> -> memref<3128xf32, #tpu.memory_space<vmem>>
        tpu.wait_dma2 semaphore(%run_scoped3A : memref<!tpu.dma_semaphore, #tpu.memory_space<semaphore_mem>>) src(%dma_wait3A_253 : memref<3128xf32, #tpu.memory_space<vmem>>) dst(%dma_wait3A_251 : memref<3128xf32, #tpu.memory_space<vmem_shared>>)
        tpu.yield
      }) : () -> ()
      "tpu.region"() ({
        %run_scoped3A = tpu.sem_alloc : memref<!tpu.dma_semaphore, #tpu.memory_space<semaphore_mem>>
        %dma_start3A_242 = arith.constant 0 : i32
        %dma_start3A_243 = tpu.memref_slice %arg43[%dma_start3A_242] : memref<3128xf32, #tpu.memory_space<vmem>> -> memref<3128xf32, #tpu.memory_space<vmem>>
        %dma_start3A_244 = tpu.memref_slice %arg11[%multiple_of3A_231] : memref<100000xf32, #tpu.memory_space<hbm>> -> memref<3128xf32, #tpu.memory_space<hbm>>
        %dma_start3A_245 = arith.constant 0 : i32
        %dma_start3A_246 = tpu.memref_slice %arg43[%dma_start3A_245] : memref<3128xf32, #tpu.memory_space<vmem>> -> memref<3128xf32, #tpu.memory_space<vmem>>
        %dma_start3A_247 = tpu.memref_slice %arg11[%multiple_of3A_231] : memref<100000xf32, #tpu.memory_space<hbm>> -> memref<3128xf32, #tpu.memory_space<hbm>>
        tpu.enqueue_dma source(%dma_start3A_247 : memref<3128xf32, #tpu.memory_space<hbm>>) target(%dma_start3A_246 : memref<3128xf32, #tpu.memory_space<vmem>>) target_semaphore(%run_scoped3A : memref<!tpu.dma_semaphore, #tpu.memory_space<semaphore_mem>>)
        %dma_wait3A_248 = arith.constant 0 : i32
        %dma_wait3A_249 = tpu.memref_slice %arg43[%dma_wait3A_248] : memref<3128xf32, #tpu.memory_space<vmem>> -> memref<3128xf32, #tpu.memory_space<vmem>>
        %dma_wait3A_250 = tpu.memref_slice %arg11[%multiple_of3A_231] : memref<100000xf32, #tpu.memory_space<hbm>> -> memref<3128xf32, #tpu.memory_space<hbm>>
        %dma_wait3A_251 = arith.constant 0 : i32
        %dma_wait3A_252 = tpu.memref_slice %arg43[%dma_wait3A_251] : memref<3128xf32, #tpu.memory_space<vmem>> -> memref<3128xf32, #tpu.memory_space<vmem>>
        %dma_wait3A_253 = tpu.memref_slice %arg11[%multiple_of3A_231] : memref<100000xf32, #tpu.memory_space<hbm>> -> memref<3128xf32, #tpu.memory_space<hbm>>
        tpu.wait_dma2 semaphore(%run_scoped3A : memref<!tpu.dma_semaphore, #tpu.memory_space<semaphore_mem>>) src(%dma_wait3A_253 : memref<3128xf32, #tpu.memory_space<hbm>>) dst(%dma_wait3A_252 : memref<3128xf32, #tpu.memory_space<vmem>>)
        tpu.yield
      }) : () -> ()
      "tpu.region"() ({
        %run_scoped3A = tpu.sem_alloc : memref<!tpu.dma_semaphore, #tpu.memory_space<semaphore_mem>>
        %dma_start3A_242 = arith.constant 0 : i32
        %dma_start3A_243 = tpu.memref_slice %arg43[%dma_start3A_242] : memref<3128xf32, #tpu.memory_space<vmem>> -> memref<3128xf32, #tpu.memory_space<vmem>>
        %dma_start3A_244 = tpu.memref_slice %arg18[%multiple_of3A_231] : memref<100000xf32, #tpu.memory_space<vmem_shared>> -> memref<3128xf32, #tpu.memory_space<vmem_shared>>
        %dma_start3A_245 = tpu.memref_slice %arg18[%multiple_of3A_231] : memref<100000xf32, #tpu.memory_space<vmem_shared>> -> memref<3128xf32, #tpu.memory_space<vmem_shared>>
        %dma_start3A_246 = arith.constant 0 : i32
        %dma_start3A_247 = tpu.memref_slice %arg43[%dma_start3A_246] : memref<3128xf32, #tpu.memory_space<vmem>> -> memref<3128xf32, #tpu.memory_space<vmem>>
        tpu.enqueue_dma source(%dma_start3A_247 : memref<3128xf32, #tpu.memory_space<vmem>>) target(%dma_start3A_245 : memref<3128xf32, #tpu.memory_space<vmem_shared>>) target_semaphore(%run_scoped3A : memref<!tpu.dma_semaphore, #tpu.memory_space<semaphore_mem>>)
        %dma_wait3A_248 = arith.constant 0 : i32
        %dma_wait3A_249 = tpu.memref_slice %arg43[%dma_wait3A_248] : memref<3128xf32, #tpu.memory_space<vmem>> -> memref<3128xf32, #tpu.memory_space<vmem>>
        %dma_wait3A_250 = tpu.memref_slice %arg18[%multiple_of3A_231] : memref<100000xf32, #tpu.memory_space<vmem_shared>> -> memref<3128xf32, #tpu.memory_space<vmem_shared>>
        %dma_wait3A_251 = tpu.memref_slice %arg18[%multiple_of3A_231] : memref<100000xf32, #tpu.memory_space<vmem_shared>> -> memref<3128xf32, #tpu.memory_space<vmem_shared>>
        %dma_wait3A_252 = arith.constant 0 : i32
        %dma_wait3A_253 = tpu.memref_slice %arg43[%dma_wait3A_252] : memref<3128xf32, #tpu.memory_space<vmem>> -> memref<3128xf32, #tpu.memory_space<vmem>>
        tpu.wait_dma2 semaphore(%run_scoped3A : memref<!tpu.dma_semaphore, #tpu.memory_space<semaphore_mem>>) src(%dma_wait3A_253 : memref<3128xf32, #tpu.memory_space<vmem>>) dst(%dma_wait3A_251 : memref<3128xf32, #tpu.memory_space<vmem_shared>>)
        tpu.yield
      }) : () -> ()
      %add3A_240 = arith.constant 3128 : i32
      %add3A_241 = arith.addi %multiple_of3A_231, %add3A_240 : i32
      "tpu.region"() ({
        %run_scoped3A = tpu.sem_alloc : memref<!tpu.dma_semaphore, #tpu.memory_space<semaphore_mem>>
        %dma_start3A_242 = arith.constant 0 : i32
        %dma_start3A_243 = tpu.memref_slice %arg43[%dma_start3A_242] : memref<3128xf32, #tpu.memory_space<vmem>> -> memref<3128xf32, #tpu.memory_space<vmem>>
        %dma_start3A_244 = tpu.memref_slice %arg11[%add3A_241] : memref<100000xf32, #tpu.memory_space<hbm>> -> memref<3128xf32, #tpu.memory_space<hbm>>
        %dma_start3A_245 = arith.constant 0 : i32
        %dma_start3A_246 = tpu.memref_slice %arg43[%dma_start3A_245] : memref<3128xf32, #tpu.memory_space<vmem>> -> memref<3128xf32, #tpu.memory_space<vmem>>
        %dma_start3A_247 = tpu.memref_slice %arg11[%add3A_241] : memref<100000xf32, #tpu.memory_space<hbm>> -> memref<3128xf32, #tpu.memory_space<hbm>>
        tpu.enqueue_dma source(%dma_start3A_247 : memref<3128xf32, #tpu.memory_space<hbm>>) target(%dma_start3A_246 : memref<3128xf32, #tpu.memory_space<vmem>>) target_semaphore(%run_scoped3A : memref<!tpu.dma_semaphore, #tpu.memory_space<semaphore_mem>>)
        %dma_wait3A_248 = arith.constant 0 : i32
        %dma_wait3A_249 = tpu.memref_slice %arg43[%dma_wait3A_248] : memref<3128xf32, #tpu.memory_space<vmem>> -> memref<3128xf32, #tpu.memory_space<vmem>>
        %dma_wait3A_250 = tpu.memref_slice %arg11[%add3A_241] : memref<100000xf32, #tpu.memory_space<hbm>> -> memref<3128xf32, #tpu.memory_space<hbm>>
        %dma_wait3A_251 = arith.constant 0 : i32
        %dma_wait3A_252 = tpu.memref_slice %arg43[%dma_wait3A_251] : memref<3128xf32, #tpu.memory_space<vmem>> -> memref<3128xf32, #tpu.memory_space<vmem>>
        %dma_wait3A_253 = tpu.memref_slice %arg11[%add3A_241] : memref<100000xf32, #tpu.memory_space<hbm>> -> memref<3128xf32, #tpu.memory_space<hbm>>
        tpu.wait_dma2 semaphore(%run_scoped3A : memref<!tpu.dma_semaphore, #tpu.memory_space<semaphore_mem>>) src(%dma_wait3A_253 : memref<3128xf32, #tpu.memory_space<hbm>>) dst(%dma_wait3A_252 : memref<3128xf32, #tpu.memory_space<vmem>>)
        tpu.yield
      }) : () -> ()
      "tpu.region"() ({
        %run_scoped3A = tpu.sem_alloc : memref<!tpu.dma_semaphore, #tpu.memory_space<semaphore_mem>>
        %dma_start3A_242 = arith.constant 0 : i32
        %dma_start3A_243 = tpu.memref_slice %arg43[%dma_start3A_242] : memref<3128xf32, #tpu.memory_space<vmem>> -> memref<3128xf32, #tpu.memory_space<vmem>>
        %dma_start3A_244 = tpu.memref_slice %arg18[%add3A_241] : memref<100000xf32, #tpu.memory_space<vmem_shared>> -> memref<3128xf32, #tpu.memory_space<vmem_shared>>
        %dma_start3A_245 = tpu.memref_slice %arg18[%add3A_241] : memref<100000xf32, #tpu.memory_space<vmem_shared>> -> memref<3128xf32, #tpu.memory_space<vmem_shared>>
        %dma_start3A_246 = arith.constant 0 : i32
        %dma_start3A_247 = tpu.memref_slice %arg43[%dma_start3A_246] : memref<3128xf32, #tpu.memory_space<vmem>> -> memref<3128xf32, #tpu.memory_space<vmem>>
        tpu.enqueue_dma source(%dma_start3A_247 : memref<3128xf32, #tpu.memory_space<vmem>>) target(%dma_start3A_245 : memref<3128xf32, #tpu.memory_space<vmem_shared>>) target_semaphore(%run_scoped3A : memref<!tpu.dma_semaphore, #tpu.memory_space<semaphore_mem>>)
        %dma_wait3A_248 = arith.constant 0 : i32
        %dma_wait3A_249 = tpu.memref_slice %arg43[%dma_wait3A_248] : memref<3128xf32, #tpu.memory_space<vmem>> -> memref<3128xf32, #tpu.memory_space<vmem>>
        %dma_wait3A_250 = tpu.memref_slice %arg18[%add3A_241] : memref<100000xf32, #tpu.memory_space<vmem_shared>> -> memref<3128xf32, #tpu.memory_space<vmem_shared>>
        %dma_wait3A_251 = tpu.memref_slice %arg18[%add3A_241] : memref<100000xf32, #tpu.memory_space<vmem_shared>> -> memref<3128xf32, #tpu.memory_space<vmem_shared>>
        %dma_wait3A_252 = arith.constant 0 : i32
        %dma_wait3A_253 = tpu.memref_slice %arg43[%dma_wait3A_252] : memref<3128xf32, #tpu.memory_space<vmem>> -> memref<3128xf32, #tpu.memory_space<vmem>>
        tpu.wait_dma2 semaphore(%run_scoped3A : memref<!tpu.dma_semaphore, #tpu.memory_space<semaphore_mem>>) src(%dma_wait3A_253 : memref<3128xf32, #tpu.memory_space<vmem>>) dst(%dma_wait3A_251 : memref<3128xf32, #tpu.memory_space<vmem_shared>>)
        tpu.yield
      }) : () -> ()
    } else {
    }
    %eq3A = arith.constant 15 : i32
    %eq3A_3 = arith.cmpi eq, %arg1, %eq3A : i32
    %convert_element_type3A_4 = arith.extui %eq3A_3 : i1 to i32
    %cond3A_5 = arith.constant 0 : i32
    %cond3A_6 = arith.cmpi ne, %convert_element_type3A_4, %cond3A_5 : i32
    scf.if %cond3A_6 {
      "tpu.region"() ({
        %run_scoped3A = tpu.sem_alloc : memref<!tpu.dma_semaphore, #tpu.memory_space<semaphore_mem>>
        %dma_start3A_229 = arith.constant 0 : i32
        %dma_start3A_230 = tpu.memref_slice %arg43[%dma_start3A_229] : memref<3128xf32, #tpu.memory_space<vmem>> -> memref<3128xf32, #tpu.memory_space<vmem>>
        %dma_start3A_231 = arith.constant 93840 : i32
        %dma_start3A_232 = tpu.memref_slice %arg7[%dma_start3A_231] : memref<100000xf32, #tpu.memory_space<hbm>> -> memref<3128xf32, #tpu.memory_space<hbm>>
        %dma_start3A_233 = arith.constant 0 : i32
        %dma_start3A_234 = tpu.memref_slice %arg43[%dma_start3A_233] : memref<3128xf32, #tpu.memory_space<vmem>> -> memref<3128xf32, #tpu.memory_space<vmem>>
        %dma_start3A_235 = arith.constant 93840 : i32
        %dma_start3A_236 = tpu.memref_slice %arg7[%dma_start3A_235] : memref<100000xf32, #tpu.memory_space<hbm>> -> memref<3128xf32, #tpu.memory_space<hbm>>
        tpu.enqueue_dma source(%dma_start3A_236 : memref<3128xf32, #tpu.memory_space<hbm>>) target(%dma_start3A_234 : memref<3128xf32, #tpu.memory_space<vmem>>) target_semaphore(%run_scoped3A : memref<!tpu.dma_semaphore, #tpu.memory_space<semaphore_mem>>)
        %dma_wait3A_237 = arith.constant 0 : i32
        %dma_wait3A_238 = tpu.memref_slice %arg43[%dma_wait3A_237] : memref<3128xf32, #tpu.memory_space<vmem>> -> memref<3128xf32, #tpu.memory_space<vmem>>
        %dma_wait3A_239 = arith.constant 93840 : i32
        %dma_wait3A_240 = tpu.memref_slice %arg7[%dma_wait3A_239] : memref<100000xf32, #tpu.memory_space<hbm>> -> memref<3128xf32, #tpu.memory_space<hbm>>
        %dma_wait3A_241 = arith.constant 0 : i32
        %dma_wait3A_242 = tpu.memref_slice %arg43[%dma_wait3A_241] : memref<3128xf32, #tpu.memory_space<vmem>> -> memref<3128xf32, #tpu.memory_space<vmem>>
        %dma_wait3A_243 = arith.constant 93840 : i32
        %dma_wait3A_244 = tpu.memref_slice %arg7[%dma_wait3A_243] : memref<100000xf32, #tpu.memory_space<hbm>> -> memref<3128xf32, #tpu.memory_space<hbm>>
        tpu.wait_dma2 semaphore(%run_scoped3A : memref<!tpu.dma_semaphore, #tpu.memory_space<semaphore_mem>>) src(%dma_wait3A_244 : memref<3128xf32, #tpu.memory_space<hbm>>) dst(%dma_wait3A_242 : memref<3128xf32, #tpu.memory_space<vmem>>)
        tpu.yield
      }) : () -> ()
      "tpu.region"() ({
        %run_scoped3A = tpu.sem_alloc : memref<!tpu.dma_semaphore, #tpu.memory_space<semaphore_mem>>
        %dma_start3A_229 = arith.constant 0 : i32
        %dma_start3A_230 = tpu.memref_slice %arg43[%dma_start3A_229] : memref<3128xf32, #tpu.memory_space<vmem>> -> memref<3128xf32, #tpu.memory_space<vmem>>
        %dma_start3A_231 = arith.constant 93840 : i32
        %dma_start3A_232 = tpu.memref_slice %arg14[%dma_start3A_231] : memref<100000xf32, #tpu.memory_space<vmem_shared>> -> memref<3128xf32, #tpu.memory_space<vmem_shared>>
        %dma_start3A_233 = arith.constant 93840 : i32
        %dma_start3A_234 = tpu.memref_slice %arg14[%dma_start3A_233] : memref<100000xf32, #tpu.memory_space<vmem_shared>> -> memref<3128xf32, #tpu.memory_space<vmem_shared>>
        %dma_start3A_235 = arith.constant 0 : i32
        %dma_start3A_236 = tpu.memref_slice %arg43[%dma_start3A_235] : memref<3128xf32, #tpu.memory_space<vmem>> -> memref<3128xf32, #tpu.memory_space<vmem>>
        tpu.enqueue_dma source(%dma_start3A_236 : memref<3128xf32, #tpu.memory_space<vmem>>) target(%dma_start3A_234 : memref<3128xf32, #tpu.memory_space<vmem_shared>>) target_semaphore(%run_scoped3A : memref<!tpu.dma_semaphore, #tpu.memory_space<semaphore_mem>>)
        %dma_wait3A_237 = arith.constant 0 : i32
        %dma_wait3A_238 = tpu.memref_slice %arg43[%dma_wait3A_237] : memref<3128xf32, #tpu.memory_space<vmem>> -> memref<3128xf32, #tpu.memory_space<vmem>>
        %dma_wait3A_239 = arith.constant 93840 : i32
        %dma_wait3A_240 = tpu.memref_slice %arg14[%dma_wait3A_239] : memref<100000xf32, #tpu.memory_space<vmem_shared>> -> memref<3128xf32, #tpu.memory_space<vmem_shared>>
        %dma_wait3A_241 = arith.constant 93840 : i32
        %dma_wait3A_242 = tpu.memref_slice %arg14[%dma_wait3A_241] : memref<100000xf32, #tpu.memory_space<vmem_shared>> -> memref<3128xf32, #tpu.memory_space<vmem_shared>>
        %dma_wait3A_243 = arith.constant 0 : i32
        %dma_wait3A_244 = tpu.memref_slice %arg43[%dma_wait3A_243] : memref<3128xf32, #tpu.memory_space<vmem>> -> memref<3128xf32, #tpu.memory_space<vmem>>
        tpu.wait_dma2 semaphore(%run_scoped3A : memref<!tpu.dma_semaphore, #tpu.memory_space<semaphore_mem>>) src(%dma_wait3A_244 : memref<3128xf32, #tpu.memory_space<vmem>>) dst(%dma_wait3A_242 : memref<3128xf32, #tpu.memory_space<vmem_shared>>)
        tpu.yield
      }) : () -> ()
      "tpu.region"() ({
        %run_scoped3A = tpu.sem_alloc : memref<!tpu.dma_semaphore, #tpu.memory_space<semaphore_mem>>
        %dma_start3A_229 = arith.constant 0 : i32
        %dma_start3A_230 = tpu.memref_slice %arg43[%dma_start3A_229] : memref<3128xf32, #tpu.memory_space<vmem>> -> memref<3032xf32, #tpu.memory_space<vmem>>
        %dma_start3A_231 = arith.constant 96968 : i32
        %dma_start3A_232 = tpu.memref_slice %arg7[%dma_start3A_231] : memref<100000xf32, #tpu.memory_space<hbm>> -> memref<3032xf32, #tpu.memory_space<hbm>>
        %dma_start3A_233 = arith.constant 0 : i32
        %dma_start3A_234 = tpu.memref_slice %arg43[%dma_start3A_233] : memref<3128xf32, #tpu.memory_space<vmem>> -> memref<3032xf32, #tpu.memory_space<vmem>>
        %dma_start3A_235 = arith.constant 96968 : i32
        %dma_start3A_236 = tpu.memref_slice %arg7[%dma_start3A_235] : memref<100000xf32, #tpu.memory_space<hbm>> -> memref<3032xf32, #tpu.memory_space<hbm>>
        tpu.enqueue_dma source(%dma_start3A_236 : memref<3032xf32, #tpu.memory_space<hbm>>) target(%dma_start3A_234 : memref<3032xf32, #tpu.memory_space<vmem>>) target_semaphore(%run_scoped3A : memref<!tpu.dma_semaphore, #tpu.memory_space<semaphore_mem>>)
        %dma_wait3A_237 = arith.constant 0 : i32
        %dma_wait3A_238 = tpu.memref_slice %arg43[%dma_wait3A_237] : memref<3128xf32, #tpu.memory_space<vmem>> -> memref<3032xf32, #tpu.memory_space<vmem>>
        %dma_wait3A_239 = arith.constant 96968 : i32
        %dma_wait3A_240 = tpu.memref_slice %arg7[%dma_wait3A_239] : memref<100000xf32, #tpu.memory_space<hbm>> -> memref<3032xf32, #tpu.memory_space<hbm>>
        %dma_wait3A_241 = arith.constant 0 : i32
        %dma_wait3A_242 = tpu.memref_slice %arg43[%dma_wait3A_241] : memref<3128xf32, #tpu.memory_space<vmem>> -> memref<3032xf32, #tpu.memory_space<vmem>>
        %dma_wait3A_243 = arith.constant 96968 : i32
        %dma_wait3A_244 = tpu.memref_slice %arg7[%dma_wait3A_243] : memref<100000xf32, #tpu.memory_space<hbm>> -> memref<3032xf32, #tpu.memory_space<hbm>>
        tpu.wait_dma2 semaphore(%run_scoped3A : memref<!tpu.dma_semaphore, #tpu.memory_space<semaphore_mem>>) src(%dma_wait3A_244 : memref<3032xf32, #tpu.memory_space<hbm>>) dst(%dma_wait3A_242 : memref<3032xf32, #tpu.memory_space<vmem>>)
        tpu.yield
      }) : () -> ()
      "tpu.region"() ({
        %run_scoped3A = tpu.sem_alloc : memref<!tpu.dma_semaphore, #tpu.memory_space<semaphore_mem>>
        %dma_start3A_229 = arith.constant 0 : i32
        %dma_start3A_230 = tpu.memref_slice %arg43[%dma_start3A_229] : memref<3128xf32, #tpu.memory_space<vmem>> -> memref<3032xf32, #tpu.memory_space<vmem>>
        %dma_start3A_231 = arith.constant 96968 : i32
        %dma_start3A_232 = tpu.memref_slice %arg14[%dma_start3A_231] : memref<100000xf32, #tpu.memory_space<vmem_shared>> -> memref<3032xf32, #tpu.memory_space<vmem_shared>>
        %dma_start3A_233 = arith.constant 96968 : i32
        %dma_start3A_234 = tpu.memref_slice %arg14[%dma_start3A_233] : memref<100000xf32, #tpu.memory_space<vmem_shared>> -> memref<3032xf32, #tpu.memory_space<vmem_shared>>
        %dma_start3A_235 = arith.constant 0 : i32
        %dma_start3A_236 = tpu.memref_slice %arg43[%dma_start3A_235] : memref<3128xf32, #tpu.memory_space<vmem>> -> memref<3032xf32, #tpu.memory_space<vmem>>
        tpu.enqueue_dma source(%dma_start3A_236 : memref<3032xf32, #tpu.memory_space<vmem>>) target(%dma_start3A_234 : memref<3032xf32, #tpu.memory_space<vmem_shared>>) target_semaphore(%run_scoped3A : memref<!tpu.dma_semaphore, #tpu.memory_space<semaphore_mem>>)
        %dma_wait3A_237 = arith.constant 0 : i32
        %dma_wait3A_238 = tpu.memref_slice %arg43[%dma_wait3A_237] : memref<3128xf32, #tpu.memory_space<vmem>> -> memref<3032xf32, #tpu.memory_space<vmem>>
        %dma_wait3A_239 = arith.constant 96968 : i32
        %dma_wait3A_240 = tpu.memref_slice %arg14[%dma_wait3A_239] : memref<100000xf32, #tpu.memory_space<vmem_shared>> -> memref<3032xf32, #tpu.memory_space<vmem_shared>>
        %dma_wait3A_241 = arith.constant 96968 : i32
        %dma_wait3A_242 = tpu.memref_slice %arg14[%dma_wait3A_241] : memref<100000xf32, #tpu.memory_space<vmem_shared>> -> memref<3032xf32, #tpu.memory_space<vmem_shared>>
        %dma_wait3A_243 = arith.constant 0 : i32
        %dma_wait3A_244 = tpu.memref_slice %arg43[%dma_wait3A_243] : memref<3128xf32, #tpu.memory_space<vmem>> -> memref<3032xf32, #tpu.memory_space<vmem>>
        tpu.wait_dma2 semaphore(%run_scoped3A : memref<!tpu.dma_semaphore, #tpu.memory_space<semaphore_mem>>) src(%dma_wait3A_244 : memref<3032xf32, #tpu.memory_space<vmem>>) dst(%dma_wait3A_242 : memref<3032xf32, #tpu.memory_space<vmem_shared>>)
        tpu.yield
      }) : () -> ()
      "tpu.region"() ({
        %run_scoped3A = tpu.sem_alloc : memref<!tpu.dma_semaphore, #tpu.memory_space<semaphore_mem>>
        %dma_start3A_229 = arith.constant 0 : i32
        %dma_start3A_230 = tpu.memref_slice %arg43[%dma_start3A_229] : memref<3128xf32, #tpu.memory_space<vmem>> -> memref<3128xf32, #tpu.memory_space<vmem>>
        %dma_start3A_231 = arith.constant 93840 : i32
        %dma_start3A_232 = tpu.memref_slice %arg8[%dma_start3A_231] : memref<100000xf32, #tpu.memory_space<hbm>> -> memref<3128xf32, #tpu.memory_space<hbm>>
        %dma_start3A_233 = arith.constant 0 : i32
        %dma_start3A_234 = tpu.memref_slice %arg43[%dma_start3A_233] : memref<3128xf32, #tpu.memory_space<vmem>> -> memref<3128xf32, #tpu.memory_space<vmem>>
        %dma_start3A_235 = arith.constant 93840 : i32
        %dma_start3A_236 = tpu.memref_slice %arg8[%dma_start3A_235] : memref<100000xf32, #tpu.memory_space<hbm>> -> memref<3128xf32, #tpu.memory_space<hbm>>
        tpu.enqueue_dma source(%dma_start3A_236 : memref<3128xf32, #tpu.memory_space<hbm>>) target(%dma_start3A_234 : memref<3128xf32, #tpu.memory_space<vmem>>) target_semaphore(%run_scoped3A : memref<!tpu.dma_semaphore, #tpu.memory_space<semaphore_mem>>)
        %dma_wait3A_237 = arith.constant 0 : i32
        %dma_wait3A_238 = tpu.memref_slice %arg43[%dma_wait3A_237] : memref<3128xf32, #tpu.memory_space<vmem>> -> memref<3128xf32, #tpu.memory_space<vmem>>
        %dma_wait3A_239 = arith.constant 93840 : i32
        %dma_wait3A_240 = tpu.memref_slice %arg8[%dma_wait3A_239] : memref<100000xf32, #tpu.memory_space<hbm>> -> memref<3128xf32, #tpu.memory_space<hbm>>
        %dma_wait3A_241 = arith.constant 0 : i32
        %dma_wait3A_242 = tpu.memref_slice %arg43[%dma_wait3A_241] : memref<3128xf32, #tpu.memory_space<vmem>> -> memref<3128xf32, #tpu.memory_space<vmem>>
        %dma_wait3A_243 = arith.constant 93840 : i32
        %dma_wait3A_244 = tpu.memref_slice %arg8[%dma_wait3A_243] : memref<100000xf32, #tpu.memory_space<hbm>> -> memref<3128xf32, #tpu.memory_space<hbm>>
        tpu.wait_dma2 semaphore(%run_scoped3A : memref<!tpu.dma_semaphore, #tpu.memory_space<semaphore_mem>>) src(%dma_wait3A_244 : memref<3128xf32, #tpu.memory_space<hbm>>) dst(%dma_wait3A_242 : memref<3128xf32, #tpu.memory_space<vmem>>)
        tpu.yield
      }) : () -> ()
      "tpu.region"() ({
        %run_scoped3A = tpu.sem_alloc : memref<!tpu.dma_semaphore, #tpu.memory_space<semaphore_mem>>
        %dma_start3A_229 = arith.constant 0 : i32
        %dma_start3A_230 = tpu.memref_slice %arg43[%dma_start3A_229] : memref<3128xf32, #tpu.memory_space<vmem>> -> memref<3128xf32, #tpu.memory_space<vmem>>
        %dma_start3A_231 = arith.constant 93840 : i32
        %dma_start3A_232 = tpu.memref_slice %arg15[%dma_start3A_231] : memref<100000xf32, #tpu.memory_space<vmem_shared>> -> memref<3128xf32, #tpu.memory_space<vmem_shared>>
        %dma_start3A_233 = arith.constant 93840 : i32
        %dma_start3A_234 = tpu.memref_slice %arg15[%dma_start3A_233] : memref<100000xf32, #tpu.memory_space<vmem_shared>> -> memref<3128xf32, #tpu.memory_space<vmem_shared>>
        %dma_start3A_235 = arith.constant 0 : i32
        %dma_start3A_236 = tpu.memref_slice %arg43[%dma_start3A_235] : memref<3128xf32, #tpu.memory_space<vmem>> -> memref<3128xf32, #tpu.memory_space<vmem>>
        tpu.enqueue_dma source(%dma_start3A_236 : memref<3128xf32, #tpu.memory_space<vmem>>) target(%dma_start3A_234 : memref<3128xf32, #tpu.memory_space<vmem_shared>>) target_semaphore(%run_scoped3A : memref<!tpu.dma_semaphore, #tpu.memory_space<semaphore_mem>>)
        %dma_wait3A_237 = arith.constant 0 : i32
        %dma_wait3A_238 = tpu.memref_slice %arg43[%dma_wait3A_237] : memref<3128xf32, #tpu.memory_space<vmem>> -> memref<3128xf32, #tpu.memory_space<vmem>>
        %dma_wait3A_239 = arith.constant 93840 : i32
        %dma_wait3A_240 = tpu.memref_slice %arg15[%dma_wait3A_239] : memref<100000xf32, #tpu.memory_space<vmem_shared>> -> memref<3128xf32, #tpu.memory_space<vmem_shared>>
        %dma_wait3A_241 = arith.constant 93840 : i32
        %dma_wait3A_242 = tpu.memref_slice %arg15[%dma_wait3A_241] : memref<100000xf32, #tpu.memory_space<vmem_shared>> -> memref<3128xf32, #tpu.memory_space<vmem_shared>>
        %dma_wait3A_243 = arith.constant 0 : i32
        %dma_wait3A_244 = tpu.memref_slice %arg43[%dma_wait3A_243] : memref<3128xf32, #tpu.memory_space<vmem>> -> memref<3128xf32, #tpu.memory_space<vmem>>
        tpu.wait_dma2 semaphore(%run_scoped3A : memref<!tpu.dma_semaphore, #tpu.memory_space<semaphore_mem>>) src(%dma_wait3A_244 : memref<3128xf32, #tpu.memory_space<vmem>>) dst(%dma_wait3A_242 : memref<3128xf32, #tpu.memory_space<vmem_shared>>)
        tpu.yield
      }) : () -> ()
      "tpu.region"() ({
        %run_scoped3A = tpu.sem_alloc : memref<!tpu.dma_semaphore, #tpu.memory_space<semaphore_mem>>
        %dma_start3A_229 = arith.constant 0 : i32
        %dma_start3A_230 = tpu.memref_slice %arg43[%dma_start3A_229] : memref<3128xf32, #tpu.memory_space<vmem>> -> memref<3032xf32, #tpu.memory_space<vmem>>
        %dma_start3A_231 = arith.constant 96968 : i32
        %dma_start3A_232 = tpu.memref_slice %arg8[%dma_start3A_231] : memref<100000xf32, #tpu.memory_space<hbm>> -> memref<3032xf32, #tpu.memory_space<hbm>>
        %dma_start3A_233 = arith.constant 0 : i32
        %dma_start3A_234 = tpu.memref_slice %arg43[%dma_start3A_233] : memref<3128xf32, #tpu.memory_space<vmem>> -> memref<3032xf32, #tpu.memory_space<vmem>>
        %dma_start3A_235 = arith.constant 96968 : i32
        %dma_start3A_236 = tpu.memref_slice %arg8[%dma_start3A_235] : memref<100000xf32, #tpu.memory_space<hbm>> -> memref<3032xf32, #tpu.memory_space<hbm>>
        tpu.enqueue_dma source(%dma_start3A_236 : memref<3032xf32, #tpu.memory_space<hbm>>) target(%dma_start3A_234 : memref<3032xf32, #tpu.memory_space<vmem>>) target_semaphore(%run_scoped3A : memref<!tpu.dma_semaphore, #tpu.memory_space<semaphore_mem>>)
        %dma_wait3A_237 = arith.constant 0 : i32
        %dma_wait3A_238 = tpu.memref_slice %arg43[%dma_wait3A_237] : memref<3128xf32, #tpu.memory_space<vmem>> -> memref<3032xf32, #tpu.memory_space<vmem>>
        %dma_wait3A_239 = arith.constant 96968 : i32
        %dma_wait3A_240 = tpu.memref_slice %arg8[%dma_wait3A_239] : memref<100000xf32, #tpu.memory_space<hbm>> -> memref<3032xf32, #tpu.memory_space<hbm>>
        %dma_wait3A_241 = arith.constant 0 : i32
        %dma_wait3A_242 = tpu.memref_slice %arg43[%dma_wait3A_241] : memref<3128xf32, #tpu.memory_space<vmem>> -> memref<3032xf32, #tpu.memory_space<vmem>>
        %dma_wait3A_243 = arith.constant 96968 : i32
        %dma_wait3A_244 = tpu.memref_slice %arg8[%dma_wait3A_243] : memref<100000xf32, #tpu.memory_space<hbm>> -> memref<3032xf32, #tpu.memory_space<hbm>>
        tpu.wait_dma2 semaphore(%run_scoped3A : memref<!tpu.dma_semaphore, #tpu.memory_space<semaphore_mem>>) src(%dma_wait3A_244 : memref<3032xf32, #tpu.memory_space<hbm>>) dst(%dma_wait3A_242 : memref<3032xf32, #tpu.memory_space<vmem>>)
        tpu.yield
      }) : () -> ()
      "tpu.region"() ({
        %run_scoped3A = tpu.sem_alloc : memref<!tpu.dma_semaphore, #tpu.memory_space<semaphore_mem>>
        %dma_start3A_229 = arith.constant 0 : i32
        %dma_start3A_230 = tpu.memref_slice %arg43[%dma_start3A_229] : memref<3128xf32, #tpu.memory_space<vmem>> -> memref<3032xf32, #tpu.memory_space<vmem>>
        %dma_start3A_231 = arith.constant 96968 : i32
        %dma_start3A_232 = tpu.memref_slice %arg15[%dma_start3A_231] : memref<100000xf32, #tpu.memory_space<vmem_shared>> -> memref<3032xf32, #tpu.memory_space<vmem_shared>>
        %dma_start3A_233 = arith.constant 96968 : i32
        %dma_start3A_234 = tpu.memref_slice %arg15[%dma_start3A_233] : memref<100000xf32, #tpu.memory_space<vmem_shared>> -> memref<3032xf32, #tpu.memory_space<vmem_shared>>
        %dma_start3A_235 = arith.constant 0 : i32
        %dma_start3A_236 = tpu.memref_slice %arg43[%dma_start3A_235] : memref<3128xf32, #tpu.memory_space<vmem>> -> memref<3032xf32, #tpu.memory_space<vmem>>
        tpu.enqueue_dma source(%dma_start3A_236 : memref<3032xf32, #tpu.memory_space<vmem>>) target(%dma_start3A_234 : memref<3032xf32, #tpu.memory_space<vmem_shared>>) target_semaphore(%run_scoped3A : memref<!tpu.dma_semaphore, #tpu.memory_space<semaphore_mem>>)
        %dma_wait3A_237 = arith.constant 0 : i32
        %dma_wait3A_238 = tpu.memref_slice %arg43[%dma_wait3A_237] : memref<3128xf32, #tpu.memory_space<vmem>> -> memref<3032xf32, #tpu.memory_space<vmem>>
        %dma_wait3A_239 = arith.constant 96968 : i32
        %dma_wait3A_240 = tpu.memref_slice %arg15[%dma_wait3A_239] : memref<100000xf32, #tpu.memory_space<vmem_shared>> -> memref<3032xf32, #tpu.memory_space<vmem_shared>>
        %dma_wait3A_241 = arith.constant 96968 : i32
        %dma_wait3A_242 = tpu.memref_slice %arg15[%dma_wait3A_241] : memref<100000xf32, #tpu.memory_space<vmem_shared>> -> memref<3032xf32, #tpu.memory_space<vmem_shared>>
        %dma_wait3A_243 = arith.constant 0 : i32
        %dma_wait3A_244 = tpu.memref_slice %arg43[%dma_wait3A_243] : memref<3128xf32, #tpu.memory_space<vmem>> -> memref<3032xf32, #tpu.memory_space<vmem>>
        tpu.wait_dma2 semaphore(%run_scoped3A : memref<!tpu.dma_semaphore, #tpu.memory_space<semaphore_mem>>) src(%dma_wait3A_244 : memref<3032xf32, #tpu.memory_space<vmem>>) dst(%dma_wait3A_242 : memref<3032xf32, #tpu.memory_space<vmem_shared>>)
        tpu.yield
      }) : () -> ()
      "tpu.region"() ({
        %run_scoped3A = tpu.sem_alloc : memref<!tpu.dma_semaphore, #tpu.memory_space<semaphore_mem>>
        %dma_start3A_229 = arith.constant 0 : i32
        %dma_start3A_230 = tpu.memref_slice %arg43[%dma_start3A_229] : memref<3128xf32, #tpu.memory_space<vmem>> -> memref<3128xf32, #tpu.memory_space<vmem>>
        %dma_start3A_231 = arith.constant 93840 : i32
        %dma_start3A_232 = tpu.memref_slice %arg9[%dma_start3A_231] : memref<100000xf32, #tpu.memory_space<hbm>> -> memref<3128xf32, #tpu.memory_space<hbm>>
        %dma_start3A_233 = arith.constant 0 : i32
        %dma_start3A_234 = tpu.memref_slice %arg43[%dma_start3A_233] : memref<3128xf32, #tpu.memory_space<vmem>> -> memref<3128xf32, #tpu.memory_space<vmem>>
        %dma_start3A_235 = arith.constant 93840 : i32
        %dma_start3A_236 = tpu.memref_slice %arg9[%dma_start3A_235] : memref<100000xf32, #tpu.memory_space<hbm>> -> memref<3128xf32, #tpu.memory_space<hbm>>
        tpu.enqueue_dma source(%dma_start3A_236 : memref<3128xf32, #tpu.memory_space<hbm>>) target(%dma_start3A_234 : memref<3128xf32, #tpu.memory_space<vmem>>) target_semaphore(%run_scoped3A : memref<!tpu.dma_semaphore, #tpu.memory_space<semaphore_mem>>)
        %dma_wait3A_237 = arith.constant 0 : i32
        %dma_wait3A_238 = tpu.memref_slice %arg43[%dma_wait3A_237] : memref<3128xf32, #tpu.memory_space<vmem>> -> memref<3128xf32, #tpu.memory_space<vmem>>
        %dma_wait3A_239 = arith.constant 93840 : i32
        %dma_wait3A_240 = tpu.memref_slice %arg9[%dma_wait3A_239] : memref<100000xf32, #tpu.memory_space<hbm>> -> memref<3128xf32, #tpu.memory_space<hbm>>
        %dma_wait3A_241 = arith.constant 0 : i32
        %dma_wait3A_242 = tpu.memref_slice %arg43[%dma_wait3A_241] : memref<3128xf32, #tpu.memory_space<vmem>> -> memref<3128xf32, #tpu.memory_space<vmem>>
        %dma_wait3A_243 = arith.constant 93840 : i32
        %dma_wait3A_244 = tpu.memref_slice %arg9[%dma_wait3A_243] : memref<100000xf32, #tpu.memory_space<hbm>> -> memref<3128xf32, #tpu.memory_space<hbm>>
        tpu.wait_dma2 semaphore(%run_scoped3A : memref<!tpu.dma_semaphore, #tpu.memory_space<semaphore_mem>>) src(%dma_wait3A_244 : memref<3128xf32, #tpu.memory_space<hbm>>) dst(%dma_wait3A_242 : memref<3128xf32, #tpu.memory_space<vmem>>)
        tpu.yield
      }) : () -> ()
      "tpu.region"() ({
        %run_scoped3A = tpu.sem_alloc : memref<!tpu.dma_semaphore, #tpu.memory_space<semaphore_mem>>
        %dma_start3A_229 = arith.constant 0 : i32
        %dma_start3A_230 = tpu.memref_slice %arg43[%dma_start3A_229] : memref<3128xf32, #tpu.memory_space<vmem>> -> memref<3128xf32, #tpu.memory_space<vmem>>
        %dma_start3A_231 = arith.constant 93840 : i32
        %dma_start3A_232 = tpu.memref_slice %arg16[%dma_start3A_231] : memref<100000xf32, #tpu.memory_space<vmem_shared>> -> memref<3128xf32, #tpu.memory_space<vmem_shared>>
        %dma_start3A_233 = arith.constant 93840 : i32
        %dma_start3A_234 = tpu.memref_slice %arg16[%dma_start3A_233] : memref<100000xf32, #tpu.memory_space<vmem_shared>> -> memref<3128xf32, #tpu.memory_space<vmem_shared>>
        %dma_start3A_235 = arith.constant 0 : i32
        %dma_start3A_236 = tpu.memref_slice %arg43[%dma_start3A_235] : memref<3128xf32, #tpu.memory_space<vmem>> -> memref<3128xf32, #tpu.memory_space<vmem>>
        tpu.enqueue_dma source(%dma_start3A_236 : memref<3128xf32, #tpu.memory_space<vmem>>) target(%dma_start3A_234 : memref<3128xf32, #tpu.memory_space<vmem_shared>>) target_semaphore(%run_scoped3A : memref<!tpu.dma_semaphore, #tpu.memory_space<semaphore_mem>>)
        %dma_wait3A_237 = arith.constant 0 : i32
        %dma_wait3A_238 = tpu.memref_slice %arg43[%dma_wait3A_237] : memref<3128xf32, #tpu.memory_space<vmem>> -> memref<3128xf32, #tpu.memory_space<vmem>>
        %dma_wait3A_239 = arith.constant 93840 : i32
        %dma_wait3A_240 = tpu.memref_slice %arg16[%dma_wait3A_239] : memref<100000xf32, #tpu.memory_space<vmem_shared>> -> memref<3128xf32, #tpu.memory_space<vmem_shared>>
        %dma_wait3A_241 = arith.constant 93840 : i32
        %dma_wait3A_242 = tpu.memref_slice %arg16[%dma_wait3A_241] : memref<100000xf32, #tpu.memory_space<vmem_shared>> -> memref<3128xf32, #tpu.memory_space<vmem_shared>>
        %dma_wait3A_243 = arith.constant 0 : i32
        %dma_wait3A_244 = tpu.memref_slice %arg43[%dma_wait3A_243] : memref<3128xf32, #tpu.memory_space<vmem>> -> memref<3128xf32, #tpu.memory_space<vmem>>
        tpu.wait_dma2 semaphore(%run_scoped3A : memref<!tpu.dma_semaphore, #tpu.memory_space<semaphore_mem>>) src(%dma_wait3A_244 : memref<3128xf32, #tpu.memory_space<vmem>>) dst(%dma_wait3A_242 : memref<3128xf32, #tpu.memory_space<vmem_shared>>)
        tpu.yield
      }) : () -> ()
      "tpu.region"() ({
        %run_scoped3A = tpu.sem_alloc : memref<!tpu.dma_semaphore, #tpu.memory_space<semaphore_mem>>
        %dma_start3A_229 = arith.constant 0 : i32
        %dma_start3A_230 = tpu.memref_slice %arg43[%dma_start3A_229] : memref<3128xf32, #tpu.memory_space<vmem>> -> memref<3032xf32, #tpu.memory_space<vmem>>
        %dma_start3A_231 = arith.constant 96968 : i32
        %dma_start3A_232 = tpu.memref_slice %arg9[%dma_start3A_231] : memref<100000xf32, #tpu.memory_space<hbm>> -> memref<3032xf32, #tpu.memory_space<hbm>>
        %dma_start3A_233 = arith.constant 0 : i32
        %dma_start3A_234 = tpu.memref_slice %arg43[%dma_start3A_233] : memref<3128xf32, #tpu.memory_space<vmem>> -> memref<3032xf32, #tpu.memory_space<vmem>>
        %dma_start3A_235 = arith.constant 96968 : i32
        %dma_start3A_236 = tpu.memref_slice %arg9[%dma_start3A_235] : memref<100000xf32, #tpu.memory_space<hbm>> -> memref<3032xf32, #tpu.memory_space<hbm>>
        tpu.enqueue_dma source(%dma_start3A_236 : memref<3032xf32, #tpu.memory_space<hbm>>) target(%dma_start3A_234 : memref<3032xf32, #tpu.memory_space<vmem>>) target_semaphore(%run_scoped3A : memref<!tpu.dma_semaphore, #tpu.memory_space<semaphore_mem>>)
        %dma_wait3A_237 = arith.constant 0 : i32
        %dma_wait3A_238 = tpu.memref_slice %arg43[%dma_wait3A_237] : memref<3128xf32, #tpu.memory_space<vmem>> -> memref<3032xf32, #tpu.memory_space<vmem>>
        %dma_wait3A_239 = arith.constant 96968 : i32
        %dma_wait3A_240 = tpu.memref_slice %arg9[%dma_wait3A_239] : memref<100000xf32, #tpu.memory_space<hbm>> -> memref<3032xf32, #tpu.memory_space<hbm>>
        %dma_wait3A_241 = arith.constant 0 : i32
        %dma_wait3A_242 = tpu.memref_slice %arg43[%dma_wait3A_241] : memref<3128xf32, #tpu.memory_space<vmem>> -> memref<3032xf32, #tpu.memory_space<vmem>>
        %dma_wait3A_243 = arith.constant 96968 : i32
        %dma_wait3A_244 = tpu.memref_slice %arg9[%dma_wait3A_243] : memref<100000xf32, #tpu.memory_space<hbm>> -> memref<3032xf32, #tpu.memory_space<hbm>>
        tpu.wait_dma2 semaphore(%run_scoped3A : memref<!tpu.dma_semaphore, #tpu.memory_space<semaphore_mem>>) src(%dma_wait3A_244 : memref<3032xf32, #tpu.memory_space<hbm>>) dst(%dma_wait3A_242 : memref<3032xf32, #tpu.memory_space<vmem>>)
        tpu.yield
      }) : () -> ()
      "tpu.region"() ({
        %run_scoped3A = tpu.sem_alloc : memref<!tpu.dma_semaphore, #tpu.memory_space<semaphore_mem>>
        %dma_start3A_229 = arith.constant 0 : i32
        %dma_start3A_230 = tpu.memref_slice %arg43[%dma_start3A_229] : memref<3128xf32, #tpu.memory_space<vmem>> -> memref<3032xf32, #tpu.memory_space<vmem>>
        %dma_start3A_231 = arith.constant 96968 : i32
        %dma_start3A_232 = tpu.memref_slice %arg16[%dma_start3A_231] : memref<100000xf32, #tpu.memory_space<vmem_shared>> -> memref<3032xf32, #tpu.memory_space<vmem_shared>>
        %dma_start3A_233 = arith.constant 96968 : i32
        %dma_start3A_234 = tpu.memref_slice %arg16[%dma_start3A_233] : memref<100000xf32, #tpu.memory_space<vmem_shared>> -> memref<3032xf32, #tpu.memory_space<vmem_shared>>
        %dma_start3A_235 = arith.constant 0 : i32
        %dma_start3A_236 = tpu.memref_slice %arg43[%dma_start3A_235] : memref<3128xf32, #tpu.memory_space<vmem>> -> memref<3032xf32, #tpu.memory_space<vmem>>
        tpu.enqueue_dma source(%dma_start3A_236 : memref<3032xf32, #tpu.memory_space<vmem>>) target(%dma_start3A_234 : memref<3032xf32, #tpu.memory_space<vmem_shared>>) target_semaphore(%run_scoped3A : memref<!tpu.dma_semaphore, #tpu.memory_space<semaphore_mem>>)
        %dma_wait3A_237 = arith.constant 0 : i32
        %dma_wait3A_238 = tpu.memref_slice %arg43[%dma_wait3A_237] : memref<3128xf32, #tpu.memory_space<vmem>> -> memref<3032xf32, #tpu.memory_space<vmem>>
        %dma_wait3A_239 = arith.constant 96968 : i32
        %dma_wait3A_240 = tpu.memref_slice %arg16[%dma_wait3A_239] : memref<100000xf32, #tpu.memory_space<vmem_shared>> -> memref<3032xf32, #tpu.memory_space<vmem_shared>>
        %dma_wait3A_241 = arith.constant 96968 : i32
        %dma_wait3A_242 = tpu.memref_slice %arg16[%dma_wait3A_241] : memref<100000xf32, #tpu.memory_space<vmem_shared>> -> memref<3032xf32, #tpu.memory_space<vmem_shared>>
        %dma_wait3A_243 = arith.constant 0 : i32
        %dma_wait3A_244 = tpu.memref_slice %arg43[%dma_wait3A_243] : memref<3128xf32, #tpu.memory_space<vmem>> -> memref<3032xf32, #tpu.memory_space<vmem>>
        tpu.wait_dma2 semaphore(%run_scoped3A : memref<!tpu.dma_semaphore, #tpu.memory_space<semaphore_mem>>) src(%dma_wait3A_244 : memref<3032xf32, #tpu.memory_space<vmem>>) dst(%dma_wait3A_242 : memref<3032xf32, #tpu.memory_space<vmem_shared>>)
        tpu.yield
      }) : () -> ()
      "tpu.region"() ({
        %run_scoped3A = tpu.sem_alloc : memref<!tpu.dma_semaphore, #tpu.memory_space<semaphore_mem>>
        %dma_start3A_229 = arith.constant 0 : i32
        %dma_start3A_230 = tpu.memref_slice %arg43[%dma_start3A_229] : memref<3128xf32, #tpu.memory_space<vmem>> -> memref<3128xf32, #tpu.memory_space<vmem>>
        %dma_start3A_231 = arith.constant 93840 : i32
        %dma_start3A_232 = tpu.memref_slice %arg10[%dma_start3A_231] : memref<100000xf32, #tpu.memory_space<hbm>> -> memref<3128xf32, #tpu.memory_space<hbm>>
        %dma_start3A_233 = arith.constant 0 : i32
        %dma_start3A_234 = tpu.memref_slice %arg43[%dma_start3A_233] : memref<3128xf32, #tpu.memory_space<vmem>> -> memref<3128xf32, #tpu.memory_space<vmem>>
        %dma_start3A_235 = arith.constant 93840 : i32
        %dma_start3A_236 = tpu.memref_slice %arg10[%dma_start3A_235] : memref<100000xf32, #tpu.memory_space<hbm>> -> memref<3128xf32, #tpu.memory_space<hbm>>
        tpu.enqueue_dma source(%dma_start3A_236 : memref<3128xf32, #tpu.memory_space<hbm>>) target(%dma_start3A_234 : memref<3128xf32, #tpu.memory_space<vmem>>) target_semaphore(%run_scoped3A : memref<!tpu.dma_semaphore, #tpu.memory_space<semaphore_mem>>)
        %dma_wait3A_237 = arith.constant 0 : i32
        %dma_wait3A_238 = tpu.memref_slice %arg43[%dma_wait3A_237] : memref<3128xf32, #tpu.memory_space<vmem>> -> memref<3128xf32, #tpu.memory_space<vmem>>
        %dma_wait3A_239 = arith.constant 93840 : i32
        %dma_wait3A_240 = tpu.memref_slice %arg10[%dma_wait3A_239] : memref<100000xf32, #tpu.memory_space<hbm>> -> memref<3128xf32, #tpu.memory_space<hbm>>
        %dma_wait3A_241 = arith.constant 0 : i32
        %dma_wait3A_242 = tpu.memref_slice %arg43[%dma_wait3A_241] : memref<3128xf32, #tpu.memory_space<vmem>> -> memref<3128xf32, #tpu.memory_space<vmem>>
        %dma_wait3A_243 = arith.constant 93840 : i32
        %dma_wait3A_244 = tpu.memref_slice %arg10[%dma_wait3A_243] : memref<100000xf32, #tpu.memory_space<hbm>> -> memref<3128xf32, #tpu.memory_space<hbm>>
        tpu.wait_dma2 semaphore(%run_scoped3A : memref<!tpu.dma_semaphore, #tpu.memory_space<semaphore_mem>>) src(%dma_wait3A_244 : memref<3128xf32, #tpu.memory_space<hbm>>) dst(%dma_wait3A_242 : memref<3128xf32, #tpu.memory_space<vmem>>)
        tpu.yield
      }) : () -> ()
      "tpu.region"() ({
        %run_scoped3A = tpu.sem_alloc : memref<!tpu.dma_semaphore, #tpu.memory_space<semaphore_mem>>
        %dma_start3A_229 = arith.constant 0 : i32
        %dma_start3A_230 = tpu.memref_slice %arg43[%dma_start3A_229] : memref<3128xf32, #tpu.memory_space<vmem>> -> memref<3128xf32, #tpu.memory_space<vmem>>
        %dma_start3A_231 = arith.constant 93840 : i32
        %dma_start3A_232 = tpu.memref_slice %arg17[%dma_start3A_231] : memref<100000xf32, #tpu.memory_space<vmem_shared>> -> memref<3128xf32, #tpu.memory_space<vmem_shared>>
        %dma_start3A_233 = arith.constant 93840 : i32
        %dma_start3A_234 = tpu.memref_slice %arg17[%dma_start3A_233] : memref<100000xf32, #tpu.memory_space<vmem_shared>> -> memref<3128xf32, #tpu.memory_space<vmem_shared>>
        %dma_start3A_235 = arith.constant 0 : i32
        %dma_start3A_236 = tpu.memref_slice %arg43[%dma_start3A_235] : memref<3128xf32, #tpu.memory_space<vmem>> -> memref<3128xf32, #tpu.memory_space<vmem>>
        tpu.enqueue_dma source(%dma_start3A_236 : memref<3128xf32, #tpu.memory_space<vmem>>) target(%dma_start3A_234 : memref<3128xf32, #tpu.memory_space<vmem_shared>>) target_semaphore(%run_scoped3A : memref<!tpu.dma_semaphore, #tpu.memory_space<semaphore_mem>>)
        %dma_wait3A_237 = arith.constant 0 : i32
        %dma_wait3A_238 = tpu.memref_slice %arg43[%dma_wait3A_237] : memref<3128xf32, #tpu.memory_space<vmem>> -> memref<3128xf32, #tpu.memory_space<vmem>>
        %dma_wait3A_239 = arith.constant 93840 : i32
        %dma_wait3A_240 = tpu.memref_slice %arg17[%dma_wait3A_239] : memref<100000xf32, #tpu.memory_space<vmem_shared>> -> memref<3128xf32, #tpu.memory_space<vmem_shared>>
        %dma_wait3A_241 = arith.constant 93840 : i32
        %dma_wait3A_242 = tpu.memref_slice %arg17[%dma_wait3A_241] : memref<100000xf32, #tpu.memory_space<vmem_shared>> -> memref<3128xf32, #tpu.memory_space<vmem_shared>>
        %dma_wait3A_243 = arith.constant 0 : i32
        %dma_wait3A_244 = tpu.memref_slice %arg43[%dma_wait3A_243] : memref<3128xf32, #tpu.memory_space<vmem>> -> memref<3128xf32, #tpu.memory_space<vmem>>
        tpu.wait_dma2 semaphore(%run_scoped3A : memref<!tpu.dma_semaphore, #tpu.memory_space<semaphore_mem>>) src(%dma_wait3A_244 : memref<3128xf32, #tpu.memory_space<vmem>>) dst(%dma_wait3A_242 : memref<3128xf32, #tpu.memory_space<vmem_shared>>)
        tpu.yield
      }) : () -> ()
      "tpu.region"() ({
        %run_scoped3A = tpu.sem_alloc : memref<!tpu.dma_semaphore, #tpu.memory_space<semaphore_mem>>
        %dma_start3A_229 = arith.constant 0 : i32
        %dma_start3A_230 = tpu.memref_slice %arg43[%dma_start3A_229] : memref<3128xf32, #tpu.memory_space<vmem>> -> memref<3032xf32, #tpu.memory_space<vmem>>
        %dma_start3A_231 = arith.constant 96968 : i32
        %dma_start3A_232 = tpu.memref_slice %arg10[%dma_start3A_231] : memref<100000xf32, #tpu.memory_space<hbm>> -> memref<3032xf32, #tpu.memory_space<hbm>>
        %dma_start3A_233 = arith.constant 0 : i32
        %dma_start3A_234 = tpu.memref_slice %arg43[%dma_start3A_233] : memref<3128xf32, #tpu.memory_space<vmem>> -> memref<3032xf32, #tpu.memory_space<vmem>>
        %dma_start3A_235 = arith.constant 96968 : i32
        %dma_start3A_236 = tpu.memref_slice %arg10[%dma_start3A_235] : memref<100000xf32, #tpu.memory_space<hbm>> -> memref<3032xf32, #tpu.memory_space<hbm>>
        tpu.enqueue_dma source(%dma_start3A_236 : memref<3032xf32, #tpu.memory_space<hbm>>) target(%dma_start3A_234 : memref<3032xf32, #tpu.memory_space<vmem>>) target_semaphore(%run_scoped3A : memref<!tpu.dma_semaphore, #tpu.memory_space<semaphore_mem>>)
        %dma_wait3A_237 = arith.constant 0 : i32
        %dma_wait3A_238 = tpu.memref_slice %arg43[%dma_wait3A_237] : memref<3128xf32, #tpu.memory_space<vmem>> -> memref<3032xf32, #tpu.memory_space<vmem>>
        %dma_wait3A_239 = arith.constant 96968 : i32
        %dma_wait3A_240 = tpu.memref_slice %arg10[%dma_wait3A_239] : memref<100000xf32, #tpu.memory_space<hbm>> -> memref<3032xf32, #tpu.memory_space<hbm>>
        %dma_wait3A_241 = arith.constant 0 : i32
        %dma_wait3A_242 = tpu.memref_slice %arg43[%dma_wait3A_241] : memref<3128xf32, #tpu.memory_space<vmem>> -> memref<3032xf32, #tpu.memory_space<vmem>>
        %dma_wait3A_243 = arith.constant 96968 : i32
        %dma_wait3A_244 = tpu.memref_slice %arg10[%dma_wait3A_243] : memref<100000xf32, #tpu.memory_space<hbm>> -> memref<3032xf32, #tpu.memory_space<hbm>>
        tpu.wait_dma2 semaphore(%run_scoped3A : memref<!tpu.dma_semaphore, #tpu.memory_space<semaphore_mem>>) src(%dma_wait3A_244 : memref<3032xf32, #tpu.memory_space<hbm>>) dst(%dma_wait3A_242 : memref<3032xf32, #tpu.memory_space<vmem>>)
        tpu.yield
      }) : () -> ()
      "tpu.region"() ({
        %run_scoped3A = tpu.sem_alloc : memref<!tpu.dma_semaphore, #tpu.memory_space<semaphore_mem>>
        %dma_start3A_229 = arith.constant 0 : i32
        %dma_start3A_230 = tpu.memref_slice %arg43[%dma_start3A_229] : memref<3128xf32, #tpu.memory_space<vmem>> -> memref<3032xf32, #tpu.memory_space<vmem>>
        %dma_start3A_231 = arith.constant 96968 : i32
        %dma_start3A_232 = tpu.memref_slice %arg17[%dma_start3A_231] : memref<100000xf32, #tpu.memory_space<vmem_shared>> -> memref<3032xf32, #tpu.memory_space<vmem_shared>>
        %dma_start3A_233 = arith.constant 96968 : i32
        %dma_start3A_234 = tpu.memref_slice %arg17[%dma_start3A_233] : memref<100000xf32, #tpu.memory_space<vmem_shared>> -> memref<3032xf32, #tpu.memory_space<vmem_shared>>
        %dma_start3A_235 = arith.constant 0 : i32
        %dma_start3A_236 = tpu.memref_slice %arg43[%dma_start3A_235] : memref<3128xf32, #tpu.memory_space<vmem>> -> memref<3032xf32, #tpu.memory_space<vmem>>
        tpu.enqueue_dma source(%dma_start3A_236 : memref<3032xf32, #tpu.memory_space<vmem>>) target(%dma_start3A_234 : memref<3032xf32, #tpu.memory_space<vmem_shared>>) target_semaphore(%run_scoped3A : memref<!tpu.dma_semaphore, #tpu.memory_space<semaphore_mem>>)
        %dma_wait3A_237 = arith.constant 0 : i32
        %dma_wait3A_238 = tpu.memref_slice %arg43[%dma_wait3A_237] : memref<3128xf32, #tpu.memory_space<vmem>> -> memref<3032xf32, #tpu.memory_space<vmem>>
        %dma_wait3A_239 = arith.constant 96968 : i32
        %dma_wait3A_240 = tpu.memref_slice %arg17[%dma_wait3A_239] : memref<100000xf32, #tpu.memory_space<vmem_shared>> -> memref<3032xf32, #tpu.memory_space<vmem_shared>>
        %dma_wait3A_241 = arith.constant 96968 : i32
        %dma_wait3A_242 = tpu.memref_slice %arg17[%dma_wait3A_241] : memref<100000xf32, #tpu.memory_space<vmem_shared>> -> memref<3032xf32, #tpu.memory_space<vmem_shared>>
        %dma_wait3A_243 = arith.constant 0 : i32
        %dma_wait3A_244 = tpu.memref_slice %arg43[%dma_wait3A_243] : memref<3128xf32, #tpu.memory_space<vmem>> -> memref<3032xf32, #tpu.memory_space<vmem>>
        tpu.wait_dma2 semaphore(%run_scoped3A : memref<!tpu.dma_semaphore, #tpu.memory_space<semaphore_mem>>) src(%dma_wait3A_244 : memref<3032xf32, #tpu.memory_space<vmem>>) dst(%dma_wait3A_242 : memref<3032xf32, #tpu.memory_space<vmem_shared>>)
        tpu.yield
      }) : () -> ()
      "tpu.region"() ({
        %run_scoped3A = tpu.sem_alloc : memref<!tpu.dma_semaphore, #tpu.memory_space<semaphore_mem>>
        %dma_start3A_229 = arith.constant 0 : i32
        %dma_start3A_230 = tpu.memref_slice %arg43[%dma_start3A_229] : memref<3128xf32, #tpu.memory_space<vmem>> -> memref<3128xf32, #tpu.memory_space<vmem>>
        %dma_start3A_231 = arith.constant 93840 : i32
        %dma_start3A_232 = tpu.memref_slice %arg11[%dma_start3A_231] : memref<100000xf32, #tpu.memory_space<hbm>> -> memref<3128xf32, #tpu.memory_space<hbm>>
        %dma_start3A_233 = arith.constant 0 : i32
        %dma_start3A_234 = tpu.memref_slice %arg43[%dma_start3A_233] : memref<3128xf32, #tpu.memory_space<vmem>> -> memref<3128xf32, #tpu.memory_space<vmem>>
        %dma_start3A_235 = arith.constant 93840 : i32
        %dma_start3A_236 = tpu.memref_slice %arg11[%dma_start3A_235] : memref<100000xf32, #tpu.memory_space<hbm>> -> memref<3128xf32, #tpu.memory_space<hbm>>
        tpu.enqueue_dma source(%dma_start3A_236 : memref<3128xf32, #tpu.memory_space<hbm>>) target(%dma_start3A_234 : memref<3128xf32, #tpu.memory_space<vmem>>) target_semaphore(%run_scoped3A : memref<!tpu.dma_semaphore, #tpu.memory_space<semaphore_mem>>)
        %dma_wait3A_237 = arith.constant 0 : i32
        %dma_wait3A_238 = tpu.memref_slice %arg43[%dma_wait3A_237] : memref<3128xf32, #tpu.memory_space<vmem>> -> memref<3128xf32, #tpu.memory_space<vmem>>
        %dma_wait3A_239 = arith.constant 93840 : i32
        %dma_wait3A_240 = tpu.memref_slice %arg11[%dma_wait3A_239] : memref<100000xf32, #tpu.memory_space<hbm>> -> memref<3128xf32, #tpu.memory_space<hbm>>
        %dma_wait3A_241 = arith.constant 0 : i32
        %dma_wait3A_242 = tpu.memref_slice %arg43[%dma_wait3A_241] : memref<3128xf32, #tpu.memory_space<vmem>> -> memref<3128xf32, #tpu.memory_space<vmem>>
        %dma_wait3A_243 = arith.constant 93840 : i32
        %dma_wait3A_244 = tpu.memref_slice %arg11[%dma_wait3A_243] : memref<100000xf32, #tpu.memory_space<hbm>> -> memref<3128xf32, #tpu.memory_space<hbm>>
        tpu.wait_dma2 semaphore(%run_scoped3A : memref<!tpu.dma_semaphore, #tpu.memory_space<semaphore_mem>>) src(%dma_wait3A_244 : memref<3128xf32, #tpu.memory_space<hbm>>) dst(%dma_wait3A_242 : memref<3128xf32, #tpu.memory_space<vmem>>)
        tpu.yield
      }) : () -> ()
      "tpu.region"() ({
        %run_scoped3A = tpu.sem_alloc : memref<!tpu.dma_semaphore, #tpu.memory_space<semaphore_mem>>
        %dma_start3A_229 = arith.constant 0 : i32
        %dma_start3A_230 = tpu.memref_slice %arg43[%dma_start3A_229] : memref<3128xf32, #tpu.memory_space<vmem>> -> memref<3128xf32, #tpu.memory_space<vmem>>
        %dma_start3A_231 = arith.constant 93840 : i32
        %dma_start3A_232 = tpu.memref_slice %arg18[%dma_start3A_231] : memref<100000xf32, #tpu.memory_space<vmem_shared>> -> memref<3128xf32, #tpu.memory_space<vmem_shared>>
        %dma_start3A_233 = arith.constant 93840 : i32
        %dma_start3A_234 = tpu.memref_slice %arg18[%dma_start3A_233] : memref<100000xf32, #tpu.memory_space<vmem_shared>> -> memref<3128xf32, #tpu.memory_space<vmem_shared>>
        %dma_start3A_235 = arith.constant 0 : i32
        %dma_start3A_236 = tpu.memref_slice %arg43[%dma_start3A_235] : memref<3128xf32, #tpu.memory_space<vmem>> -> memref<3128xf32, #tpu.memory_space<vmem>>
        tpu.enqueue_dma source(%dma_start3A_236 : memref<3128xf32, #tpu.memory_space<vmem>>) target(%dma_start3A_234 : memref<3128xf32, #tpu.memory_space<vmem_shared>>) target_semaphore(%run_scoped3A : memref<!tpu.dma_semaphore, #tpu.memory_space<semaphore_mem>>)
        %dma_wait3A_237 = arith.constant 0 : i32
        %dma_wait3A_238 = tpu.memref_slice %arg43[%dma_wait3A_237] : memref<3128xf32, #tpu.memory_space<vmem>> -> memref<3128xf32, #tpu.memory_space<vmem>>
        %dma_wait3A_239 = arith.constant 93840 : i32
        %dma_wait3A_240 = tpu.memref_slice %arg18[%dma_wait3A_239] : memref<100000xf32, #tpu.memory_space<vmem_shared>> -> memref<3128xf32, #tpu.memory_space<vmem_shared>>
        %dma_wait3A_241 = arith.constant 93840 : i32
        %dma_wait3A_242 = tpu.memref_slice %arg18[%dma_wait3A_241] : memref<100000xf32, #tpu.memory_space<vmem_shared>> -> memref<3128xf32, #tpu.memory_space<vmem_shared>>
        %dma_wait3A_243 = arith.constant 0 : i32
        %dma_wait3A_244 = tpu.memref_slice %arg43[%dma_wait3A_243] : memref<3128xf32, #tpu.memory_space<vmem>> -> memref<3128xf32, #tpu.memory_space<vmem>>
        tpu.wait_dma2 semaphore(%run_scoped3A : memref<!tpu.dma_semaphore, #tpu.memory_space<semaphore_mem>>) src(%dma_wait3A_244 : memref<3128xf32, #tpu.memory_space<vmem>>) dst(%dma_wait3A_242 : memref<3128xf32, #tpu.memory_space<vmem_shared>>)
        tpu.yield
      }) : () -> ()
      "tpu.region"() ({
        %run_scoped3A = tpu.sem_alloc : memref<!tpu.dma_semaphore, #tpu.memory_space<semaphore_mem>>
        %dma_start3A_229 = arith.constant 0 : i32
        %dma_start3A_230 = tpu.memref_slice %arg43[%dma_start3A_229] : memref<3128xf32, #tpu.memory_space<vmem>> -> memref<3032xf32, #tpu.memory_space<vmem>>
        %dma_start3A_231 = arith.constant 96968 : i32
        %dma_start3A_232 = tpu.memref_slice %arg11[%dma_start3A_231] : memref<100000xf32, #tpu.memory_space<hbm>> -> memref<3032xf32, #tpu.memory_space<hbm>>
        %dma_start3A_233 = arith.constant 0 : i32
        %dma_start3A_234 = tpu.memref_slice %arg43[%dma_start3A_233] : memref<3128xf32, #tpu.memory_space<vmem>> -> memref<3032xf32, #tpu.memory_space<vmem>>
        %dma_start3A_235 = arith.constant 96968 : i32
        %dma_start3A_236 = tpu.memref_slice %arg11[%dma_start3A_235] : memref<100000xf32, #tpu.memory_space<hbm>> -> memref<3032xf32, #tpu.memory_space<hbm>>
        tpu.enqueue_dma source(%dma_start3A_236 : memref<3032xf32, #tpu.memory_space<hbm>>) target(%dma_start3A_234 : memref<3032xf32, #tpu.memory_space<vmem>>) target_semaphore(%run_scoped3A : memref<!tpu.dma_semaphore, #tpu.memory_space<semaphore_mem>>)
        %dma_wait3A_237 = arith.constant 0 : i32
        %dma_wait3A_238 = tpu.memref_slice %arg43[%dma_wait3A_237] : memref<3128xf32, #tpu.memory_space<vmem>> -> memref<3032xf32, #tpu.memory_space<vmem>>
        %dma_wait3A_239 = arith.constant 96968 : i32
        %dma_wait3A_240 = tpu.memref_slice %arg11[%dma_wait3A_239] : memref<100000xf32, #tpu.memory_space<hbm>> -> memref<3032xf32, #tpu.memory_space<hbm>>
        %dma_wait3A_241 = arith.constant 0 : i32
        %dma_wait3A_242 = tpu.memref_slice %arg43[%dma_wait3A_241] : memref<3128xf32, #tpu.memory_space<vmem>> -> memref<3032xf32, #tpu.memory_space<vmem>>
        %dma_wait3A_243 = arith.constant 96968 : i32
        %dma_wait3A_244 = tpu.memref_slice %arg11[%dma_wait3A_243] : memref<100000xf32, #tpu.memory_space<hbm>> -> memref<3032xf32, #tpu.memory_space<hbm>>
        tpu.wait_dma2 semaphore(%run_scoped3A : memref<!tpu.dma_semaphore, #tpu.memory_space<semaphore_mem>>) src(%dma_wait3A_244 : memref<3032xf32, #tpu.memory_space<hbm>>) dst(%dma_wait3A_242 : memref<3032xf32, #tpu.memory_space<vmem>>)
        tpu.yield
      }) : () -> ()
      "tpu.region"() ({
        %run_scoped3A = tpu.sem_alloc : memref<!tpu.dma_semaphore, #tpu.memory_space<semaphore_mem>>
        %dma_start3A_229 = arith.constant 0 : i32
        %dma_start3A_230 = tpu.memref_slice %arg43[%dma_start3A_229] : memref<3128xf32, #tpu.memory_space<vmem>> -> memref<3032xf32, #tpu.memory_space<vmem>>
        %dma_start3A_231 = arith.constant 96968 : i32
        %dma_start3A_232 = tpu.memref_slice %arg18[%dma_start3A_231] : memref<100000xf32, #tpu.memory_space<vmem_shared>> -> memref<3032xf32, #tpu.memory_space<vmem_shared>>
        %dma_start3A_233 = arith.constant 96968 : i32
        %dma_start3A_234 = tpu.memref_slice %arg18[%dma_start3A_233] : memref<100000xf32, #tpu.memory_space<vmem_shared>> -> memref<3032xf32, #tpu.memory_space<vmem_shared>>
        %dma_start3A_235 = arith.constant 0 : i32
        %dma_start3A_236 = tpu.memref_slice %arg43[%dma_start3A_235] : memref<3128xf32, #tpu.memory_space<vmem>> -> memref<3032xf32, #tpu.memory_space<vmem>>
        tpu.enqueue_dma source(%dma_start3A_236 : memref<3032xf32, #tpu.memory_space<vmem>>) target(%dma_start3A_234 : memref<3032xf32, #tpu.memory_space<vmem_shared>>) target_semaphore(%run_scoped3A : memref<!tpu.dma_semaphore, #tpu.memory_space<semaphore_mem>>)
        %dma_wait3A_237 = arith.constant 0 : i32
        %dma_wait3A_238 = tpu.memref_slice %arg43[%dma_wait3A_237] : memref<3128xf32, #tpu.memory_space<vmem>> -> memref<3032xf32, #tpu.memory_space<vmem>>
        %dma_wait3A_239 = arith.constant 96968 : i32
        %dma_wait3A_240 = tpu.memref_slice %arg18[%dma_wait3A_239] : memref<100000xf32, #tpu.memory_space<vmem_shared>> -> memref<3032xf32, #tpu.memory_space<vmem_shared>>
        %dma_wait3A_241 = arith.constant 96968 : i32
        %dma_wait3A_242 = tpu.memref_slice %arg18[%dma_wait3A_241] : memref<100000xf32, #tpu.memory_space<vmem_shared>> -> memref<3032xf32, #tpu.memory_space<vmem_shared>>
        %dma_wait3A_243 = arith.constant 0 : i32
        %dma_wait3A_244 = tpu.memref_slice %arg43[%dma_wait3A_243] : memref<3128xf32, #tpu.memory_space<vmem>> -> memref<3032xf32, #tpu.memory_space<vmem>>
        tpu.wait_dma2 semaphore(%run_scoped3A : memref<!tpu.dma_semaphore, #tpu.memory_space<semaphore_mem>>) src(%dma_wait3A_244 : memref<3032xf32, #tpu.memory_space<vmem>>) dst(%dma_wait3A_242 : memref<3032xf32, #tpu.memory_space<vmem_shared>>)
        tpu.yield
      }) : () -> ()
    } else {
    }
    %scan3A = arith.constant 0 : i32
    %scan3A_7 = arith.constant 0 : i32
    %scan3A_8 = arith.constant 195 : i32
    %scan3A_9 = arith.addi %scan3A_7, %scan3A_8 : i32
    %scan3A_10 = arith.constant 1 : i32
    %scan3A_11 = scf.for %scan3A_229 = %scan3A_7 to %scan3A_9 step %scan3A_10 iter_args(%scan3A_230 = %scan3A) -> (i32)  : i32 {
      %broadcast_in_dim3A = arith.constant 0.000000e+00 : f32
      %broadcast_in_dim3A_231 = vector.broadcast %broadcast_in_dim3A : f32 to vector<16xf32>
      %mul3A_232 = arith.constant 16 : i32
      %mul3A_233 = arith.muli %scan3A_229, %mul3A_232 : i32
      %swap3A = arith.index_cast %mul3A_233 : i32 to index
      %swap3A_234 = tpu.vector_load %arg43[%swap3A] {strides = array<i32>} : memref<3128xf32, #tpu.memory_space<vmem>>, vector<16xf32>,
      tpu.vector_store %arg43[%swap3A], %broadcast_in_dim3A_231 {strides = array<i32>} : memref<3128xf32, #tpu.memory_space<vmem>>, vector<16xf32>,
      %scan3A_235 = arith.constant 0 : i32
      scf.yield %scan3A_235 : i32
    }
    %scan3A_12 = arith.constant 195 : i32
    %lt3A_13 = arith.constant 15 : i32
    %lt3A_14 = arith.cmpi slt, %arg1, %lt3A_13 : i32
    %convert_element_type3A_15 = arith.extui %lt3A_14 : i1 to i32
    %cond3A_16 = arith.constant 0 : i32
    %cond3A_17 = arith.cmpi ne, %convert_element_type3A_15, %cond3A_16 : i32
    scf.if %cond3A_17 {
      %mul3A_229 = arith.constant 6256 : i32
      %mul3A_230 = arith.muli %arg1, %mul3A_229 : i32
      %multiple_of3A_231 = tpu.assume_multiple %mul3A_230, 8 : i32
      "tpu.region"() ({
        %run_scoped3A = tpu.sem_alloc : memref<!tpu.dma_semaphore, #tpu.memory_space<semaphore_mem>>
        %dma_start3A_238 = arith.constant 0 : i32
        %dma_start3A_239 = tpu.memref_slice %arg43[%dma_start3A_238] : memref<3128xf32, #tpu.memory_space<vmem>> -> memref<3128xf32, #tpu.memory_space<vmem>>
        %dma_start3A_240 = tpu.memref_slice %arg19[%multiple_of3A_231] : memref<100000xf32, #tpu.memory_space<vmem_shared>> -> memref<3128xf32, #tpu.memory_space<vmem_shared>>
        %dma_start3A_241 = tpu.memref_slice %arg19[%multiple_of3A_231] : memref<100000xf32, #tpu.memory_space<vmem_shared>> -> memref<3128xf32, #tpu.memory_space<vmem_shared>>
        %dma_start3A_242 = arith.constant 0 : i32
        %dma_start3A_243 = tpu.memref_slice %arg43[%dma_start3A_242] : memref<3128xf32, #tpu.memory_space<vmem>> -> memref<3128xf32, #tpu.memory_space<vmem>>
        tpu.enqueue_dma source(%dma_start3A_243 : memref<3128xf32, #tpu.memory_space<vmem>>) target(%dma_start3A_241 : memref<3128xf32, #tpu.memory_space<vmem_shared>>) target_semaphore(%run_scoped3A : memref<!tpu.dma_semaphore, #tpu.memory_space<semaphore_mem>>)
        %dma_wait3A_244 = arith.constant 0 : i32
        %dma_wait3A_245 = tpu.memref_slice %arg43[%dma_wait3A_244] : memref<3128xf32, #tpu.memory_space<vmem>> -> memref<3128xf32, #tpu.memory_space<vmem>>
        %dma_wait3A_246 = tpu.memref_slice %arg19[%multiple_of3A_231] : memref<100000xf32, #tpu.memory_space<vmem_shared>> -> memref<3128xf32, #tpu.memory_space<vmem_shared>>
        %dma_wait3A_247 = tpu.memref_slice %arg19[%multiple_of3A_231] : memref<100000xf32, #tpu.memory_space<vmem_shared>> -> memref<3128xf32, #tpu.memory_space<vmem_shared>>
        %dma_wait3A_248 = arith.constant 0 : i32
        %dma_wait3A_249 = tpu.memref_slice %arg43[%dma_wait3A_248] : memref<3128xf32, #tpu.memory_space<vmem>> -> memref<3128xf32, #tpu.memory_space<vmem>>
        tpu.wait_dma2 semaphore(%run_scoped3A : memref<!tpu.dma_semaphore, #tpu.memory_space<semaphore_mem>>) src(%dma_wait3A_249 : memref<3128xf32, #tpu.memory_space<vmem>>) dst(%dma_wait3A_247 : memref<3128xf32, #tpu.memory_space<vmem_shared>>)
        tpu.yield
      }) : () -> ()
      %add3A_232 = arith.constant 3128 : i32
      %add3A_233 = arith.addi %multiple_of3A_231, %add3A_232 : i32
      "tpu.region"() ({
        %run_scoped3A = tpu.sem_alloc : memref<!tpu.dma_semaphore, #tpu.memory_space<semaphore_mem>>
        %dma_start3A_238 = arith.constant 0 : i32
        %dma_start3A_239 = tpu.memref_slice %arg43[%dma_start3A_238] : memref<3128xf32, #tpu.memory_space<vmem>> -> memref<3128xf32, #tpu.memory_space<vmem>>
        %dma_start3A_240 = tpu.memref_slice %arg19[%add3A_233] : memref<100000xf32, #tpu.memory_space<vmem_shared>> -> memref<3128xf32, #tpu.memory_space<vmem_shared>>
        %dma_start3A_241 = tpu.memref_slice %arg19[%add3A_233] : memref<100000xf32, #tpu.memory_space<vmem_shared>> -> memref<3128xf32, #tpu.memory_space<vmem_shared>>
        %dma_start3A_242 = arith.constant 0 : i32
        %dma_start3A_243 = tpu.memref_slice %arg43[%dma_start3A_242] : memref<3128xf32, #tpu.memory_space<vmem>> -> memref<3128xf32, #tpu.memory_space<vmem>>
        tpu.enqueue_dma source(%dma_start3A_243 : memref<3128xf32, #tpu.memory_space<vmem>>) target(%dma_start3A_241 : memref<3128xf32, #tpu.memory_space<vmem_shared>>) target_semaphore(%run_scoped3A : memref<!tpu.dma_semaphore, #tpu.memory_space<semaphore_mem>>)
        %dma_wait3A_244 = arith.constant 0 : i32
        %dma_wait3A_245 = tpu.memref_slice %arg43[%dma_wait3A_244] : memref<3128xf32, #tpu.memory_space<vmem>> -> memref<3128xf32, #tpu.memory_space<vmem>>
        %dma_wait3A_246 = tpu.memref_slice %arg19[%add3A_233] : memref<100000xf32, #tpu.memory_space<vmem_shared>> -> memref<3128xf32, #tpu.memory_space<vmem_shared>>
        %dma_wait3A_247 = tpu.memref_slice %arg19[%add3A_233] : memref<100000xf32, #tpu.memory_space<vmem_shared>> -> memref<3128xf32, #tpu.memory_space<vmem_shared>>
        %dma_wait3A_248 = arith.constant 0 : i32
        %dma_wait3A_249 = tpu.memref_slice %arg43[%dma_wait3A_248] : memref<3128xf32, #tpu.memory_space<vmem>> -> memref<3128xf32, #tpu.memory_space<vmem>>
        tpu.wait_dma2 semaphore(%run_scoped3A : memref<!tpu.dma_semaphore, #tpu.memory_space<semaphore_mem>>) src(%dma_wait3A_249 : memref<3128xf32, #tpu.memory_space<vmem>>) dst(%dma_wait3A_247 : memref<3128xf32, #tpu.memory_space<vmem_shared>>)
        tpu.yield
      }) : () -> ()
      "tpu.region"() ({
        %run_scoped3A = tpu.sem_alloc : memref<!tpu.dma_semaphore, #tpu.memory_space<semaphore_mem>>
        %dma_start3A_238 = arith.constant 0 : i32
        %dma_start3A_239 = tpu.memref_slice %arg43[%dma_start3A_238] : memref<3128xf32, #tpu.memory_space<vmem>> -> memref<3128xf32, #tpu.memory_space<vmem>>
        %dma_start3A_240 = tpu.memref_slice %arg20[%multiple_of3A_231] : memref<100000xf32, #tpu.memory_space<vmem_shared>> -> memref<3128xf32, #tpu.memory_space<vmem_shared>>
        %dma_start3A_241 = tpu.memref_slice %arg20[%multiple_of3A_231] : memref<100000xf32, #tpu.memory_space<vmem_shared>> -> memref<3128xf32, #tpu.memory_space<vmem_shared>>
        %dma_start3A_242 = arith.constant 0 : i32
        %dma_start3A_243 = tpu.memref_slice %arg43[%dma_start3A_242] : memref<3128xf32, #tpu.memory_space<vmem>> -> memref<3128xf32, #tpu.memory_space<vmem>>
        tpu.enqueue_dma source(%dma_start3A_243 : memref<3128xf32, #tpu.memory_space<vmem>>) target(%dma_start3A_241 : memref<3128xf32, #tpu.memory_space<vmem_shared>>) target_semaphore(%run_scoped3A : memref<!tpu.dma_semaphore, #tpu.memory_space<semaphore_mem>>)
        %dma_wait3A_244 = arith.constant 0 : i32
        %dma_wait3A_245 = tpu.memref_slice %arg43[%dma_wait3A_244] : memref<3128xf32, #tpu.memory_space<vmem>> -> memref<3128xf32, #tpu.memory_space<vmem>>
        %dma_wait3A_246 = tpu.memref_slice %arg20[%multiple_of3A_231] : memref<100000xf32, #tpu.memory_space<vmem_shared>> -> memref<3128xf32, #tpu.memory_space<vmem_shared>>
        %dma_wait3A_247 = tpu.memref_slice %arg20[%multiple_of3A_231] : memref<100000xf32, #tpu.memory_space<vmem_shared>> -> memref<3128xf32, #tpu.memory_space<vmem_shared>>
        %dma_wait3A_248 = arith.constant 0 : i32
        %dma_wait3A_249 = tpu.memref_slice %arg43[%dma_wait3A_248] : memref<3128xf32, #tpu.memory_space<vmem>> -> memref<3128xf32, #tpu.memory_space<vmem>>
        tpu.wait_dma2 semaphore(%run_scoped3A : memref<!tpu.dma_semaphore, #tpu.memory_space<semaphore_mem>>) src(%dma_wait3A_249 : memref<3128xf32, #tpu.memory_space<vmem>>) dst(%dma_wait3A_247 : memref<3128xf32, #tpu.memory_space<vmem_shared>>)
        tpu.yield
      }) : () -> ()
      %add3A_234 = arith.constant 3128 : i32
      %add3A_235 = arith.addi %multiple_of3A_231, %add3A_234 : i32
      "tpu.region"() ({
        %run_scoped3A = tpu.sem_alloc : memref<!tpu.dma_semaphore, #tpu.memory_space<semaphore_mem>>
        %dma_start3A_238 = arith.constant 0 : i32
        %dma_start3A_239 = tpu.memref_slice %arg43[%dma_start3A_238] : memref<3128xf32, #tpu.memory_space<vmem>> -> memref<3128xf32, #tpu.memory_space<vmem>>
        %dma_start3A_240 = tpu.memref_slice %arg20[%add3A_235] : memref<100000xf32, #tpu.memory_space<vmem_shared>> -> memref<3128xf32, #tpu.memory_space<vmem_shared>>
        %dma_start3A_241 = tpu.memref_slice %arg20[%add3A_235] : memref<100000xf32, #tpu.memory_space<vmem_shared>> -> memref<3128xf32, #tpu.memory_space<vmem_shared>>
        %dma_start3A_242 = arith.constant 0 : i32
        %dma_start3A_243 = tpu.memref_slice %arg43[%dma_start3A_242] : memref<3128xf32, #tpu.memory_space<vmem>> -> memref<3128xf32, #tpu.memory_space<vmem>>
        tpu.enqueue_dma source(%dma_start3A_243 : memref<3128xf32, #tpu.memory_space<vmem>>) target(%dma_start3A_241 : memref<3128xf32, #tpu.memory_space<vmem_shared>>) target_semaphore(%run_scoped3A : memref<!tpu.dma_semaphore, #tpu.memory_space<semaphore_mem>>)
        %dma_wait3A_244 = arith.constant 0 : i32
        %dma_wait3A_245 = tpu.memref_slice %arg43[%dma_wait3A_244] : memref<3128xf32, #tpu.memory_space<vmem>> -> memref<3128xf32, #tpu.memory_space<vmem>>
        %dma_wait3A_246 = tpu.memref_slice %arg20[%add3A_235] : memref<100000xf32, #tpu.memory_space<vmem_shared>> -> memref<3128xf32, #tpu.memory_space<vmem_shared>>
        %dma_wait3A_247 = tpu.memref_slice %arg20[%add3A_235] : memref<100000xf32, #tpu.memory_space<vmem_shared>> -> memref<3128xf32, #tpu.memory_space<vmem_shared>>
        %dma_wait3A_248 = arith.constant 0 : i32
        %dma_wait3A_249 = tpu.memref_slice %arg43[%dma_wait3A_248] : memref<3128xf32, #tpu.memory_space<vmem>> -> memref<3128xf32, #tpu.memory_space<vmem>>
        tpu.wait_dma2 semaphore(%run_scoped3A : memref<!tpu.dma_semaphore, #tpu.memory_space<semaphore_mem>>) src(%dma_wait3A_249 : memref<3128xf32, #tpu.memory_space<vmem>>) dst(%dma_wait3A_247 : memref<3128xf32, #tpu.memory_space<vmem_shared>>)
        tpu.yield
      }) : () -> ()
      "tpu.region"() ({
        %run_scoped3A = tpu.sem_alloc : memref<!tpu.dma_semaphore, #tpu.memory_space<semaphore_mem>>
        %dma_start3A_238 = arith.constant 0 : i32
        %dma_start3A_239 = tpu.memref_slice %arg43[%dma_start3A_238] : memref<3128xf32, #tpu.memory_space<vmem>> -> memref<3128xf32, #tpu.memory_space<vmem>>
        %dma_start3A_240 = tpu.memref_slice %arg21[%multiple_of3A_231] : memref<100000xf32, #tpu.memory_space<vmem_shared>> -> memref<3128xf32, #tpu.memory_space<vmem_shared>>
        %dma_start3A_241 = tpu.memref_slice %arg21[%multiple_of3A_231] : memref<100000xf32, #tpu.memory_space<vmem_shared>> -> memref<3128xf32, #tpu.memory_space<vmem_shared>>
        %dma_start3A_242 = arith.constant 0 : i32
        %dma_start3A_243 = tpu.memref_slice %arg43[%dma_start3A_242] : memref<3128xf32, #tpu.memory_space<vmem>> -> memref<3128xf32, #tpu.memory_space<vmem>>
        tpu.enqueue_dma source(%dma_start3A_243 : memref<3128xf32, #tpu.memory_space<vmem>>) target(%dma_start3A_241 : memref<3128xf32, #tpu.memory_space<vmem_shared>>) target_semaphore(%run_scoped3A : memref<!tpu.dma_semaphore, #tpu.memory_space<semaphore_mem>>)
        %dma_wait3A_244 = arith.constant 0 : i32
        %dma_wait3A_245 = tpu.memref_slice %arg43[%dma_wait3A_244] : memref<3128xf32, #tpu.memory_space<vmem>> -> memref<3128xf32, #tpu.memory_space<vmem>>
        %dma_wait3A_246 = tpu.memref_slice %arg21[%multiple_of3A_231] : memref<100000xf32, #tpu.memory_space<vmem_shared>> -> memref<3128xf32, #tpu.memory_space<vmem_shared>>
        %dma_wait3A_247 = tpu.memref_slice %arg21[%multiple_of3A_231] : memref<100000xf32, #tpu.memory_space<vmem_shared>> -> memref<3128xf32, #tpu.memory_space<vmem_shared>>
        %dma_wait3A_248 = arith.constant 0 : i32
        %dma_wait3A_249 = tpu.memref_slice %arg43[%dma_wait3A_248] : memref<3128xf32, #tpu.memory_space<vmem>> -> memref<3128xf32, #tpu.memory_space<vmem>>
        tpu.wait_dma2 semaphore(%run_scoped3A : memref<!tpu.dma_semaphore, #tpu.memory_space<semaphore_mem>>) src(%dma_wait3A_249 : memref<3128xf32, #tpu.memory_space<vmem>>) dst(%dma_wait3A_247 : memref<3128xf32, #tpu.memory_space<vmem_shared>>)
        tpu.yield
      }) : () -> ()
      %add3A_236 = arith.constant 3128 : i32
      %add3A_237 = arith.addi %multiple_of3A_231, %add3A_236 : i32
      "tpu.region"() ({
        %run_scoped3A = tpu.sem_alloc : memref<!tpu.dma_semaphore, #tpu.memory_space<semaphore_mem>>
        %dma_start3A_238 = arith.constant 0 : i32
        %dma_start3A_239 = tpu.memref_slice %arg43[%dma_start3A_238] : memref<3128xf32, #tpu.memory_space<vmem>> -> memref<3128xf32, #tpu.memory_space<vmem>>
        %dma_start3A_240 = tpu.memref_slice %arg21[%add3A_237] : memref<100000xf32, #tpu.memory_space<vmem_shared>> -> memref<3128xf32, #tpu.memory_space<vmem_shared>>
        %dma_start3A_241 = tpu.memref_slice %arg21[%add3A_237] : memref<100000xf32, #tpu.memory_space<vmem_shared>> -> memref<3128xf32, #tpu.memory_space<vmem_shared>>
        %dma_start3A_242 = arith.constant 0 : i32
        %dma_start3A_243 = tpu.memref_slice %arg43[%dma_start3A_242] : memref<3128xf32, #tpu.memory_space<vmem>> -> memref<3128xf32, #tpu.memory_space<vmem>>
        tpu.enqueue_dma source(%dma_start3A_243 : memref<3128xf32, #tpu.memory_space<vmem>>) target(%dma_start3A_241 : memref<3128xf32, #tpu.memory_space<vmem_shared>>) target_semaphore(%run_scoped3A : memref<!tpu.dma_semaphore, #tpu.memory_space<semaphore_mem>>)
        %dma_wait3A_244 = arith.constant 0 : i32
        %dma_wait3A_245 = tpu.memref_slice %arg43[%dma_wait3A_244] : memref<3128xf32, #tpu.memory_space<vmem>> -> memref<3128xf32, #tpu.memory_space<vmem>>
        %dma_wait3A_246 = tpu.memref_slice %arg21[%add3A_237] : memref<100000xf32, #tpu.memory_space<vmem_shared>> -> memref<3128xf32, #tpu.memory_space<vmem_shared>>
        %dma_wait3A_247 = tpu.memref_slice %arg21[%add3A_237] : memref<100000xf32, #tpu.memory_space<vmem_shared>> -> memref<3128xf32, #tpu.memory_space<vmem_shared>>
        %dma_wait3A_248 = arith.constant 0 : i32
        %dma_wait3A_249 = tpu.memref_slice %arg43[%dma_wait3A_248] : memref<3128xf32, #tpu.memory_space<vmem>> -> memref<3128xf32, #tpu.memory_space<vmem>>
        tpu.wait_dma2 semaphore(%run_scoped3A : memref<!tpu.dma_semaphore, #tpu.memory_space<semaphore_mem>>) src(%dma_wait3A_249 : memref<3128xf32, #tpu.memory_space<vmem>>) dst(%dma_wait3A_247 : memref<3128xf32, #tpu.memory_space<vmem_shared>>)
        tpu.yield
      }) : () -> ()
    } else {
    }
    %eq3A_18 = arith.constant 15 : i32
    %eq3A_19 = arith.cmpi eq, %arg1, %eq3A_18 : i32
    %convert_element_type3A_20 = arith.extui %eq3A_19 : i1 to i32
    %cond3A_21 = arith.constant 0 : i32
    %cond3A_22 = arith.cmpi ne, %convert_element_type3A_20, %cond3A_21 : i32
    scf.if %cond3A_22 {
      "tpu.region"() ({
        %run_scoped3A = tpu.sem_alloc : memref<!tpu.dma_semaphore, #tpu.memory_space<semaphore_mem>>
        %dma_start3A_229 = arith.constant 0 : i32
        %dma_start3A_230 = tpu.memref_slice %arg43[%dma_start3A_229] : memref<3128xf32, #tpu.memory_space<vmem>> -> memref<3128xf32, #tpu.memory_space<vmem>>
        %dma_start3A_231 = arith.constant 93840 : i32
        %dma_start3A_232 = tpu.memref_slice %arg19[%dma_start3A_231] : memref<100000xf32, #tpu.memory_space<vmem_shared>> -> memref<3128xf32, #tpu.memory_space<vmem_shared>>
        %dma_start3A_233 = arith.constant 93840 : i32
        %dma_start3A_234 = tpu.memref_slice %arg19[%dma_start3A_233] : memref<100000xf32, #tpu.memory_space<vmem_shared>> -> memref<3128xf32, #tpu.memory_space<vmem_shared>>
        %dma_start3A_235 = arith.constant 0 : i32
        %dma_start3A_236 = tpu.memref_slice %arg43[%dma_start3A_235] : memref<3128xf32, #tpu.memory_space<vmem>> -> memref<3128xf32, #tpu.memory_space<vmem>>
        tpu.enqueue_dma source(%dma_start3A_236 : memref<3128xf32, #tpu.memory_space<vmem>>) target(%dma_start3A_234 : memref<3128xf32, #tpu.memory_space<vmem_shared>>) target_semaphore(%run_scoped3A : memref<!tpu.dma_semaphore, #tpu.memory_space<semaphore_mem>>)
        %dma_wait3A_237 = arith.constant 0 : i32
        %dma_wait3A_238 = tpu.memref_slice %arg43[%dma_wait3A_237] : memref<3128xf32, #tpu.memory_space<vmem>> -> memref<3128xf32, #tpu.memory_space<vmem>>
        %dma_wait3A_239 = arith.constant 93840 : i32
        %dma_wait3A_240 = tpu.memref_slice %arg19[%dma_wait3A_239] : memref<100000xf32, #tpu.memory_space<vmem_shared>> -> memref<3128xf32, #tpu.memory_space<vmem_shared>>
        %dma_wait3A_241 = arith.constant 93840 : i32
        %dma_wait3A_242 = tpu.memref_slice %arg19[%dma_wait3A_241] : memref<100000xf32, #tpu.memory_space<vmem_shared>> -> memref<3128xf32, #tpu.memory_space<vmem_shared>>
        %dma_wait3A_243 = arith.constant 0 : i32
        %dma_wait3A_244 = tpu.memref_slice %arg43[%dma_wait3A_243] : memref<3128xf32, #tpu.memory_space<vmem>> -> memref<3128xf32, #tpu.memory_space<vmem>>
        tpu.wait_dma2 semaphore(%run_scoped3A : memref<!tpu.dma_semaphore, #tpu.memory_space<semaphore_mem>>) src(%dma_wait3A_244 : memref<3128xf32, #tpu.memory_space<vmem>>) dst(%dma_wait3A_242 : memref<3128xf32, #tpu.memory_space<vmem_shared>>)
        tpu.yield
      }) : () -> ()
      "tpu.region"() ({
        %run_scoped3A = tpu.sem_alloc : memref<!tpu.dma_semaphore, #tpu.memory_space<semaphore_mem>>
        %dma_start3A_229 = arith.constant 0 : i32
        %dma_start3A_230 = tpu.memref_slice %arg43[%dma_start3A_229] : memref<3128xf32, #tpu.memory_space<vmem>> -> memref<3032xf32, #tpu.memory_space<vmem>>
        %dma_start3A_231 = arith.constant 96968 : i32
        %dma_start3A_232 = tpu.memref_slice %arg19[%dma_start3A_231] : memref<100000xf32, #tpu.memory_space<vmem_shared>> -> memref<3032xf32, #tpu.memory_space<vmem_shared>>
        %dma_start3A_233 = arith.constant 96968 : i32
        %dma_start3A_234 = tpu.memref_slice %arg19[%dma_start3A_233] : memref<100000xf32, #tpu.memory_space<vmem_shared>> -> memref<3032xf32, #tpu.memory_space<vmem_shared>>
        %dma_start3A_235 = arith.constant 0 : i32
        %dma_start3A_236 = tpu.memref_slice %arg43[%dma_start3A_235] : memref<3128xf32, #tpu.memory_space<vmem>> -> memref<3032xf32, #tpu.memory_space<vmem>>
        tpu.enqueue_dma source(%dma_start3A_236 : memref<3032xf32, #tpu.memory_space<vmem>>) target(%dma_start3A_234 : memref<3032xf32, #tpu.memory_space<vmem_shared>>) target_semaphore(%run_scoped3A : memref<!tpu.dma_semaphore, #tpu.memory_space<semaphore_mem>>)
        %dma_wait3A_237 = arith.constant 0 : i32
        %dma_wait3A_238 = tpu.memref_slice %arg43[%dma_wait3A_237] : memref<3128xf32, #tpu.memory_space<vmem>> -> memref<3032xf32, #tpu.memory_space<vmem>>
        %dma_wait3A_239 = arith.constant 96968 : i32
        %dma_wait3A_240 = tpu.memref_slice %arg19[%dma_wait3A_239] : memref<100000xf32, #tpu.memory_space<vmem_shared>> -> memref<3032xf32, #tpu.memory_space<vmem_shared>>
        %dma_wait3A_241 = arith.constant 96968 : i32
        %dma_wait3A_242 = tpu.memref_slice %arg19[%dma_wait3A_241] : memref<100000xf32, #tpu.memory_space<vmem_shared>> -> memref<3032xf32, #tpu.memory_space<vmem_shared>>
        %dma_wait3A_243 = arith.constant 0 : i32
        %dma_wait3A_244 = tpu.memref_slice %arg43[%dma_wait3A_243] : memref<3128xf32, #tpu.memory_space<vmem>> -> memref<3032xf32, #tpu.memory_space<vmem>>
        tpu.wait_dma2 semaphore(%run_scoped3A : memref<!tpu.dma_semaphore, #tpu.memory_space<semaphore_mem>>) src(%dma_wait3A_244 : memref<3032xf32, #tpu.memory_space<vmem>>) dst(%dma_wait3A_242 : memref<3032xf32, #tpu.memory_space<vmem_shared>>)
        tpu.yield
      }) : () -> ()
      "tpu.region"() ({
        %run_scoped3A = tpu.sem_alloc : memref<!tpu.dma_semaphore, #tpu.memory_space<semaphore_mem>>
        %dma_start3A_229 = arith.constant 0 : i32
        %dma_start3A_230 = tpu.memref_slice %arg43[%dma_start3A_229] : memref<3128xf32, #tpu.memory_space<vmem>> -> memref<3128xf32, #tpu.memory_space<vmem>>
        %dma_start3A_231 = arith.constant 93840 : i32
        %dma_start3A_232 = tpu.memref_slice %arg20[%dma_start3A_231] : memref<100000xf32, #tpu.memory_space<vmem_shared>> -> memref<3128xf32, #tpu.memory_space<vmem_shared>>
        %dma_start3A_233 = arith.constant 93840 : i32
        %dma_start3A_234 = tpu.memref_slice %arg20[%dma_start3A_233] : memref<100000xf32, #tpu.memory_space<vmem_shared>> -> memref<3128xf32, #tpu.memory_space<vmem_shared>>
        %dma_start3A_235 = arith.constant 0 : i32
        %dma_start3A_236 = tpu.memref_slice %arg43[%dma_start3A_235] : memref<3128xf32, #tpu.memory_space<vmem>> -> memref<3128xf32, #tpu.memory_space<vmem>>
        tpu.enqueue_dma source(%dma_start3A_236 : memref<3128xf32, #tpu.memory_space<vmem>>) target(%dma_start3A_234 : memref<3128xf32, #tpu.memory_space<vmem_shared>>) target_semaphore(%run_scoped3A : memref<!tpu.dma_semaphore, #tpu.memory_space<semaphore_mem>>)
        %dma_wait3A_237 = arith.constant 0 : i32
        %dma_wait3A_238 = tpu.memref_slice %arg43[%dma_wait3A_237] : memref<3128xf32, #tpu.memory_space<vmem>> -> memref<3128xf32, #tpu.memory_space<vmem>>
        %dma_wait3A_239 = arith.constant 93840 : i32
        %dma_wait3A_240 = tpu.memref_slice %arg20[%dma_wait3A_239] : memref<100000xf32, #tpu.memory_space<vmem_shared>> -> memref<3128xf32, #tpu.memory_space<vmem_shared>>
        %dma_wait3A_241 = arith.constant 93840 : i32
        %dma_wait3A_242 = tpu.memref_slice %arg20[%dma_wait3A_241] : memref<100000xf32, #tpu.memory_space<vmem_shared>> -> memref<3128xf32, #tpu.memory_space<vmem_shared>>
        %dma_wait3A_243 = arith.constant 0 : i32
        %dma_wait3A_244 = tpu.memref_slice %arg43[%dma_wait3A_243] : memref<3128xf32, #tpu.memory_space<vmem>> -> memref<3128xf32, #tpu.memory_space<vmem>>
        tpu.wait_dma2 semaphore(%run_scoped3A : memref<!tpu.dma_semaphore, #tpu.memory_space<semaphore_mem>>) src(%dma_wait3A_244 : memref<3128xf32, #tpu.memory_space<vmem>>) dst(%dma_wait3A_242 : memref<3128xf32, #tpu.memory_space<vmem_shared>>)
        tpu.yield
      }) : () -> ()
      "tpu.region"() ({
        %run_scoped3A = tpu.sem_alloc : memref<!tpu.dma_semaphore, #tpu.memory_space<semaphore_mem>>
        %dma_start3A_229 = arith.constant 0 : i32
        %dma_start3A_230 = tpu.memref_slice %arg43[%dma_start3A_229] : memref<3128xf32, #tpu.memory_space<vmem>> -> memref<3032xf32, #tpu.memory_space<vmem>>
        %dma_start3A_231 = arith.constant 96968 : i32
        %dma_start3A_232 = tpu.memref_slice %arg20[%dma_start3A_231] : memref<100000xf32, #tpu.memory_space<vmem_shared>> -> memref<3032xf32, #tpu.memory_space<vmem_shared>>
        %dma_start3A_233 = arith.constant 96968 : i32
        %dma_start3A_234 = tpu.memref_slice %arg20[%dma_start3A_233] : memref<100000xf32, #tpu.memory_space<vmem_shared>> -> memref<3032xf32, #tpu.memory_space<vmem_shared>>
        %dma_start3A_235 = arith.constant 0 : i32
        %dma_start3A_236 = tpu.memref_slice %arg43[%dma_start3A_235] : memref<3128xf32, #tpu.memory_space<vmem>> -> memref<3032xf32, #tpu.memory_space<vmem>>
        tpu.enqueue_dma source(%dma_start3A_236 : memref<3032xf32, #tpu.memory_space<vmem>>) target(%dma_start3A_234 : memref<3032xf32, #tpu.memory_space<vmem_shared>>) target_semaphore(%run_scoped3A : memref<!tpu.dma_semaphore, #tpu.memory_space<semaphore_mem>>)
        %dma_wait3A_237 = arith.constant 0 : i32
        %dma_wait3A_238 = tpu.memref_slice %arg43[%dma_wait3A_237] : memref<3128xf32, #tpu.memory_space<vmem>> -> memref<3032xf32, #tpu.memory_space<vmem>>
        %dma_wait3A_239 = arith.constant 96968 : i32
        %dma_wait3A_240 = tpu.memref_slice %arg20[%dma_wait3A_239] : memref<100000xf32, #tpu.memory_space<vmem_shared>> -> memref<3032xf32, #tpu.memory_space<vmem_shared>>
        %dma_wait3A_241 = arith.constant 96968 : i32
        %dma_wait3A_242 = tpu.memref_slice %arg20[%dma_wait3A_241] : memref<100000xf32, #tpu.memory_space<vmem_shared>> -> memref<3032xf32, #tpu.memory_space<vmem_shared>>
        %dma_wait3A_243 = arith.constant 0 : i32
        %dma_wait3A_244 = tpu.memref_slice %arg43[%dma_wait3A_243] : memref<3128xf32, #tpu.memory_space<vmem>> -> memref<3032xf32, #tpu.memory_space<vmem>>
        tpu.wait_dma2 semaphore(%run_scoped3A : memref<!tpu.dma_semaphore, #tpu.memory_space<semaphore_mem>>) src(%dma_wait3A_244 : memref<3032xf32, #tpu.memory_space<vmem>>) dst(%dma_wait3A_242 : memref<3032xf32, #tpu.memory_space<vmem_shared>>)
        tpu.yield
      }) : () -> ()
      "tpu.region"() ({
        %run_scoped3A = tpu.sem_alloc : memref<!tpu.dma_semaphore, #tpu.memory_space<semaphore_mem>>
        %dma_start3A_229 = arith.constant 0 : i32
        %dma_start3A_230 = tpu.memref_slice %arg43[%dma_start3A_229] : memref<3128xf32, #tpu.memory_space<vmem>> -> memref<3128xf32, #tpu.memory_space<vmem>>
        %dma_start3A_231 = arith.constant 93840 : i32
        %dma_start3A_232 = tpu.memref_slice %arg21[%dma_start3A_231] : memref<100000xf32, #tpu.memory_space<vmem_shared>> -> memref<3128xf32, #tpu.memory_space<vmem_shared>>
        %dma_start3A_233 = arith.constant 93840 : i32
        %dma_start3A_234 = tpu.memref_slice %arg21[%dma_start3A_233] : memref<100000xf32, #tpu.memory_space<vmem_shared>> -> memref<3128xf32, #tpu.memory_space<vmem_shared>>
        %dma_start3A_235 = arith.constant 0 : i32
        %dma_start3A_236 = tpu.memref_slice %arg43[%dma_start3A_235] : memref<3128xf32, #tpu.memory_space<vmem>> -> memref<3128xf32, #tpu.memory_space<vmem>>
        tpu.enqueue_dma source(%dma_start3A_236 : memref<3128xf32, #tpu.memory_space<vmem>>) target(%dma_start3A_234 : memref<3128xf32, #tpu.memory_space<vmem_shared>>) target_semaphore(%run_scoped3A : memref<!tpu.dma_semaphore, #tpu.memory_space<semaphore_mem>>)
        %dma_wait3A_237 = arith.constant 0 : i32
        %dma_wait3A_238 = tpu.memref_slice %arg43[%dma_wait3A_237] : memref<3128xf32, #tpu.memory_space<vmem>> -> memref<3128xf32, #tpu.memory_space<vmem>>
        %dma_wait3A_239 = arith.constant 93840 : i32
        %dma_wait3A_240 = tpu.memref_slice %arg21[%dma_wait3A_239] : memref<100000xf32, #tpu.memory_space<vmem_shared>> -> memref<3128xf32, #tpu.memory_space<vmem_shared>>
        %dma_wait3A_241 = arith.constant 93840 : i32
        %dma_wait3A_242 = tpu.memref_slice %arg21[%dma_wait3A_241] : memref<100000xf32, #tpu.memory_space<vmem_shared>> -> memref<3128xf32, #tpu.memory_space<vmem_shared>>
        %dma_wait3A_243 = arith.constant 0 : i32
        %dma_wait3A_244 = tpu.memref_slice %arg43[%dma_wait3A_243] : memref<3128xf32, #tpu.memory_space<vmem>> -> memref<3128xf32, #tpu.memory_space<vmem>>
        tpu.wait_dma2 semaphore(%run_scoped3A : memref<!tpu.dma_semaphore, #tpu.memory_space<semaphore_mem>>) src(%dma_wait3A_244 : memref<3128xf32, #tpu.memory_space<vmem>>) dst(%dma_wait3A_242 : memref<3128xf32, #tpu.memory_space<vmem_shared>>)
        tpu.yield
      }) : () -> ()
      "tpu.region"() ({
        %run_scoped3A = tpu.sem_alloc : memref<!tpu.dma_semaphore, #tpu.memory_space<semaphore_mem>>
        %dma_start3A_229 = arith.constant 0 : i32
        %dma_start3A_230 = tpu.memref_slice %arg43[%dma_start3A_229] : memref<3128xf32, #tpu.memory_space<vmem>> -> memref<3032xf32, #tpu.memory_space<vmem>>
        %dma_start3A_231 = arith.constant 96968 : i32
        %dma_start3A_232 = tpu.memref_slice %arg21[%dma_start3A_231] : memref<100000xf32, #tpu.memory_space<vmem_shared>> -> memref<3032xf32, #tpu.memory_space<vmem_shared>>
        %dma_start3A_233 = arith.constant 96968 : i32
        %dma_start3A_234 = tpu.memref_slice %arg21[%dma_start3A_233] : memref<100000xf32, #tpu.memory_space<vmem_shared>> -> memref<3032xf32, #tpu.memory_space<vmem_shared>>
        %dma_start3A_235 = arith.constant 0 : i32
        %dma_start3A_236 = tpu.memref_slice %arg43[%dma_start3A_235] : memref<3128xf32, #tpu.memory_space<vmem>> -> memref<3032xf32, #tpu.memory_space<vmem>>
        tpu.enqueue_dma source(%dma_start3A_236 : memref<3032xf32, #tpu.memory_space<vmem>>) target(%dma_start3A_234 : memref<3032xf32, #tpu.memory_space<vmem_shared>>) target_semaphore(%run_scoped3A : memref<!tpu.dma_semaphore, #tpu.memory_space<semaphore_mem>>)
        %dma_wait3A_237 = arith.constant 0 : i32
        %dma_wait3A_238 = tpu.memref_slice %arg43[%dma_wait3A_237] : memref<3128xf32, #tpu.memory_space<vmem>> -> memref<3032xf32, #tpu.memory_space<vmem>>
        %dma_wait3A_239 = arith.constant 96968 : i32
        %dma_wait3A_240 = tpu.memref_slice %arg21[%dma_wait3A_239] : memref<100000xf32, #tpu.memory_space<vmem_shared>> -> memref<3032xf32, #tpu.memory_space<vmem_shared>>
        %dma_wait3A_241 = arith.constant 96968 : i32
        %dma_wait3A_242 = tpu.memref_slice %arg21[%dma_wait3A_241] : memref<100000xf32, #tpu.memory_space<vmem_shared>> -> memref<3032xf32, #tpu.memory_space<vmem_shared>>
        %dma_wait3A_243 = arith.constant 0 : i32
        %dma_wait3A_244 = tpu.memref_slice %arg43[%dma_wait3A_243] : memref<3128xf32, #tpu.memory_space<vmem>> -> memref<3032xf32, #tpu.memory_space<vmem>>
        tpu.wait_dma2 semaphore(%run_scoped3A : memref<!tpu.dma_semaphore, #tpu.memory_space<semaphore_mem>>) src(%dma_wait3A_244 : memref<3032xf32, #tpu.memory_space<vmem>>) dst(%dma_wait3A_242 : memref<3032xf32, #tpu.memory_space<vmem_shared>>)
        tpu.yield
      }) : () -> ()
    } else {
    }
    %barrier3A = arith.constant 0 : index
    tpu.barrier barrier_id(%barrier3A)
    %mul3A_23 = arith.constant 200000 : i32
    %mul3A_24 = arith.muli %add3A, %mul3A_23 : i32
    %add3A_25 = arith.constant 0 : i32
    %add3A_26 = arith.addi %mul3A_24, %add3A_25 : i32
    %multiple_of3A = tpu.assume_multiple %add3A_26, 8 : i32
    %dma_start3A = arith.constant 0 : i32
    %dma_start3A_27 = tpu.memref_slice %arg22[%dma_start3A] : memref<4000xi32, #tpu.memory_space<vmem>> -> memref<2000xi32, #tpu.memory_space<vmem>>
    %dma_start3A_28 = tpu.memref_slice %arg2[%multiple_of3A] : memref<6400000xi32, #tpu.memory_space<hbm>> -> memref<2000xi32, #tpu.memory_space<hbm>>
    %dma_start3A_29 = arith.constant 0 : i32
    %dma_start3A_30 = tpu.memref_slice %arg22[%dma_start3A_29] : memref<4000xi32, #tpu.memory_space<vmem>> -> memref<2000xi32, #tpu.memory_space<vmem>>
    %dma_start3A_31 = tpu.memref_slice %arg2[%multiple_of3A] : memref<6400000xi32, #tpu.memory_space<hbm>> -> memref<2000xi32, #tpu.memory_space<hbm>>
    tpu.enqueue_dma source(%dma_start3A_31 : memref<2000xi32, #tpu.memory_space<hbm>>) target(%dma_start3A_30 : memref<2000xi32, #tpu.memory_space<vmem>>) target_semaphore(%arg44 : memref<!tpu.dma_semaphore, #tpu.memory_space<semaphore_mem>>)
    %dma_start3A_32 = arith.constant 2000 : i32
    %dma_start3A_33 = tpu.memref_slice %arg22[%dma_start3A_32] : memref<4000xi32, #tpu.memory_space<vmem>> -> memref<2000xi32, #tpu.memory_space<vmem>>
    %dma_start3A_34 = tpu.memref_slice %arg3[%multiple_of3A] : memref<6400000xi32, #tpu.memory_space<hbm>> -> memref<2000xi32, #tpu.memory_space<hbm>>
    %dma_start3A_35 = arith.constant 2000 : i32
    %dma_start3A_36 = tpu.memref_slice %arg22[%dma_start3A_35] : memref<4000xi32, #tpu.memory_space<vmem>> -> memref<2000xi32, #tpu.memory_space<vmem>>
    %dma_start3A_37 = tpu.memref_slice %arg3[%multiple_of3A] : memref<6400000xi32, #tpu.memory_space<hbm>> -> memref<2000xi32, #tpu.memory_space<hbm>>
    tpu.enqueue_dma source(%dma_start3A_37 : memref<2000xi32, #tpu.memory_space<hbm>>) target(%dma_start3A_36 : memref<2000xi32, #tpu.memory_space<vmem>>) target_semaphore(%arg44 : memref<!tpu.dma_semaphore, #tpu.memory_space<semaphore_mem>>)
    %dma_start3A_38 = tpu.memref_slice %arg4[%multiple_of3A] : memref<6400000xf32, #tpu.memory_space<hbm>> -> memref<2000xf32, #tpu.memory_space<hbm>>
    %dma_start3A_39 = tpu.memref_slice %arg4[%multiple_of3A] : memref<6400000xf32, #tpu.memory_space<hbm>> -> memref<2000xf32, #tpu.memory_space<hbm>>
    tpu.enqueue_dma source(%dma_start3A_39 : memref<2000xf32, #tpu.memory_space<hbm>>) target(%arg24 : memref<2000xf32, #tpu.memory_space<vmem>>) target_semaphore(%arg44 : memref<!tpu.dma_semaphore, #tpu.memory_space<semaphore_mem>>)
    %dma_start3A_40 = tpu.memref_slice %arg5[%multiple_of3A] : memref<6400000xf32, #tpu.memory_space<hbm>> -> memref<2000xf32, #tpu.memory_space<hbm>>
    %dma_start3A_41 = tpu.memref_slice %arg5[%multiple_of3A] : memref<6400000xf32, #tpu.memory_space<hbm>> -> memref<2000xf32, #tpu.memory_space<hbm>>
    tpu.enqueue_dma source(%dma_start3A_41 : memref<2000xf32, #tpu.memory_space<hbm>>) target(%arg26 : memref<2000xf32, #tpu.memory_space<vmem>>) target_semaphore(%arg44 : memref<!tpu.dma_semaphore, #tpu.memory_space<semaphore_mem>>)
    %dma_start3A_42 = tpu.memref_slice %arg6[%multiple_of3A] : memref<6400000xf32, #tpu.memory_space<hbm>> -> memref<2000xf32, #tpu.memory_space<hbm>>
    %dma_start3A_43 = tpu.memref_slice %arg6[%multiple_of3A] : memref<6400000xf32, #tpu.memory_space<hbm>> -> memref<2000xf32, #tpu.memory_space<hbm>>
    tpu.enqueue_dma source(%dma_start3A_43 : memref<2000xf32, #tpu.memory_space<hbm>>) target(%arg28 : memref<2000xf32, #tpu.memory_space<vmem>>) target_semaphore(%arg44 : memref<!tpu.dma_semaphore, #tpu.memory_space<semaphore_mem>>)
    %mul3A_44 = arith.constant 200000 : i32
    %mul3A_45 = arith.muli %add3A, %mul3A_44 : i32
    %add3A_46 = arith.constant 0 : i32
    %add3A_47 = arith.addi %mul3A_45, %add3A_46 : i32
    %multiple_of3A_48 = tpu.assume_multiple %add3A_47, 8 : i32
    %dma_wait3A = arith.constant 0 : i32
    %dma_wait3A_49 = tpu.memref_slice %arg22[%dma_wait3A] : memref<4000xi32, #tpu.memory_space<vmem>> -> memref<2000xi32, #tpu.memory_space<vmem>>
    %dma_wait3A_50 = tpu.memref_slice %arg2[%multiple_of3A_48] : memref<6400000xi32, #tpu.memory_space<hbm>> -> memref<2000xi32, #tpu.memory_space<hbm>>
    %dma_wait3A_51 = arith.constant 0 : i32
    %dma_wait3A_52 = tpu.memref_slice %arg22[%dma_wait3A_51] : memref<4000xi32, #tpu.memory_space<vmem>> -> memref<2000xi32, #tpu.memory_space<vmem>>
    %dma_wait3A_53 = tpu.memref_slice %arg2[%multiple_of3A_48] : memref<6400000xi32, #tpu.memory_space<hbm>> -> memref<2000xi32, #tpu.memory_space<hbm>>
    tpu.wait_dma2 semaphore(%arg44 : memref<!tpu.dma_semaphore, #tpu.memory_space<semaphore_mem>>) src(%dma_wait3A_53 : memref<2000xi32, #tpu.memory_space<hbm>>) dst(%dma_wait3A_52 : memref<2000xi32, #tpu.memory_space<vmem>>)
    %dma_wait3A_54 = arith.constant 2000 : i32
    %dma_wait3A_55 = tpu.memref_slice %arg22[%dma_wait3A_54] : memref<4000xi32, #tpu.memory_space<vmem>> -> memref<2000xi32, #tpu.memory_space<vmem>>
    %dma_wait3A_56 = tpu.memref_slice %arg3[%multiple_of3A_48] : memref<6400000xi32, #tpu.memory_space<hbm>> -> memref<2000xi32, #tpu.memory_space<hbm>>
    %dma_wait3A_57 = arith.constant 2000 : i32
    %dma_wait3A_58 = tpu.memref_slice %arg22[%dma_wait3A_57] : memref<4000xi32, #tpu.memory_space<vmem>> -> memref<2000xi32, #tpu.memory_space<vmem>>
    %dma_wait3A_59 = tpu.memref_slice %arg3[%multiple_of3A_48] : memref<6400000xi32, #tpu.memory_space<hbm>> -> memref<2000xi32, #tpu.memory_space<hbm>>
    tpu.wait_dma2 semaphore(%arg44 : memref<!tpu.dma_semaphore, #tpu.memory_space<semaphore_mem>>) src(%dma_wait3A_59 : memref<2000xi32, #tpu.memory_space<hbm>>) dst(%dma_wait3A_58 : memref<2000xi32, #tpu.memory_space<vmem>>)
    %dma_wait3A_60 = tpu.memref_slice %arg4[%multiple_of3A_48] : memref<6400000xf32, #tpu.memory_space<hbm>> -> memref<2000xf32, #tpu.memory_space<hbm>>
    %dma_wait3A_61 = tpu.memref_slice %arg4[%multiple_of3A_48] : memref<6400000xf32, #tpu.memory_space<hbm>> -> memref<2000xf32, #tpu.memory_space<hbm>>
    tpu.wait_dma2 semaphore(%arg44 : memref<!tpu.dma_semaphore, #tpu.memory_space<semaphore_mem>>) src(%dma_wait3A_61 : memref<2000xf32, #tpu.memory_space<hbm>>) dst(%arg24 : memref<2000xf32, #tpu.memory_space<vmem>>)
    %dma_wait3A_62 = tpu.memref_slice %arg5[%multiple_of3A_48] : memref<6400000xf32, #tpu.memory_space<hbm>> -> memref<2000xf32, #tpu.memory_space<hbm>>
    %dma_wait3A_63 = tpu.memref_slice %arg5[%multiple_of3A_48] : memref<6400000xf32, #tpu.memory_space<hbm>> -> memref<2000xf32, #tpu.memory_space<hbm>>
    tpu.wait_dma2 semaphore(%arg44 : memref<!tpu.dma_semaphore, #tpu.memory_space<semaphore_mem>>) src(%dma_wait3A_63 : memref<2000xf32, #tpu.memory_space<hbm>>) dst(%arg26 : memref<2000xf32, #tpu.memory_space<vmem>>)
    %dma_wait3A_64 = tpu.memref_slice %arg6[%multiple_of3A_48] : memref<6400000xf32, #tpu.memory_space<hbm>> -> memref<2000xf32, #tpu.memory_space<hbm>>
    %dma_wait3A_65 = tpu.memref_slice %arg6[%multiple_of3A_48] : memref<6400000xf32, #tpu.memory_space<hbm>> -> memref<2000xf32, #tpu.memory_space<hbm>>
    tpu.wait_dma2 semaphore(%arg44 : memref<!tpu.dma_semaphore, #tpu.memory_space<semaphore_mem>>) src(%dma_wait3A_65 : memref<2000xf32, #tpu.memory_space<hbm>>) dst(%arg28 : memref<2000xf32, #tpu.memory_space<vmem>>)
    %dma_start3A_66 = arith.constant 0 : i32
    %dma_start3A_67 = tpu.memref_slice %arg14[%dma_start3A_66] : memref<100000xf32, #tpu.memory_space<vmem_shared>> -> memref<100000xf32, #tpu.memory_space<vmem_shared>>
    tpu.enqueue_indirect_dma source(%dma_start3A_67 : memref<100000xf32, #tpu.memory_space<vmem_shared>>) target(%arg30 : memref<4000xf32, #tpu.memory_space<vmem>>) offsets(%arg22 : memref<4000xi32, #tpu.memory_space<vmem>>) semaphore(%arg45 : memref<!tpu.dma_semaphore, #tpu.memory_space<semaphore_mem>>)
    %dma_start3A_68 = arith.constant 0 : i32
    %dma_start3A_69 = tpu.memref_slice %arg15[%dma_start3A_68] : memref<100000xf32, #tpu.memory_space<vmem_shared>> -> memref<100000xf32, #tpu.memory_space<vmem_shared>>
    tpu.enqueue_indirect_dma source(%dma_start3A_69 : memref<100000xf32, #tpu.memory_space<vmem_shared>>) target(%arg32 : memref<4000xf32, #tpu.memory_space<vmem>>) offsets(%arg22 : memref<4000xi32, #tpu.memory_space<vmem>>) semaphore(%arg45 : memref<!tpu.dma_semaphore, #tpu.memory_space<semaphore_mem>>)
    %dma_start3A_70 = arith.constant 0 : i32
    %dma_start3A_71 = tpu.memref_slice %arg16[%dma_start3A_70] : memref<100000xf32, #tpu.memory_space<vmem_shared>> -> memref<100000xf32, #tpu.memory_space<vmem_shared>>
    tpu.enqueue_indirect_dma source(%dma_start3A_71 : memref<100000xf32, #tpu.memory_space<vmem_shared>>) target(%arg34 : memref<4000xf32, #tpu.memory_space<vmem>>) offsets(%arg22 : memref<4000xi32, #tpu.memory_space<vmem>>) semaphore(%arg45 : memref<!tpu.dma_semaphore, #tpu.memory_space<semaphore_mem>>)
    %dma_start3A_72 = arith.constant 0 : i32
    %dma_start3A_73 = tpu.memref_slice %arg17[%dma_start3A_72] : memref<100000xf32, #tpu.memory_space<vmem_shared>> -> memref<100000xf32, #tpu.memory_space<vmem_shared>>
    tpu.enqueue_indirect_dma source(%dma_start3A_73 : memref<100000xf32, #tpu.memory_space<vmem_shared>>) target(%arg36 : memref<4000xf32, #tpu.memory_space<vmem>>) offsets(%arg22 : memref<4000xi32, #tpu.memory_space<vmem>>) semaphore(%arg45 : memref<!tpu.dma_semaphore, #tpu.memory_space<semaphore_mem>>)
    %dma_start3A_74 = arith.constant 0 : i32
    %dma_start3A_75 = tpu.memref_slice %arg18[%dma_start3A_74] : memref<100000xf32, #tpu.memory_space<vmem_shared>> -> memref<100000xf32, #tpu.memory_space<vmem_shared>>
    tpu.enqueue_indirect_dma source(%dma_start3A_75 : memref<100000xf32, #tpu.memory_space<vmem_shared>>) target(%arg38 : memref<4000xf32, #tpu.memory_space<vmem>>) offsets(%arg22 : memref<4000xi32, #tpu.memory_space<vmem>>) semaphore(%arg45 : memref<!tpu.dma_semaphore, #tpu.memory_space<semaphore_mem>>)
    %mul3A_76 = arith.constant 200000 : i32
    %mul3A_77 = arith.muli %add3A, %mul3A_76 : i32
    %add3A_78 = arith.constant 2000 : i32
    %add3A_79 = arith.addi %mul3A_77, %add3A_78 : i32
    %multiple_of3A_80 = tpu.assume_multiple %add3A_79, 8 : i32
    %dma_start3A_81 = arith.constant 0 : i32
    %dma_start3A_82 = tpu.memref_slice %arg23[%dma_start3A_81] : memref<4000xi32, #tpu.memory_space<vmem>> -> memref<2000xi32, #tpu.memory_space<vmem>>
    %dma_start3A_83 = tpu.memref_slice %arg2[%multiple_of3A_80] : memref<6400000xi32, #tpu.memory_space<hbm>> -> memref<2000xi32, #tpu.memory_space<hbm>>
    %dma_start3A_84 = arith.constant 0 : i32
    %dma_start3A_85 = tpu.memref_slice %arg23[%dma_start3A_84] : memref<4000xi32, #tpu.memory_space<vmem>> -> memref<2000xi32, #tpu.memory_space<vmem>>
    %dma_start3A_86 = tpu.memref_slice %arg2[%multiple_of3A_80] : memref<6400000xi32, #tpu.memory_space<hbm>> -> memref<2000xi32, #tpu.memory_space<hbm>>
    tpu.enqueue_dma source(%dma_start3A_86 : memref<2000xi32, #tpu.memory_space<hbm>>) target(%dma_start3A_85 : memref<2000xi32, #tpu.memory_space<vmem>>) target_semaphore(%arg44 : memref<!tpu.dma_semaphore, #tpu.memory_space<semaphore_mem>>)
    %dma_start3A_87 = arith.constant 2000 : i32
    %dma_start3A_88 = tpu.memref_slice %arg23[%dma_start3A_87] : memref<4000xi32, #tpu.memory_space<vmem>> -> memref<2000xi32, #tpu.memory_space<vmem>>
    %dma_start3A_89 = tpu.memref_slice %arg3[%multiple_of3A_80] : memref<6400000xi32, #tpu.memory_space<hbm>> -> memref<2000xi32, #tpu.memory_space<hbm>>
    %dma_start3A_90 = arith.constant 2000 : i32
    %dma_start3A_91 = tpu.memref_slice %arg23[%dma_start3A_90] : memref<4000xi32, #tpu.memory_space<vmem>> -> memref<2000xi32, #tpu.memory_space<vmem>>
    %dma_start3A_92 = tpu.memref_slice %arg3[%multiple_of3A_80] : memref<6400000xi32, #tpu.memory_space<hbm>> -> memref<2000xi32, #tpu.memory_space<hbm>>
    tpu.enqueue_dma source(%dma_start3A_92 : memref<2000xi32, #tpu.memory_space<hbm>>) target(%dma_start3A_91 : memref<2000xi32, #tpu.memory_space<vmem>>) target_semaphore(%arg44 : memref<!tpu.dma_semaphore, #tpu.memory_space<semaphore_mem>>)
    %dma_start3A_93 = tpu.memref_slice %arg4[%multiple_of3A_80] : memref<6400000xf32, #tpu.memory_space<hbm>> -> memref<2000xf32, #tpu.memory_space<hbm>>
    %dma_start3A_94 = tpu.memref_slice %arg4[%multiple_of3A_80] : memref<6400000xf32, #tpu.memory_space<hbm>> -> memref<2000xf32, #tpu.memory_space<hbm>>
    tpu.enqueue_dma source(%dma_start3A_94 : memref<2000xf32, #tpu.memory_space<hbm>>) target(%arg25 : memref<2000xf32, #tpu.memory_space<vmem>>) target_semaphore(%arg44 : memref<!tpu.dma_semaphore, #tpu.memory_space<semaphore_mem>>)
    %dma_start3A_95 = tpu.memref_slice %arg5[%multiple_of3A_80] : memref<6400000xf32, #tpu.memory_space<hbm>> -> memref<2000xf32, #tpu.memory_space<hbm>>
    %dma_start3A_96 = tpu.memref_slice %arg5[%multiple_of3A_80] : memref<6400000xf32, #tpu.memory_space<hbm>> -> memref<2000xf32, #tpu.memory_space<hbm>>
    tpu.enqueue_dma source(%dma_start3A_96 : memref<2000xf32, #tpu.memory_space<hbm>>) target(%arg27 : memref<2000xf32, #tpu.memory_space<vmem>>) target_semaphore(%arg44 : memref<!tpu.dma_semaphore, #tpu.memory_space<semaphore_mem>>)
    %dma_start3A_97 = tpu.memref_slice %arg6[%multiple_of3A_80] : memref<6400000xf32, #tpu.memory_space<hbm>> -> memref<2000xf32, #tpu.memory_space<hbm>>
    %dma_start3A_98 = tpu.memref_slice %arg6[%multiple_of3A_80] : memref<6400000xf32, #tpu.memory_space<hbm>> -> memref<2000xf32, #tpu.memory_space<hbm>>
    tpu.enqueue_dma source(%dma_start3A_98 : memref<2000xf32, #tpu.memory_space<hbm>>) target(%arg29 : memref<2000xf32, #tpu.memory_space<vmem>>) target_semaphore(%arg44 : memref<!tpu.dma_semaphore, #tpu.memory_space<semaphore_mem>>)
    %dma_wait3A_99 = arith.constant 0 : i32
    %dma_wait3A_100 = tpu.memref_slice %arg14[%dma_wait3A_99] : memref<100000xf32, #tpu.memory_space<vmem_shared>> -> memref<100000xf32, #tpu.memory_space<vmem_shared>>
    tpu.wait_indirect_dma semaphore(%arg45 : memref<!tpu.dma_semaphore, #tpu.memory_space<semaphore_mem>>) src(%dma_wait3A_100 : memref<100000xf32, #tpu.memory_space<vmem_shared>>) dst(%arg30 : memref<4000xf32, #tpu.memory_space<vmem>>)
    %dma_wait3A_101 = arith.constant 0 : i32
    %dma_wait3A_102 = tpu.memref_slice %arg15[%dma_wait3A_101] : memref<100000xf32, #tpu.memory_space<vmem_shared>> -> memref<100000xf32, #tpu.memory_space<vmem_shared>>
    tpu.wait_indirect_dma semaphore(%arg45 : memref<!tpu.dma_semaphore, #tpu.memory_space<semaphore_mem>>) src(%dma_wait3A_102 : memref<100000xf32, #tpu.memory_space<vmem_shared>>) dst(%arg32 : memref<4000xf32, #tpu.memory_space<vmem>>)
    %dma_wait3A_103 = arith.constant 0 : i32
    %dma_wait3A_104 = tpu.memref_slice %arg16[%dma_wait3A_103] : memref<100000xf32, #tpu.memory_space<vmem_shared>> -> memref<100000xf32, #tpu.memory_space<vmem_shared>>
    tpu.wait_indirect_dma semaphore(%arg45 : memref<!tpu.dma_semaphore, #tpu.memory_space<semaphore_mem>>) src(%dma_wait3A_104 : memref<100000xf32, #tpu.memory_space<vmem_shared>>) dst(%arg34 : memref<4000xf32, #tpu.memory_space<vmem>>)
    %dma_wait3A_105 = arith.constant 0 : i32
    %dma_wait3A_106 = tpu.memref_slice %arg17[%dma_wait3A_105] : memref<100000xf32, #tpu.memory_space<vmem_shared>> -> memref<100000xf32, #tpu.memory_space<vmem_shared>>
    tpu.wait_indirect_dma semaphore(%arg45 : memref<!tpu.dma_semaphore, #tpu.memory_space<semaphore_mem>>) src(%dma_wait3A_106 : memref<100000xf32, #tpu.memory_space<vmem_shared>>) dst(%arg36 : memref<4000xf32, #tpu.memory_space<vmem>>)
    %dma_wait3A_107 = arith.constant 0 : i32
    %dma_wait3A_108 = tpu.memref_slice %arg18[%dma_wait3A_107] : memref<100000xf32, #tpu.memory_space<vmem_shared>> -> memref<100000xf32, #tpu.memory_space<vmem_shared>>
    tpu.wait_indirect_dma semaphore(%arg45 : memref<!tpu.dma_semaphore, #tpu.memory_space<semaphore_mem>>) src(%dma_wait3A_108 : memref<100000xf32, #tpu.memory_space<vmem_shared>>) dst(%arg38 : memref<4000xf32, #tpu.memory_space<vmem>>)
    %scan3A_109 = arith.constant 0 : i32
    %scan3A_110 = arith.constant 0 : i32
    %scan3A_111 = arith.constant 125 : i32
    %scan3A_112 = arith.addi %scan3A_110, %scan3A_111 : i32
    %scan3A_113 = arith.constant 1 : i32
    %scan3A_114 = scf.for %scan3A_229 = %scan3A_110 to %scan3A_112 step %scan3A_113 iter_args(%scan3A_230 = %scan3A_109) -> (i32)  : i32 {
      %mul3A_231 = arith.constant 16 : i32
      %mul3A_232 = arith.muli %scan3A_229, %mul3A_231 : i32
      %mul3A_233 = arith.constant 16 : i32
      %mul3A_234 = arith.muli %scan3A_229, %mul3A_233 : i32
      %add3A_235 = arith.constant 2000 : i32
      %add3A_236 = arith.addi %add3A_235, %mul3A_234 : i32
      %get3A = arith.index_cast %mul3A_232 : i32 to index
      %get3A_237 = tpu.vector_load %arg30[%get3A] {strides = array<i32>} : memref<4000xf32, #tpu.memory_space<vmem>>, vector<16xf32>,
      %get3A_238 = arith.index_cast %mul3A_232 : i32 to index
      %get3A_239 = tpu.vector_load %arg32[%get3A_238] {strides = array<i32>} : memref<4000xf32, #tpu.memory_space<vmem>>, vector<16xf32>,
      %get3A_240 = arith.index_cast %add3A_236 : i32 to index
      %get3A_241 = tpu.vector_load %arg30[%get3A_240] {strides = array<i32>} : memref<4000xf32, #tpu.memory_space<vmem>>, vector<16xf32>,
      %get3A_242 = arith.index_cast %add3A_236 : i32 to index
      %get3A_243 = tpu.vector_load %arg32[%get3A_242] {strides = array<i32>} : memref<4000xf32, #tpu.memory_space<vmem>>, vector<16xf32>,
      %get3A_244 = arith.index_cast %mul3A_232 : i32 to index
      %get3A_245 = tpu.vector_load %arg34[%get3A_244] {strides = array<i32>} : memref<4000xf32, #tpu.memory_space<vmem>>, vector<16xf32>,
      %get3A_246 = arith.index_cast %mul3A_232 : i32 to index
      %get3A_247 = tpu.vector_load %arg36[%get3A_246] {strides = array<i32>} : memref<4000xf32, #tpu.memory_space<vmem>>, vector<16xf32>,
      %get3A_248 = arith.index_cast %mul3A_232 : i32 to index
      %get3A_249 = tpu.vector_load %arg38[%get3A_248] {strides = array<i32>} : memref<4000xf32, #tpu.memory_space<vmem>>, vector<16xf32>,
      %get3A_250 = arith.index_cast %add3A_236 : i32 to index
      %get3A_251 = tpu.vector_load %arg34[%get3A_250] {strides = array<i32>} : memref<4000xf32, #tpu.memory_space<vmem>>, vector<16xf32>,
      %get3A_252 = arith.index_cast %add3A_236 : i32 to index
      %get3A_253 = tpu.vector_load %arg36[%get3A_252] {strides = array<i32>} : memref<4000xf32, #tpu.memory_space<vmem>>, vector<16xf32>,
      %get3A_254 = arith.index_cast %add3A_236 : i32 to index
      %get3A_255 = tpu.vector_load %arg38[%get3A_254] {strides = array<i32>} : memref<4000xf32, #tpu.memory_space<vmem>>, vector<16xf32>,
      %get3A_256 = arith.index_cast %mul3A_232 : i32 to index
      %get3A_257 = tpu.vector_load %arg24[%get3A_256] {strides = array<i32>} : memref<2000xf32, #tpu.memory_space<vmem>>, vector<16xf32>,
      %get3A_258 = arith.index_cast %mul3A_232 : i32 to index
      %get3A_259 = tpu.vector_load %arg26[%get3A_258] {strides = array<i32>} : memref<2000xf32, #tpu.memory_space<vmem>>, vector<16xf32>,
      %get3A_260 = arith.index_cast %mul3A_232 : i32 to index
      %get3A_261 = tpu.vector_load %arg28[%get3A_260] {strides = array<i32>} : memref<2000xf32, #tpu.memory_space<vmem>>, vector<16xf32>,
      %sub3A = arith.subf %get3A_241, %get3A_237 : vector<16xf32>
      %sub3A_262 = arith.subf %get3A_243, %get3A_239 : vector<16xf32>
      %mul3A_263 = arith.mulf %sub3A, %sub3A : vector<16xf32>
      %mul3A_264 = arith.mulf %sub3A_262, %sub3A_262 : vector<16xf32>
      %add3A_265 = arith.addf %mul3A_263, %mul3A_264 : vector<16xf32>
      %add3A_266 = arith.constant 1.000000e-10 : f32
      %add3A_267 = vector.broadcast %add3A_266 : f32 to vector<16xf32>
      %add3A_268 = arith.addf %add3A_265, %add3A_267 : vector<16xf32>
      %bitcast_convert_type3A = tpu.bitcast %add3A_268 : vector<16xf32> -> vector<16xi32>
      %shift_right_arithmetic3A = arith.constant 1 : i32
      %shift_right_arithmetic3A_269 = vector.broadcast %shift_right_arithmetic3A : i32 to vector<16xi32>
      %shift_right_arithmetic3A_270 = arith.shrsi %bitcast_convert_type3A, %shift_right_arithmetic3A_269 : vector<16xi32>
      %sub3A_271 = arith.constant 1597463007 : i32
      %sub3A_272 = vector.broadcast %sub3A_271 : i32 to vector<16xi32>
      %sub3A_273 = arith.subi %sub3A_272, %shift_right_arithmetic3A_270 : vector<16xi32>
      %bitcast_convert_type3A_274 = tpu.bitcast %sub3A_273 : vector<16xi32> -> vector<16xf32>
      %mul3A_275 = arith.constant 5.000000e-01 : f32
      %mul3A_276 = vector.broadcast %mul3A_275 : f32 to vector<16xf32>
      %mul3A_277 = arith.mulf %add3A_268, %mul3A_276 : vector<16xf32>
      %mul3A_278 = arith.mulf %mul3A_277, %bitcast_convert_type3A_274 : vector<16xf32>
      %mul3A_279 = arith.mulf %mul3A_278, %bitcast_convert_type3A_274 : vector<16xf32>
      %sub3A_280 = arith.constant 1.500000e+00 : f32
      %sub3A_281 = vector.broadcast %sub3A_280 : f32 to vector<16xf32>
      %sub3A_282 = arith.subf %sub3A_281, %mul3A_279 : vector<16xf32>
      %mul3A_283 = arith.mulf %bitcast_convert_type3A_274, %sub3A_282 : vector<16xf32>
      %mul3A_284 = arith.mulf %mul3A_277, %mul3A_283 : vector<16xf32>
      %mul3A_285 = arith.mulf %mul3A_284, %mul3A_283 : vector<16xf32>
      %sub3A_286 = arith.constant 1.500000e+00 : f32
      %sub3A_287 = vector.broadcast %sub3A_286 : f32 to vector<16xf32>
      %sub3A_288 = arith.subf %sub3A_287, %mul3A_285 : vector<16xf32>
      %mul3A_289 = arith.mulf %mul3A_283, %sub3A_288 : vector<16xf32>
      %mul3A_290 = arith.mulf %add3A_268, %mul3A_289 : vector<16xf32>
      %add3A_291 = arith.constant 1.000000e-10 : f32
      %add3A_292 = vector.broadcast %add3A_291 : f32 to vector<16xf32>
      %add3A_293 = arith.addf %mul3A_290, %add3A_292 : vector<16xf32>
      %div3A = arith.constant 1.000000e+00 : f32
      %div3A_294 = vector.broadcast %div3A : f32 to vector<16xf32>
      %div3A_295 = arith.divf %div3A_294, %add3A_293 : vector<16xf32>
      %mul3A_296 = arith.mulf %mul3A_290, %mul3A_290 : vector<16xf32>
      %add3A_297 = arith.constant 1.000000e-10 : f32
      %add3A_298 = vector.broadcast %add3A_297 : f32 to vector<16xf32>
      %add3A_299 = arith.addf %mul3A_296, %add3A_298 : vector<16xf32>
      %div3A_300 = arith.constant 1.000000e+00 : f32
      %div3A_301 = vector.broadcast %div3A_300 : f32 to vector<16xf32>
      %div3A_302 = arith.divf %div3A_301, %add3A_299 : vector<16xf32>
      %mul3A_303 = arith.mulf %mul3A_296, %mul3A_290 : vector<16xf32>
      %add3A_304 = arith.constant 1.000000e-10 : f32
      %add3A_305 = vector.broadcast %add3A_304 : f32 to vector<16xf32>
      %add3A_306 = arith.addf %mul3A_303, %add3A_305 : vector<16xf32>
      %div3A_307 = arith.constant 1.000000e+00 : f32
      %div3A_308 = vector.broadcast %div3A_307 : f32 to vector<16xf32>
      %div3A_309 = arith.divf %div3A_308, %add3A_306 : vector<16xf32>
      %mul3A_310 = arith.mulf %sub3A, %div3A_295 : vector<16xf32>
      %mul3A_311 = arith.mulf %sub3A_262, %div3A_295 : vector<16xf32>
      %mul3A_312 = arith.mulf %get3A_257, %get3A_259 : vector<16xf32>
      %mul3A_313 = arith.mulf %get3A_257, %get3A_261 : vector<16xf32>
      %mul3A_314 = arith.mulf %mul3A_312, %div3A_295 : vector<16xf32>
      %mul3A_315 = arith.mulf %mul3A_313, %div3A_295 : vector<16xf32>
      %mul3A_316 = arith.mulf %mul3A_313, %div3A_302 : vector<16xf32>
      %mul3A_317 = arith.mulf %mul3A_313, %div3A_309 : vector<16xf32>
      %neg3A = arith.constant 0.000000e+00 : f32
      %neg3A_318 = vector.broadcast %neg3A : f32 to vector<16xf32>
      %neg3A_319 = arith.subf %neg3A_318, %get3A_249 : vector<16xf32>
      %neg3A_320 = arith.constant 0.000000e+00 : f32
      %neg3A_321 = vector.broadcast %neg3A_320 : f32 to vector<16xf32>
      %neg3A_322 = arith.subf %neg3A_321, %get3A_255 : vector<16xf32>
      %mul3A_323 = arith.mulf %mul3A_310, %get3A_245 : vector<16xf32>
      %mul3A_324 = arith.mulf %mul3A_311, %get3A_247 : vector<16xf32>
      %add3A_325 = arith.addf %mul3A_323, %mul3A_324 : vector<16xf32>
      %mul3A_326 = arith.mulf %mul3A_310, %get3A_247 : vector<16xf32>
      %mul3A_327 = arith.mulf %mul3A_311, %get3A_245 : vector<16xf32>
      %sub3A_328 = arith.subf %mul3A_326, %mul3A_327 : vector<16xf32>
      %mul3A_329 = arith.mulf %mul3A_310, %get3A_251 : vector<16xf32>
      %mul3A_330 = arith.mulf %mul3A_311, %get3A_253 : vector<16xf32>
      %add3A_331 = arith.addf %mul3A_329, %mul3A_330 : vector<16xf32>
      %mul3A_332 = arith.mulf %mul3A_310, %get3A_253 : vector<16xf32>
      %mul3A_333 = arith.mulf %mul3A_311, %get3A_251 : vector<16xf32>
      %sub3A_334 = arith.subf %mul3A_332, %mul3A_333 : vector<16xf32>
      %sub3A_335 = arith.subf %add3A_325, %add3A_331 : vector<16xf32>
      %sub3A_336 = arith.subf %sub3A_328, %sub3A_334 : vector<16xf32>
      %add3A_337 = arith.addf %neg3A_319, %neg3A_322 : vector<16xf32>
      %mul3A_338 = arith.mulf %mul3A_314, %sub3A_335 : vector<16xf32>
      %mul3A_339 = arith.constant 1.200000e+01 : f32
      %mul3A_340 = vector.broadcast %mul3A_339 : f32 to vector<16xf32>
      %mul3A_341 = arith.mulf %mul3A_340, %mul3A_317 : vector<16xf32>
      %mul3A_342 = arith.mulf %mul3A_341, %sub3A_336 : vector<16xf32>
      %mul3A_343 = arith.constant 6.000000e+00 : f32
      %mul3A_344 = vector.broadcast %mul3A_343 : f32 to vector<16xf32>
      %mul3A_345 = arith.mulf %mul3A_344, %mul3A_316 : vector<16xf32>
      %mul3A_346 = arith.mulf %mul3A_345, %add3A_337 : vector<16xf32>
      %add3A_347 = arith.addf %mul3A_342, %mul3A_346 : vector<16xf32>
      %mul3A_348 = arith.constant 6.000000e+00 : f32
      %mul3A_349 = vector.broadcast %mul3A_348 : f32 to vector<16xf32>
      %mul3A_350 = arith.mulf %mul3A_349, %mul3A_316 : vector<16xf32>
      %mul3A_351 = arith.mulf %mul3A_350, %sub3A_336 : vector<16xf32>
      %mul3A_352 = arith.constant 4.000000e+00 : f32
      %mul3A_353 = vector.broadcast %mul3A_352 : f32 to vector<16xf32>
      %mul3A_354 = arith.mulf %mul3A_353, %neg3A_319 : vector<16xf32>
      %mul3A_355 = arith.constant 2.000000e+00 : f32
      %mul3A_356 = vector.broadcast %mul3A_355 : f32 to vector<16xf32>
      %mul3A_357 = arith.mulf %mul3A_356, %neg3A_322 : vector<16xf32>
      %add3A_358 = arith.addf %mul3A_354, %mul3A_357 : vector<16xf32>
      %mul3A_359 = arith.mulf %mul3A_315, %add3A_358 : vector<16xf32>
      %add3A_360 = arith.addf %mul3A_351, %mul3A_359 : vector<16xf32>
      %mul3A_361 = arith.constant 2.000000e+00 : f32
      %mul3A_362 = vector.broadcast %mul3A_361 : f32 to vector<16xf32>
      %mul3A_363 = arith.mulf %mul3A_362, %neg3A_319 : vector<16xf32>
      %mul3A_364 = arith.constant 4.000000e+00 : f32
      %mul3A_365 = vector.broadcast %mul3A_364 : f32 to vector<16xf32>
      %mul3A_366 = arith.mulf %mul3A_365, %neg3A_322 : vector<16xf32>
      %add3A_367 = arith.addf %mul3A_363, %mul3A_366 : vector<16xf32>
      %mul3A_368 = arith.mulf %mul3A_315, %add3A_367 : vector<16xf32>
      %add3A_369 = arith.addf %mul3A_351, %mul3A_368 : vector<16xf32>
      %mul3A_370 = arith.mulf %mul3A_310, %mul3A_338 : vector<16xf32>
      %mul3A_371 = arith.mulf %mul3A_311, %add3A_347 : vector<16xf32>
      %sub3A_372 = arith.subf %mul3A_370, %mul3A_371 : vector<16xf32>
      %mul3A_373 = arith.mulf %mul3A_311, %mul3A_338 : vector<16xf32>
      %mul3A_374 = arith.mulf %mul3A_310, %add3A_347 : vector<16xf32>
      %add3A_375 = arith.addf %mul3A_373, %mul3A_374 : vector<16xf32>
      %swap3A = arith.index_cast %mul3A_232 : i32 to index
      %swap3A_376 = tpu.vector_load %arg40[%swap3A] {strides = array<i32>} : memref<4000xf32, #tpu.memory_space<vmem>>, vector<16xf32>,
      tpu.vector_store %arg40[%swap3A], %sub3A_372 {strides = array<i32>} : memref<4000xf32, #tpu.memory_space<vmem>>, vector<16xf32>,
      %swap3A_377 = arith.index_cast %mul3A_232 : i32 to index
      %swap3A_378 = tpu.vector_load %arg41[%swap3A_377] {strides = array<i32>} : memref<4000xf32, #tpu.memory_space<vmem>>, vector<16xf32>,
      tpu.vector_store %arg41[%swap3A_377], %add3A_375 {strides = array<i32>} : memref<4000xf32, #tpu.memory_space<vmem>>, vector<16xf32>,
      %swap3A_379 = arith.index_cast %mul3A_232 : i32 to index
      %swap3A_380 = tpu.vector_load %arg42[%swap3A_379] {strides = array<i32>} : memref<4000xf32, #tpu.memory_space<vmem>>, vector<16xf32>,
      tpu.vector_store %arg42[%swap3A_379], %add3A_360 {strides = array<i32>} : memref<4000xf32, #tpu.memory_space<vmem>>, vector<16xf32>,
      %neg3A_381 = arith.constant 0.000000e+00 : f32
      %neg3A_382 = vector.broadcast %neg3A_381 : f32 to vector<16xf32>
      %neg3A_383 = arith.subf %neg3A_382, %sub3A_372 : vector<16xf32>
      %swap3A_384 = arith.index_cast %add3A_236 : i32 to index
      %swap3A_385 = tpu.vector_load %arg40[%swap3A_384] {strides = array<i32>} : memref<4000xf32, #tpu.memory_space<vmem>>, vector<16xf32>,
      tpu.vector_store %arg40[%swap3A_384], %neg3A_383 {strides = array<i32>} : memref<4000xf32, #tpu.memory_space<vmem>>, vector<16xf32>,
      %neg3A_386 = arith.constant 0.000000e+00 : f32
      %neg3A_387 = vector.broadcast %neg3A_386 : f32 to vector<16xf32>
      %neg3A_388 = arith.subf %neg3A_387, %add3A_375 : vector<16xf32>
      %swap3A_389 = arith.index_cast %add3A_236 : i32 to index
      %swap3A_390 = tpu.vector_load %arg41[%swap3A_389] {strides = array<i32>} : memref<4000xf32, #tpu.memory_space<vmem>>, vector<16xf32>,
      tpu.vector_store %arg41[%swap3A_389], %neg3A_388 {strides = array<i32>} : memref<4000xf32, #tpu.memory_space<vmem>>, vector<16xf32>,
      %swap3A_391 = arith.index_cast %add3A_236 : i32 to index
      %swap3A_392 = tpu.vector_load %arg42[%swap3A_391] {strides = array<i32>} : memref<4000xf32, #tpu.memory_space<vmem>>, vector<16xf32>,
      tpu.vector_store %arg42[%swap3A_391], %add3A_369 {strides = array<i32>} : memref<4000xf32, #tpu.memory_space<vmem>>, vector<16xf32>,
      %scan3A_393 = arith.constant 0 : i32
      scf.yield %scan3A_393 : i32
    }
    %scan3A_115 = arith.constant 125 : i32
    %dma_start3A_116 = arith.constant 0 : i32
    %dma_start3A_117 = tpu.memref_slice %arg19[%dma_start3A_116] : memref<100000xf32, #tpu.memory_space<vmem_shared>> -> memref<100000xf32, #tpu.memory_space<vmem_shared>>
    tpu.enqueue_indirect_dma source(%arg40 : memref<4000xf32, #tpu.memory_space<vmem>>) target(%dma_start3A_117 : memref<100000xf32, #tpu.memory_space<vmem_shared>>) offsets(%arg22 : memref<4000xi32, #tpu.memory_space<vmem>>) semaphore(%arg46 : memref<!tpu.dma_semaphore, #tpu.memory_space<semaphore_mem>>) {add = true}
    %dma_start3A_118 = arith.constant 0 : i32
    %dma_start3A_119 = tpu.memref_slice %arg20[%dma_start3A_118] : memref<100000xf32, #tpu.memory_space<vmem_shared>> -> memref<100000xf32, #tpu.memory_space<vmem_shared>>
    tpu.enqueue_indirect_dma source(%arg41 : memref<4000xf32, #tpu.memory_space<vmem>>) target(%dma_start3A_119 : memref<100000xf32, #tpu.memory_space<vmem_shared>>) offsets(%arg22 : memref<4000xi32, #tpu.memory_space<vmem>>) semaphore(%arg46 : memref<!tpu.dma_semaphore, #tpu.memory_space<semaphore_mem>>) {add = true}
    %dma_start3A_120 = arith.constant 0 : i32
    %dma_start3A_121 = tpu.memref_slice %arg21[%dma_start3A_120] : memref<100000xf32, #tpu.memory_space<vmem_shared>> -> memref<100000xf32, #tpu.memory_space<vmem_shared>>
    tpu.enqueue_indirect_dma source(%arg42 : memref<4000xf32, #tpu.memory_space<vmem>>) target(%dma_start3A_121 : memref<100000xf32, #tpu.memory_space<vmem_shared>>) offsets(%arg22 : memref<4000xi32, #tpu.memory_space<vmem>>) semaphore(%arg46 : memref<!tpu.dma_semaphore, #tpu.memory_space<semaphore_mem>>) {add = true}
    %mul3A_122 = arith.constant 200000 : i32
    %mul3A_123 = arith.muli %add3A, %mul3A_122 : i32
    %add3A_124 = arith.constant 2000 : i32
    %add3A_125 = arith.addi %mul3A_123, %add3A_124 : i32
    %multiple_of3A_126 = tpu.assume_multiple %add3A_125, 8 : i32
    %dma_wait3A_127 = arith.constant 0 : i32
    %dma_wait3A_128 = tpu.memref_slice %arg23[%dma_wait3A_127] : memref<4000xi32, #tpu.memory_space<vmem>> -> memref<2000xi32, #tpu.memory_space<vmem>>
    %dma_wait3A_129 = tpu.memref_slice %arg2[%multiple_of3A_126] : memref<6400000xi32, #tpu.memory_space<hbm>> -> memref<2000xi32, #tpu.memory_space<hbm>>
    %dma_wait3A_130 = arith.constant 0 : i32
    %dma_wait3A_131 = tpu.memref_slice %arg23[%dma_wait3A_130] : memref<4000xi32, #tpu.memory_space<vmem>> -> memref<2000xi32, #tpu.memory_space<vmem>>
    %dma_wait3A_132 = tpu.memref_slice %arg2[%multiple_of3A_126] : memref<6400000xi32, #tpu.memory_space<hbm>> -> memref<2000xi32, #tpu.memory_space<hbm>>
    tpu.wait_dma2 semaphore(%arg44 : memref<!tpu.dma_semaphore, #tpu.memory_space<semaphore_mem>>) src(%dma_wait3A_132 : memref<2000xi32, #tpu.memory_space<hbm>>) dst(%dma_wait3A_131 : memref<2000xi32, #tpu.memory_space<vmem>>)
    %dma_wait3A_133 = arith.constant 2000 : i32
    %dma_wait3A_134 = tpu.memref_slice %arg23[%dma_wait3A_133] : memref<4000xi32, #tpu.memory_space<vmem>> -> memref<2000xi32, #tpu.memory_space<vmem>>
    %dma_wait3A_135 = tpu.memref_slice %arg3[%multiple_of3A_126] : memref<6400000xi32, #tpu.memory_space<hbm>> -> memref<2000xi32, #tpu.memory_space<hbm>>
    %dma_wait3A_136 = arith.constant 2000 : i32
    %dma_wait3A_137 = tpu.memref_slice %arg23[%dma_wait3A_136] : memref<4000xi32, #tpu.memory_space<vmem>> -> memref<2000xi32, #tpu.memory_space<vmem>>
    %dma_wait3A_138 = tpu.memref_slice %arg3[%multiple_of3A_126] : memref<6400000xi32, #tpu.memory_space<hbm>> -> memref<2000xi32, #tpu.memory_space<hbm>>
    tpu.wait_dma2 semaphore(%arg44 : memref<!tpu.dma_semaphore, #tpu.memory_space<semaphore_mem>>) src(%dma_wait3A_138 : memref<2000xi32, #tpu.memory_space<hbm>>) dst(%dma_wait3A_137 : memref<2000xi32, #tpu.memory_space<vmem>>)
    %dma_wait3A_139 = tpu.memref_slice %arg4[%multiple_of3A_126] : memref<6400000xf32, #tpu.memory_space<hbm>> -> memref<2000xf32, #tpu.memory_space<hbm>>
    %dma_wait3A_140 = tpu.memref_slice %arg4[%multiple_of3A_126] : memref<6400000xf32, #tpu.memory_space<hbm>> -> memref<2000xf32, #tpu.memory_space<hbm>>
    tpu.wait_dma2 semaphore(%arg44 : memref<!tpu.dma_semaphore, #tpu.memory_space<semaphore_mem>>) src(%dma_wait3A_140 : memref<2000xf32, #tpu.memory_space<hbm>>) dst(%arg25 : memref<2000xf32, #tpu.memory_space<vmem>>)
    %dma_wait3A_141 = tpu.memref_slice %arg5[%multiple_of3A_126] : memref<6400000xf32, #tpu.memory_space<hbm>> -> memref<2000xf32, #tpu.memory_space<hbm>>
    %dma_wait3A_142 = tpu.memref_slice %arg5[%multiple_of3A_126] : memref<6400000xf32, #tpu.memory_space<hbm>> -> memref<2000xf32, #tpu.memory_space<hbm>>
    tpu.wait_dma2 semaphore(%arg44 : memref<!tpu.dma_semaphore, #tpu.memory_space<semaphore_mem>>) src(%dma_wait3A_142 : memref<2000xf32, #tpu.memory_space<hbm>>) dst(%arg27 : memref<2000xf32, #tpu.memory_space<vmem>>)
    %dma_wait3A_143 = tpu.memref_slice %arg6[%multiple_of3A_126] : memref<6400000xf32, #tpu.memory_space<hbm>> -> memref<2000xf32, #tpu.memory_space<hbm>>
    %dma_wait3A_144 = tpu.memref_slice %arg6[%multiple_of3A_126] : memref<6400000xf32, #tpu.memory_space<hbm>> -> memref<2000xf32, #tpu.memory_space<hbm>>
    tpu.wait_dma2 semaphore(%arg44 : memref<!tpu.dma_semaphore, #tpu.memory_space<semaphore_mem>>) src(%dma_wait3A_144 : memref<2000xf32, #tpu.memory_space<hbm>>) dst(%arg29 : memref<2000xf32, #tpu.memory_space<vmem>>)
    %dma_start3A_145 = arith.constant 0 : i32
    %dma_start3A_146 = tpu.memref_slice %arg14[%dma_start3A_145] : memref<100000xf32, #tpu.memory_space<vmem_shared>> -> memref<100000xf32, #tpu.memory_space<vmem_shared>>
    tpu.enqueue_indirect_dma source(%dma_start3A_146 : memref<100000xf32, #tpu.memory_space<vmem_shared>>) target(%arg31 : memref<4000xf32, #tpu.memory_space<vmem>>) offsets(%arg23 : memref<4000xi32, #tpu.memory_space<vmem>>) semaphore(%arg45 : memref<!tpu.dma_semaphore, #tpu.memory_space<semaphore_mem>>)
    %dma_start3A_147 = arith.constant 0 : i32
    %dma_start3A_148 = tpu.memref_slice %arg15[%dma_start3A_147] : memref<100000xf32, #tpu.memory_space<vmem_shared>> -> memref<100000xf32, #tpu.memory_space<vmem_shared>>
    tpu.enqueue_indirect_dma source(%dma_start3A_148 : memref<100000xf32, #tpu.memory_space<vmem_shared>>) target(%arg33 : memref<4000xf32, #tpu.memory_space<vmem>>) offsets(%arg23 : memref<4000xi32, #tpu.memory_space<vmem>>) semaphore(%arg45 : memref<!tpu.dma_semaphore, #tpu.memory_space<semaphore_mem>>)
    %dma_start3A_149 = arith.constant 0 : i32
    %dma_start3A_150 = tpu.memref_slice %arg16[%dma_start3A_149] : memref<100000xf32, #tpu.memory_space<vmem_shared>> -> memref<100000xf32, #tpu.memory_space<vmem_shared>>
    tpu.enqueue_indirect_dma source(%dma_start3A_150 : memref<100000xf32, #tpu.memory_space<vmem_shared>>) target(%arg35 : memref<4000xf32, #tpu.memory_space<vmem>>) offsets(%arg23 : memref<4000xi32, #tpu.memory_space<vmem>>) semaphore(%arg45 : memref<!tpu.dma_semaphore, #tpu.memory_space<semaphore_mem>>)
    %dma_start3A_151 = arith.constant 0 : i32
    %dma_start3A_152 = tpu.memref_slice %arg17[%dma_start3A_151] : memref<100000xf32, #tpu.memory_space<vmem_shared>> -> memref<100000xf32, #tpu.memory_space<vmem_shared>>
    tpu.enqueue_indirect_dma source(%dma_start3A_152 : memref<100000xf32, #tpu.memory_space<vmem_shared>>) target(%arg37 : memref<4000xf32, #tpu.memory_space<vmem>>) offsets(%arg23 : memref<4000xi32, #tpu.memory_space<vmem>>) semaphore(%arg45 : memref<!tpu.dma_semaphore, #tpu.memory_space<semaphore_mem>>)
    %dma_start3A_153 = arith.constant 0 : i32
    %dma_start3A_154 = tpu.memref_slice %arg18[%dma_start3A_153] : memref<100000xf32, #tpu.memory_space<vmem_shared>> -> memref<100000xf32, #tpu.memory_space<vmem_shared>>
    tpu.enqueue_indirect_dma source(%dma_start3A_154 : memref<100000xf32, #tpu.memory_space<vmem_shared>>) target(%arg39 : memref<4000xf32, #tpu.memory_space<vmem>>) offsets(%arg23 : memref<4000xi32, #tpu.memory_space<vmem>>) semaphore(%arg45 : memref<!tpu.dma_semaphore, #tpu.memory_space<semaphore_mem>>)
    %scan3A_155 = arith.constant 0 : i32
    %scan3A_156 = arith.constant 0 : i32
    %scan3A_157 = arith.constant 49 : i32
    %scan3A_158 = arith.addi %scan3A_156, %scan3A_157 : i32
    %scan3A_159 = arith.constant 1 : i32
    %scan3A_160 = scf.for %scan3A_229 = %scan3A_156 to %scan3A_158 step %scan3A_159 iter_args(%scan3A_230 = %scan3A_155) -> (i32)  : i32 {
      %mul3A_231 = arith.constant 2 : i32
      %mul3A_232 = arith.muli %mul3A_231, %scan3A_229 : i32
      %add3A_233 = arith.constant 1 : i32
      %add3A_234 = arith.addi %mul3A_232, %add3A_233 : i32
      %dma_wait3A_235 = arith.constant 0 : i32
      %dma_wait3A_236 = tpu.memref_slice %arg19[%dma_wait3A_235] : memref<100000xf32, #tpu.memory_space<vmem_shared>> -> memref<100000xf32, #tpu.memory_space<vmem_shared>>
      tpu.wait_indirect_dma semaphore(%arg46 : memref<!tpu.dma_semaphore, #tpu.memory_space<semaphore_mem>>) src(%arg40 : memref<4000xf32, #tpu.memory_space<vmem>>) dst(%dma_wait3A_236 : memref<100000xf32, #tpu.memory_space<vmem_shared>>)
      %dma_wait3A_237 = arith.constant 0 : i32
      %dma_wait3A_238 = tpu.memref_slice %arg20[%dma_wait3A_237] : memref<100000xf32, #tpu.memory_space<vmem_shared>> -> memref<100000xf32, #tpu.memory_space<vmem_shared>>
      tpu.wait_indirect_dma semaphore(%arg46 : memref<!tpu.dma_semaphore, #tpu.memory_space<semaphore_mem>>) src(%arg41 : memref<4000xf32, #tpu.memory_space<vmem>>) dst(%dma_wait3A_238 : memref<100000xf32, #tpu.memory_space<vmem_shared>>)
      %dma_wait3A_239 = arith.constant 0 : i32
      %dma_wait3A_240 = tpu.memref_slice %arg21[%dma_wait3A_239] : memref<100000xf32, #tpu.memory_space<vmem_shared>> -> memref<100000xf32, #tpu.memory_space<vmem_shared>>
      tpu.wait_indirect_dma semaphore(%arg46 : memref<!tpu.dma_semaphore, #tpu.memory_space<semaphore_mem>>) src(%arg42 : memref<4000xf32, #tpu.memory_space<vmem>>) dst(%dma_wait3A_240 : memref<100000xf32, #tpu.memory_space<vmem_shared>>)
      %add3A_241 = arith.constant 1 : i32
      %add3A_242 = arith.addi %add3A_234, %add3A_241 : i32
      %mul3A_243 = arith.constant 200000 : i32
      %mul3A_244 = arith.muli %add3A, %mul3A_243 : i32
      %mul3A_245 = arith.constant 2000 : i32
      %mul3A_246 = arith.muli %add3A_242, %mul3A_245 : i32
      %add3A_247 = arith.addi %mul3A_244, %mul3A_246 : i32
      %multiple_of3A_248 = tpu.assume_multiple %add3A_247, 8 : i32
      %dma_start3A_249 = arith.constant 0 : i32
      %dma_start3A_250 = tpu.memref_slice %arg22[%dma_start3A_249] : memref<4000xi32, #tpu.memory_space<vmem>> -> memref<2000xi32, #tpu.memory_space<vmem>>
      %dma_start3A_251 = tpu.memref_slice %arg2[%multiple_of3A_248] : memref<6400000xi32, #tpu.memory_space<hbm>> -> memref<2000xi32, #tpu.memory_space<hbm>>
      %dma_start3A_252 = arith.constant 0 : i32
      %dma_start3A_253 = tpu.memref_slice %arg22[%dma_start3A_252] : memref<4000xi32, #tpu.memory_space<vmem>> -> memref<2000xi32, #tpu.memory_space<vmem>>
      %dma_start3A_254 = tpu.memref_slice %arg2[%multiple_of3A_248] : memref<6400000xi32, #tpu.memory_space<hbm>> -> memref<2000xi32, #tpu.memory_space<hbm>>
      tpu.enqueue_dma source(%dma_start3A_254 : memref<2000xi32, #tpu.memory_space<hbm>>) target(%dma_start3A_253 : memref<2000xi32, #tpu.memory_space<vmem>>) target_semaphore(%arg44 : memref<!tpu.dma_semaphore, #tpu.memory_space<semaphore_mem>>)
      %dma_start3A_255 = arith.constant 2000 : i32
      %dma_start3A_256 = tpu.memref_slice %arg22[%dma_start3A_255] : memref<4000xi32, #tpu.memory_space<vmem>> -> memref<2000xi32, #tpu.memory_space<vmem>>
      %dma_start3A_257 = tpu.memref_slice %arg3[%multiple_of3A_248] : memref<6400000xi32, #tpu.memory_space<hbm>> -> memref<2000xi32, #tpu.memory_space<hbm>>
      %dma_start3A_258 = arith.constant 2000 : i32
      %dma_start3A_259 = tpu.memref_slice %arg22[%dma_start3A_258] : memref<4000xi32, #tpu.memory_space<vmem>> -> memref<2000xi32, #tpu.memory_space<vmem>>
      %dma_start3A_260 = tpu.memref_slice %arg3[%multiple_of3A_248] : memref<6400000xi32, #tpu.memory_space<hbm>> -> memref<2000xi32, #tpu.memory_space<hbm>>
      tpu.enqueue_dma source(%dma_start3A_260 : memref<2000xi32, #tpu.memory_space<hbm>>) target(%dma_start3A_259 : memref<2000xi32, #tpu.memory_space<vmem>>) target_semaphore(%arg44 : memref<!tpu.dma_semaphore, #tpu.memory_space<semaphore_mem>>)
      %dma_start3A_261 = tpu.memref_slice %arg4[%multiple_of3A_248] : memref<6400000xf32, #tpu.memory_space<hbm>> -> memref<2000xf32, #tpu.memory_space<hbm>>
      %dma_start3A_262 = tpu.memref_slice %arg4[%multiple_of3A_248] : memref<6400000xf32, #tpu.memory_space<hbm>> -> memref<2000xf32, #tpu.memory_space<hbm>>
      tpu.enqueue_dma source(%dma_start3A_262 : memref<2000xf32, #tpu.memory_space<hbm>>) target(%arg24 : memref<2000xf32, #tpu.memory_space<vmem>>) target_semaphore(%arg44 : memref<!tpu.dma_semaphore, #tpu.memory_space<semaphore_mem>>)
      %dma_start3A_263 = tpu.memref_slice %arg5[%multiple_of3A_248] : memref<6400000xf32, #tpu.memory_space<hbm>> -> memref<2000xf32, #tpu.memory_space<hbm>>
      %dma_start3A_264 = tpu.memref_slice %arg5[%multiple_of3A_248] : memref<6400000xf32, #tpu.memory_space<hbm>> -> memref<2000xf32, #tpu.memory_space<hbm>>
      tpu.enqueue_dma source(%dma_start3A_264 : memref<2000xf32, #tpu.memory_space<hbm>>) target(%arg26 : memref<2000xf32, #tpu.memory_space<vmem>>) target_semaphore(%arg44 : memref<!tpu.dma_semaphore, #tpu.memory_space<semaphore_mem>>)
      %dma_start3A_265 = tpu.memref_slice %arg6[%multiple_of3A_248] : memref<6400000xf32, #tpu.memory_space<hbm>> -> memref<2000xf32, #tpu.memory_space<hbm>>
      %dma_start3A_266 = tpu.memref_slice %arg6[%multiple_of3A_248] : memref<6400000xf32, #tpu.memory_space<hbm>> -> memref<2000xf32, #tpu.memory_space<hbm>>
      tpu.enqueue_dma source(%dma_start3A_266 : memref<2000xf32, #tpu.memory_space<hbm>>) target(%arg28 : memref<2000xf32, #tpu.memory_space<vmem>>) target_semaphore(%arg44 : memref<!tpu.dma_semaphore, #tpu.memory_space<semaphore_mem>>)
      %dma_wait3A_267 = arith.constant 0 : i32
      %dma_wait3A_268 = tpu.memref_slice %arg14[%dma_wait3A_267] : memref<100000xf32, #tpu.memory_space<vmem_shared>> -> memref<100000xf32, #tpu.memory_space<vmem_shared>>
      tpu.wait_indirect_dma semaphore(%arg45 : memref<!tpu.dma_semaphore, #tpu.memory_space<semaphore_mem>>) src(%dma_wait3A_268 : memref<100000xf32, #tpu.memory_space<vmem_shared>>) dst(%arg31 : memref<4000xf32, #tpu.memory_space<vmem>>)
      %dma_wait3A_269 = arith.constant 0 : i32
      %dma_wait3A_270 = tpu.memref_slice %arg15[%dma_wait3A_269] : memref<100000xf32, #tpu.memory_space<vmem_shared>> -> memref<100000xf32, #tpu.memory_space<vmem_shared>>
      tpu.wait_indirect_dma semaphore(%arg45 : memref<!tpu.dma_semaphore, #tpu.memory_space<semaphore_mem>>) src(%dma_wait3A_270 : memref<100000xf32, #tpu.memory_space<vmem_shared>>) dst(%arg33 : memref<4000xf32, #tpu.memory_space<vmem>>)
      %dma_wait3A_271 = arith.constant 0 : i32
      %dma_wait3A_272 = tpu.memref_slice %arg16[%dma_wait3A_271] : memref<100000xf32, #tpu.memory_space<vmem_shared>> -> memref<100000xf32, #tpu.memory_space<vmem_shared>>
      tpu.wait_indirect_dma semaphore(%arg45 : memref<!tpu.dma_semaphore, #tpu.memory_space<semaphore_mem>>) src(%dma_wait3A_272 : memref<100000xf32, #tpu.memory_space<vmem_shared>>) dst(%arg35 : memref<4000xf32, #tpu.memory_space<vmem>>)
      %dma_wait3A_273 = arith.constant 0 : i32
      %dma_wait3A_274 = tpu.memref_slice %arg17[%dma_wait3A_273] : memref<100000xf32, #tpu.memory_space<vmem_shared>> -> memref<100000xf32, #tpu.memory_space<vmem_shared>>
      tpu.wait_indirect_dma semaphore(%arg45 : memref<!tpu.dma_semaphore, #tpu.memory_space<semaphore_mem>>) src(%dma_wait3A_274 : memref<100000xf32, #tpu.memory_space<vmem_shared>>) dst(%arg37 : memref<4000xf32, #tpu.memory_space<vmem>>)
      %dma_wait3A_275 = arith.constant 0 : i32
      %dma_wait3A_276 = tpu.memref_slice %arg18[%dma_wait3A_275] : memref<100000xf32, #tpu.memory_space<vmem_shared>> -> memref<100000xf32, #tpu.memory_space<vmem_shared>>
      tpu.wait_indirect_dma semaphore(%arg45 : memref<!tpu.dma_semaphore, #tpu.memory_space<semaphore_mem>>) src(%dma_wait3A_276 : memref<100000xf32, #tpu.memory_space<vmem_shared>>) dst(%arg39 : memref<4000xf32, #tpu.memory_space<vmem>>)
      %scan3A_277 = arith.constant 0 : i32
      %scan3A_278 = arith.constant 0 : i32
      %scan3A_279 = arith.constant 125 : i32
      %scan3A_280 = arith.addi %scan3A_278, %scan3A_279 : i32
      %scan3A_281 = arith.constant 1 : i32
      %scan3A_282 = scf.for %scan3A_422 = %scan3A_278 to %scan3A_280 step %scan3A_281 iter_args(%scan3A_423 = %scan3A_277) -> (i32)  : i32 {
        %mul3A_424 = arith.constant 16 : i32
        %mul3A_425 = arith.muli %scan3A_422, %mul3A_424 : i32
        %mul3A_426 = arith.constant 16 : i32
        %mul3A_427 = arith.muli %scan3A_422, %mul3A_426 : i32
        %add3A_428 = arith.constant 2000 : i32
        %add3A_429 = arith.addi %add3A_428, %mul3A_427 : i32
        %get3A = arith.index_cast %mul3A_425 : i32 to index
        %get3A_430 = tpu.vector_load %arg31[%get3A] {strides = array<i32>} : memref<4000xf32, #tpu.memory_space<vmem>>, vector<16xf32>,
        %get3A_431 = arith.index_cast %mul3A_425 : i32 to index
        %get3A_432 = tpu.vector_load %arg33[%get3A_431] {strides = array<i32>} : memref<4000xf32, #tpu.memory_space<vmem>>, vector<16xf32>,
        %get3A_433 = arith.index_cast %add3A_429 : i32 to index
        %get3A_434 = tpu.vector_load %arg31[%get3A_433] {strides = array<i32>} : memref<4000xf32, #tpu.memory_space<vmem>>, vector<16xf32>,
        %get3A_435 = arith.index_cast %add3A_429 : i32 to index
        %get3A_436 = tpu.vector_load %arg33[%get3A_435] {strides = array<i32>} : memref<4000xf32, #tpu.memory_space<vmem>>, vector<16xf32>,
        %get3A_437 = arith.index_cast %mul3A_425 : i32 to index
        %get3A_438 = tpu.vector_load %arg35[%get3A_437] {strides = array<i32>} : memref<4000xf32, #tpu.memory_space<vmem>>, vector<16xf32>,
        %get3A_439 = arith.index_cast %mul3A_425 : i32 to index
        %get3A_440 = tpu.vector_load %arg37[%get3A_439] {strides = array<i32>} : memref<4000xf32, #tpu.memory_space<vmem>>, vector<16xf32>,
        %get3A_441 = arith.index_cast %mul3A_425 : i32 to index
        %get3A_442 = tpu.vector_load %arg39[%get3A_441] {strides = array<i32>} : memref<4000xf32, #tpu.memory_space<vmem>>, vector<16xf32>,
        %get3A_443 = arith.index_cast %add3A_429 : i32 to index
        %get3A_444 = tpu.vector_load %arg35[%get3A_443] {strides = array<i32>} : memref<4000xf32, #tpu.memory_space<vmem>>, vector<16xf32>,
        %get3A_445 = arith.index_cast %add3A_429 : i32 to index
        %get3A_446 = tpu.vector_load %arg37[%get3A_445] {strides = array<i32>} : memref<4000xf32, #tpu.memory_space<vmem>>, vector<16xf32>,
        %get3A_447 = arith.index_cast %add3A_429 : i32 to index
        %get3A_448 = tpu.vector_load %arg39[%get3A_447] {strides = array<i32>} : memref<4000xf32, #tpu.memory_space<vmem>>, vector<16xf32>,
        %get3A_449 = arith.index_cast %mul3A_425 : i32 to index
        %get3A_450 = tpu.vector_load %arg25[%get3A_449] {strides = array<i32>} : memref<2000xf32, #tpu.memory_space<vmem>>, vector<16xf32>,
        %get3A_451 = arith.index_cast %mul3A_425 : i32 to index
        %get3A_452 = tpu.vector_load %arg27[%get3A_451] {strides = array<i32>} : memref<2000xf32, #tpu.memory_space<vmem>>, vector<16xf32>,
        %get3A_453 = arith.index_cast %mul3A_425 : i32 to index
        %get3A_454 = tpu.vector_load %arg29[%get3A_453] {strides = array<i32>} : memref<2000xf32, #tpu.memory_space<vmem>>, vector<16xf32>,
        %sub3A = arith.subf %get3A_434, %get3A_430 : vector<16xf32>
        %sub3A_455 = arith.subf %get3A_436, %get3A_432 : vector<16xf32>
        %mul3A_456 = arith.mulf %sub3A, %sub3A : vector<16xf32>
        %mul3A_457 = arith.mulf %sub3A_455, %sub3A_455 : vector<16xf32>
        %add3A_458 = arith.addf %mul3A_456, %mul3A_457 : vector<16xf32>
        %add3A_459 = arith.constant 1.000000e-10 : f32
        %add3A_460 = vector.broadcast %add3A_459 : f32 to vector<16xf32>
        %add3A_461 = arith.addf %add3A_458, %add3A_460 : vector<16xf32>
        %bitcast_convert_type3A = tpu.bitcast %add3A_461 : vector<16xf32> -> vector<16xi32>
        %shift_right_arithmetic3A = arith.constant 1 : i32
        %shift_right_arithmetic3A_462 = vector.broadcast %shift_right_arithmetic3A : i32 to vector<16xi32>
        %shift_right_arithmetic3A_463 = arith.shrsi %bitcast_convert_type3A, %shift_right_arithmetic3A_462 : vector<16xi32>
        %sub3A_464 = arith.constant 1597463007 : i32
        %sub3A_465 = vector.broadcast %sub3A_464 : i32 to vector<16xi32>
        %sub3A_466 = arith.subi %sub3A_465, %shift_right_arithmetic3A_463 : vector<16xi32>
        %bitcast_convert_type3A_467 = tpu.bitcast %sub3A_466 : vector<16xi32> -> vector<16xf32>
        %mul3A_468 = arith.constant 5.000000e-01 : f32
        %mul3A_469 = vector.broadcast %mul3A_468 : f32 to vector<16xf32>
        %mul3A_470 = arith.mulf %add3A_461, %mul3A_469 : vector<16xf32>
        %mul3A_471 = arith.mulf %mul3A_470, %bitcast_convert_type3A_467 : vector<16xf32>
        %mul3A_472 = arith.mulf %mul3A_471, %bitcast_convert_type3A_467 : vector<16xf32>
        %sub3A_473 = arith.constant 1.500000e+00 : f32
        %sub3A_474 = vector.broadcast %sub3A_473 : f32 to vector<16xf32>
        %sub3A_475 = arith.subf %sub3A_474, %mul3A_472 : vector<16xf32>
        %mul3A_476 = arith.mulf %bitcast_convert_type3A_467, %sub3A_475 : vector<16xf32>
        %mul3A_477 = arith.mulf %mul3A_470, %mul3A_476 : vector<16xf32>
        %mul3A_478 = arith.mulf %mul3A_477, %mul3A_476 : vector<16xf32>
        %sub3A_479 = arith.constant 1.500000e+00 : f32
        %sub3A_480 = vector.broadcast %sub3A_479 : f32 to vector<16xf32>
        %sub3A_481 = arith.subf %sub3A_480, %mul3A_478 : vector<16xf32>
        %mul3A_482 = arith.mulf %mul3A_476, %sub3A_481 : vector<16xf32>
        %mul3A_483 = arith.mulf %add3A_461, %mul3A_482 : vector<16xf32>
        %add3A_484 = arith.constant 1.000000e-10 : f32
        %add3A_485 = vector.broadcast %add3A_484 : f32 to vector<16xf32>
        %add3A_486 = arith.addf %mul3A_483, %add3A_485 : vector<16xf32>
        %div3A = arith.constant 1.000000e+00 : f32
        %div3A_487 = vector.broadcast %div3A : f32 to vector<16xf32>
        %div3A_488 = arith.divf %div3A_487, %add3A_486 : vector<16xf32>
        %mul3A_489 = arith.mulf %mul3A_483, %mul3A_483 : vector<16xf32>
        %add3A_490 = arith.constant 1.000000e-10 : f32
        %add3A_491 = vector.broadcast %add3A_490 : f32 to vector<16xf32>
        %add3A_492 = arith.addf %mul3A_489, %add3A_491 : vector<16xf32>
        %div3A_493 = arith.constant 1.000000e+00 : f32
        %div3A_494 = vector.broadcast %div3A_493 : f32 to vector<16xf32>
        %div3A_495 = arith.divf %div3A_494, %add3A_492 : vector<16xf32>
        %mul3A_496 = arith.mulf %mul3A_489, %mul3A_483 : vector<16xf32>
        %add3A_497 = arith.constant 1.000000e-10 : f32
        %add3A_498 = vector.broadcast %add3A_497 : f32 to vector<16xf32>
        %add3A_499 = arith.addf %mul3A_496, %add3A_498 : vector<16xf32>
        %div3A_500 = arith.constant 1.000000e+00 : f32
        %div3A_501 = vector.broadcast %div3A_500 : f32 to vector<16xf32>
        %div3A_502 = arith.divf %div3A_501, %add3A_499 : vector<16xf32>
        %mul3A_503 = arith.mulf %sub3A, %div3A_488 : vector<16xf32>
        %mul3A_504 = arith.mulf %sub3A_455, %div3A_488 : vector<16xf32>
        %mul3A_505 = arith.mulf %get3A_450, %get3A_452 : vector<16xf32>
        %mul3A_506 = arith.mulf %get3A_450, %get3A_454 : vector<16xf32>
        %mul3A_507 = arith.mulf %mul3A_505, %div3A_488 : vector<16xf32>
        %mul3A_508 = arith.mulf %mul3A_506, %div3A_488 : vector<16xf32>
        %mul3A_509 = arith.mulf %mul3A_506, %div3A_495 : vector<16xf32>
        %mul3A_510 = arith.mulf %mul3A_506, %div3A_502 : vector<16xf32>
        %neg3A = arith.constant 0.000000e+00 : f32
        %neg3A_511 = vector.broadcast %neg3A : f32 to vector<16xf32>
        %neg3A_512 = arith.subf %neg3A_511, %get3A_442 : vector<16xf32>
        %neg3A_513 = arith.constant 0.000000e+00 : f32
        %neg3A_514 = vector.broadcast %neg3A_513 : f32 to vector<16xf32>
        %neg3A_515 = arith.subf %neg3A_514, %get3A_448 : vector<16xf32>
        %mul3A_516 = arith.mulf %mul3A_503, %get3A_438 : vector<16xf32>
        %mul3A_517 = arith.mulf %mul3A_504, %get3A_440 : vector<16xf32>
        %add3A_518 = arith.addf %mul3A_516, %mul3A_517 : vector<16xf32>
        %mul3A_519 = arith.mulf %mul3A_503, %get3A_440 : vector<16xf32>
        %mul3A_520 = arith.mulf %mul3A_504, %get3A_438 : vector<16xf32>
        %sub3A_521 = arith.subf %mul3A_519, %mul3A_520 : vector<16xf32>
        %mul3A_522 = arith.mulf %mul3A_503, %get3A_444 : vector<16xf32>
        %mul3A_523 = arith.mulf %mul3A_504, %get3A_446 : vector<16xf32>
        %add3A_524 = arith.addf %mul3A_522, %mul3A_523 : vector<16xf32>
        %mul3A_525 = arith.mulf %mul3A_503, %get3A_446 : vector<16xf32>
        %mul3A_526 = arith.mulf %mul3A_504, %get3A_444 : vector<16xf32>
        %sub3A_527 = arith.subf %mul3A_525, %mul3A_526 : vector<16xf32>
        %sub3A_528 = arith.subf %add3A_518, %add3A_524 : vector<16xf32>
        %sub3A_529 = arith.subf %sub3A_521, %sub3A_527 : vector<16xf32>
        %add3A_530 = arith.addf %neg3A_512, %neg3A_515 : vector<16xf32>
        %mul3A_531 = arith.mulf %mul3A_507, %sub3A_528 : vector<16xf32>
        %mul3A_532 = arith.constant 1.200000e+01 : f32
        %mul3A_533 = vector.broadcast %mul3A_532 : f32 to vector<16xf32>
        %mul3A_534 = arith.mulf %mul3A_533, %mul3A_510 : vector<16xf32>
        %mul3A_535 = arith.mulf %mul3A_534, %sub3A_529 : vector<16xf32>
        %mul3A_536 = arith.constant 6.000000e+00 : f32
        %mul3A_537 = vector.broadcast %mul3A_536 : f32 to vector<16xf32>
        %mul3A_538 = arith.mulf %mul3A_537, %mul3A_509 : vector<16xf32>
        %mul3A_539 = arith.mulf %mul3A_538, %add3A_530 : vector<16xf32>
        %add3A_540 = arith.addf %mul3A_535, %mul3A_539 : vector<16xf32>
        %mul3A_541 = arith.constant 6.000000e+00 : f32
        %mul3A_542 = vector.broadcast %mul3A_541 : f32 to vector<16xf32>
        %mul3A_543 = arith.mulf %mul3A_542, %mul3A_509 : vector<16xf32>
        %mul3A_544 = arith.mulf %mul3A_543, %sub3A_529 : vector<16xf32>
        %mul3A_545 = arith.constant 4.000000e+00 : f32
        %mul3A_546 = vector.broadcast %mul3A_545 : f32 to vector<16xf32>
        %mul3A_547 = arith.mulf %mul3A_546, %neg3A_512 : vector<16xf32>
        %mul3A_548 = arith.constant 2.000000e+00 : f32
        %mul3A_549 = vector.broadcast %mul3A_548 : f32 to vector<16xf32>
        %mul3A_550 = arith.mulf %mul3A_549, %neg3A_515 : vector<16xf32>
        %add3A_551 = arith.addf %mul3A_547, %mul3A_550 : vector<16xf32>
        %mul3A_552 = arith.mulf %mul3A_508, %add3A_551 : vector<16xf32>
        %add3A_553 = arith.addf %mul3A_544, %mul3A_552 : vector<16xf32>
        %mul3A_554 = arith.constant 2.000000e+00 : f32
        %mul3A_555 = vector.broadcast %mul3A_554 : f32 to vector<16xf32>
        %mul3A_556 = arith.mulf %mul3A_555, %neg3A_512 : vector<16xf32>
        %mul3A_557 = arith.constant 4.000000e+00 : f32
        %mul3A_558 = vector.broadcast %mul3A_557 : f32 to vector<16xf32>
        %mul3A_559 = arith.mulf %mul3A_558, %neg3A_515 : vector<16xf32>
        %add3A_560 = arith.addf %mul3A_556, %mul3A_559 : vector<16xf32>
        %mul3A_561 = arith.mulf %mul3A_508, %add3A_560 : vector<16xf32>
        %add3A_562 = arith.addf %mul3A_544, %mul3A_561 : vector<16xf32>
        %mul3A_563 = arith.mulf %mul3A_503, %mul3A_531 : vector<16xf32>
        %mul3A_564 = arith.mulf %mul3A_504, %add3A_540 : vector<16xf32>
        %sub3A_565 = arith.subf %mul3A_563, %mul3A_564 : vector<16xf32>
        %mul3A_566 = arith.mulf %mul3A_504, %mul3A_531 : vector<16xf32>
        %mul3A_567 = arith.mulf %mul3A_503, %add3A_540 : vector<16xf32>
        %add3A_568 = arith.addf %mul3A_566, %mul3A_567 : vector<16xf32>
        %swap3A = arith.index_cast %mul3A_425 : i32 to index
        %swap3A_569 = tpu.vector_load %arg40[%swap3A] {strides = array<i32>} : memref<4000xf32, #tpu.memory_space<vmem>>, vector<16xf32>,
        tpu.vector_store %arg40[%swap3A], %sub3A_565 {strides = array<i32>} : memref<4000xf32, #tpu.memory_space<vmem>>, vector<16xf32>,
        %swap3A_570 = arith.index_cast %mul3A_425 : i32 to index
        %swap3A_571 = tpu.vector_load %arg41[%swap3A_570] {strides = array<i32>} : memref<4000xf32, #tpu.memory_space<vmem>>, vector<16xf32>,
        tpu.vector_store %arg41[%swap3A_570], %add3A_568 {strides = array<i32>} : memref<4000xf32, #tpu.memory_space<vmem>>, vector<16xf32>,
        %swap3A_572 = arith.index_cast %mul3A_425 : i32 to index
        %swap3A_573 = tpu.vector_load %arg42[%swap3A_572] {strides = array<i32>} : memref<4000xf32, #tpu.memory_space<vmem>>, vector<16xf32>,
        tpu.vector_store %arg42[%swap3A_572], %add3A_553 {strides = array<i32>} : memref<4000xf32, #tpu.memory_space<vmem>>, vector<16xf32>,
        %neg3A_574 = arith.constant 0.000000e+00 : f32
        %neg3A_575 = vector.broadcast %neg3A_574 : f32 to vector<16xf32>
        %neg3A_576 = arith.subf %neg3A_575, %sub3A_565 : vector<16xf32>
        %swap3A_577 = arith.index_cast %add3A_429 : i32 to index
        %swap3A_578 = tpu.vector_load %arg40[%swap3A_577] {strides = array<i32>} : memref<4000xf32, #tpu.memory_space<vmem>>, vector<16xf32>,
        tpu.vector_store %arg40[%swap3A_577], %neg3A_576 {strides = array<i32>} : memref<4000xf32, #tpu.memory_space<vmem>>, vector<16xf32>,
        %neg3A_579 = arith.constant 0.000000e+00 : f32
        %neg3A_580 = vector.broadcast %neg3A_579 : f32 to vector<16xf32>
        %neg3A_581 = arith.subf %neg3A_580, %add3A_568 : vector<16xf32>
        %swap3A_582 = arith.index_cast %add3A_429 : i32 to index
        %swap3A_583 = tpu.vector_load %arg41[%swap3A_582] {strides = array<i32>} : memref<4000xf32, #tpu.memory_space<vmem>>, vector<16xf32>,
        tpu.vector_store %arg41[%swap3A_582], %neg3A_581 {strides = array<i32>} : memref<4000xf32, #tpu.memory_space<vmem>>, vector<16xf32>,
        %swap3A_584 = arith.index_cast %add3A_429 : i32 to index
        %swap3A_585 = tpu.vector_load %arg42[%swap3A_584] {strides = array<i32>} : memref<4000xf32, #tpu.memory_space<vmem>>, vector<16xf32>,
        tpu.vector_store %arg42[%swap3A_584], %add3A_562 {strides = array<i32>} : memref<4000xf32, #tpu.memory_space<vmem>>, vector<16xf32>,
        %scan3A_586 = arith.constant 0 : i32
        scf.yield %scan3A_586 : i32
      }
      %scan3A_283 = arith.constant 125 : i32
      %dma_start3A_284 = arith.constant 0 : i32
      %dma_start3A_285 = tpu.memref_slice %arg19[%dma_start3A_284] : memref<100000xf32, #tpu.memory_space<vmem_shared>> -> memref<100000xf32, #tpu.memory_space<vmem_shared>>
      tpu.enqueue_indirect_dma source(%arg40 : memref<4000xf32, #tpu.memory_space<vmem>>) target(%dma_start3A_285 : memref<100000xf32, #tpu.memory_space<vmem_shared>>) offsets(%arg23 : memref<4000xi32, #tpu.memory_space<vmem>>) semaphore(%arg46 : memref<!tpu.dma_semaphore, #tpu.memory_space<semaphore_mem>>) {add = true}
      %dma_start3A_286 = arith.constant 0 : i32
      %dma_start3A_287 = tpu.memref_slice %arg20[%dma_start3A_286] : memref<100000xf32, #tpu.memory_space<vmem_shared>> -> memref<100000xf32, #tpu.memory_space<vmem_shared>>
      tpu.enqueue_indirect_dma source(%arg41 : memref<4000xf32, #tpu.memory_space<vmem>>) target(%dma_start3A_287 : memref<100000xf32, #tpu.memory_space<vmem_shared>>) offsets(%arg23 : memref<4000xi32, #tpu.memory_space<vmem>>) semaphore(%arg46 : memref<!tpu.dma_semaphore, #tpu.memory_space<semaphore_mem>>) {add = true}
      %dma_start3A_288 = arith.constant 0 : i32
      %dma_start3A_289 = tpu.memref_slice %arg21[%dma_start3A_288] : memref<100000xf32, #tpu.memory_space<vmem_shared>> -> memref<100000xf32, #tpu.memory_space<vmem_shared>>
      tpu.enqueue_indirect_dma source(%arg42 : memref<4000xf32, #tpu.memory_space<vmem>>) target(%dma_start3A_289 : memref<100000xf32, #tpu.memory_space<vmem_shared>>) offsets(%arg23 : memref<4000xi32, #tpu.memory_space<vmem>>) semaphore(%arg46 : memref<!tpu.dma_semaphore, #tpu.memory_space<semaphore_mem>>) {add = true}
      %add3A_290 = arith.constant 1 : i32
      %add3A_291 = arith.addi %add3A_234, %add3A_290 : i32
      %mul3A_292 = arith.constant 200000 : i32
      %mul3A_293 = arith.muli %add3A, %mul3A_292 : i32
      %mul3A_294 = arith.constant 2000 : i32
      %mul3A_295 = arith.muli %add3A_291, %mul3A_294 : i32
      %add3A_296 = arith.addi %mul3A_293, %mul3A_295 : i32
      %multiple_of3A_297 = tpu.assume_multiple %add3A_296, 8 : i32
      %dma_wait3A_298 = arith.constant 0 : i32
      %dma_wait3A_299 = tpu.memref_slice %arg22[%dma_wait3A_298] : memref<4000xi32, #tpu.memory_space<vmem>> -> memref<2000xi32, #tpu.memory_space<vmem>>
      %dma_wait3A_300 = tpu.memref_slice %arg2[%multiple_of3A_297] : memref<6400000xi32, #tpu.memory_space<hbm>> -> memref<2000xi32, #tpu.memory_space<hbm>>
      %dma_wait3A_301 = arith.constant 0 : i32
      %dma_wait3A_302 = tpu.memref_slice %arg22[%dma_wait3A_301] : memref<4000xi32, #tpu.memory_space<vmem>> -> memref<2000xi32, #tpu.memory_space<vmem>>
      %dma_wait3A_303 = tpu.memref_slice %arg2[%multiple_of3A_297] : memref<6400000xi32, #tpu.memory_space<hbm>> -> memref<2000xi32, #tpu.memory_space<hbm>>
      tpu.wait_dma2 semaphore(%arg44 : memref<!tpu.dma_semaphore, #tpu.memory_space<semaphore_mem>>) src(%dma_wait3A_303 : memref<2000xi32, #tpu.memory_space<hbm>>) dst(%dma_wait3A_302 : memref<2000xi32, #tpu.memory_space<vmem>>)
      %dma_wait3A_304 = arith.constant 2000 : i32
      %dma_wait3A_305 = tpu.memref_slice %arg22[%dma_wait3A_304] : memref<4000xi32, #tpu.memory_space<vmem>> -> memref<2000xi32, #tpu.memory_space<vmem>>
      %dma_wait3A_306 = tpu.memref_slice %arg3[%multiple_of3A_297] : memref<6400000xi32, #tpu.memory_space<hbm>> -> memref<2000xi32, #tpu.memory_space<hbm>>
      %dma_wait3A_307 = arith.constant 2000 : i32
      %dma_wait3A_308 = tpu.memref_slice %arg22[%dma_wait3A_307] : memref<4000xi32, #tpu.memory_space<vmem>> -> memref<2000xi32, #tpu.memory_space<vmem>>
      %dma_wait3A_309 = tpu.memref_slice %arg3[%multiple_of3A_297] : memref<6400000xi32, #tpu.memory_space<hbm>> -> memref<2000xi32, #tpu.memory_space<hbm>>
      tpu.wait_dma2 semaphore(%arg44 : memref<!tpu.dma_semaphore, #tpu.memory_space<semaphore_mem>>) src(%dma_wait3A_309 : memref<2000xi32, #tpu.memory_space<hbm>>) dst(%dma_wait3A_308 : memref<2000xi32, #tpu.memory_space<vmem>>)
      %dma_wait3A_310 = tpu.memref_slice %arg4[%multiple_of3A_297] : memref<6400000xf32, #tpu.memory_space<hbm>> -> memref<2000xf32, #tpu.memory_space<hbm>>
      %dma_wait3A_311 = tpu.memref_slice %arg4[%multiple_of3A_297] : memref<6400000xf32, #tpu.memory_space<hbm>> -> memref<2000xf32, #tpu.memory_space<hbm>>
      tpu.wait_dma2 semaphore(%arg44 : memref<!tpu.dma_semaphore, #tpu.memory_space<semaphore_mem>>) src(%dma_wait3A_311 : memref<2000xf32, #tpu.memory_space<hbm>>) dst(%arg24 : memref<2000xf32, #tpu.memory_space<vmem>>)
      %dma_wait3A_312 = tpu.memref_slice %arg5[%multiple_of3A_297] : memref<6400000xf32, #tpu.memory_space<hbm>> -> memref<2000xf32, #tpu.memory_space<hbm>>
      %dma_wait3A_313 = tpu.memref_slice %arg5[%multiple_of3A_297] : memref<6400000xf32, #tpu.memory_space<hbm>> -> memref<2000xf32, #tpu.memory_space<hbm>>
      tpu.wait_dma2 semaphore(%arg44 : memref<!tpu.dma_semaphore, #tpu.memory_space<semaphore_mem>>) src(%dma_wait3A_313 : memref<2000xf32, #tpu.memory_space<hbm>>) dst(%arg26 : memref<2000xf32, #tpu.memory_space<vmem>>)
      %dma_wait3A_314 = tpu.memref_slice %arg6[%multiple_of3A_297] : memref<6400000xf32, #tpu.memory_space<hbm>> -> memref<2000xf32, #tpu.memory_space<hbm>>
      %dma_wait3A_315 = tpu.memref_slice %arg6[%multiple_of3A_297] : memref<6400000xf32, #tpu.memory_space<hbm>> -> memref<2000xf32, #tpu.memory_space<hbm>>
      tpu.wait_dma2 semaphore(%arg44 : memref<!tpu.dma_semaphore, #tpu.memory_space<semaphore_mem>>) src(%dma_wait3A_315 : memref<2000xf32, #tpu.memory_space<hbm>>) dst(%arg28 : memref<2000xf32, #tpu.memory_space<vmem>>)
      %dma_start3A_316 = arith.constant 0 : i32
      %dma_start3A_317 = tpu.memref_slice %arg14[%dma_start3A_316] : memref<100000xf32, #tpu.memory_space<vmem_shared>> -> memref<100000xf32, #tpu.memory_space<vmem_shared>>
      tpu.enqueue_indirect_dma source(%dma_start3A_317 : memref<100000xf32, #tpu.memory_space<vmem_shared>>) target(%arg30 : memref<4000xf32, #tpu.memory_space<vmem>>) offsets(%arg22 : memref<4000xi32, #tpu.memory_space<vmem>>) semaphore(%arg45 : memref<!tpu.dma_semaphore, #tpu.memory_space<semaphore_mem>>)
      %dma_start3A_318 = arith.constant 0 : i32
      %dma_start3A_319 = tpu.memref_slice %arg15[%dma_start3A_318] : memref<100000xf32, #tpu.memory_space<vmem_shared>> -> memref<100000xf32, #tpu.memory_space<vmem_shared>>
      tpu.enqueue_indirect_dma source(%dma_start3A_319 : memref<100000xf32, #tpu.memory_space<vmem_shared>>) target(%arg32 : memref<4000xf32, #tpu.memory_space<vmem>>) offsets(%arg22 : memref<4000xi32, #tpu.memory_space<vmem>>) semaphore(%arg45 : memref<!tpu.dma_semaphore, #tpu.memory_space<semaphore_mem>>)
      %dma_start3A_320 = arith.constant 0 : i32
      %dma_start3A_321 = tpu.memref_slice %arg16[%dma_start3A_320] : memref<100000xf32, #tpu.memory_space<vmem_shared>> -> memref<100000xf32, #tpu.memory_space<vmem_shared>>
      tpu.enqueue_indirect_dma source(%dma_start3A_321 : memref<100000xf32, #tpu.memory_space<vmem_shared>>) target(%arg34 : memref<4000xf32, #tpu.memory_space<vmem>>) offsets(%arg22 : memref<4000xi32, #tpu.memory_space<vmem>>) semaphore(%arg45 : memref<!tpu.dma_semaphore, #tpu.memory_space<semaphore_mem>>)
      %dma_start3A_322 = arith.constant 0 : i32
      %dma_start3A_323 = tpu.memref_slice %arg17[%dma_start3A_322] : memref<100000xf32, #tpu.memory_space<vmem_shared>> -> memref<100000xf32, #tpu.memory_space<vmem_shared>>
      tpu.enqueue_indirect_dma source(%dma_start3A_323 : memref<100000xf32, #tpu.memory_space<vmem_shared>>) target(%arg36 : memref<4000xf32, #tpu.memory_space<vmem>>) offsets(%arg22 : memref<4000xi32, #tpu.memory_space<vmem>>) semaphore(%arg45 : memref<!tpu.dma_semaphore, #tpu.memory_space<semaphore_mem>>)
      %dma_start3A_324 = arith.constant 0 : i32
      %dma_start3A_325 = tpu.memref_slice %arg18[%dma_start3A_324] : memref<100000xf32, #tpu.memory_space<vmem_shared>> -> memref<100000xf32, #tpu.memory_space<vmem_shared>>
      tpu.enqueue_indirect_dma source(%dma_start3A_325 : memref<100000xf32, #tpu.memory_space<vmem_shared>>) target(%arg38 : memref<4000xf32, #tpu.memory_space<vmem>>) offsets(%arg22 : memref<4000xi32, #tpu.memory_space<vmem>>) semaphore(%arg45 : memref<!tpu.dma_semaphore, #tpu.memory_space<semaphore_mem>>)
      %mul3A_326 = arith.constant 2 : i32
      %mul3A_327 = arith.muli %mul3A_326, %scan3A_229 : i32
      %add3A_328 = arith.constant 2 : i32
      %add3A_329 = arith.addi %mul3A_327, %add3A_328 : i32
      %dma_wait3A_330 = arith.constant 0 : i32
      %dma_wait3A_331 = tpu.memref_slice %arg19[%dma_wait3A_330] : memref<100000xf32, #tpu.memory_space<vmem_shared>> -> memref<100000xf32, #tpu.memory_space<vmem_shared>>
      tpu.wait_indirect_dma semaphore(%arg46 : memref<!tpu.dma_semaphore, #tpu.memory_space<semaphore_mem>>) src(%arg40 : memref<4000xf32, #tpu.memory_space<vmem>>) dst(%dma_wait3A_331 : memref<100000xf32, #tpu.memory_space<vmem_shared>>)
      %dma_wait3A_332 = arith.constant 0 : i32
      %dma_wait3A_333 = tpu.memref_slice %arg20[%dma_wait3A_332] : memref<100000xf32, #tpu.memory_space<vmem_shared>> -> memref<100000xf32, #tpu.memory_space<vmem_shared>>
      tpu.wait_indirect_dma semaphore(%arg46 : memref<!tpu.dma_semaphore, #tpu.memory_space<semaphore_mem>>) src(%arg41 : memref<4000xf32, #tpu.memory_space<vmem>>) dst(%dma_wait3A_333 : memref<100000xf32, #tpu.memory_space<vmem_shared>>)
      %dma_wait3A_334 = arith.constant 0 : i32
      %dma_wait3A_335 = tpu.memref_slice %arg21[%dma_wait3A_334] : memref<100000xf32, #tpu.memory_space<vmem_shared>> -> memref<100000xf32, #tpu.memory_space<vmem_shared>>
      tpu.wait_indirect_dma semaphore(%arg46 : memref<!tpu.dma_semaphore, #tpu.memory_space<semaphore_mem>>) src(%arg42 : memref<4000xf32, #tpu.memory_space<vmem>>) dst(%dma_wait3A_335 : memref<100000xf32, #tpu.memory_space<vmem_shared>>)
      %add3A_336 = arith.constant 1 : i32
      %add3A_337 = arith.addi %add3A_329, %add3A_336 : i32
      %mul3A_338 = arith.constant 200000 : i32
      %mul3A_339 = arith.muli %add3A, %mul3A_338 : i32
      %mul3A_340 = arith.constant 2000 : i32
      %mul3A_341 = arith.muli %add3A_337, %mul3A_340 : i32
      %add3A_342 = arith.addi %mul3A_339, %mul3A_341 : i32
      %multiple_of3A_343 = tpu.assume_multiple %add3A_342, 8 : i32
      %dma_start3A_344 = arith.constant 0 : i32
      %dma_start3A_345 = tpu.memref_slice %arg23[%dma_start3A_344] : memref<4000xi32, #tpu.memory_space<vmem>> -> memref<2000xi32, #tpu.memory_space<vmem>>
      %dma_start3A_346 = tpu.memref_slice %arg2[%multiple_of3A_343] : memref<6400000xi32, #tpu.memory_space<hbm>> -> memref<2000xi32, #tpu.memory_space<hbm>>
      %dma_start3A_347 = arith.constant 0 : i32
      %dma_start3A_348 = tpu.memref_slice %arg23[%dma_start3A_347] : memref<4000xi32, #tpu.memory_space<vmem>> -> memref<2000xi32, #tpu.memory_space<vmem>>
      %dma_start3A_349 = tpu.memref_slice %arg2[%multiple_of3A_343] : memref<6400000xi32, #tpu.memory_space<hbm>> -> memref<2000xi32, #tpu.memory_space<hbm>>
      tpu.enqueue_dma source(%dma_start3A_349 : memref<2000xi32, #tpu.memory_space<hbm>>) target(%dma_start3A_348 : memref<2000xi32, #tpu.memory_space<vmem>>) target_semaphore(%arg44 : memref<!tpu.dma_semaphore, #tpu.memory_space<semaphore_mem>>)
      %dma_start3A_350 = arith.constant 2000 : i32
      %dma_start3A_351 = tpu.memref_slice %arg23[%dma_start3A_350] : memref<4000xi32, #tpu.memory_space<vmem>> -> memref<2000xi32, #tpu.memory_space<vmem>>
      %dma_start3A_352 = tpu.memref_slice %arg3[%multiple_of3A_343] : memref<6400000xi32, #tpu.memory_space<hbm>> -> memref<2000xi32, #tpu.memory_space<hbm>>
      %dma_start3A_353 = arith.constant 2000 : i32
      %dma_start3A_354 = tpu.memref_slice %arg23[%dma_start3A_353] : memref<4000xi32, #tpu.memory_space<vmem>> -> memref<2000xi32, #tpu.memory_space<vmem>>
      %dma_start3A_355 = tpu.memref_slice %arg3[%multiple_of3A_343] : memref<6400000xi32, #tpu.memory_space<hbm>> -> memref<2000xi32, #tpu.memory_space<hbm>>
      tpu.enqueue_dma source(%dma_start3A_355 : memref<2000xi32, #tpu.memory_space<hbm>>) target(%dma_start3A_354 : memref<2000xi32, #tpu.memory_space<vmem>>) target_semaphore(%arg44 : memref<!tpu.dma_semaphore, #tpu.memory_space<semaphore_mem>>)
      %dma_start3A_356 = tpu.memref_slice %arg4[%multiple_of3A_343] : memref<6400000xf32, #tpu.memory_space<hbm>> -> memref<2000xf32, #tpu.memory_space<hbm>>
      %dma_start3A_357 = tpu.memref_slice %arg4[%multiple_of3A_343] : memref<6400000xf32, #tpu.memory_space<hbm>> -> memref<2000xf32, #tpu.memory_space<hbm>>
      tpu.enqueue_dma source(%dma_start3A_357 : memref<2000xf32, #tpu.memory_space<hbm>>) target(%arg25 : memref<2000xf32, #tpu.memory_space<vmem>>) target_semaphore(%arg44 : memref<!tpu.dma_semaphore, #tpu.memory_space<semaphore_mem>>)
      %dma_start3A_358 = tpu.memref_slice %arg5[%multiple_of3A_343] : memref<6400000xf32, #tpu.memory_space<hbm>> -> memref<2000xf32, #tpu.memory_space<hbm>>
      %dma_start3A_359 = tpu.memref_slice %arg5[%multiple_of3A_343] : memref<6400000xf32, #tpu.memory_space<hbm>> -> memref<2000xf32, #tpu.memory_space<hbm>>
      tpu.enqueue_dma source(%dma_start3A_359 : memref<2000xf32, #tpu.memory_space<hbm>>) target(%arg27 : memref<2000xf32, #tpu.memory_space<vmem>>) target_semaphore(%arg44 : memref<!tpu.dma_semaphore, #tpu.memory_space<semaphore_mem>>)
      %dma_start3A_360 = tpu.memref_slice %arg6[%multiple_of3A_343] : memref<6400000xf32, #tpu.memory_space<hbm>> -> memref<2000xf32, #tpu.memory_space<hbm>>
      %dma_start3A_361 = tpu.memref_slice %arg6[%multiple_of3A_343] : memref<6400000xf32, #tpu.memory_space<hbm>> -> memref<2000xf32, #tpu.memory_space<hbm>>
      tpu.enqueue_dma source(%dma_start3A_361 : memref<2000xf32, #tpu.memory_space<hbm>>) target(%arg29 : memref<2000xf32, #tpu.memory_space<vmem>>) target_semaphore(%arg44 : memref<!tpu.dma_semaphore, #tpu.memory_space<semaphore_mem>>)
      %dma_wait3A_362 = arith.constant 0 : i32
      %dma_wait3A_363 = tpu.memref_slice %arg14[%dma_wait3A_362] : memref<100000xf32, #tpu.memory_space<vmem_shared>> -> memref<100000xf32, #tpu.memory_space<vmem_shared>>
      tpu.wait_indirect_dma semaphore(%arg45 : memref<!tpu.dma_semaphore, #tpu.memory_space<semaphore_mem>>) src(%dma_wait3A_363 : memref<100000xf32, #tpu.memory_space<vmem_shared>>) dst(%arg30 : memref<4000xf32, #tpu.memory_space<vmem>>)
      %dma_wait3A_364 = arith.constant 0 : i32
      %dma_wait3A_365 = tpu.memref_slice %arg15[%dma_wait3A_364] : memref<100000xf32, #tpu.memory_space<vmem_shared>> -> memref<100000xf32, #tpu.memory_space<vmem_shared>>
      tpu.wait_indirect_dma semaphore(%arg45 : memref<!tpu.dma_semaphore, #tpu.memory_space<semaphore_mem>>) src(%dma_wait3A_365 : memref<100000xf32, #tpu.memory_space<vmem_shared>>) dst(%arg32 : memref<4000xf32, #tpu.memory_space<vmem>>)
      %dma_wait3A_366 = arith.constant 0 : i32
      %dma_wait3A_367 = tpu.memref_slice %arg16[%dma_wait3A_366] : memref<100000xf32, #tpu.memory_space<vmem_shared>> -> memref<100000xf32, #tpu.memory_space<vmem_shared>>
      tpu.wait_indirect_dma semaphore(%arg45 : memref<!tpu.dma_semaphore, #tpu.memory_space<semaphore_mem>>) src(%dma_wait3A_367 : memref<100000xf32, #tpu.memory_space<vmem_shared>>) dst(%arg34 : memref<4000xf32, #tpu.memory_space<vmem>>)
      %dma_wait3A_368 = arith.constant 0 : i32
      %dma_wait3A_369 = tpu.memref_slice %arg17[%dma_wait3A_368] : memref<100000xf32, #tpu.memory_space<vmem_shared>> -> memref<100000xf32, #tpu.memory_space<vmem_shared>>
      tpu.wait_indirect_dma semaphore(%arg45 : memref<!tpu.dma_semaphore, #tpu.memory_space<semaphore_mem>>) src(%dma_wait3A_369 : memref<100000xf32, #tpu.memory_space<vmem_shared>>) dst(%arg36 : memref<4000xf32, #tpu.memory_space<vmem>>)
      %dma_wait3A_370 = arith.constant 0 : i32
      %dma_wait3A_371 = tpu.memref_slice %arg18[%dma_wait3A_370] : memref<100000xf32, #tpu.memory_space<vmem_shared>> -> memref<100000xf32, #tpu.memory_space<vmem_shared>>
      tpu.wait_indirect_dma semaphore(%arg45 : memref<!tpu.dma_semaphore, #tpu.memory_space<semaphore_mem>>) src(%dma_wait3A_371 : memref<100000xf32, #tpu.memory_space<vmem_shared>>) dst(%arg38 : memref<4000xf32, #tpu.memory_space<vmem>>)
      %scan3A_372 = arith.constant 0 : i32
      %scan3A_373 = arith.constant 0 : i32
      %scan3A_374 = arith.constant 125 : i32
      %scan3A_375 = arith.addi %scan3A_373, %scan3A_374 : i32
      %scan3A_376 = arith.constant 1 : i32
      %scan3A_377 = scf.for %scan3A_422 = %scan3A_373 to %scan3A_375 step %scan3A_376 iter_args(%scan3A_423 = %scan3A_372) -> (i32)  : i32 {
        %mul3A_424 = arith.constant 16 : i32
        %mul3A_425 = arith.muli %scan3A_422, %mul3A_424 : i32
        %mul3A_426 = arith.constant 16 : i32
        %mul3A_427 = arith.muli %scan3A_422, %mul3A_426 : i32
        %add3A_428 = arith.constant 2000 : i32
        %add3A_429 = arith.addi %add3A_428, %mul3A_427 : i32
        %get3A = arith.index_cast %mul3A_425 : i32 to index
        %get3A_430 = tpu.vector_load %arg30[%get3A] {strides = array<i32>} : memref<4000xf32, #tpu.memory_space<vmem>>, vector<16xf32>,
        %get3A_431 = arith.index_cast %mul3A_425 : i32 to index
        %get3A_432 = tpu.vector_load %arg32[%get3A_431] {strides = array<i32>} : memref<4000xf32, #tpu.memory_space<vmem>>, vector<16xf32>,
        %get3A_433 = arith.index_cast %add3A_429 : i32 to index
        %get3A_434 = tpu.vector_load %arg30[%get3A_433] {strides = array<i32>} : memref<4000xf32, #tpu.memory_space<vmem>>, vector<16xf32>,
        %get3A_435 = arith.index_cast %add3A_429 : i32 to index
        %get3A_436 = tpu.vector_load %arg32[%get3A_435] {strides = array<i32>} : memref<4000xf32, #tpu.memory_space<vmem>>, vector<16xf32>,
        %get3A_437 = arith.index_cast %mul3A_425 : i32 to index
        %get3A_438 = tpu.vector_load %arg34[%get3A_437] {strides = array<i32>} : memref<4000xf32, #tpu.memory_space<vmem>>, vector<16xf32>,
        %get3A_439 = arith.index_cast %mul3A_425 : i32 to index
        %get3A_440 = tpu.vector_load %arg36[%get3A_439] {strides = array<i32>} : memref<4000xf32, #tpu.memory_space<vmem>>, vector<16xf32>,
        %get3A_441 = arith.index_cast %mul3A_425 : i32 to index
        %get3A_442 = tpu.vector_load %arg38[%get3A_441] {strides = array<i32>} : memref<4000xf32, #tpu.memory_space<vmem>>, vector<16xf32>,
        %get3A_443 = arith.index_cast %add3A_429 : i32 to index
        %get3A_444 = tpu.vector_load %arg34[%get3A_443] {strides = array<i32>} : memref<4000xf32, #tpu.memory_space<vmem>>, vector<16xf32>,
        %get3A_445 = arith.index_cast %add3A_429 : i32 to index
        %get3A_446 = tpu.vector_load %arg36[%get3A_445] {strides = array<i32>} : memref<4000xf32, #tpu.memory_space<vmem>>, vector<16xf32>,
        %get3A_447 = arith.index_cast %add3A_429 : i32 to index
        %get3A_448 = tpu.vector_load %arg38[%get3A_447] {strides = array<i32>} : memref<4000xf32, #tpu.memory_space<vmem>>, vector<16xf32>,
        %get3A_449 = arith.index_cast %mul3A_425 : i32 to index
        %get3A_450 = tpu.vector_load %arg24[%get3A_449] {strides = array<i32>} : memref<2000xf32, #tpu.memory_space<vmem>>, vector<16xf32>,
        %get3A_451 = arith.index_cast %mul3A_425 : i32 to index
        %get3A_452 = tpu.vector_load %arg26[%get3A_451] {strides = array<i32>} : memref<2000xf32, #tpu.memory_space<vmem>>, vector<16xf32>,
        %get3A_453 = arith.index_cast %mul3A_425 : i32 to index
        %get3A_454 = tpu.vector_load %arg28[%get3A_453] {strides = array<i32>} : memref<2000xf32, #tpu.memory_space<vmem>>, vector<16xf32>,
        %sub3A = arith.subf %get3A_434, %get3A_430 : vector<16xf32>
        %sub3A_455 = arith.subf %get3A_436, %get3A_432 : vector<16xf32>
        %mul3A_456 = arith.mulf %sub3A, %sub3A : vector<16xf32>
        %mul3A_457 = arith.mulf %sub3A_455, %sub3A_455 : vector<16xf32>
        %add3A_458 = arith.addf %mul3A_456, %mul3A_457 : vector<16xf32>
        %add3A_459 = arith.constant 1.000000e-10 : f32
        %add3A_460 = vector.broadcast %add3A_459 : f32 to vector<16xf32>
        %add3A_461 = arith.addf %add3A_458, %add3A_460 : vector<16xf32>
        %bitcast_convert_type3A = tpu.bitcast %add3A_461 : vector<16xf32> -> vector<16xi32>
        %shift_right_arithmetic3A = arith.constant 1 : i32
        %shift_right_arithmetic3A_462 = vector.broadcast %shift_right_arithmetic3A : i32 to vector<16xi32>
        %shift_right_arithmetic3A_463 = arith.shrsi %bitcast_convert_type3A, %shift_right_arithmetic3A_462 : vector<16xi32>
        %sub3A_464 = arith.constant 1597463007 : i32
        %sub3A_465 = vector.broadcast %sub3A_464 : i32 to vector<16xi32>
        %sub3A_466 = arith.subi %sub3A_465, %shift_right_arithmetic3A_463 : vector<16xi32>
        %bitcast_convert_type3A_467 = tpu.bitcast %sub3A_466 : vector<16xi32> -> vector<16xf32>
        %mul3A_468 = arith.constant 5.000000e-01 : f32
        %mul3A_469 = vector.broadcast %mul3A_468 : f32 to vector<16xf32>
        %mul3A_470 = arith.mulf %add3A_461, %mul3A_469 : vector<16xf32>
        %mul3A_471 = arith.mulf %mul3A_470, %bitcast_convert_type3A_467 : vector<16xf32>
        %mul3A_472 = arith.mulf %mul3A_471, %bitcast_convert_type3A_467 : vector<16xf32>
        %sub3A_473 = arith.constant 1.500000e+00 : f32
        %sub3A_474 = vector.broadcast %sub3A_473 : f32 to vector<16xf32>
        %sub3A_475 = arith.subf %sub3A_474, %mul3A_472 : vector<16xf32>
        %mul3A_476 = arith.mulf %bitcast_convert_type3A_467, %sub3A_475 : vector<16xf32>
        %mul3A_477 = arith.mulf %mul3A_470, %mul3A_476 : vector<16xf32>
        %mul3A_478 = arith.mulf %mul3A_477, %mul3A_476 : vector<16xf32>
        %sub3A_479 = arith.constant 1.500000e+00 : f32
        %sub3A_480 = vector.broadcast %sub3A_479 : f32 to vector<16xf32>
        %sub3A_481 = arith.subf %sub3A_480, %mul3A_478 : vector<16xf32>
        %mul3A_482 = arith.mulf %mul3A_476, %sub3A_481 : vector<16xf32>
        %mul3A_483 = arith.mulf %add3A_461, %mul3A_482 : vector<16xf32>
        %add3A_484 = arith.constant 1.000000e-10 : f32
        %add3A_485 = vector.broadcast %add3A_484 : f32 to vector<16xf32>
        %add3A_486 = arith.addf %mul3A_483, %add3A_485 : vector<16xf32>
        %div3A = arith.constant 1.000000e+00 : f32
        %div3A_487 = vector.broadcast %div3A : f32 to vector<16xf32>
        %div3A_488 = arith.divf %div3A_487, %add3A_486 : vector<16xf32>
        %mul3A_489 = arith.mulf %mul3A_483, %mul3A_483 : vector<16xf32>
        %add3A_490 = arith.constant 1.000000e-10 : f32
        %add3A_491 = vector.broadcast %add3A_490 : f32 to vector<16xf32>
        %add3A_492 = arith.addf %mul3A_489, %add3A_491 : vector<16xf32>
        %div3A_493 = arith.constant 1.000000e+00 : f32
        %div3A_494 = vector.broadcast %div3A_493 : f32 to vector<16xf32>
        %div3A_495 = arith.divf %div3A_494, %add3A_492 : vector<16xf32>
        %mul3A_496 = arith.mulf %mul3A_489, %mul3A_483 : vector<16xf32>
        %add3A_497 = arith.constant 1.000000e-10 : f32
        %add3A_498 = vector.broadcast %add3A_497 : f32 to vector<16xf32>
        %add3A_499 = arith.addf %mul3A_496, %add3A_498 : vector<16xf32>
        %div3A_500 = arith.constant 1.000000e+00 : f32
        %div3A_501 = vector.broadcast %div3A_500 : f32 to vector<16xf32>
        %div3A_502 = arith.divf %div3A_501, %add3A_499 : vector<16xf32>
        %mul3A_503 = arith.mulf %sub3A, %div3A_488 : vector<16xf32>
        %mul3A_504 = arith.mulf %sub3A_455, %div3A_488 : vector<16xf32>
        %mul3A_505 = arith.mulf %get3A_450, %get3A_452 : vector<16xf32>
        %mul3A_506 = arith.mulf %get3A_450, %get3A_454 : vector<16xf32>
        %mul3A_507 = arith.mulf %mul3A_505, %div3A_488 : vector<16xf32>
        %mul3A_508 = arith.mulf %mul3A_506, %div3A_488 : vector<16xf32>
        %mul3A_509 = arith.mulf %mul3A_506, %div3A_495 : vector<16xf32>
        %mul3A_510 = arith.mulf %mul3A_506, %div3A_502 : vector<16xf32>
        %neg3A = arith.constant 0.000000e+00 : f32
        %neg3A_511 = vector.broadcast %neg3A : f32 to vector<16xf32>
        %neg3A_512 = arith.subf %neg3A_511, %get3A_442 : vector<16xf32>
        %neg3A_513 = arith.constant 0.000000e+00 : f32
        %neg3A_514 = vector.broadcast %neg3A_513 : f32 to vector<16xf32>
        %neg3A_515 = arith.subf %neg3A_514, %get3A_448 : vector<16xf32>
        %mul3A_516 = arith.mulf %mul3A_503, %get3A_438 : vector<16xf32>
        %mul3A_517 = arith.mulf %mul3A_504, %get3A_440 : vector<16xf32>
        %add3A_518 = arith.addf %mul3A_516, %mul3A_517 : vector<16xf32>
        %mul3A_519 = arith.mulf %mul3A_503, %get3A_440 : vector<16xf32>
        %mul3A_520 = arith.mulf %mul3A_504, %get3A_438 : vector<16xf32>
        %sub3A_521 = arith.subf %mul3A_519, %mul3A_520 : vector<16xf32>
        %mul3A_522 = arith.mulf %mul3A_503, %get3A_444 : vector<16xf32>
        %mul3A_523 = arith.mulf %mul3A_504, %get3A_446 : vector<16xf32>
        %add3A_524 = arith.addf %mul3A_522, %mul3A_523 : vector<16xf32>
        %mul3A_525 = arith.mulf %mul3A_503, %get3A_446 : vector<16xf32>
        %mul3A_526 = arith.mulf %mul3A_504, %get3A_444 : vector<16xf32>
        %sub3A_527 = arith.subf %mul3A_525, %mul3A_526 : vector<16xf32>
        %sub3A_528 = arith.subf %add3A_518, %add3A_524 : vector<16xf32>
        %sub3A_529 = arith.subf %sub3A_521, %sub3A_527 : vector<16xf32>
        %add3A_530 = arith.addf %neg3A_512, %neg3A_515 : vector<16xf32>
        %mul3A_531 = arith.mulf %mul3A_507, %sub3A_528 : vector<16xf32>
        %mul3A_532 = arith.constant 1.200000e+01 : f32
        %mul3A_533 = vector.broadcast %mul3A_532 : f32 to vector<16xf32>
        %mul3A_534 = arith.mulf %mul3A_533, %mul3A_510 : vector<16xf32>
        %mul3A_535 = arith.mulf %mul3A_534, %sub3A_529 : vector<16xf32>
        %mul3A_536 = arith.constant 6.000000e+00 : f32
        %mul3A_537 = vector.broadcast %mul3A_536 : f32 to vector<16xf32>
        %mul3A_538 = arith.mulf %mul3A_537, %mul3A_509 : vector<16xf32>
        %mul3A_539 = arith.mulf %mul3A_538, %add3A_530 : vector<16xf32>
        %add3A_540 = arith.addf %mul3A_535, %mul3A_539 : vector<16xf32>
        %mul3A_541 = arith.constant 6.000000e+00 : f32
        %mul3A_542 = vector.broadcast %mul3A_541 : f32 to vector<16xf32>
        %mul3A_543 = arith.mulf %mul3A_542, %mul3A_509 : vector<16xf32>
        %mul3A_544 = arith.mulf %mul3A_543, %sub3A_529 : vector<16xf32>
        %mul3A_545 = arith.constant 4.000000e+00 : f32
        %mul3A_546 = vector.broadcast %mul3A_545 : f32 to vector<16xf32>
        %mul3A_547 = arith.mulf %mul3A_546, %neg3A_512 : vector<16xf32>
        %mul3A_548 = arith.constant 2.000000e+00 : f32
        %mul3A_549 = vector.broadcast %mul3A_548 : f32 to vector<16xf32>
        %mul3A_550 = arith.mulf %mul3A_549, %neg3A_515 : vector<16xf32>
        %add3A_551 = arith.addf %mul3A_547, %mul3A_550 : vector<16xf32>
        %mul3A_552 = arith.mulf %mul3A_508, %add3A_551 : vector<16xf32>
        %add3A_553 = arith.addf %mul3A_544, %mul3A_552 : vector<16xf32>
        %mul3A_554 = arith.constant 2.000000e+00 : f32
        %mul3A_555 = vector.broadcast %mul3A_554 : f32 to vector<16xf32>
        %mul3A_556 = arith.mulf %mul3A_555, %neg3A_512 : vector<16xf32>
        %mul3A_557 = arith.constant 4.000000e+00 : f32
        %mul3A_558 = vector.broadcast %mul3A_557 : f32 to vector<16xf32>
        %mul3A_559 = arith.mulf %mul3A_558, %neg3A_515 : vector<16xf32>
        %add3A_560 = arith.addf %mul3A_556, %mul3A_559 : vector<16xf32>
        %mul3A_561 = arith.mulf %mul3A_508, %add3A_560 : vector<16xf32>
        %add3A_562 = arith.addf %mul3A_544, %mul3A_561 : vector<16xf32>
        %mul3A_563 = arith.mulf %mul3A_503, %mul3A_531 : vector<16xf32>
        %mul3A_564 = arith.mulf %mul3A_504, %add3A_540 : vector<16xf32>
        %sub3A_565 = arith.subf %mul3A_563, %mul3A_564 : vector<16xf32>
        %mul3A_566 = arith.mulf %mul3A_504, %mul3A_531 : vector<16xf32>
        %mul3A_567 = arith.mulf %mul3A_503, %add3A_540 : vector<16xf32>
        %add3A_568 = arith.addf %mul3A_566, %mul3A_567 : vector<16xf32>
        %swap3A = arith.index_cast %mul3A_425 : i32 to index
        %swap3A_569 = tpu.vector_load %arg40[%swap3A] {strides = array<i32>} : memref<4000xf32, #tpu.memory_space<vmem>>, vector<16xf32>,
        tpu.vector_store %arg40[%swap3A], %sub3A_565 {strides = array<i32>} : memref<4000xf32, #tpu.memory_space<vmem>>, vector<16xf32>,
        %swap3A_570 = arith.index_cast %mul3A_425 : i32 to index
        %swap3A_571 = tpu.vector_load %arg41[%swap3A_570] {strides = array<i32>} : memref<4000xf32, #tpu.memory_space<vmem>>, vector<16xf32>,
        tpu.vector_store %arg41[%swap3A_570], %add3A_568 {strides = array<i32>} : memref<4000xf32, #tpu.memory_space<vmem>>, vector<16xf32>,
        %swap3A_572 = arith.index_cast %mul3A_425 : i32 to index
        %swap3A_573 = tpu.vector_load %arg42[%swap3A_572] {strides = array<i32>} : memref<4000xf32, #tpu.memory_space<vmem>>, vector<16xf32>,
        tpu.vector_store %arg42[%swap3A_572], %add3A_553 {strides = array<i32>} : memref<4000xf32, #tpu.memory_space<vmem>>, vector<16xf32>,
        %neg3A_574 = arith.constant 0.000000e+00 : f32
        %neg3A_575 = vector.broadcast %neg3A_574 : f32 to vector<16xf32>
        %neg3A_576 = arith.subf %neg3A_575, %sub3A_565 : vector<16xf32>
        %swap3A_577 = arith.index_cast %add3A_429 : i32 to index
        %swap3A_578 = tpu.vector_load %arg40[%swap3A_577] {strides = array<i32>} : memref<4000xf32, #tpu.memory_space<vmem>>, vector<16xf32>,
        tpu.vector_store %arg40[%swap3A_577], %neg3A_576 {strides = array<i32>} : memref<4000xf32, #tpu.memory_space<vmem>>, vector<16xf32>,
        %neg3A_579 = arith.constant 0.000000e+00 : f32
        %neg3A_580 = vector.broadcast %neg3A_579 : f32 to vector<16xf32>
        %neg3A_581 = arith.subf %neg3A_580, %add3A_568 : vector<16xf32>
        %swap3A_582 = arith.index_cast %add3A_429 : i32 to index
        %swap3A_583 = tpu.vector_load %arg41[%swap3A_582] {strides = array<i32>} : memref<4000xf32, #tpu.memory_space<vmem>>, vector<16xf32>,
        tpu.vector_store %arg41[%swap3A_582], %neg3A_581 {strides = array<i32>} : memref<4000xf32, #tpu.memory_space<vmem>>, vector<16xf32>,
        %swap3A_584 = arith.index_cast %add3A_429 : i32 to index
        %swap3A_585 = tpu.vector_load %arg42[%swap3A_584] {strides = array<i32>} : memref<4000xf32, #tpu.memory_space<vmem>>, vector<16xf32>,
        tpu.vector_store %arg42[%swap3A_584], %add3A_562 {strides = array<i32>} : memref<4000xf32, #tpu.memory_space<vmem>>, vector<16xf32>,
        %scan3A_586 = arith.constant 0 : i32
        scf.yield %scan3A_586 : i32
      }
      %scan3A_378 = arith.constant 125 : i32
      %dma_start3A_379 = arith.constant 0 : i32
      %dma_start3A_380 = tpu.memref_slice %arg19[%dma_start3A_379] : memref<100000xf32, #tpu.memory_space<vmem_shared>> -> memref<100000xf32, #tpu.memory_space<vmem_shared>>
      tpu.enqueue_indirect_dma source(%arg40 : memref<4000xf32, #tpu.memory_space<vmem>>) target(%dma_start3A_380 : memref<100000xf32, #tpu.memory_space<vmem_shared>>) offsets(%arg22 : memref<4000xi32, #tpu.memory_space<vmem>>) semaphore(%arg46 : memref<!tpu.dma_semaphore, #tpu.memory_space<semaphore_mem>>) {add = true}
      %dma_start3A_381 = arith.constant 0 : i32
      %dma_start3A_382 = tpu.memref_slice %arg20[%dma_start3A_381] : memref<100000xf32, #tpu.memory_space<vmem_shared>> -> memref<100000xf32, #tpu.memory_space<vmem_shared>>
      tpu.enqueue_indirect_dma source(%arg41 : memref<4000xf32, #tpu.memory_space<vmem>>) target(%dma_start3A_382 : memref<100000xf32, #tpu.memory_space<vmem_shared>>) offsets(%arg22 : memref<4000xi32, #tpu.memory_space<vmem>>) semaphore(%arg46 : memref<!tpu.dma_semaphore, #tpu.memory_space<semaphore_mem>>) {add = true}
      %dma_start3A_383 = arith.constant 0 : i32
      %dma_start3A_384 = tpu.memref_slice %arg21[%dma_start3A_383] : memref<100000xf32, #tpu.memory_space<vmem_shared>> -> memref<100000xf32, #tpu.memory_space<vmem_shared>>
      tpu.enqueue_indirect_dma source(%arg42 : memref<4000xf32, #tpu.memory_space<vmem>>) target(%dma_start3A_384 : memref<100000xf32, #tpu.memory_space<vmem_shared>>) offsets(%arg22 : memref<4000xi32, #tpu.memory_space<vmem>>) semaphore(%arg46 : memref<!tpu.dma_semaphore, #tpu.memory_space<semaphore_mem>>) {add = true}
      %add3A_385 = arith.constant 1 : i32
      %add3A_386 = arith.addi %add3A_329, %add3A_385 : i32
      %mul3A_387 = arith.constant 200000 : i32
      %mul3A_388 = arith.muli %add3A, %mul3A_387 : i32
      %mul3A_389 = arith.constant 2000 : i32
      %mul3A_390 = arith.muli %add3A_386, %mul3A_389 : i32
      %add3A_391 = arith.addi %mul3A_388, %mul3A_390 : i32
      %multiple_of3A_392 = tpu.assume_multiple %add3A_391, 8 : i32
      %dma_wait3A_393 = arith.constant 0 : i32
      %dma_wait3A_394 = tpu.memref_slice %arg23[%dma_wait3A_393] : memref<4000xi32, #tpu.memory_space<vmem>> -> memref<2000xi32, #tpu.memory_space<vmem>>
      %dma_wait3A_395 = tpu.memref_slice %arg2[%multiple_of3A_392] : memref<6400000xi32, #tpu.memory_space<hbm>> -> memref<2000xi32, #tpu.memory_space<hbm>>
      %dma_wait3A_396 = arith.constant 0 : i32
      %dma_wait3A_397 = tpu.memref_slice %arg23[%dma_wait3A_396] : memref<4000xi32, #tpu.memory_space<vmem>> -> memref<2000xi32, #tpu.memory_space<vmem>>
      %dma_wait3A_398 = tpu.memref_slice %arg2[%multiple_of3A_392] : memref<6400000xi32, #tpu.memory_space<hbm>> -> memref<2000xi32, #tpu.memory_space<hbm>>
      tpu.wait_dma2 semaphore(%arg44 : memref<!tpu.dma_semaphore, #tpu.memory_space<semaphore_mem>>) src(%dma_wait3A_398 : memref<2000xi32, #tpu.memory_space<hbm>>) dst(%dma_wait3A_397 : memref<2000xi32, #tpu.memory_space<vmem>>)
      %dma_wait3A_399 = arith.constant 2000 : i32
      %dma_wait3A_400 = tpu.memref_slice %arg23[%dma_wait3A_399] : memref<4000xi32, #tpu.memory_space<vmem>> -> memref<2000xi32, #tpu.memory_space<vmem>>
      %dma_wait3A_401 = tpu.memref_slice %arg3[%multiple_of3A_392] : memref<6400000xi32, #tpu.memory_space<hbm>> -> memref<2000xi32, #tpu.memory_space<hbm>>
      %dma_wait3A_402 = arith.constant 2000 : i32
      %dma_wait3A_403 = tpu.memref_slice %arg23[%dma_wait3A_402] : memref<4000xi32, #tpu.memory_space<vmem>> -> memref<2000xi32, #tpu.memory_space<vmem>>
      %dma_wait3A_404 = tpu.memref_slice %arg3[%multiple_of3A_392] : memref<6400000xi32, #tpu.memory_space<hbm>> -> memref<2000xi32, #tpu.memory_space<hbm>>
      tpu.wait_dma2 semaphore(%arg44 : memref<!tpu.dma_semaphore, #tpu.memory_space<semaphore_mem>>) src(%dma_wait3A_404 : memref<2000xi32, #tpu.memory_space<hbm>>) dst(%dma_wait3A_403 : memref<2000xi32, #tpu.memory_space<vmem>>)
      %dma_wait3A_405 = tpu.memref_slice %arg4[%multiple_of3A_392] : memref<6400000xf32, #tpu.memory_space<hbm>> -> memref<2000xf32, #tpu.memory_space<hbm>>
      %dma_wait3A_406 = tpu.memref_slice %arg4[%multiple_of3A_392] : memref<6400000xf32, #tpu.memory_space<hbm>> -> memref<2000xf32, #tpu.memory_space<hbm>>
      tpu.wait_dma2 semaphore(%arg44 : memref<!tpu.dma_semaphore, #tpu.memory_space<semaphore_mem>>) src(%dma_wait3A_406 : memref<2000xf32, #tpu.memory_space<hbm>>) dst(%arg25 : memref<2000xf32, #tpu.memory_space<vmem>>)
      %dma_wait3A_407 = tpu.memref_slice %arg5[%multiple_of3A_392] : memref<6400000xf32, #tpu.memory_space<hbm>> -> memref<2000xf32, #tpu.memory_space<hbm>>
      %dma_wait3A_408 = tpu.memref_slice %arg5[%multiple_of3A_392] : memref<6400000xf32, #tpu.memory_space<hbm>> -> memref<2000xf32, #tpu.memory_space<hbm>>
      tpu.wait_dma2 semaphore(%arg44 : memref<!tpu.dma_semaphore, #tpu.memory_space<semaphore_mem>>) src(%dma_wait3A_408 : memref<2000xf32, #tpu.memory_space<hbm>>) dst(%arg27 : memref<2000xf32, #tpu.memory_space<vmem>>)
      %dma_wait3A_409 = tpu.memref_slice %arg6[%multiple_of3A_392] : memref<6400000xf32, #tpu.memory_space<hbm>> -> memref<2000xf32, #tpu.memory_space<hbm>>
      %dma_wait3A_410 = tpu.memref_slice %arg6[%multiple_of3A_392] : memref<6400000xf32, #tpu.memory_space<hbm>> -> memref<2000xf32, #tpu.memory_space<hbm>>
      tpu.wait_dma2 semaphore(%arg44 : memref<!tpu.dma_semaphore, #tpu.memory_space<semaphore_mem>>) src(%dma_wait3A_410 : memref<2000xf32, #tpu.memory_space<hbm>>) dst(%arg29 : memref<2000xf32, #tpu.memory_space<vmem>>)
      %dma_start3A_411 = arith.constant 0 : i32
      %dma_start3A_412 = tpu.memref_slice %arg14[%dma_start3A_411] : memref<100000xf32, #tpu.memory_space<vmem_shared>> -> memref<100000xf32, #tpu.memory_space<vmem_shared>>
      tpu.enqueue_indirect_dma source(%dma_start3A_412 : memref<100000xf32, #tpu.memory_space<vmem_shared>>) target(%arg31 : memref<4000xf32, #tpu.memory_space<vmem>>) offsets(%arg23 : memref<4000xi32, #tpu.memory_space<vmem>>) semaphore(%arg45 : memref<!tpu.dma_semaphore, #tpu.memory_space<semaphore_mem>>)
      %dma_start3A_413 = arith.constant 0 : i32
      %dma_start3A_414 = tpu.memref_slice %arg15[%dma_start3A_413] : memref<100000xf32, #tpu.memory_space<vmem_shared>> -> memref<100000xf32, #tpu.memory_space<vmem_shared>>
      tpu.enqueue_indirect_dma source(%dma_start3A_414 : memref<100000xf32, #tpu.memory_space<vmem_shared>>) target(%arg33 : memref<4000xf32, #tpu.memory_space<vmem>>) offsets(%arg23 : memref<4000xi32, #tpu.memory_space<vmem>>) semaphore(%arg45 : memref<!tpu.dma_semaphore, #tpu.memory_space<semaphore_mem>>)
      %dma_start3A_415 = arith.constant 0 : i32
      %dma_start3A_416 = tpu.memref_slice %arg16[%dma_start3A_415] : memref<100000xf32, #tpu.memory_space<vmem_shared>> -> memref<100000xf32, #tpu.memory_space<vmem_shared>>
      tpu.enqueue_indirect_dma source(%dma_start3A_416 : memref<100000xf32, #tpu.memory_space<vmem_shared>>) target(%arg35 : memref<4000xf32, #tpu.memory_space<vmem>>) offsets(%arg23 : memref<4000xi32, #tpu.memory_space<vmem>>) semaphore(%arg45 : memref<!tpu.dma_semaphore, #tpu.memory_space<semaphore_mem>>)
      %dma_start3A_417 = arith.constant 0 : i32
      %dma_start3A_418 = tpu.memref_slice %arg17[%dma_start3A_417] : memref<100000xf32, #tpu.memory_space<vmem_shared>> -> memref<100000xf32, #tpu.memory_space<vmem_shared>>
      tpu.enqueue_indirect_dma source(%dma_start3A_418 : memref<100000xf32, #tpu.memory_space<vmem_shared>>) target(%arg37 : memref<4000xf32, #tpu.memory_space<vmem>>) offsets(%arg23 : memref<4000xi32, #tpu.memory_space<vmem>>) semaphore(%arg45 : memref<!tpu.dma_semaphore, #tpu.memory_space<semaphore_mem>>)
      %dma_start3A_419 = arith.constant 0 : i32
      %dma_start3A_420 = tpu.memref_slice %arg18[%dma_start3A_419] : memref<100000xf32, #tpu.memory_space<vmem_shared>> -> memref<100000xf32, #tpu.memory_space<vmem_shared>>
      tpu.enqueue_indirect_dma source(%dma_start3A_420 : memref<100000xf32, #tpu.memory_space<vmem_shared>>) target(%arg39 : memref<4000xf32, #tpu.memory_space<vmem>>) offsets(%arg23 : memref<4000xi32, #tpu.memory_space<vmem>>) semaphore(%arg45 : memref<!tpu.dma_semaphore, #tpu.memory_space<semaphore_mem>>)
      %scan3A_421 = arith.constant 0 : i32
      scf.yield %scan3A_421 : i32
    }
    %scan3A_161 = arith.constant 49 : i32
    %dma_wait3A_162 = arith.constant 0 : i32
    %dma_wait3A_163 = tpu.memref_slice %arg19[%dma_wait3A_162] : memref<100000xf32, #tpu.memory_space<vmem_shared>> -> memref<100000xf32, #tpu.memory_space<vmem_shared>>
    tpu.wait_indirect_dma semaphore(%arg46 : memref<!tpu.dma_semaphore, #tpu.memory_space<semaphore_mem>>) src(%arg40 : memref<4000xf32, #tpu.memory_space<vmem>>) dst(%dma_wait3A_163 : memref<100000xf32, #tpu.memory_space<vmem_shared>>)
    %dma_wait3A_164 = arith.constant 0 : i32
    %dma_wait3A_165 = tpu.memref_slice %arg20[%dma_wait3A_164] : memref<100000xf32, #tpu.memory_space<vmem_shared>> -> memref<100000xf32, #tpu.memory_space<vmem_shared>>
    tpu.wait_indirect_dma semaphore(%arg46 : memref<!tpu.dma_semaphore, #tpu.memory_space<semaphore_mem>>) src(%arg41 : memref<4000xf32, #tpu.memory_space<vmem>>) dst(%dma_wait3A_165 : memref<100000xf32, #tpu.memory_space<vmem_shared>>)
    %dma_wait3A_166 = arith.constant 0 : i32
    %dma_wait3A_167 = tpu.memref_slice %arg21[%dma_wait3A_166] : memref<100000xf32, #tpu.memory_space<vmem_shared>> -> memref<100000xf32, #tpu.memory_space<vmem_shared>>
    tpu.wait_indirect_dma semaphore(%arg46 : memref<!tpu.dma_semaphore, #tpu.memory_space<semaphore_mem>>) src(%arg42 : memref<4000xf32, #tpu.memory_space<vmem>>) dst(%dma_wait3A_167 : memref<100000xf32, #tpu.memory_space<vmem_shared>>)
    %dma_wait3A_168 = arith.constant 0 : i32
    %dma_wait3A_169 = tpu.memref_slice %arg14[%dma_wait3A_168] : memref<100000xf32, #tpu.memory_space<vmem_shared>> -> memref<100000xf32, #tpu.memory_space<vmem_shared>>
    tpu.wait_indirect_dma semaphore(%arg45 : memref<!tpu.dma_semaphore, #tpu.memory_space<semaphore_mem>>) src(%dma_wait3A_169 : memref<100000xf32, #tpu.memory_space<vmem_shared>>) dst(%arg31 : memref<4000xf32, #tpu.memory_space<vmem>>)
    %dma_wait3A_170 = arith.constant 0 : i32
    %dma_wait3A_171 = tpu.memref_slice %arg15[%dma_wait3A_170] : memref<100000xf32, #tpu.memory_space<vmem_shared>> -> memref<100000xf32, #tpu.memory_space<vmem_shared>>
    tpu.wait_indirect_dma semaphore(%arg45 : memref<!tpu.dma_semaphore, #tpu.memory_space<semaphore_mem>>) src(%dma_wait3A_171 : memref<100000xf32, #tpu.memory_space<vmem_shared>>) dst(%arg33 : memref<4000xf32, #tpu.memory_space<vmem>>)
    %dma_wait3A_172 = arith.constant 0 : i32
    %dma_wait3A_173 = tpu.memref_slice %arg16[%dma_wait3A_172] : memref<100000xf32, #tpu.memory_space<vmem_shared>> -> memref<100000xf32, #tpu.memory_space<vmem_shared>>
    tpu.wait_indirect_dma semaphore(%arg45 : memref<!tpu.dma_semaphore, #tpu.memory_space<semaphore_mem>>) src(%dma_wait3A_173 : memref<100000xf32, #tpu.memory_space<vmem_shared>>) dst(%arg35 : memref<4000xf32, #tpu.memory_space<vmem>>)
    %dma_wait3A_174 = arith.constant 0 : i32
    %dma_wait3A_175 = tpu.memref_slice %arg17[%dma_wait3A_174] : memref<100000xf32, #tpu.memory_space<vmem_shared>> -> memref<100000xf32, #tpu.memory_space<vmem_shared>>
    tpu.wait_indirect_dma semaphore(%arg45 : memref<!tpu.dma_semaphore, #tpu.memory_space<semaphore_mem>>) src(%dma_wait3A_175 : memref<100000xf32, #tpu.memory_space<vmem_shared>>) dst(%arg37 : memref<4000xf32, #tpu.memory_space<vmem>>)
    %dma_wait3A_176 = arith.constant 0 : i32
    %dma_wait3A_177 = tpu.memref_slice %arg18[%dma_wait3A_176] : memref<100000xf32, #tpu.memory_space<vmem_shared>> -> memref<100000xf32, #tpu.memory_space<vmem_shared>>
    tpu.wait_indirect_dma semaphore(%arg45 : memref<!tpu.dma_semaphore, #tpu.memory_space<semaphore_mem>>) src(%dma_wait3A_177 : memref<100000xf32, #tpu.memory_space<vmem_shared>>) dst(%arg39 : memref<4000xf32, #tpu.memory_space<vmem>>)
    %scan3A_178 = arith.constant 0 : i32
    %scan3A_179 = arith.constant 0 : i32
    %scan3A_180 = arith.constant 125 : i32
    %scan3A_181 = arith.addi %scan3A_179, %scan3A_180 : i32
    %scan3A_182 = arith.constant 1 : i32
    %scan3A_183 = scf.for %scan3A_229 = %scan3A_179 to %scan3A_181 step %scan3A_182 iter_args(%scan3A_230 = %scan3A_178) -> (i32)  : i32 {
      %mul3A_231 = arith.constant 16 : i32
      %mul3A_232 = arith.muli %scan3A_229, %mul3A_231 : i32
      %mul3A_233 = arith.constant 16 : i32
      %mul3A_234 = arith.muli %scan3A_229, %mul3A_233 : i32
      %add3A_235 = arith.constant 2000 : i32
      %add3A_236 = arith.addi %add3A_235, %mul3A_234 : i32
      %get3A = arith.index_cast %mul3A_232 : i32 to index
      %get3A_237 = tpu.vector_load %arg31[%get3A] {strides = array<i32>} : memref<4000xf32, #tpu.memory_space<vmem>>, vector<16xf32>,
      %get3A_238 = arith.index_cast %mul3A_232 : i32 to index
      %get3A_239 = tpu.vector_load %arg33[%get3A_238] {strides = array<i32>} : memref<4000xf32, #tpu.memory_space<vmem>>, vector<16xf32>,
      %get3A_240 = arith.index_cast %add3A_236 : i32 to index
      %get3A_241 = tpu.vector_load %arg31[%get3A_240] {strides = array<i32>} : memref<4000xf32, #tpu.memory_space<vmem>>, vector<16xf32>,
      %get3A_242 = arith.index_cast %add3A_236 : i32 to index
      %get3A_243 = tpu.vector_load %arg33[%get3A_242] {strides = array<i32>} : memref<4000xf32, #tpu.memory_space<vmem>>, vector<16xf32>,
      %get3A_244 = arith.index_cast %mul3A_232 : i32 to index
      %get3A_245 = tpu.vector_load %arg35[%get3A_244] {strides = array<i32>} : memref<4000xf32, #tpu.memory_space<vmem>>, vector<16xf32>,
      %get3A_246 = arith.index_cast %mul3A_232 : i32 to index
      %get3A_247 = tpu.vector_load %arg37[%get3A_246] {strides = array<i32>} : memref<4000xf32, #tpu.memory_space<vmem>>, vector<16xf32>,
      %get3A_248 = arith.index_cast %mul3A_232 : i32 to index
      %get3A_249 = tpu.vector_load %arg39[%get3A_248] {strides = array<i32>} : memref<4000xf32, #tpu.memory_space<vmem>>, vector<16xf32>,
      %get3A_250 = arith.index_cast %add3A_236 : i32 to index
      %get3A_251 = tpu.vector_load %arg35[%get3A_250] {strides = array<i32>} : memref<4000xf32, #tpu.memory_space<vmem>>, vector<16xf32>,
      %get3A_252 = arith.index_cast %add3A_236 : i32 to index
      %get3A_253 = tpu.vector_load %arg37[%get3A_252] {strides = array<i32>} : memref<4000xf32, #tpu.memory_space<vmem>>, vector<16xf32>,
      %get3A_254 = arith.index_cast %add3A_236 : i32 to index
      %get3A_255 = tpu.vector_load %arg39[%get3A_254] {strides = array<i32>} : memref<4000xf32, #tpu.memory_space<vmem>>, vector<16xf32>,
      %get3A_256 = arith.index_cast %mul3A_232 : i32 to index
      %get3A_257 = tpu.vector_load %arg25[%get3A_256] {strides = array<i32>} : memref<2000xf32, #tpu.memory_space<vmem>>, vector<16xf32>,
      %get3A_258 = arith.index_cast %mul3A_232 : i32 to index
      %get3A_259 = tpu.vector_load %arg27[%get3A_258] {strides = array<i32>} : memref<2000xf32, #tpu.memory_space<vmem>>, vector<16xf32>,
      %get3A_260 = arith.index_cast %mul3A_232 : i32 to index
      %get3A_261 = tpu.vector_load %arg29[%get3A_260] {strides = array<i32>} : memref<2000xf32, #tpu.memory_space<vmem>>, vector<16xf32>,
      %sub3A = arith.subf %get3A_241, %get3A_237 : vector<16xf32>
      %sub3A_262 = arith.subf %get3A_243, %get3A_239 : vector<16xf32>
      %mul3A_263 = arith.mulf %sub3A, %sub3A : vector<16xf32>
      %mul3A_264 = arith.mulf %sub3A_262, %sub3A_262 : vector<16xf32>
      %add3A_265 = arith.addf %mul3A_263, %mul3A_264 : vector<16xf32>
      %add3A_266 = arith.constant 1.000000e-10 : f32
      %add3A_267 = vector.broadcast %add3A_266 : f32 to vector<16xf32>
      %add3A_268 = arith.addf %add3A_265, %add3A_267 : vector<16xf32>
      %bitcast_convert_type3A = tpu.bitcast %add3A_268 : vector<16xf32> -> vector<16xi32>
      %shift_right_arithmetic3A = arith.constant 1 : i32
      %shift_right_arithmetic3A_269 = vector.broadcast %shift_right_arithmetic3A : i32 to vector<16xi32>
      %shift_right_arithmetic3A_270 = arith.shrsi %bitcast_convert_type3A, %shift_right_arithmetic3A_269 : vector<16xi32>
      %sub3A_271 = arith.constant 1597463007 : i32
      %sub3A_272 = vector.broadcast %sub3A_271 : i32 to vector<16xi32>
      %sub3A_273 = arith.subi %sub3A_272, %shift_right_arithmetic3A_270 : vector<16xi32>
      %bitcast_convert_type3A_274 = tpu.bitcast %sub3A_273 : vector<16xi32> -> vector<16xf32>
      %mul3A_275 = arith.constant 5.000000e-01 : f32
      %mul3A_276 = vector.broadcast %mul3A_275 : f32 to vector<16xf32>
      %mul3A_277 = arith.mulf %add3A_268, %mul3A_276 : vector<16xf32>
      %mul3A_278 = arith.mulf %mul3A_277, %bitcast_convert_type3A_274 : vector<16xf32>
      %mul3A_279 = arith.mulf %mul3A_278, %bitcast_convert_type3A_274 : vector<16xf32>
      %sub3A_280 = arith.constant 1.500000e+00 : f32
      %sub3A_281 = vector.broadcast %sub3A_280 : f32 to vector<16xf32>
      %sub3A_282 = arith.subf %sub3A_281, %mul3A_279 : vector<16xf32>
      %mul3A_283 = arith.mulf %bitcast_convert_type3A_274, %sub3A_282 : vector<16xf32>
      %mul3A_284 = arith.mulf %mul3A_277, %mul3A_283 : vector<16xf32>
      %mul3A_285 = arith.mulf %mul3A_284, %mul3A_283 : vector<16xf32>
      %sub3A_286 = arith.constant 1.500000e+00 : f32
      %sub3A_287 = vector.broadcast %sub3A_286 : f32 to vector<16xf32>
      %sub3A_288 = arith.subf %sub3A_287, %mul3A_285 : vector<16xf32>
      %mul3A_289 = arith.mulf %mul3A_283, %sub3A_288 : vector<16xf32>
      %mul3A_290 = arith.mulf %add3A_268, %mul3A_289 : vector<16xf32>
      %add3A_291 = arith.constant 1.000000e-10 : f32
      %add3A_292 = vector.broadcast %add3A_291 : f32 to vector<16xf32>
      %add3A_293 = arith.addf %mul3A_290, %add3A_292 : vector<16xf32>
      %div3A = arith.constant 1.000000e+00 : f32
      %div3A_294 = vector.broadcast %div3A : f32 to vector<16xf32>
      %div3A_295 = arith.divf %div3A_294, %add3A_293 : vector<16xf32>
      %mul3A_296 = arith.mulf %mul3A_290, %mul3A_290 : vector<16xf32>
      %add3A_297 = arith.constant 1.000000e-10 : f32
      %add3A_298 = vector.broadcast %add3A_297 : f32 to vector<16xf32>
      %add3A_299 = arith.addf %mul3A_296, %add3A_298 : vector<16xf32>
      %div3A_300 = arith.constant 1.000000e+00 : f32
      %div3A_301 = vector.broadcast %div3A_300 : f32 to vector<16xf32>
      %div3A_302 = arith.divf %div3A_301, %add3A_299 : vector<16xf32>
      %mul3A_303 = arith.mulf %mul3A_296, %mul3A_290 : vector<16xf32>
      %add3A_304 = arith.constant 1.000000e-10 : f32
      %add3A_305 = vector.broadcast %add3A_304 : f32 to vector<16xf32>
      %add3A_306 = arith.addf %mul3A_303, %add3A_305 : vector<16xf32>
      %div3A_307 = arith.constant 1.000000e+00 : f32
      %div3A_308 = vector.broadcast %div3A_307 : f32 to vector<16xf32>
      %div3A_309 = arith.divf %div3A_308, %add3A_306 : vector<16xf32>
      %mul3A_310 = arith.mulf %sub3A, %div3A_295 : vector<16xf32>
      %mul3A_311 = arith.mulf %sub3A_262, %div3A_295 : vector<16xf32>
      %mul3A_312 = arith.mulf %get3A_257, %get3A_259 : vector<16xf32>
      %mul3A_313 = arith.mulf %get3A_257, %get3A_261 : vector<16xf32>
      %mul3A_314 = arith.mulf %mul3A_312, %div3A_295 : vector<16xf32>
      %mul3A_315 = arith.mulf %mul3A_313, %div3A_295 : vector<16xf32>
      %mul3A_316 = arith.mulf %mul3A_313, %div3A_302 : vector<16xf32>
      %mul3A_317 = arith.mulf %mul3A_313, %div3A_309 : vector<16xf32>
      %neg3A = arith.constant 0.000000e+00 : f32
      %neg3A_318 = vector.broadcast %neg3A : f32 to vector<16xf32>
      %neg3A_319 = arith.subf %neg3A_318, %get3A_249 : vector<16xf32>
      %neg3A_320 = arith.constant 0.000000e+00 : f32
      %neg3A_321 = vector.broadcast %neg3A_320 : f32 to vector<16xf32>
      %neg3A_322 = arith.subf %neg3A_321, %get3A_255 : vector<16xf32>
      %mul3A_323 = arith.mulf %mul3A_310, %get3A_245 : vector<16xf32>
      %mul3A_324 = arith.mulf %mul3A_311, %get3A_247 : vector<16xf32>
      %add3A_325 = arith.addf %mul3A_323, %mul3A_324 : vector<16xf32>
      %mul3A_326 = arith.mulf %mul3A_310, %get3A_247 : vector<16xf32>
      %mul3A_327 = arith.mulf %mul3A_311, %get3A_245 : vector<16xf32>
      %sub3A_328 = arith.subf %mul3A_326, %mul3A_327 : vector<16xf32>
      %mul3A_329 = arith.mulf %mul3A_310, %get3A_251 : vector<16xf32>
      %mul3A_330 = arith.mulf %mul3A_311, %get3A_253 : vector<16xf32>
      %add3A_331 = arith.addf %mul3A_329, %mul3A_330 : vector<16xf32>
      %mul3A_332 = arith.mulf %mul3A_310, %get3A_253 : vector<16xf32>
      %mul3A_333 = arith.mulf %mul3A_311, %get3A_251 : vector<16xf32>
      %sub3A_334 = arith.subf %mul3A_332, %mul3A_333 : vector<16xf32>
      %sub3A_335 = arith.subf %add3A_325, %add3A_331 : vector<16xf32>
      %sub3A_336 = arith.subf %sub3A_328, %sub3A_334 : vector<16xf32>
      %add3A_337 = arith.addf %neg3A_319, %neg3A_322 : vector<16xf32>
      %mul3A_338 = arith.mulf %mul3A_314, %sub3A_335 : vector<16xf32>
      %mul3A_339 = arith.constant 1.200000e+01 : f32
      %mul3A_340 = vector.broadcast %mul3A_339 : f32 to vector<16xf32>
      %mul3A_341 = arith.mulf %mul3A_340, %mul3A_317 : vector<16xf32>
      %mul3A_342 = arith.mulf %mul3A_341, %sub3A_336 : vector<16xf32>
      %mul3A_343 = arith.constant 6.000000e+00 : f32
      %mul3A_344 = vector.broadcast %mul3A_343 : f32 to vector<16xf32>
      %mul3A_345 = arith.mulf %mul3A_344, %mul3A_316 : vector<16xf32>
      %mul3A_346 = arith.mulf %mul3A_345, %add3A_337 : vector<16xf32>
      %add3A_347 = arith.addf %mul3A_342, %mul3A_346 : vector<16xf32>
      %mul3A_348 = arith.constant 6.000000e+00 : f32
      %mul3A_349 = vector.broadcast %mul3A_348 : f32 to vector<16xf32>
      %mul3A_350 = arith.mulf %mul3A_349, %mul3A_316 : vector<16xf32>
      %mul3A_351 = arith.mulf %mul3A_350, %sub3A_336 : vector<16xf32>
      %mul3A_352 = arith.constant 4.000000e+00 : f32
      %mul3A_353 = vector.broadcast %mul3A_352 : f32 to vector<16xf32>
      %mul3A_354 = arith.mulf %mul3A_353, %neg3A_319 : vector<16xf32>
      %mul3A_355 = arith.constant 2.000000e+00 : f32
      %mul3A_356 = vector.broadcast %mul3A_355 : f32 to vector<16xf32>
      %mul3A_357 = arith.mulf %mul3A_356, %neg3A_322 : vector<16xf32>
      %add3A_358 = arith.addf %mul3A_354, %mul3A_357 : vector<16xf32>
      %mul3A_359 = arith.mulf %mul3A_315, %add3A_358 : vector<16xf32>
      %add3A_360 = arith.addf %mul3A_351, %mul3A_359 : vector<16xf32>
      %mul3A_361 = arith.constant 2.000000e+00 : f32
      %mul3A_362 = vector.broadcast %mul3A_361 : f32 to vector<16xf32>
      %mul3A_363 = arith.mulf %mul3A_362, %neg3A_319 : vector<16xf32>
      %mul3A_364 = arith.constant 4.000000e+00 : f32
      %mul3A_365 = vector.broadcast %mul3A_364 : f32 to vector<16xf32>
      %mul3A_366 = arith.mulf %mul3A_365, %neg3A_322 : vector<16xf32>
      %add3A_367 = arith.addf %mul3A_363, %mul3A_366 : vector<16xf32>
      %mul3A_368 = arith.mulf %mul3A_315, %add3A_367 : vector<16xf32>
      %add3A_369 = arith.addf %mul3A_351, %mul3A_368 : vector<16xf32>
      %mul3A_370 = arith.mulf %mul3A_310, %mul3A_338 : vector<16xf32>
      %mul3A_371 = arith.mulf %mul3A_311, %add3A_347 : vector<16xf32>
      %sub3A_372 = arith.subf %mul3A_370, %mul3A_371 : vector<16xf32>
      %mul3A_373 = arith.mulf %mul3A_311, %mul3A_338 : vector<16xf32>
      %mul3A_374 = arith.mulf %mul3A_310, %add3A_347 : vector<16xf32>
      %add3A_375 = arith.addf %mul3A_373, %mul3A_374 : vector<16xf32>
      %swap3A = arith.index_cast %mul3A_232 : i32 to index
      %swap3A_376 = tpu.vector_load %arg40[%swap3A] {strides = array<i32>} : memref<4000xf32, #tpu.memory_space<vmem>>, vector<16xf32>,
      tpu.vector_store %arg40[%swap3A], %sub3A_372 {strides = array<i32>} : memref<4000xf32, #tpu.memory_space<vmem>>, vector<16xf32>,
      %swap3A_377 = arith.index_cast %mul3A_232 : i32 to index
      %swap3A_378 = tpu.vector_load %arg41[%swap3A_377] {strides = array<i32>} : memref<4000xf32, #tpu.memory_space<vmem>>, vector<16xf32>,
      tpu.vector_store %arg41[%swap3A_377], %add3A_375 {strides = array<i32>} : memref<4000xf32, #tpu.memory_space<vmem>>, vector<16xf32>,
      %swap3A_379 = arith.index_cast %mul3A_232 : i32 to index
      %swap3A_380 = tpu.vector_load %arg42[%swap3A_379] {strides = array<i32>} : memref<4000xf32, #tpu.memory_space<vmem>>, vector<16xf32>,
      tpu.vector_store %arg42[%swap3A_379], %add3A_360 {strides = array<i32>} : memref<4000xf32, #tpu.memory_space<vmem>>, vector<16xf32>,
      %neg3A_381 = arith.constant 0.000000e+00 : f32
      %neg3A_382 = vector.broadcast %neg3A_381 : f32 to vector<16xf32>
      %neg3A_383 = arith.subf %neg3A_382, %sub3A_372 : vector<16xf32>
      %swap3A_384 = arith.index_cast %add3A_236 : i32 to index
      %swap3A_385 = tpu.vector_load %arg40[%swap3A_384] {strides = array<i32>} : memref<4000xf32, #tpu.memory_space<vmem>>, vector<16xf32>,
      tpu.vector_store %arg40[%swap3A_384], %neg3A_383 {strides = array<i32>} : memref<4000xf32, #tpu.memory_space<vmem>>, vector<16xf32>,
      %neg3A_386 = arith.constant 0.000000e+00 : f32
      %neg3A_387 = vector.broadcast %neg3A_386 : f32 to vector<16xf32>
      %neg3A_388 = arith.subf %neg3A_387, %add3A_375 : vector<16xf32>
      %swap3A_389 = arith.index_cast %add3A_236 : i32 to index
      %swap3A_390 = tpu.vector_load %arg41[%swap3A_389] {strides = array<i32>} : memref<4000xf32, #tpu.memory_space<vmem>>, vector<16xf32>,
      tpu.vector_store %arg41[%swap3A_389], %neg3A_388 {strides = array<i32>} : memref<4000xf32, #tpu.memory_space<vmem>>, vector<16xf32>,
      %swap3A_391 = arith.index_cast %add3A_236 : i32 to index
      %swap3A_392 = tpu.vector_load %arg42[%swap3A_391] {strides = array<i32>} : memref<4000xf32, #tpu.memory_space<vmem>>, vector<16xf32>,
      tpu.vector_store %arg42[%swap3A_391], %add3A_369 {strides = array<i32>} : memref<4000xf32, #tpu.memory_space<vmem>>, vector<16xf32>,
      %scan3A_393 = arith.constant 0 : i32
      scf.yield %scan3A_393 : i32
    }
    %scan3A_184 = arith.constant 125 : i32
    %dma_start3A_185 = arith.constant 0 : i32
    %dma_start3A_186 = tpu.memref_slice %arg19[%dma_start3A_185] : memref<100000xf32, #tpu.memory_space<vmem_shared>> -> memref<100000xf32, #tpu.memory_space<vmem_shared>>
    tpu.enqueue_indirect_dma source(%arg40 : memref<4000xf32, #tpu.memory_space<vmem>>) target(%dma_start3A_186 : memref<100000xf32, #tpu.memory_space<vmem_shared>>) offsets(%arg23 : memref<4000xi32, #tpu.memory_space<vmem>>) semaphore(%arg46 : memref<!tpu.dma_semaphore, #tpu.memory_space<semaphore_mem>>) {add = true}
    %dma_start3A_187 = arith.constant 0 : i32
    %dma_start3A_188 = tpu.memref_slice %arg20[%dma_start3A_187] : memref<100000xf32, #tpu.memory_space<vmem_shared>> -> memref<100000xf32, #tpu.memory_space<vmem_shared>>
    tpu.enqueue_indirect_dma source(%arg41 : memref<4000xf32, #tpu.memory_space<vmem>>) target(%dma_start3A_188 : memref<100000xf32, #tpu.memory_space<vmem_shared>>) offsets(%arg23 : memref<4000xi32, #tpu.memory_space<vmem>>) semaphore(%arg46 : memref<!tpu.dma_semaphore, #tpu.memory_space<semaphore_mem>>) {add = true}
    %dma_start3A_189 = arith.constant 0 : i32
    %dma_start3A_190 = tpu.memref_slice %arg21[%dma_start3A_189] : memref<100000xf32, #tpu.memory_space<vmem_shared>> -> memref<100000xf32, #tpu.memory_space<vmem_shared>>
    tpu.enqueue_indirect_dma source(%arg42 : memref<4000xf32, #tpu.memory_space<vmem>>) target(%dma_start3A_190 : memref<100000xf32, #tpu.memory_space<vmem_shared>>) offsets(%arg23 : memref<4000xi32, #tpu.memory_space<vmem>>) semaphore(%arg46 : memref<!tpu.dma_semaphore, #tpu.memory_space<semaphore_mem>>) {add = true}
    %dma_wait3A_191 = arith.constant 0 : i32
    %dma_wait3A_192 = tpu.memref_slice %arg19[%dma_wait3A_191] : memref<100000xf32, #tpu.memory_space<vmem_shared>> -> memref<100000xf32, #tpu.memory_space<vmem_shared>>
    tpu.wait_indirect_dma semaphore(%arg46 : memref<!tpu.dma_semaphore, #tpu.memory_space<semaphore_mem>>) src(%arg40 : memref<4000xf32, #tpu.memory_space<vmem>>) dst(%dma_wait3A_192 : memref<100000xf32, #tpu.memory_space<vmem_shared>>)
    %dma_wait3A_193 = arith.constant 0 : i32
    %dma_wait3A_194 = tpu.memref_slice %arg20[%dma_wait3A_193] : memref<100000xf32, #tpu.memory_space<vmem_shared>> -> memref<100000xf32, #tpu.memory_space<vmem_shared>>
    tpu.wait_indirect_dma semaphore(%arg46 : memref<!tpu.dma_semaphore, #tpu.memory_space<semaphore_mem>>) src(%arg41 : memref<4000xf32, #tpu.memory_space<vmem>>) dst(%dma_wait3A_194 : memref<100000xf32, #tpu.memory_space<vmem_shared>>)
    %dma_wait3A_195 = arith.constant 0 : i32
    %dma_wait3A_196 = tpu.memref_slice %arg21[%dma_wait3A_195] : memref<100000xf32, #tpu.memory_space<vmem_shared>> -> memref<100000xf32, #tpu.memory_space<vmem_shared>>
    tpu.wait_indirect_dma semaphore(%arg46 : memref<!tpu.dma_semaphore, #tpu.memory_space<semaphore_mem>>) src(%arg42 : memref<4000xf32, #tpu.memory_space<vmem>>) dst(%dma_wait3A_196 : memref<100000xf32, #tpu.memory_space<vmem_shared>>)
    %barrier3A_197 = arith.constant 0 : index
    tpu.barrier barrier_id(%barrier3A_197)
    %eq3A_198 = arith.constant 0 : i32
    %eq3A_199 = arith.cmpi eq, %arg0, %eq3A_198 : i32
    %lt3A_200 = arith.constant 15 : i32
    %lt3A_201 = arith.cmpi slt, %arg1, %lt3A_200 : i32
    %and3A = arith.andi %eq3A_199, %lt3A_201 : i1
    %convert_element_type3A_202 = arith.extui %and3A : i1 to i32
    %cond3A_203 = arith.constant 0 : i32
    %cond3A_204 = arith.cmpi ne, %convert_element_type3A_202, %cond3A_203 : i32
    scf.if %cond3A_204 {
      %mul3A_229 = arith.constant 6256 : i32
      %mul3A_230 = arith.muli %arg1, %mul3A_229 : i32
      %multiple_of3A_231 = tpu.assume_multiple %mul3A_230, 8 : i32
      %add3A_232 = arith.constant 0 : i32
      %add3A_233 = arith.addi %multiple_of3A_231, %add3A_232 : i32
      "tpu.region"() ({
        %run_scoped3A = tpu.sem_alloc : memref<!tpu.dma_semaphore, #tpu.memory_space<semaphore_mem>>
        %dma_start3A_268 = arith.constant 0 : i32
        %dma_start3A_269 = tpu.memref_slice %arg43[%dma_start3A_268] : memref<3128xf32, #tpu.memory_space<vmem>> -> memref<3128xf32, #tpu.memory_space<vmem>>
        %dma_start3A_270 = tpu.memref_slice %arg19[%add3A_233] : memref<100000xf32, #tpu.memory_space<vmem_shared>> -> memref<3128xf32, #tpu.memory_space<vmem_shared>>
        %dma_start3A_271 = arith.constant 0 : i32
        %dma_start3A_272 = tpu.memref_slice %arg43[%dma_start3A_271] : memref<3128xf32, #tpu.memory_space<vmem>> -> memref<3128xf32, #tpu.memory_space<vmem>>
        %dma_start3A_273 = tpu.memref_slice %arg19[%add3A_233] : memref<100000xf32, #tpu.memory_space<vmem_shared>> -> memref<3128xf32, #tpu.memory_space<vmem_shared>>
        tpu.enqueue_dma source(%dma_start3A_273 : memref<3128xf32, #tpu.memory_space<vmem_shared>>) target(%dma_start3A_272 : memref<3128xf32, #tpu.memory_space<vmem>>) target_semaphore(%run_scoped3A : memref<!tpu.dma_semaphore, #tpu.memory_space<semaphore_mem>>)
        %dma_wait3A_274 = arith.constant 0 : i32
        %dma_wait3A_275 = tpu.memref_slice %arg43[%dma_wait3A_274] : memref<3128xf32, #tpu.memory_space<vmem>> -> memref<3128xf32, #tpu.memory_space<vmem>>
        %dma_wait3A_276 = tpu.memref_slice %arg19[%add3A_233] : memref<100000xf32, #tpu.memory_space<vmem_shared>> -> memref<3128xf32, #tpu.memory_space<vmem_shared>>
        %dma_wait3A_277 = arith.constant 0 : i32
        %dma_wait3A_278 = tpu.memref_slice %arg43[%dma_wait3A_277] : memref<3128xf32, #tpu.memory_space<vmem>> -> memref<3128xf32, #tpu.memory_space<vmem>>
        %dma_wait3A_279 = tpu.memref_slice %arg19[%add3A_233] : memref<100000xf32, #tpu.memory_space<vmem_shared>> -> memref<3128xf32, #tpu.memory_space<vmem_shared>>
        tpu.wait_dma2 semaphore(%run_scoped3A : memref<!tpu.dma_semaphore, #tpu.memory_space<semaphore_mem>>) src(%dma_wait3A_279 : memref<3128xf32, #tpu.memory_space<vmem_shared>>) dst(%dma_wait3A_278 : memref<3128xf32, #tpu.memory_space<vmem>>)
        tpu.yield
      }) : () -> ()
      %add3A_234 = arith.constant 0 : i32
      %add3A_235 = arith.addi %add3A_234, %multiple_of3A_231 : i32
      %add3A_236 = arith.constant 0 : i32
      %add3A_237 = arith.addi %add3A_235, %add3A_236 : i32
      "tpu.region"() ({
        %run_scoped3A = tpu.sem_alloc : memref<!tpu.dma_semaphore, #tpu.memory_space<semaphore_mem>>
        %dma_start3A_268 = arith.constant 0 : i32
        %dma_start3A_269 = tpu.memref_slice %arg43[%dma_start3A_268] : memref<3128xf32, #tpu.memory_space<vmem>> -> memref<3128xf32, #tpu.memory_space<vmem>>
        %dma_start3A_270 = tpu.memref_slice %arg12[%add3A_237] : memref<303104xf32, #tpu.memory_space<hbm>> -> memref<3128xf32, #tpu.memory_space<hbm>>
        %dma_start3A_271 = tpu.memref_slice %arg12[%add3A_237] : memref<303104xf32, #tpu.memory_space<hbm>> -> memref<3128xf32, #tpu.memory_space<hbm>>
        %dma_start3A_272 = arith.constant 0 : i32
        %dma_start3A_273 = tpu.memref_slice %arg43[%dma_start3A_272] : memref<3128xf32, #tpu.memory_space<vmem>> -> memref<3128xf32, #tpu.memory_space<vmem>>
        tpu.enqueue_dma source(%dma_start3A_273 : memref<3128xf32, #tpu.memory_space<vmem>>) target(%dma_start3A_271 : memref<3128xf32, #tpu.memory_space<hbm>>) target_semaphore(%run_scoped3A : memref<!tpu.dma_semaphore, #tpu.memory_space<semaphore_mem>>)
        %dma_wait3A_274 = arith.constant 0 : i32
        %dma_wait3A_275 = tpu.memref_slice %arg43[%dma_wait3A_274] : memref<3128xf32, #tpu.memory_space<vmem>> -> memref<3128xf32, #tpu.memory_space<vmem>>
        %dma_wait3A_276 = tpu.memref_slice %arg12[%add3A_237] : memref<303104xf32, #tpu.memory_space<hbm>> -> memref<3128xf32, #tpu.memory_space<hbm>>
        %dma_wait3A_277 = tpu.memref_slice %arg12[%add3A_237] : memref<303104xf32, #tpu.memory_space<hbm>> -> memref<3128xf32, #tpu.memory_space<hbm>>
        %dma_wait3A_278 = arith.constant 0 : i32
        %dma_wait3A_279 = tpu.memref_slice %arg43[%dma_wait3A_278] : memref<3128xf32, #tpu.memory_space<vmem>> -> memref<3128xf32, #tpu.memory_space<vmem>>
        tpu.wait_dma2 semaphore(%run_scoped3A : memref<!tpu.dma_semaphore, #tpu.memory_space<semaphore_mem>>) src(%dma_wait3A_279 : memref<3128xf32, #tpu.memory_space<vmem>>) dst(%dma_wait3A_277 : memref<3128xf32, #tpu.memory_space<hbm>>)
        tpu.yield
      }) : () -> ()
      %add3A_238 = arith.constant 3128 : i32
      %add3A_239 = arith.addi %multiple_of3A_231, %add3A_238 : i32
      "tpu.region"() ({
        %run_scoped3A = tpu.sem_alloc : memref<!tpu.dma_semaphore, #tpu.memory_space<semaphore_mem>>
        %dma_start3A_268 = arith.constant 0 : i32
        %dma_start3A_269 = tpu.memref_slice %arg43[%dma_start3A_268] : memref<3128xf32, #tpu.memory_space<vmem>> -> memref<3128xf32, #tpu.memory_space<vmem>>
        %dma_start3A_270 = tpu.memref_slice %arg19[%add3A_239] : memref<100000xf32, #tpu.memory_space<vmem_shared>> -> memref<3128xf32, #tpu.memory_space<vmem_shared>>
        %dma_start3A_271 = arith.constant 0 : i32
        %dma_start3A_272 = tpu.memref_slice %arg43[%dma_start3A_271] : memref<3128xf32, #tpu.memory_space<vmem>> -> memref<3128xf32, #tpu.memory_space<vmem>>
        %dma_start3A_273 = tpu.memref_slice %arg19[%add3A_239] : memref<100000xf32, #tpu.memory_space<vmem_shared>> -> memref<3128xf32, #tpu.memory_space<vmem_shared>>
        tpu.enqueue_dma source(%dma_start3A_273 : memref<3128xf32, #tpu.memory_space<vmem_shared>>) target(%dma_start3A_272 : memref<3128xf32, #tpu.memory_space<vmem>>) target_semaphore(%run_scoped3A : memref<!tpu.dma_semaphore, #tpu.memory_space<semaphore_mem>>)
        %dma_wait3A_274 = arith.constant 0 : i32
        %dma_wait3A_275 = tpu.memref_slice %arg43[%dma_wait3A_274] : memref<3128xf32, #tpu.memory_space<vmem>> -> memref<3128xf32, #tpu.memory_space<vmem>>
        %dma_wait3A_276 = tpu.memref_slice %arg19[%add3A_239] : memref<100000xf32, #tpu.memory_space<vmem_shared>> -> memref<3128xf32, #tpu.memory_space<vmem_shared>>
        %dma_wait3A_277 = arith.constant 0 : i32
        %dma_wait3A_278 = tpu.memref_slice %arg43[%dma_wait3A_277] : memref<3128xf32, #tpu.memory_space<vmem>> -> memref<3128xf32, #tpu.memory_space<vmem>>
        %dma_wait3A_279 = tpu.memref_slice %arg19[%add3A_239] : memref<100000xf32, #tpu.memory_space<vmem_shared>> -> memref<3128xf32, #tpu.memory_space<vmem_shared>>
        tpu.wait_dma2 semaphore(%run_scoped3A : memref<!tpu.dma_semaphore, #tpu.memory_space<semaphore_mem>>) src(%dma_wait3A_279 : memref<3128xf32, #tpu.memory_space<vmem_shared>>) dst(%dma_wait3A_278 : memref<3128xf32, #tpu.memory_space<vmem>>)
        tpu.yield
      }) : () -> ()
      %add3A_240 = arith.constant 0 : i32
      %add3A_241 = arith.addi %add3A_240, %multiple_of3A_231 : i32
      %add3A_242 = arith.constant 3128 : i32
      %add3A_243 = arith.addi %add3A_241, %add3A_242 : i32
      "tpu.region"() ({
        %run_scoped3A = tpu.sem_alloc : memref<!tpu.dma_semaphore, #tpu.memory_space<semaphore_mem>>
        %dma_start3A_268 = arith.constant 0 : i32
        %dma_start3A_269 = tpu.memref_slice %arg43[%dma_start3A_268] : memref<3128xf32, #tpu.memory_space<vmem>> -> memref<3128xf32, #tpu.memory_space<vmem>>
        %dma_start3A_270 = tpu.memref_slice %arg12[%add3A_243] : memref<303104xf32, #tpu.memory_space<hbm>> -> memref<3128xf32, #tpu.memory_space<hbm>>
        %dma_start3A_271 = tpu.memref_slice %arg12[%add3A_243] : memref<303104xf32, #tpu.memory_space<hbm>> -> memref<3128xf32, #tpu.memory_space<hbm>>
        %dma_start3A_272 = arith.constant 0 : i32
        %dma_start3A_273 = tpu.memref_slice %arg43[%dma_start3A_272] : memref<3128xf32, #tpu.memory_space<vmem>> -> memref<3128xf32, #tpu.memory_space<vmem>>
        tpu.enqueue_dma source(%dma_start3A_273 : memref<3128xf32, #tpu.memory_space<vmem>>) target(%dma_start3A_271 : memref<3128xf32, #tpu.memory_space<hbm>>) target_semaphore(%run_scoped3A : memref<!tpu.dma_semaphore, #tpu.memory_space<semaphore_mem>>)
        %dma_wait3A_274 = arith.constant 0 : i32
        %dma_wait3A_275 = tpu.memref_slice %arg43[%dma_wait3A_274] : memref<3128xf32, #tpu.memory_space<vmem>> -> memref<3128xf32, #tpu.memory_space<vmem>>
        %dma_wait3A_276 = tpu.memref_slice %arg12[%add3A_243] : memref<303104xf32, #tpu.memory_space<hbm>> -> memref<3128xf32, #tpu.memory_space<hbm>>
        %dma_wait3A_277 = tpu.memref_slice %arg12[%add3A_243] : memref<303104xf32, #tpu.memory_space<hbm>> -> memref<3128xf32, #tpu.memory_space<hbm>>
        %dma_wait3A_278 = arith.constant 0 : i32
        %dma_wait3A_279 = tpu.memref_slice %arg43[%dma_wait3A_278] : memref<3128xf32, #tpu.memory_space<vmem>> -> memref<3128xf32, #tpu.memory_space<vmem>>
        tpu.wait_dma2 semaphore(%run_scoped3A : memref<!tpu.dma_semaphore, #tpu.memory_space<semaphore_mem>>) src(%dma_wait3A_279 : memref<3128xf32, #tpu.memory_space<vmem>>) dst(%dma_wait3A_277 : memref<3128xf32, #tpu.memory_space<hbm>>)
        tpu.yield
      }) : () -> ()
      %add3A_244 = arith.constant 0 : i32
      %add3A_245 = arith.addi %multiple_of3A_231, %add3A_244 : i32
      "tpu.region"() ({
        %run_scoped3A = tpu.sem_alloc : memref<!tpu.dma_semaphore, #tpu.memory_space<semaphore_mem>>
        %dma_start3A_268 = arith.constant 0 : i32
        %dma_start3A_269 = tpu.memref_slice %arg43[%dma_start3A_268] : memref<3128xf32, #tpu.memory_space<vmem>> -> memref<3128xf32, #tpu.memory_space<vmem>>
        %dma_start3A_270 = tpu.memref_slice %arg20[%add3A_245] : memref<100000xf32, #tpu.memory_space<vmem_shared>> -> memref<3128xf32, #tpu.memory_space<vmem_shared>>
        %dma_start3A_271 = arith.constant 0 : i32
        %dma_start3A_272 = tpu.memref_slice %arg43[%dma_start3A_271] : memref<3128xf32, #tpu.memory_space<vmem>> -> memref<3128xf32, #tpu.memory_space<vmem>>
        %dma_start3A_273 = tpu.memref_slice %arg20[%add3A_245] : memref<100000xf32, #tpu.memory_space<vmem_shared>> -> memref<3128xf32, #tpu.memory_space<vmem_shared>>
        tpu.enqueue_dma source(%dma_start3A_273 : memref<3128xf32, #tpu.memory_space<vmem_shared>>) target(%dma_start3A_272 : memref<3128xf32, #tpu.memory_space<vmem>>) target_semaphore(%run_scoped3A : memref<!tpu.dma_semaphore, #tpu.memory_space<semaphore_mem>>)
        %dma_wait3A_274 = arith.constant 0 : i32
        %dma_wait3A_275 = tpu.memref_slice %arg43[%dma_wait3A_274] : memref<3128xf32, #tpu.memory_space<vmem>> -> memref<3128xf32, #tpu.memory_space<vmem>>
        %dma_wait3A_276 = tpu.memref_slice %arg20[%add3A_245] : memref<100000xf32, #tpu.memory_space<vmem_shared>> -> memref<3128xf32, #tpu.memory_space<vmem_shared>>
        %dma_wait3A_277 = arith.constant 0 : i32
        %dma_wait3A_278 = tpu.memref_slice %arg43[%dma_wait3A_277] : memref<3128xf32, #tpu.memory_space<vmem>> -> memref<3128xf32, #tpu.memory_space<vmem>>
        %dma_wait3A_279 = tpu.memref_slice %arg20[%add3A_245] : memref<100000xf32, #tpu.memory_space<vmem_shared>> -> memref<3128xf32, #tpu.memory_space<vmem_shared>>
        tpu.wait_dma2 semaphore(%run_scoped3A : memref<!tpu.dma_semaphore, #tpu.memory_space<semaphore_mem>>) src(%dma_wait3A_279 : memref<3128xf32, #tpu.memory_space<vmem_shared>>) dst(%dma_wait3A_278 : memref<3128xf32, #tpu.memory_space<vmem>>)
        tpu.yield
      }) : () -> ()
      %add3A_246 = arith.constant 100000 : i32
      %add3A_247 = arith.addi %add3A_246, %multiple_of3A_231 : i32
      %add3A_248 = arith.constant 0 : i32
      %add3A_249 = arith.addi %add3A_247, %add3A_248 : i32
      "tpu.region"() ({
        %run_scoped3A = tpu.sem_alloc : memref<!tpu.dma_semaphore, #tpu.memory_space<semaphore_mem>>
        %dma_start3A_268 = arith.constant 0 : i32
        %dma_start3A_269 = tpu.memref_slice %arg43[%dma_start3A_268] : memref<3128xf32, #tpu.memory_space<vmem>> -> memref<3128xf32, #tpu.memory_space<vmem>>
        %dma_start3A_270 = tpu.memref_slice %arg12[%add3A_249] : memref<303104xf32, #tpu.memory_space<hbm>> -> memref<3128xf32, #tpu.memory_space<hbm>>
        %dma_start3A_271 = tpu.memref_slice %arg12[%add3A_249] : memref<303104xf32, #tpu.memory_space<hbm>> -> memref<3128xf32, #tpu.memory_space<hbm>>
        %dma_start3A_272 = arith.constant 0 : i32
        %dma_start3A_273 = tpu.memref_slice %arg43[%dma_start3A_272] : memref<3128xf32, #tpu.memory_space<vmem>> -> memref<3128xf32, #tpu.memory_space<vmem>>
        tpu.enqueue_dma source(%dma_start3A_273 : memref<3128xf32, #tpu.memory_space<vmem>>) target(%dma_start3A_271 : memref<3128xf32, #tpu.memory_space<hbm>>) target_semaphore(%run_scoped3A : memref<!tpu.dma_semaphore, #tpu.memory_space<semaphore_mem>>)
        %dma_wait3A_274 = arith.constant 0 : i32
        %dma_wait3A_275 = tpu.memref_slice %arg43[%dma_wait3A_274] : memref<3128xf32, #tpu.memory_space<vmem>> -> memref<3128xf32, #tpu.memory_space<vmem>>
        %dma_wait3A_276 = tpu.memref_slice %arg12[%add3A_249] : memref<303104xf32, #tpu.memory_space<hbm>> -> memref<3128xf32, #tpu.memory_space<hbm>>
        %dma_wait3A_277 = tpu.memref_slice %arg12[%add3A_249] : memref<303104xf32, #tpu.memory_space<hbm>> -> memref<3128xf32, #tpu.memory_space<hbm>>
        %dma_wait3A_278 = arith.constant 0 : i32
        %dma_wait3A_279 = tpu.memref_slice %arg43[%dma_wait3A_278] : memref<3128xf32, #tpu.memory_space<vmem>> -> memref<3128xf32, #tpu.memory_space<vmem>>
        tpu.wait_dma2 semaphore(%run_scoped3A : memref<!tpu.dma_semaphore, #tpu.memory_space<semaphore_mem>>) src(%dma_wait3A_279 : memref<3128xf32, #tpu.memory_space<vmem>>) dst(%dma_wait3A_277 : memref<3128xf32, #tpu.memory_space<hbm>>)
        tpu.yield
      }) : () -> ()
      %add3A_250 = arith.constant 3128 : i32
      %add3A_251 = arith.addi %multiple_of3A_231, %add3A_250 : i32
      "tpu.region"() ({
        %run_scoped3A = tpu.sem_alloc : memref<!tpu.dma_semaphore, #tpu.memory_space<semaphore_mem>>
        %dma_start3A_268 = arith.constant 0 : i32
        %dma_start3A_269 = tpu.memref_slice %arg43[%dma_start3A_268] : memref<3128xf32, #tpu.memory_space<vmem>> -> memref<3128xf32, #tpu.memory_space<vmem>>
        %dma_start3A_270 = tpu.memref_slice %arg20[%add3A_251] : memref<100000xf32, #tpu.memory_space<vmem_shared>> -> memref<3128xf32, #tpu.memory_space<vmem_shared>>
        %dma_start3A_271 = arith.constant 0 : i32
        %dma_start3A_272 = tpu.memref_slice %arg43[%dma_start3A_271] : memref<3128xf32, #tpu.memory_space<vmem>> -> memref<3128xf32, #tpu.memory_space<vmem>>
        %dma_start3A_273 = tpu.memref_slice %arg20[%add3A_251] : memref<100000xf32, #tpu.memory_space<vmem_shared>> -> memref<3128xf32, #tpu.memory_space<vmem_shared>>
        tpu.enqueue_dma source(%dma_start3A_273 : memref<3128xf32, #tpu.memory_space<vmem_shared>>) target(%dma_start3A_272 : memref<3128xf32, #tpu.memory_space<vmem>>) target_semaphore(%run_scoped3A : memref<!tpu.dma_semaphore, #tpu.memory_space<semaphore_mem>>)
        %dma_wait3A_274 = arith.constant 0 : i32
        %dma_wait3A_275 = tpu.memref_slice %arg43[%dma_wait3A_274] : memref<3128xf32, #tpu.memory_space<vmem>> -> memref<3128xf32, #tpu.memory_space<vmem>>
        %dma_wait3A_276 = tpu.memref_slice %arg20[%add3A_251] : memref<100000xf32, #tpu.memory_space<vmem_shared>> -> memref<3128xf32, #tpu.memory_space<vmem_shared>>
        %dma_wait3A_277 = arith.constant 0 : i32
        %dma_wait3A_278 = tpu.memref_slice %arg43[%dma_wait3A_277] : memref<3128xf32, #tpu.memory_space<vmem>> -> memref<3128xf32, #tpu.memory_space<vmem>>
        %dma_wait3A_279 = tpu.memref_slice %arg20[%add3A_251] : memref<100000xf32, #tpu.memory_space<vmem_shared>> -> memref<3128xf32, #tpu.memory_space<vmem_shared>>
        tpu.wait_dma2 semaphore(%run_scoped3A : memref<!tpu.dma_semaphore, #tpu.memory_space<semaphore_mem>>) src(%dma_wait3A_279 : memref<3128xf32, #tpu.memory_space<vmem_shared>>) dst(%dma_wait3A_278 : memref<3128xf32, #tpu.memory_space<vmem>>)
        tpu.yield
      }) : () -> ()
      %add3A_252 = arith.constant 100000 : i32
      %add3A_253 = arith.addi %add3A_252, %multiple_of3A_231 : i32
      %add3A_254 = arith.constant 3128 : i32
      %add3A_255 = arith.addi %add3A_253, %add3A_254 : i32
      "tpu.region"() ({
        %run_scoped3A = tpu.sem_alloc : memref<!tpu.dma_semaphore, #tpu.memory_space<semaphore_mem>>
        %dma_start3A_268 = arith.constant 0 : i32
        %dma_start3A_269 = tpu.memref_slice %arg43[%dma_start3A_268] : memref<3128xf32, #tpu.memory_space<vmem>> -> memref<3128xf32, #tpu.memory_space<vmem>>
        %dma_start3A_270 = tpu.memref_slice %arg12[%add3A_255] : memref<303104xf32, #tpu.memory_space<hbm>> -> memref<3128xf32, #tpu.memory_space<hbm>>
        %dma_start3A_271 = tpu.memref_slice %arg12[%add3A_255] : memref<303104xf32, #tpu.memory_space<hbm>> -> memref<3128xf32, #tpu.memory_space<hbm>>
        %dma_start3A_272 = arith.constant 0 : i32
        %dma_start3A_273 = tpu.memref_slice %arg43[%dma_start3A_272] : memref<3128xf32, #tpu.memory_space<vmem>> -> memref<3128xf32, #tpu.memory_space<vmem>>
        tpu.enqueue_dma source(%dma_start3A_273 : memref<3128xf32, #tpu.memory_space<vmem>>) target(%dma_start3A_271 : memref<3128xf32, #tpu.memory_space<hbm>>) target_semaphore(%run_scoped3A : memref<!tpu.dma_semaphore, #tpu.memory_space<semaphore_mem>>)
        %dma_wait3A_274 = arith.constant 0 : i32
        %dma_wait3A_275 = tpu.memref_slice %arg43[%dma_wait3A_274] : memref<3128xf32, #tpu.memory_space<vmem>> -> memref<3128xf32, #tpu.memory_space<vmem>>
        %dma_wait3A_276 = tpu.memref_slice %arg12[%add3A_255] : memref<303104xf32, #tpu.memory_space<hbm>> -> memref<3128xf32, #tpu.memory_space<hbm>>
        %dma_wait3A_277 = tpu.memref_slice %arg12[%add3A_255] : memref<303104xf32, #tpu.memory_space<hbm>> -> memref<3128xf32, #tpu.memory_space<hbm>>
        %dma_wait3A_278 = arith.constant 0 : i32
        %dma_wait3A_279 = tpu.memref_slice %arg43[%dma_wait3A_278] : memref<3128xf32, #tpu.memory_space<vmem>> -> memref<3128xf32, #tpu.memory_space<vmem>>
        tpu.wait_dma2 semaphore(%run_scoped3A : memref<!tpu.dma_semaphore, #tpu.memory_space<semaphore_mem>>) src(%dma_wait3A_279 : memref<3128xf32, #tpu.memory_space<vmem>>) dst(%dma_wait3A_277 : memref<3128xf32, #tpu.memory_space<hbm>>)
        tpu.yield
      }) : () -> ()
      %add3A_256 = arith.constant 0 : i32
      %add3A_257 = arith.addi %multiple_of3A_231, %add3A_256 : i32
      "tpu.region"() ({
        %run_scoped3A = tpu.sem_alloc : memref<!tpu.dma_semaphore, #tpu.memory_space<semaphore_mem>>
        %dma_start3A_268 = arith.constant 0 : i32
        %dma_start3A_269 = tpu.memref_slice %arg43[%dma_start3A_268] : memref<3128xf32, #tpu.memory_space<vmem>> -> memref<3128xf32, #tpu.memory_space<vmem>>
        %dma_start3A_270 = tpu.memref_slice %arg21[%add3A_257] : memref<100000xf32, #tpu.memory_space<vmem_shared>> -> memref<3128xf32, #tpu.memory_space<vmem_shared>>
        %dma_start3A_271 = arith.constant 0 : i32
        %dma_start3A_272 = tpu.memref_slice %arg43[%dma_start3A_271] : memref<3128xf32, #tpu.memory_space<vmem>> -> memref<3128xf32, #tpu.memory_space<vmem>>
        %dma_start3A_273 = tpu.memref_slice %arg21[%add3A_257] : memref<100000xf32, #tpu.memory_space<vmem_shared>> -> memref<3128xf32, #tpu.memory_space<vmem_shared>>
        tpu.enqueue_dma source(%dma_start3A_273 : memref<3128xf32, #tpu.memory_space<vmem_shared>>) target(%dma_start3A_272 : memref<3128xf32, #tpu.memory_space<vmem>>) target_semaphore(%run_scoped3A : memref<!tpu.dma_semaphore, #tpu.memory_space<semaphore_mem>>)
        %dma_wait3A_274 = arith.constant 0 : i32
        %dma_wait3A_275 = tpu.memref_slice %arg43[%dma_wait3A_274] : memref<3128xf32, #tpu.memory_space<vmem>> -> memref<3128xf32, #tpu.memory_space<vmem>>
        %dma_wait3A_276 = tpu.memref_slice %arg21[%add3A_257] : memref<100000xf32, #tpu.memory_space<vmem_shared>> -> memref<3128xf32, #tpu.memory_space<vmem_shared>>
        %dma_wait3A_277 = arith.constant 0 : i32
        %dma_wait3A_278 = tpu.memref_slice %arg43[%dma_wait3A_277] : memref<3128xf32, #tpu.memory_space<vmem>> -> memref<3128xf32, #tpu.memory_space<vmem>>
        %dma_wait3A_279 = tpu.memref_slice %arg21[%add3A_257] : memref<100000xf32, #tpu.memory_space<vmem_shared>> -> memref<3128xf32, #tpu.memory_space<vmem_shared>>
        tpu.wait_dma2 semaphore(%run_scoped3A : memref<!tpu.dma_semaphore, #tpu.memory_space<semaphore_mem>>) src(%dma_wait3A_279 : memref<3128xf32, #tpu.memory_space<vmem_shared>>) dst(%dma_wait3A_278 : memref<3128xf32, #tpu.memory_space<vmem>>)
        tpu.yield
      }) : () -> ()
      %add3A_258 = arith.constant 200000 : i32
      %add3A_259 = arith.addi %add3A_258, %multiple_of3A_231 : i32
      %add3A_260 = arith.constant 0 : i32
      %add3A_261 = arith.addi %add3A_259, %add3A_260 : i32
      "tpu.region"() ({
        %run_scoped3A = tpu.sem_alloc : memref<!tpu.dma_semaphore, #tpu.memory_space<semaphore_mem>>
        %dma_start3A_268 = arith.constant 0 : i32
        %dma_start3A_269 = tpu.memref_slice %arg43[%dma_start3A_268] : memref<3128xf32, #tpu.memory_space<vmem>> -> memref<3128xf32, #tpu.memory_space<vmem>>
        %dma_start3A_270 = tpu.memref_slice %arg12[%add3A_261] : memref<303104xf32, #tpu.memory_space<hbm>> -> memref<3128xf32, #tpu.memory_space<hbm>>
        %dma_start3A_271 = tpu.memref_slice %arg12[%add3A_261] : memref<303104xf32, #tpu.memory_space<hbm>> -> memref<3128xf32, #tpu.memory_space<hbm>>
        %dma_start3A_272 = arith.constant 0 : i32
        %dma_start3A_273 = tpu.memref_slice %arg43[%dma_start3A_272] : memref<3128xf32, #tpu.memory_space<vmem>> -> memref<3128xf32, #tpu.memory_space<vmem>>
        tpu.enqueue_dma source(%dma_start3A_273 : memref<3128xf32, #tpu.memory_space<vmem>>) target(%dma_start3A_271 : memref<3128xf32, #tpu.memory_space<hbm>>) target_semaphore(%run_scoped3A : memref<!tpu.dma_semaphore, #tpu.memory_space<semaphore_mem>>)
        %dma_wait3A_274 = arith.constant 0 : i32
        %dma_wait3A_275 = tpu.memref_slice %arg43[%dma_wait3A_274] : memref<3128xf32, #tpu.memory_space<vmem>> -> memref<3128xf32, #tpu.memory_space<vmem>>
        %dma_wait3A_276 = tpu.memref_slice %arg12[%add3A_261] : memref<303104xf32, #tpu.memory_space<hbm>> -> memref<3128xf32, #tpu.memory_space<hbm>>
        %dma_wait3A_277 = tpu.memref_slice %arg12[%add3A_261] : memref<303104xf32, #tpu.memory_space<hbm>> -> memref<3128xf32, #tpu.memory_space<hbm>>
        %dma_wait3A_278 = arith.constant 0 : i32
        %dma_wait3A_279 = tpu.memref_slice %arg43[%dma_wait3A_278] : memref<3128xf32, #tpu.memory_space<vmem>> -> memref<3128xf32, #tpu.memory_space<vmem>>
        tpu.wait_dma2 semaphore(%run_scoped3A : memref<!tpu.dma_semaphore, #tpu.memory_space<semaphore_mem>>) src(%dma_wait3A_279 : memref<3128xf32, #tpu.memory_space<vmem>>) dst(%dma_wait3A_277 : memref<3128xf32, #tpu.memory_space<hbm>>)
        tpu.yield
      }) : () -> ()
      %add3A_262 = arith.constant 3128 : i32
      %add3A_263 = arith.addi %multiple_of3A_231, %add3A_262 : i32
      "tpu.region"() ({
        %run_scoped3A = tpu.sem_alloc : memref<!tpu.dma_semaphore, #tpu.memory_space<semaphore_mem>>
        %dma_start3A_268 = arith.constant 0 : i32
        %dma_start3A_269 = tpu.memref_slice %arg43[%dma_start3A_268] : memref<3128xf32, #tpu.memory_space<vmem>> -> memref<3128xf32, #tpu.memory_space<vmem>>
        %dma_start3A_270 = tpu.memref_slice %arg21[%add3A_263] : memref<100000xf32, #tpu.memory_space<vmem_shared>> -> memref<3128xf32, #tpu.memory_space<vmem_shared>>
        %dma_start3A_271 = arith.constant 0 : i32
        %dma_start3A_272 = tpu.memref_slice %arg43[%dma_start3A_271] : memref<3128xf32, #tpu.memory_space<vmem>> -> memref<3128xf32, #tpu.memory_space<vmem>>
        %dma_start3A_273 = tpu.memref_slice %arg21[%add3A_263] : memref<100000xf32, #tpu.memory_space<vmem_shared>> -> memref<3128xf32, #tpu.memory_space<vmem_shared>>
        tpu.enqueue_dma source(%dma_start3A_273 : memref<3128xf32, #tpu.memory_space<vmem_shared>>) target(%dma_start3A_272 : memref<3128xf32, #tpu.memory_space<vmem>>) target_semaphore(%run_scoped3A : memref<!tpu.dma_semaphore, #tpu.memory_space<semaphore_mem>>)
        %dma_wait3A_274 = arith.constant 0 : i32
        %dma_wait3A_275 = tpu.memref_slice %arg43[%dma_wait3A_274] : memref<3128xf32, #tpu.memory_space<vmem>> -> memref<3128xf32, #tpu.memory_space<vmem>>
        %dma_wait3A_276 = tpu.memref_slice %arg21[%add3A_263] : memref<100000xf32, #tpu.memory_space<vmem_shared>> -> memref<3128xf32, #tpu.memory_space<vmem_shared>>
        %dma_wait3A_277 = arith.constant 0 : i32
        %dma_wait3A_278 = tpu.memref_slice %arg43[%dma_wait3A_277] : memref<3128xf32, #tpu.memory_space<vmem>> -> memref<3128xf32, #tpu.memory_space<vmem>>
        %dma_wait3A_279 = tpu.memref_slice %arg21[%add3A_263] : memref<100000xf32, #tpu.memory_space<vmem_shared>> -> memref<3128xf32, #tpu.memory_space<vmem_shared>>
        tpu.wait_dma2 semaphore(%run_scoped3A : memref<!tpu.dma_semaphore, #tpu.memory_space<semaphore_mem>>) src(%dma_wait3A_279 : memref<3128xf32, #tpu.memory_space<vmem_shared>>) dst(%dma_wait3A_278 : memref<3128xf32, #tpu.memory_space<vmem>>)
        tpu.yield
      }) : () -> ()
      %add3A_264 = arith.constant 200000 : i32
      %add3A_265 = arith.addi %add3A_264, %multiple_of3A_231 : i32
      %add3A_266 = arith.constant 3128 : i32
      %add3A_267 = arith.addi %add3A_265, %add3A_266 : i32
      "tpu.region"() ({
        %run_scoped3A = tpu.sem_alloc : memref<!tpu.dma_semaphore, #tpu.memory_space<semaphore_mem>>
        %dma_start3A_268 = arith.constant 0 : i32
        %dma_start3A_269 = tpu.memref_slice %arg43[%dma_start3A_268] : memref<3128xf32, #tpu.memory_space<vmem>> -> memref<3128xf32, #tpu.memory_space<vmem>>
        %dma_start3A_270 = tpu.memref_slice %arg12[%add3A_267] : memref<303104xf32, #tpu.memory_space<hbm>> -> memref<3128xf32, #tpu.memory_space<hbm>>
        %dma_start3A_271 = tpu.memref_slice %arg12[%add3A_267] : memref<303104xf32, #tpu.memory_space<hbm>> -> memref<3128xf32, #tpu.memory_space<hbm>>
        %dma_start3A_272 = arith.constant 0 : i32
        %dma_start3A_273 = tpu.memref_slice %arg43[%dma_start3A_272] : memref<3128xf32, #tpu.memory_space<vmem>> -> memref<3128xf32, #tpu.memory_space<vmem>>
        tpu.enqueue_dma source(%dma_start3A_273 : memref<3128xf32, #tpu.memory_space<vmem>>) target(%dma_start3A_271 : memref<3128xf32, #tpu.memory_space<hbm>>) target_semaphore(%run_scoped3A : memref<!tpu.dma_semaphore, #tpu.memory_space<semaphore_mem>>)
        %dma_wait3A_274 = arith.constant 0 : i32
        %dma_wait3A_275 = tpu.memref_slice %arg43[%dma_wait3A_274] : memref<3128xf32, #tpu.memory_space<vmem>> -> memref<3128xf32, #tpu.memory_space<vmem>>
        %dma_wait3A_276 = tpu.memref_slice %arg12[%add3A_267] : memref<303104xf32, #tpu.memory_space<hbm>> -> memref<3128xf32, #tpu.memory_space<hbm>>
        %dma_wait3A_277 = tpu.memref_slice %arg12[%add3A_267] : memref<303104xf32, #tpu.memory_space<hbm>> -> memref<3128xf32, #tpu.memory_space<hbm>>
        %dma_wait3A_278 = arith.constant 0 : i32
        %dma_wait3A_279 = tpu.memref_slice %arg43[%dma_wait3A_278] : memref<3128xf32, #tpu.memory_space<vmem>> -> memref<3128xf32, #tpu.memory_space<vmem>>
        tpu.wait_dma2 semaphore(%run_scoped3A : memref<!tpu.dma_semaphore, #tpu.memory_space<semaphore_mem>>) src(%dma_wait3A_279 : memref<3128xf32, #tpu.memory_space<vmem>>) dst(%dma_wait3A_277 : memref<3128xf32, #tpu.memory_space<hbm>>)
        tpu.yield
      }) : () -> ()
    } else {
    }
    %eq3A_205 = arith.constant 0 : i32
    %eq3A_206 = arith.cmpi eq, %arg0, %eq3A_205 : i32
    %eq3A_207 = arith.constant 15 : i32
    %eq3A_208 = arith.cmpi eq, %arg1, %eq3A_207 : i32
    %and3A_209 = arith.andi %eq3A_206, %eq3A_208 : i1
    %convert_element_type3A_210 = arith.extui %and3A_209 : i1 to i32
    %cond3A_211 = arith.constant 0 : i32
    %cond3A_212 = arith.cmpi ne, %convert_element_type3A_210, %cond3A_211 : i32
    scf.if %cond3A_212 {
      "tpu.region"() ({
        %run_scoped3A = tpu.sem_alloc : memref<!tpu.dma_semaphore, #tpu.memory_space<semaphore_mem>>
        %dma_start3A_229 = arith.constant 0 : i32
        %dma_start3A_230 = tpu.memref_slice %arg43[%dma_start3A_229] : memref<3128xf32, #tpu.memory_space<vmem>> -> memref<3128xf32, #tpu.memory_space<vmem>>
        %dma_start3A_231 = arith.constant 93840 : i32
        %dma_start3A_232 = tpu.memref_slice %arg19[%dma_start3A_231] : memref<100000xf32, #tpu.memory_space<vmem_shared>> -> memref<3128xf32, #tpu.memory_space<vmem_shared>>
        %dma_start3A_233 = arith.constant 0 : i32
        %dma_start3A_234 = tpu.memref_slice %arg43[%dma_start3A_233] : memref<3128xf32, #tpu.memory_space<vmem>> -> memref<3128xf32, #tpu.memory_space<vmem>>
        %dma_start3A_235 = arith.constant 93840 : i32
        %dma_start3A_236 = tpu.memref_slice %arg19[%dma_start3A_235] : memref<100000xf32, #tpu.memory_space<vmem_shared>> -> memref<3128xf32, #tpu.memory_space<vmem_shared>>
        tpu.enqueue_dma source(%dma_start3A_236 : memref<3128xf32, #tpu.memory_space<vmem_shared>>) target(%dma_start3A_234 : memref<3128xf32, #tpu.memory_space<vmem>>) target_semaphore(%run_scoped3A : memref<!tpu.dma_semaphore, #tpu.memory_space<semaphore_mem>>)
        %dma_wait3A_237 = arith.constant 0 : i32
        %dma_wait3A_238 = tpu.memref_slice %arg43[%dma_wait3A_237] : memref<3128xf32, #tpu.memory_space<vmem>> -> memref<3128xf32, #tpu.memory_space<vmem>>
        %dma_wait3A_239 = arith.constant 93840 : i32
        %dma_wait3A_240 = tpu.memref_slice %arg19[%dma_wait3A_239] : memref<100000xf32, #tpu.memory_space<vmem_shared>> -> memref<3128xf32, #tpu.memory_space<vmem_shared>>
        %dma_wait3A_241 = arith.constant 0 : i32
        %dma_wait3A_242 = tpu.memref_slice %arg43[%dma_wait3A_241] : memref<3128xf32, #tpu.memory_space<vmem>> -> memref<3128xf32, #tpu.memory_space<vmem>>
        %dma_wait3A_243 = arith.constant 93840 : i32
        %dma_wait3A_244 = tpu.memref_slice %arg19[%dma_wait3A_243] : memref<100000xf32, #tpu.memory_space<vmem_shared>> -> memref<3128xf32, #tpu.memory_space<vmem_shared>>
        tpu.wait_dma2 semaphore(%run_scoped3A : memref<!tpu.dma_semaphore, #tpu.memory_space<semaphore_mem>>) src(%dma_wait3A_244 : memref<3128xf32, #tpu.memory_space<vmem_shared>>) dst(%dma_wait3A_242 : memref<3128xf32, #tpu.memory_space<vmem>>)
        tpu.yield
      }) : () -> ()
      "tpu.region"() ({
        %run_scoped3A = tpu.sem_alloc : memref<!tpu.dma_semaphore, #tpu.memory_space<semaphore_mem>>
        %dma_start3A_229 = arith.constant 0 : i32
        %dma_start3A_230 = tpu.memref_slice %arg43[%dma_start3A_229] : memref<3128xf32, #tpu.memory_space<vmem>> -> memref<3128xf32, #tpu.memory_space<vmem>>
        %dma_start3A_231 = arith.constant 93840 : i32
        %dma_start3A_232 = tpu.memref_slice %arg12[%dma_start3A_231] : memref<303104xf32, #tpu.memory_space<hbm>> -> memref<3128xf32, #tpu.memory_space<hbm>>
        %dma_start3A_233 = arith.constant 93840 : i32
        %dma_start3A_234 = tpu.memref_slice %arg12[%dma_start3A_233] : memref<303104xf32, #tpu.memory_space<hbm>> -> memref<3128xf32, #tpu.memory_space<hbm>>
        %dma_start3A_235 = arith.constant 0 : i32
        %dma_start3A_236 = tpu.memref_slice %arg43[%dma_start3A_235] : memref<3128xf32, #tpu.memory_space<vmem>> -> memref<3128xf32, #tpu.memory_space<vmem>>
        tpu.enqueue_dma source(%dma_start3A_236 : memref<3128xf32, #tpu.memory_space<vmem>>) target(%dma_start3A_234 : memref<3128xf32, #tpu.memory_space<hbm>>) target_semaphore(%run_scoped3A : memref<!tpu.dma_semaphore, #tpu.memory_space<semaphore_mem>>)
        %dma_wait3A_237 = arith.constant 0 : i32
        %dma_wait3A_238 = tpu.memref_slice %arg43[%dma_wait3A_237] : memref<3128xf32, #tpu.memory_space<vmem>> -> memref<3128xf32, #tpu.memory_space<vmem>>
        %dma_wait3A_239 = arith.constant 93840 : i32
        %dma_wait3A_240 = tpu.memref_slice %arg12[%dma_wait3A_239] : memref<303104xf32, #tpu.memory_space<hbm>> -> memref<3128xf32, #tpu.memory_space<hbm>>
        %dma_wait3A_241 = arith.constant 93840 : i32
        %dma_wait3A_242 = tpu.memref_slice %arg12[%dma_wait3A_241] : memref<303104xf32, #tpu.memory_space<hbm>> -> memref<3128xf32, #tpu.memory_space<hbm>>
        %dma_wait3A_243 = arith.constant 0 : i32
        %dma_wait3A_244 = tpu.memref_slice %arg43[%dma_wait3A_243] : memref<3128xf32, #tpu.memory_space<vmem>> -> memref<3128xf32, #tpu.memory_space<vmem>>
        tpu.wait_dma2 semaphore(%run_scoped3A : memref<!tpu.dma_semaphore, #tpu.memory_space<semaphore_mem>>) src(%dma_wait3A_244 : memref<3128xf32, #tpu.memory_space<vmem>>) dst(%dma_wait3A_242 : memref<3128xf32, #tpu.memory_space<hbm>>)
        tpu.yield
      }) : () -> ()
      "tpu.region"() ({
        %run_scoped3A = tpu.sem_alloc : memref<!tpu.dma_semaphore, #tpu.memory_space<semaphore_mem>>
        %dma_start3A_229 = arith.constant 0 : i32
        %dma_start3A_230 = tpu.memref_slice %arg43[%dma_start3A_229] : memref<3128xf32, #tpu.memory_space<vmem>> -> memref<3032xf32, #tpu.memory_space<vmem>>
        %dma_start3A_231 = arith.constant 96968 : i32
        %dma_start3A_232 = tpu.memref_slice %arg19[%dma_start3A_231] : memref<100000xf32, #tpu.memory_space<vmem_shared>> -> memref<3032xf32, #tpu.memory_space<vmem_shared>>
        %dma_start3A_233 = arith.constant 0 : i32
        %dma_start3A_234 = tpu.memref_slice %arg43[%dma_start3A_233] : memref<3128xf32, #tpu.memory_space<vmem>> -> memref<3032xf32, #tpu.memory_space<vmem>>
        %dma_start3A_235 = arith.constant 96968 : i32
        %dma_start3A_236 = tpu.memref_slice %arg19[%dma_start3A_235] : memref<100000xf32, #tpu.memory_space<vmem_shared>> -> memref<3032xf32, #tpu.memory_space<vmem_shared>>
        tpu.enqueue_dma source(%dma_start3A_236 : memref<3032xf32, #tpu.memory_space<vmem_shared>>) target(%dma_start3A_234 : memref<3032xf32, #tpu.memory_space<vmem>>) target_semaphore(%run_scoped3A : memref<!tpu.dma_semaphore, #tpu.memory_space<semaphore_mem>>)
        %dma_wait3A_237 = arith.constant 0 : i32
        %dma_wait3A_238 = tpu.memref_slice %arg43[%dma_wait3A_237] : memref<3128xf32, #tpu.memory_space<vmem>> -> memref<3032xf32, #tpu.memory_space<vmem>>
        %dma_wait3A_239 = arith.constant 96968 : i32
        %dma_wait3A_240 = tpu.memref_slice %arg19[%dma_wait3A_239] : memref<100000xf32, #tpu.memory_space<vmem_shared>> -> memref<3032xf32, #tpu.memory_space<vmem_shared>>
        %dma_wait3A_241 = arith.constant 0 : i32
        %dma_wait3A_242 = tpu.memref_slice %arg43[%dma_wait3A_241] : memref<3128xf32, #tpu.memory_space<vmem>> -> memref<3032xf32, #tpu.memory_space<vmem>>
        %dma_wait3A_243 = arith.constant 96968 : i32
        %dma_wait3A_244 = tpu.memref_slice %arg19[%dma_wait3A_243] : memref<100000xf32, #tpu.memory_space<vmem_shared>> -> memref<3032xf32, #tpu.memory_space<vmem_shared>>
        tpu.wait_dma2 semaphore(%run_scoped3A : memref<!tpu.dma_semaphore, #tpu.memory_space<semaphore_mem>>) src(%dma_wait3A_244 : memref<3032xf32, #tpu.memory_space<vmem_shared>>) dst(%dma_wait3A_242 : memref<3032xf32, #tpu.memory_space<vmem>>)
        tpu.yield
      }) : () -> ()
      "tpu.region"() ({
        %run_scoped3A = tpu.sem_alloc : memref<!tpu.dma_semaphore, #tpu.memory_space<semaphore_mem>>
        %dma_start3A_229 = arith.constant 0 : i32
        %dma_start3A_230 = tpu.memref_slice %arg43[%dma_start3A_229] : memref<3128xf32, #tpu.memory_space<vmem>> -> memref<3032xf32, #tpu.memory_space<vmem>>
        %dma_start3A_231 = arith.constant 96968 : i32
        %dma_start3A_232 = tpu.memref_slice %arg12[%dma_start3A_231] : memref<303104xf32, #tpu.memory_space<hbm>> -> memref<3032xf32, #tpu.memory_space<hbm>>
        %dma_start3A_233 = arith.constant 96968 : i32
        %dma_start3A_234 = tpu.memref_slice %arg12[%dma_start3A_233] : memref<303104xf32, #tpu.memory_space<hbm>> -> memref<3032xf32, #tpu.memory_space<hbm>>
        %dma_start3A_235 = arith.constant 0 : i32
        %dma_start3A_236 = tpu.memref_slice %arg43[%dma_start3A_235] : memref<3128xf32, #tpu.memory_space<vmem>> -> memref<3032xf32, #tpu.memory_space<vmem>>
        tpu.enqueue_dma source(%dma_start3A_236 : memref<3032xf32, #tpu.memory_space<vmem>>) target(%dma_start3A_234 : memref<3032xf32, #tpu.memory_space<hbm>>) target_semaphore(%run_scoped3A : memref<!tpu.dma_semaphore, #tpu.memory_space<semaphore_mem>>)
        %dma_wait3A_237 = arith.constant 0 : i32
        %dma_wait3A_238 = tpu.memref_slice %arg43[%dma_wait3A_237] : memref<3128xf32, #tpu.memory_space<vmem>> -> memref<3032xf32, #tpu.memory_space<vmem>>
        %dma_wait3A_239 = arith.constant 96968 : i32
        %dma_wait3A_240 = tpu.memref_slice %arg12[%dma_wait3A_239] : memref<303104xf32, #tpu.memory_space<hbm>> -> memref<3032xf32, #tpu.memory_space<hbm>>
        %dma_wait3A_241 = arith.constant 96968 : i32
        %dma_wait3A_242 = tpu.memref_slice %arg12[%dma_wait3A_241] : memref<303104xf32, #tpu.memory_space<hbm>> -> memref<3032xf32, #tpu.memory_space<hbm>>
        %dma_wait3A_243 = arith.constant 0 : i32
        %dma_wait3A_244 = tpu.memref_slice %arg43[%dma_wait3A_243] : memref<3128xf32, #tpu.memory_space<vmem>> -> memref<3032xf32, #tpu.memory_space<vmem>>
        tpu.wait_dma2 semaphore(%run_scoped3A : memref<!tpu.dma_semaphore, #tpu.memory_space<semaphore_mem>>) src(%dma_wait3A_244 : memref<3032xf32, #tpu.memory_space<vmem>>) dst(%dma_wait3A_242 : memref<3032xf32, #tpu.memory_space<hbm>>)
        tpu.yield
      }) : () -> ()
      "tpu.region"() ({
        %run_scoped3A = tpu.sem_alloc : memref<!tpu.dma_semaphore, #tpu.memory_space<semaphore_mem>>
        %dma_start3A_229 = arith.constant 0 : i32
        %dma_start3A_230 = tpu.memref_slice %arg43[%dma_start3A_229] : memref<3128xf32, #tpu.memory_space<vmem>> -> memref<3128xf32, #tpu.memory_space<vmem>>
        %dma_start3A_231 = arith.constant 93840 : i32
        %dma_start3A_232 = tpu.memref_slice %arg20[%dma_start3A_231] : memref<100000xf32, #tpu.memory_space<vmem_shared>> -> memref<3128xf32, #tpu.memory_space<vmem_shared>>
        %dma_start3A_233 = arith.constant 0 : i32
        %dma_start3A_234 = tpu.memref_slice %arg43[%dma_start3A_233] : memref<3128xf32, #tpu.memory_space<vmem>> -> memref<3128xf32, #tpu.memory_space<vmem>>
        %dma_start3A_235 = arith.constant 93840 : i32
        %dma_start3A_236 = tpu.memref_slice %arg20[%dma_start3A_235] : memref<100000xf32, #tpu.memory_space<vmem_shared>> -> memref<3128xf32, #tpu.memory_space<vmem_shared>>
        tpu.enqueue_dma source(%dma_start3A_236 : memref<3128xf32, #tpu.memory_space<vmem_shared>>) target(%dma_start3A_234 : memref<3128xf32, #tpu.memory_space<vmem>>) target_semaphore(%run_scoped3A : memref<!tpu.dma_semaphore, #tpu.memory_space<semaphore_mem>>)
        %dma_wait3A_237 = arith.constant 0 : i32
        %dma_wait3A_238 = tpu.memref_slice %arg43[%dma_wait3A_237] : memref<3128xf32, #tpu.memory_space<vmem>> -> memref<3128xf32, #tpu.memory_space<vmem>>
        %dma_wait3A_239 = arith.constant 93840 : i32
        %dma_wait3A_240 = tpu.memref_slice %arg20[%dma_wait3A_239] : memref<100000xf32, #tpu.memory_space<vmem_shared>> -> memref<3128xf32, #tpu.memory_space<vmem_shared>>
        %dma_wait3A_241 = arith.constant 0 : i32
        %dma_wait3A_242 = tpu.memref_slice %arg43[%dma_wait3A_241] : memref<3128xf32, #tpu.memory_space<vmem>> -> memref<3128xf32, #tpu.memory_space<vmem>>
        %dma_wait3A_243 = arith.constant 93840 : i32
        %dma_wait3A_244 = tpu.memref_slice %arg20[%dma_wait3A_243] : memref<100000xf32, #tpu.memory_space<vmem_shared>> -> memref<3128xf32, #tpu.memory_space<vmem_shared>>
        tpu.wait_dma2 semaphore(%run_scoped3A : memref<!tpu.dma_semaphore, #tpu.memory_space<semaphore_mem>>) src(%dma_wait3A_244 : memref<3128xf32, #tpu.memory_space<vmem_shared>>) dst(%dma_wait3A_242 : memref<3128xf32, #tpu.memory_space<vmem>>)
        tpu.yield
      }) : () -> ()
      "tpu.region"() ({
        %run_scoped3A = tpu.sem_alloc : memref<!tpu.dma_semaphore, #tpu.memory_space<semaphore_mem>>
        %dma_start3A_229 = arith.constant 0 : i32
        %dma_start3A_230 = tpu.memref_slice %arg43[%dma_start3A_229] : memref<3128xf32, #tpu.memory_space<vmem>> -> memref<3128xf32, #tpu.memory_space<vmem>>
        %dma_start3A_231 = arith.constant 193840 : i32
        %dma_start3A_232 = tpu.memref_slice %arg12[%dma_start3A_231] : memref<303104xf32, #tpu.memory_space<hbm>> -> memref<3128xf32, #tpu.memory_space<hbm>>
        %dma_start3A_233 = arith.constant 193840 : i32
        %dma_start3A_234 = tpu.memref_slice %arg12[%dma_start3A_233] : memref<303104xf32, #tpu.memory_space<hbm>> -> memref<3128xf32, #tpu.memory_space<hbm>>
        %dma_start3A_235 = arith.constant 0 : i32
        %dma_start3A_236 = tpu.memref_slice %arg43[%dma_start3A_235] : memref<3128xf32, #tpu.memory_space<vmem>> -> memref<3128xf32, #tpu.memory_space<vmem>>
        tpu.enqueue_dma source(%dma_start3A_236 : memref<3128xf32, #tpu.memory_space<vmem>>) target(%dma_start3A_234 : memref<3128xf32, #tpu.memory_space<hbm>>) target_semaphore(%run_scoped3A : memref<!tpu.dma_semaphore, #tpu.memory_space<semaphore_mem>>)
        %dma_wait3A_237 = arith.constant 0 : i32
        %dma_wait3A_238 = tpu.memref_slice %arg43[%dma_wait3A_237] : memref<3128xf32, #tpu.memory_space<vmem>> -> memref<3128xf32, #tpu.memory_space<vmem>>
        %dma_wait3A_239 = arith.constant 193840 : i32
        %dma_wait3A_240 = tpu.memref_slice %arg12[%dma_wait3A_239] : memref<303104xf32, #tpu.memory_space<hbm>> -> memref<3128xf32, #tpu.memory_space<hbm>>
        %dma_wait3A_241 = arith.constant 193840 : i32
        %dma_wait3A_242 = tpu.memref_slice %arg12[%dma_wait3A_241] : memref<303104xf32, #tpu.memory_space<hbm>> -> memref<3128xf32, #tpu.memory_space<hbm>>
        %dma_wait3A_243 = arith.constant 0 : i32
        %dma_wait3A_244 = tpu.memref_slice %arg43[%dma_wait3A_243] : memref<3128xf32, #tpu.memory_space<vmem>> -> memref<3128xf32, #tpu.memory_space<vmem>>
        tpu.wait_dma2 semaphore(%run_scoped3A : memref<!tpu.dma_semaphore, #tpu.memory_space<semaphore_mem>>) src(%dma_wait3A_244 : memref<3128xf32, #tpu.memory_space<vmem>>) dst(%dma_wait3A_242 : memref<3128xf32, #tpu.memory_space<hbm>>)
        tpu.yield
      }) : () -> ()
      "tpu.region"() ({
        %run_scoped3A = tpu.sem_alloc : memref<!tpu.dma_semaphore, #tpu.memory_space<semaphore_mem>>
        %dma_start3A_229 = arith.constant 0 : i32
        %dma_start3A_230 = tpu.memref_slice %arg43[%dma_start3A_229] : memref<3128xf32, #tpu.memory_space<vmem>> -> memref<3032xf32, #tpu.memory_space<vmem>>
        %dma_start3A_231 = arith.constant 96968 : i32
        %dma_start3A_232 = tpu.memref_slice %arg20[%dma_start3A_231] : memref<100000xf32, #tpu.memory_space<vmem_shared>> -> memref<3032xf32, #tpu.memory_space<vmem_shared>>
        %dma_start3A_233 = arith.constant 0 : i32
        %dma_start3A_234 = tpu.memref_slice %arg43[%dma_start3A_233] : memref<3128xf32, #tpu.memory_space<vmem>> -> memref<3032xf32, #tpu.memory_space<vmem>>
        %dma_start3A_235 = arith.constant 96968 : i32
        %dma_start3A_236 = tpu.memref_slice %arg20[%dma_start3A_235] : memref<100000xf32, #tpu.memory_space<vmem_shared>> -> memref<3032xf32, #tpu.memory_space<vmem_shared>>
        tpu.enqueue_dma source(%dma_start3A_236 : memref<3032xf32, #tpu.memory_space<vmem_shared>>) target(%dma_start3A_234 : memref<3032xf32, #tpu.memory_space<vmem>>) target_semaphore(%run_scoped3A : memref<!tpu.dma_semaphore, #tpu.memory_space<semaphore_mem>>)
        %dma_wait3A_237 = arith.constant 0 : i32
        %dma_wait3A_238 = tpu.memref_slice %arg43[%dma_wait3A_237] : memref<3128xf32, #tpu.memory_space<vmem>> -> memref<3032xf32, #tpu.memory_space<vmem>>
        %dma_wait3A_239 = arith.constant 96968 : i32
        %dma_wait3A_240 = tpu.memref_slice %arg20[%dma_wait3A_239] : memref<100000xf32, #tpu.memory_space<vmem_shared>> -> memref<3032xf32, #tpu.memory_space<vmem_shared>>
        %dma_wait3A_241 = arith.constant 0 : i32
        %dma_wait3A_242 = tpu.memref_slice %arg43[%dma_wait3A_241] : memref<3128xf32, #tpu.memory_space<vmem>> -> memref<3032xf32, #tpu.memory_space<vmem>>
        %dma_wait3A_243 = arith.constant 96968 : i32
        %dma_wait3A_244 = tpu.memref_slice %arg20[%dma_wait3A_243] : memref<100000xf32, #tpu.memory_space<vmem_shared>> -> memref<3032xf32, #tpu.memory_space<vmem_shared>>
        tpu.wait_dma2 semaphore(%run_scoped3A : memref<!tpu.dma_semaphore, #tpu.memory_space<semaphore_mem>>) src(%dma_wait3A_244 : memref<3032xf32, #tpu.memory_space<vmem_shared>>) dst(%dma_wait3A_242 : memref<3032xf32, #tpu.memory_space<vmem>>)
        tpu.yield
      }) : () -> ()
      "tpu.region"() ({
        %run_scoped3A = tpu.sem_alloc : memref<!tpu.dma_semaphore, #tpu.memory_space<semaphore_mem>>
        %dma_start3A_229 = arith.constant 0 : i32
        %dma_start3A_230 = tpu.memref_slice %arg43[%dma_start3A_229] : memref<3128xf32, #tpu.memory_space<vmem>> -> memref<3032xf32, #tpu.memory_space<vmem>>
        %dma_start3A_231 = arith.constant 196968 : i32
        %dma_start3A_232 = tpu.memref_slice %arg12[%dma_start3A_231] : memref<303104xf32, #tpu.memory_space<hbm>> -> memref<3032xf32, #tpu.memory_space<hbm>>
        %dma_start3A_233 = arith.constant 196968 : i32
        %dma_start3A_234 = tpu.memref_slice %arg12[%dma_start3A_233] : memref<303104xf32, #tpu.memory_space<hbm>> -> memref<3032xf32, #tpu.memory_space<hbm>>
        %dma_start3A_235 = arith.constant 0 : i32
        %dma_start3A_236 = tpu.memref_slice %arg43[%dma_start3A_235] : memref<3128xf32, #tpu.memory_space<vmem>> -> memref<3032xf32, #tpu.memory_space<vmem>>
        tpu.enqueue_dma source(%dma_start3A_236 : memref<3032xf32, #tpu.memory_space<vmem>>) target(%dma_start3A_234 : memref<3032xf32, #tpu.memory_space<hbm>>) target_semaphore(%run_scoped3A : memref<!tpu.dma_semaphore, #tpu.memory_space<semaphore_mem>>)
        %dma_wait3A_237 = arith.constant 0 : i32
        %dma_wait3A_238 = tpu.memref_slice %arg43[%dma_wait3A_237] : memref<3128xf32, #tpu.memory_space<vmem>> -> memref<3032xf32, #tpu.memory_space<vmem>>
        %dma_wait3A_239 = arith.constant 196968 : i32
        %dma_wait3A_240 = tpu.memref_slice %arg12[%dma_wait3A_239] : memref<303104xf32, #tpu.memory_space<hbm>> -> memref<3032xf32, #tpu.memory_space<hbm>>
        %dma_wait3A_241 = arith.constant 196968 : i32
        %dma_wait3A_242 = tpu.memref_slice %arg12[%dma_wait3A_241] : memref<303104xf32, #tpu.memory_space<hbm>> -> memref<3032xf32, #tpu.memory_space<hbm>>
        %dma_wait3A_243 = arith.constant 0 : i32
        %dma_wait3A_244 = tpu.memref_slice %arg43[%dma_wait3A_243] : memref<3128xf32, #tpu.memory_space<vmem>> -> memref<3032xf32, #tpu.memory_space<vmem>>
        tpu.wait_dma2 semaphore(%run_scoped3A : memref<!tpu.dma_semaphore, #tpu.memory_space<semaphore_mem>>) src(%dma_wait3A_244 : memref<3032xf32, #tpu.memory_space<vmem>>) dst(%dma_wait3A_242 : memref<3032xf32, #tpu.memory_space<hbm>>)
        tpu.yield
      }) : () -> ()
      "tpu.region"() ({
        %run_scoped3A = tpu.sem_alloc : memref<!tpu.dma_semaphore, #tpu.memory_space<semaphore_mem>>
        %dma_start3A_229 = arith.constant 0 : i32
        %dma_start3A_230 = tpu.memref_slice %arg43[%dma_start3A_229] : memref<3128xf32, #tpu.memory_space<vmem>> -> memref<3128xf32, #tpu.memory_space<vmem>>
        %dma_start3A_231 = arith.constant 93840 : i32
        %dma_start3A_232 = tpu.memref_slice %arg21[%dma_start3A_231] : memref<100000xf32, #tpu.memory_space<vmem_shared>> -> memref<3128xf32, #tpu.memory_space<vmem_shared>>
        %dma_start3A_233 = arith.constant 0 : i32
        %dma_start3A_234 = tpu.memref_slice %arg43[%dma_start3A_233] : memref<3128xf32, #tpu.memory_space<vmem>> -> memref<3128xf32, #tpu.memory_space<vmem>>
        %dma_start3A_235 = arith.constant 93840 : i32
        %dma_start3A_236 = tpu.memref_slice %arg21[%dma_start3A_235] : memref<100000xf32, #tpu.memory_space<vmem_shared>> -> memref<3128xf32, #tpu.memory_space<vmem_shared>>
        tpu.enqueue_dma source(%dma_start3A_236 : memref<3128xf32, #tpu.memory_space<vmem_shared>>) target(%dma_start3A_234 : memref<3128xf32, #tpu.memory_space<vmem>>) target_semaphore(%run_scoped3A : memref<!tpu.dma_semaphore, #tpu.memory_space<semaphore_mem>>)
        %dma_wait3A_237 = arith.constant 0 : i32
        %dma_wait3A_238 = tpu.memref_slice %arg43[%dma_wait3A_237] : memref<3128xf32, #tpu.memory_space<vmem>> -> memref<3128xf32, #tpu.memory_space<vmem>>
        %dma_wait3A_239 = arith.constant 93840 : i32
        %dma_wait3A_240 = tpu.memref_slice %arg21[%dma_wait3A_239] : memref<100000xf32, #tpu.memory_space<vmem_shared>> -> memref<3128xf32, #tpu.memory_space<vmem_shared>>
        %dma_wait3A_241 = arith.constant 0 : i32
        %dma_wait3A_242 = tpu.memref_slice %arg43[%dma_wait3A_241] : memref<3128xf32, #tpu.memory_space<vmem>> -> memref<3128xf32, #tpu.memory_space<vmem>>
        %dma_wait3A_243 = arith.constant 93840 : i32
        %dma_wait3A_244 = tpu.memref_slice %arg21[%dma_wait3A_243] : memref<100000xf32, #tpu.memory_space<vmem_shared>> -> memref<3128xf32, #tpu.memory_space<vmem_shared>>
        tpu.wait_dma2 semaphore(%run_scoped3A : memref<!tpu.dma_semaphore, #tpu.memory_space<semaphore_mem>>) src(%dma_wait3A_244 : memref<3128xf32, #tpu.memory_space<vmem_shared>>) dst(%dma_wait3A_242 : memref<3128xf32, #tpu.memory_space<vmem>>)
        tpu.yield
      }) : () -> ()
      "tpu.region"() ({
        %run_scoped3A = tpu.sem_alloc : memref<!tpu.dma_semaphore, #tpu.memory_space<semaphore_mem>>
        %dma_start3A_229 = arith.constant 0 : i32
        %dma_start3A_230 = tpu.memref_slice %arg43[%dma_start3A_229] : memref<3128xf32, #tpu.memory_space<vmem>> -> memref<3128xf32, #tpu.memory_space<vmem>>
        %dma_start3A_231 = arith.constant 293840 : i32
        %dma_start3A_232 = tpu.memref_slice %arg12[%dma_start3A_231] : memref<303104xf32, #tpu.memory_space<hbm>> -> memref<3128xf32, #tpu.memory_space<hbm>>
        %dma_start3A_233 = arith.constant 293840 : i32
        %dma_start3A_234 = tpu.memref_slice %arg12[%dma_start3A_233] : memref<303104xf32, #tpu.memory_space<hbm>> -> memref<3128xf32, #tpu.memory_space<hbm>>
        %dma_start3A_235 = arith.constant 0 : i32
        %dma_start3A_236 = tpu.memref_slice %arg43[%dma_start3A_235] : memref<3128xf32, #tpu.memory_space<vmem>> -> memref<3128xf32, #tpu.memory_space<vmem>>
        tpu.enqueue_dma source(%dma_start3A_236 : memref<3128xf32, #tpu.memory_space<vmem>>) target(%dma_start3A_234 : memref<3128xf32, #tpu.memory_space<hbm>>) target_semaphore(%run_scoped3A : memref<!tpu.dma_semaphore, #tpu.memory_space<semaphore_mem>>)
        %dma_wait3A_237 = arith.constant 0 : i32
        %dma_wait3A_238 = tpu.memref_slice %arg43[%dma_wait3A_237] : memref<3128xf32, #tpu.memory_space<vmem>> -> memref<3128xf32, #tpu.memory_space<vmem>>
        %dma_wait3A_239 = arith.constant 293840 : i32
        %dma_wait3A_240 = tpu.memref_slice %arg12[%dma_wait3A_239] : memref<303104xf32, #tpu.memory_space<hbm>> -> memref<3128xf32, #tpu.memory_space<hbm>>
        %dma_wait3A_241 = arith.constant 293840 : i32
        %dma_wait3A_242 = tpu.memref_slice %arg12[%dma_wait3A_241] : memref<303104xf32, #tpu.memory_space<hbm>> -> memref<3128xf32, #tpu.memory_space<hbm>>
        %dma_wait3A_243 = arith.constant 0 : i32
        %dma_wait3A_244 = tpu.memref_slice %arg43[%dma_wait3A_243] : memref<3128xf32, #tpu.memory_space<vmem>> -> memref<3128xf32, #tpu.memory_space<vmem>>
        tpu.wait_dma2 semaphore(%run_scoped3A : memref<!tpu.dma_semaphore, #tpu.memory_space<semaphore_mem>>) src(%dma_wait3A_244 : memref<3128xf32, #tpu.memory_space<vmem>>) dst(%dma_wait3A_242 : memref<3128xf32, #tpu.memory_space<hbm>>)
        tpu.yield
      }) : () -> ()
      "tpu.region"() ({
        %run_scoped3A = tpu.sem_alloc : memref<!tpu.dma_semaphore, #tpu.memory_space<semaphore_mem>>
        %dma_start3A_229 = arith.constant 0 : i32
        %dma_start3A_230 = tpu.memref_slice %arg43[%dma_start3A_229] : memref<3128xf32, #tpu.memory_space<vmem>> -> memref<3032xf32, #tpu.memory_space<vmem>>
        %dma_start3A_231 = arith.constant 96968 : i32
        %dma_start3A_232 = tpu.memref_slice %arg21[%dma_start3A_231] : memref<100000xf32, #tpu.memory_space<vmem_shared>> -> memref<3032xf32, #tpu.memory_space<vmem_shared>>
        %dma_start3A_233 = arith.constant 0 : i32
        %dma_start3A_234 = tpu.memref_slice %arg43[%dma_start3A_233] : memref<3128xf32, #tpu.memory_space<vmem>> -> memref<3032xf32, #tpu.memory_space<vmem>>
        %dma_start3A_235 = arith.constant 96968 : i32
        %dma_start3A_236 = tpu.memref_slice %arg21[%dma_start3A_235] : memref<100000xf32, #tpu.memory_space<vmem_shared>> -> memref<3032xf32, #tpu.memory_space<vmem_shared>>
        tpu.enqueue_dma source(%dma_start3A_236 : memref<3032xf32, #tpu.memory_space<vmem_shared>>) target(%dma_start3A_234 : memref<3032xf32, #tpu.memory_space<vmem>>) target_semaphore(%run_scoped3A : memref<!tpu.dma_semaphore, #tpu.memory_space<semaphore_mem>>)
        %dma_wait3A_237 = arith.constant 0 : i32
        %dma_wait3A_238 = tpu.memref_slice %arg43[%dma_wait3A_237] : memref<3128xf32, #tpu.memory_space<vmem>> -> memref<3032xf32, #tpu.memory_space<vmem>>
        %dma_wait3A_239 = arith.constant 96968 : i32
        %dma_wait3A_240 = tpu.memref_slice %arg21[%dma_wait3A_239] : memref<100000xf32, #tpu.memory_space<vmem_shared>> -> memref<3032xf32, #tpu.memory_space<vmem_shared>>
        %dma_wait3A_241 = arith.constant 0 : i32
        %dma_wait3A_242 = tpu.memref_slice %arg43[%dma_wait3A_241] : memref<3128xf32, #tpu.memory_space<vmem>> -> memref<3032xf32, #tpu.memory_space<vmem>>
        %dma_wait3A_243 = arith.constant 96968 : i32
        %dma_wait3A_244 = tpu.memref_slice %arg21[%dma_wait3A_243] : memref<100000xf32, #tpu.memory_space<vmem_shared>> -> memref<3032xf32, #tpu.memory_space<vmem_shared>>
        tpu.wait_dma2 semaphore(%run_scoped3A : memref<!tpu.dma_semaphore, #tpu.memory_space<semaphore_mem>>) src(%dma_wait3A_244 : memref<3032xf32, #tpu.memory_space<vmem_shared>>) dst(%dma_wait3A_242 : memref<3032xf32, #tpu.memory_space<vmem>>)
        tpu.yield
      }) : () -> ()
      "tpu.region"() ({
        %run_scoped3A = tpu.sem_alloc : memref<!tpu.dma_semaphore, #tpu.memory_space<semaphore_mem>>
        %dma_start3A_229 = arith.constant 0 : i32
        %dma_start3A_230 = tpu.memref_slice %arg43[%dma_start3A_229] : memref<3128xf32, #tpu.memory_space<vmem>> -> memref<3032xf32, #tpu.memory_space<vmem>>
        %dma_start3A_231 = arith.constant 296968 : i32
        %dma_start3A_232 = tpu.memref_slice %arg12[%dma_start3A_231] : memref<303104xf32, #tpu.memory_space<hbm>> -> memref<3032xf32, #tpu.memory_space<hbm>>
        %dma_start3A_233 = arith.constant 296968 : i32
        %dma_start3A_234 = tpu.memref_slice %arg12[%dma_start3A_233] : memref<303104xf32, #tpu.memory_space<hbm>> -> memref<3032xf32, #tpu.memory_space<hbm>>
        %dma_start3A_235 = arith.constant 0 : i32
        %dma_start3A_236 = tpu.memref_slice %arg43[%dma_start3A_235] : memref<3128xf32, #tpu.memory_space<vmem>> -> memref<3032xf32, #tpu.memory_space<vmem>>
        tpu.enqueue_dma source(%dma_start3A_236 : memref<3032xf32, #tpu.memory_space<vmem>>) target(%dma_start3A_234 : memref<3032xf32, #tpu.memory_space<hbm>>) target_semaphore(%run_scoped3A : memref<!tpu.dma_semaphore, #tpu.memory_space<semaphore_mem>>)
        %dma_wait3A_237 = arith.constant 0 : i32
        %dma_wait3A_238 = tpu.memref_slice %arg43[%dma_wait3A_237] : memref<3128xf32, #tpu.memory_space<vmem>> -> memref<3032xf32, #tpu.memory_space<vmem>>
        %dma_wait3A_239 = arith.constant 296968 : i32
        %dma_wait3A_240 = tpu.memref_slice %arg12[%dma_wait3A_239] : memref<303104xf32, #tpu.memory_space<hbm>> -> memref<3032xf32, #tpu.memory_space<hbm>>
        %dma_wait3A_241 = arith.constant 296968 : i32
        %dma_wait3A_242 = tpu.memref_slice %arg12[%dma_wait3A_241] : memref<303104xf32, #tpu.memory_space<hbm>> -> memref<3032xf32, #tpu.memory_space<hbm>>
        %dma_wait3A_243 = arith.constant 0 : i32
        %dma_wait3A_244 = tpu.memref_slice %arg43[%dma_wait3A_243] : memref<3128xf32, #tpu.memory_space<vmem>> -> memref<3032xf32, #tpu.memory_space<vmem>>
        tpu.wait_dma2 semaphore(%run_scoped3A : memref<!tpu.dma_semaphore, #tpu.memory_space<semaphore_mem>>) src(%dma_wait3A_244 : memref<3032xf32, #tpu.memory_space<vmem>>) dst(%dma_wait3A_242 : memref<3032xf32, #tpu.memory_space<hbm>>)
        tpu.yield
      }) : () -> ()
    } else {
    }
    %eq3A_213 = arith.constant 1 : i32
    %eq3A_214 = arith.cmpi eq, %arg0, %eq3A_213 : i32
    %lt3A_215 = arith.constant 15 : i32
    %lt3A_216 = arith.cmpi slt, %arg1, %lt3A_215 : i32
    %and3A_217 = arith.andi %eq3A_214, %lt3A_216 : i1
    %convert_element_type3A_218 = arith.extui %and3A_217 : i1 to i32
    %cond3A_219 = arith.constant 0 : i32
    %cond3A_220 = arith.cmpi ne, %convert_element_type3A_218, %cond3A_219 : i32
    scf.if %cond3A_220 {
      %mul3A_229 = arith.constant 6256 : i32
      %mul3A_230 = arith.muli %arg1, %mul3A_229 : i32
      %multiple_of3A_231 = tpu.assume_multiple %mul3A_230, 8 : i32
      %add3A_232 = arith.constant 0 : i32
      %add3A_233 = arith.addi %multiple_of3A_231, %add3A_232 : i32
      "tpu.region"() ({
        %run_scoped3A = tpu.sem_alloc : memref<!tpu.dma_semaphore, #tpu.memory_space<semaphore_mem>>
        %dma_start3A_268 = arith.constant 0 : i32
        %dma_start3A_269 = tpu.memref_slice %arg43[%dma_start3A_268] : memref<3128xf32, #tpu.memory_space<vmem>> -> memref<3128xf32, #tpu.memory_space<vmem>>
        %dma_start3A_270 = tpu.memref_slice %arg19[%add3A_233] : memref<100000xf32, #tpu.memory_space<vmem_shared>> -> memref<3128xf32, #tpu.memory_space<vmem_shared>>
        %dma_start3A_271 = arith.constant 0 : i32
        %dma_start3A_272 = tpu.memref_slice %arg43[%dma_start3A_271] : memref<3128xf32, #tpu.memory_space<vmem>> -> memref<3128xf32, #tpu.memory_space<vmem>>
        %dma_start3A_273 = tpu.memref_slice %arg19[%add3A_233] : memref<100000xf32, #tpu.memory_space<vmem_shared>> -> memref<3128xf32, #tpu.memory_space<vmem_shared>>
        tpu.enqueue_dma source(%dma_start3A_273 : memref<3128xf32, #tpu.memory_space<vmem_shared>>) target(%dma_start3A_272 : memref<3128xf32, #tpu.memory_space<vmem>>) target_semaphore(%run_scoped3A : memref<!tpu.dma_semaphore, #tpu.memory_space<semaphore_mem>>)
        %dma_wait3A_274 = arith.constant 0 : i32
        %dma_wait3A_275 = tpu.memref_slice %arg43[%dma_wait3A_274] : memref<3128xf32, #tpu.memory_space<vmem>> -> memref<3128xf32, #tpu.memory_space<vmem>>
        %dma_wait3A_276 = tpu.memref_slice %arg19[%add3A_233] : memref<100000xf32, #tpu.memory_space<vmem_shared>> -> memref<3128xf32, #tpu.memory_space<vmem_shared>>
        %dma_wait3A_277 = arith.constant 0 : i32
        %dma_wait3A_278 = tpu.memref_slice %arg43[%dma_wait3A_277] : memref<3128xf32, #tpu.memory_space<vmem>> -> memref<3128xf32, #tpu.memory_space<vmem>>
        %dma_wait3A_279 = tpu.memref_slice %arg19[%add3A_233] : memref<100000xf32, #tpu.memory_space<vmem_shared>> -> memref<3128xf32, #tpu.memory_space<vmem_shared>>
        tpu.wait_dma2 semaphore(%run_scoped3A : memref<!tpu.dma_semaphore, #tpu.memory_space<semaphore_mem>>) src(%dma_wait3A_279 : memref<3128xf32, #tpu.memory_space<vmem_shared>>) dst(%dma_wait3A_278 : memref<3128xf32, #tpu.memory_space<vmem>>)
        tpu.yield
      }) : () -> ()
      %add3A_234 = arith.constant 0 : i32
      %add3A_235 = arith.addi %add3A_234, %multiple_of3A_231 : i32
      %add3A_236 = arith.constant 0 : i32
      %add3A_237 = arith.addi %add3A_235, %add3A_236 : i32
      "tpu.region"() ({
        %run_scoped3A = tpu.sem_alloc : memref<!tpu.dma_semaphore, #tpu.memory_space<semaphore_mem>>
        %dma_start3A_268 = arith.constant 0 : i32
        %dma_start3A_269 = tpu.memref_slice %arg43[%dma_start3A_268] : memref<3128xf32, #tpu.memory_space<vmem>> -> memref<3128xf32, #tpu.memory_space<vmem>>
        %dma_start3A_270 = tpu.memref_slice %arg13[%add3A_237] : memref<303104xf32, #tpu.memory_space<hbm>> -> memref<3128xf32, #tpu.memory_space<hbm>>
        %dma_start3A_271 = tpu.memref_slice %arg13[%add3A_237] : memref<303104xf32, #tpu.memory_space<hbm>> -> memref<3128xf32, #tpu.memory_space<hbm>>
        %dma_start3A_272 = arith.constant 0 : i32
        %dma_start3A_273 = tpu.memref_slice %arg43[%dma_start3A_272] : memref<3128xf32, #tpu.memory_space<vmem>> -> memref<3128xf32, #tpu.memory_space<vmem>>
        tpu.enqueue_dma source(%dma_start3A_273 : memref<3128xf32, #tpu.memory_space<vmem>>) target(%dma_start3A_271 : memref<3128xf32, #tpu.memory_space<hbm>>) target_semaphore(%run_scoped3A : memref<!tpu.dma_semaphore, #tpu.memory_space<semaphore_mem>>)
        %dma_wait3A_274 = arith.constant 0 : i32
        %dma_wait3A_275 = tpu.memref_slice %arg43[%dma_wait3A_274] : memref<3128xf32, #tpu.memory_space<vmem>> -> memref<3128xf32, #tpu.memory_space<vmem>>
        %dma_wait3A_276 = tpu.memref_slice %arg13[%add3A_237] : memref<303104xf32, #tpu.memory_space<hbm>> -> memref<3128xf32, #tpu.memory_space<hbm>>
        %dma_wait3A_277 = tpu.memref_slice %arg13[%add3A_237] : memref<303104xf32, #tpu.memory_space<hbm>> -> memref<3128xf32, #tpu.memory_space<hbm>>
        %dma_wait3A_278 = arith.constant 0 : i32
        %dma_wait3A_279 = tpu.memref_slice %arg43[%dma_wait3A_278] : memref<3128xf32, #tpu.memory_space<vmem>> -> memref<3128xf32, #tpu.memory_space<vmem>>
        tpu.wait_dma2 semaphore(%run_scoped3A : memref<!tpu.dma_semaphore, #tpu.memory_space<semaphore_mem>>) src(%dma_wait3A_279 : memref<3128xf32, #tpu.memory_space<vmem>>) dst(%dma_wait3A_277 : memref<3128xf32, #tpu.memory_space<hbm>>)
        tpu.yield
      }) : () -> ()
      %add3A_238 = arith.constant 3128 : i32
      %add3A_239 = arith.addi %multiple_of3A_231, %add3A_238 : i32
      "tpu.region"() ({
        %run_scoped3A = tpu.sem_alloc : memref<!tpu.dma_semaphore, #tpu.memory_space<semaphore_mem>>
        %dma_start3A_268 = arith.constant 0 : i32
        %dma_start3A_269 = tpu.memref_slice %arg43[%dma_start3A_268] : memref<3128xf32, #tpu.memory_space<vmem>> -> memref<3128xf32, #tpu.memory_space<vmem>>
        %dma_start3A_270 = tpu.memref_slice %arg19[%add3A_239] : memref<100000xf32, #tpu.memory_space<vmem_shared>> -> memref<3128xf32, #tpu.memory_space<vmem_shared>>
        %dma_start3A_271 = arith.constant 0 : i32
        %dma_start3A_272 = tpu.memref_slice %arg43[%dma_start3A_271] : memref<3128xf32, #tpu.memory_space<vmem>> -> memref<3128xf32, #tpu.memory_space<vmem>>
        %dma_start3A_273 = tpu.memref_slice %arg19[%add3A_239] : memref<100000xf32, #tpu.memory_space<vmem_shared>> -> memref<3128xf32, #tpu.memory_space<vmem_shared>>
        tpu.enqueue_dma source(%dma_start3A_273 : memref<3128xf32, #tpu.memory_space<vmem_shared>>) target(%dma_start3A_272 : memref<3128xf32, #tpu.memory_space<vmem>>) target_semaphore(%run_scoped3A : memref<!tpu.dma_semaphore, #tpu.memory_space<semaphore_mem>>)
        %dma_wait3A_274 = arith.constant 0 : i32
        %dma_wait3A_275 = tpu.memref_slice %arg43[%dma_wait3A_274] : memref<3128xf32, #tpu.memory_space<vmem>> -> memref<3128xf32, #tpu.memory_space<vmem>>
        %dma_wait3A_276 = tpu.memref_slice %arg19[%add3A_239] : memref<100000xf32, #tpu.memory_space<vmem_shared>> -> memref<3128xf32, #tpu.memory_space<vmem_shared>>
        %dma_wait3A_277 = arith.constant 0 : i32
        %dma_wait3A_278 = tpu.memref_slice %arg43[%dma_wait3A_277] : memref<3128xf32, #tpu.memory_space<vmem>> -> memref<3128xf32, #tpu.memory_space<vmem>>
        %dma_wait3A_279 = tpu.memref_slice %arg19[%add3A_239] : memref<100000xf32, #tpu.memory_space<vmem_shared>> -> memref<3128xf32, #tpu.memory_space<vmem_shared>>
        tpu.wait_dma2 semaphore(%run_scoped3A : memref<!tpu.dma_semaphore, #tpu.memory_space<semaphore_mem>>) src(%dma_wait3A_279 : memref<3128xf32, #tpu.memory_space<vmem_shared>>) dst(%dma_wait3A_278 : memref<3128xf32, #tpu.memory_space<vmem>>)
        tpu.yield
      }) : () -> ()
      %add3A_240 = arith.constant 0 : i32
      %add3A_241 = arith.addi %add3A_240, %multiple_of3A_231 : i32
      %add3A_242 = arith.constant 3128 : i32
      %add3A_243 = arith.addi %add3A_241, %add3A_242 : i32
      "tpu.region"() ({
        %run_scoped3A = tpu.sem_alloc : memref<!tpu.dma_semaphore, #tpu.memory_space<semaphore_mem>>
        %dma_start3A_268 = arith.constant 0 : i32
        %dma_start3A_269 = tpu.memref_slice %arg43[%dma_start3A_268] : memref<3128xf32, #tpu.memory_space<vmem>> -> memref<3128xf32, #tpu.memory_space<vmem>>
        %dma_start3A_270 = tpu.memref_slice %arg13[%add3A_243] : memref<303104xf32, #tpu.memory_space<hbm>> -> memref<3128xf32, #tpu.memory_space<hbm>>
        %dma_start3A_271 = tpu.memref_slice %arg13[%add3A_243] : memref<303104xf32, #tpu.memory_space<hbm>> -> memref<3128xf32, #tpu.memory_space<hbm>>
        %dma_start3A_272 = arith.constant 0 : i32
        %dma_start3A_273 = tpu.memref_slice %arg43[%dma_start3A_272] : memref<3128xf32, #tpu.memory_space<vmem>> -> memref<3128xf32, #tpu.memory_space<vmem>>
        tpu.enqueue_dma source(%dma_start3A_273 : memref<3128xf32, #tpu.memory_space<vmem>>) target(%dma_start3A_271 : memref<3128xf32, #tpu.memory_space<hbm>>) target_semaphore(%run_scoped3A : memref<!tpu.dma_semaphore, #tpu.memory_space<semaphore_mem>>)
        %dma_wait3A_274 = arith.constant 0 : i32
        %dma_wait3A_275 = tpu.memref_slice %arg43[%dma_wait3A_274] : memref<3128xf32, #tpu.memory_space<vmem>> -> memref<3128xf32, #tpu.memory_space<vmem>>
        %dma_wait3A_276 = tpu.memref_slice %arg13[%add3A_243] : memref<303104xf32, #tpu.memory_space<hbm>> -> memref<3128xf32, #tpu.memory_space<hbm>>
        %dma_wait3A_277 = tpu.memref_slice %arg13[%add3A_243] : memref<303104xf32, #tpu.memory_space<hbm>> -> memref<3128xf32, #tpu.memory_space<hbm>>
        %dma_wait3A_278 = arith.constant 0 : i32
        %dma_wait3A_279 = tpu.memref_slice %arg43[%dma_wait3A_278] : memref<3128xf32, #tpu.memory_space<vmem>> -> memref<3128xf32, #tpu.memory_space<vmem>>
        tpu.wait_dma2 semaphore(%run_scoped3A : memref<!tpu.dma_semaphore, #tpu.memory_space<semaphore_mem>>) src(%dma_wait3A_279 : memref<3128xf32, #tpu.memory_space<vmem>>) dst(%dma_wait3A_277 : memref<3128xf32, #tpu.memory_space<hbm>>)
        tpu.yield
      }) : () -> ()
      %add3A_244 = arith.constant 0 : i32
      %add3A_245 = arith.addi %multiple_of3A_231, %add3A_244 : i32
      "tpu.region"() ({
        %run_scoped3A = tpu.sem_alloc : memref<!tpu.dma_semaphore, #tpu.memory_space<semaphore_mem>>
        %dma_start3A_268 = arith.constant 0 : i32
        %dma_start3A_269 = tpu.memref_slice %arg43[%dma_start3A_268] : memref<3128xf32, #tpu.memory_space<vmem>> -> memref<3128xf32, #tpu.memory_space<vmem>>
        %dma_start3A_270 = tpu.memref_slice %arg20[%add3A_245] : memref<100000xf32, #tpu.memory_space<vmem_shared>> -> memref<3128xf32, #tpu.memory_space<vmem_shared>>
        %dma_start3A_271 = arith.constant 0 : i32
        %dma_start3A_272 = tpu.memref_slice %arg43[%dma_start3A_271] : memref<3128xf32, #tpu.memory_space<vmem>> -> memref<3128xf32, #tpu.memory_space<vmem>>
        %dma_start3A_273 = tpu.memref_slice %arg20[%add3A_245] : memref<100000xf32, #tpu.memory_space<vmem_shared>> -> memref<3128xf32, #tpu.memory_space<vmem_shared>>
        tpu.enqueue_dma source(%dma_start3A_273 : memref<3128xf32, #tpu.memory_space<vmem_shared>>) target(%dma_start3A_272 : memref<3128xf32, #tpu.memory_space<vmem>>) target_semaphore(%run_scoped3A : memref<!tpu.dma_semaphore, #tpu.memory_space<semaphore_mem>>)
        %dma_wait3A_274 = arith.constant 0 : i32
        %dma_wait3A_275 = tpu.memref_slice %arg43[%dma_wait3A_274] : memref<3128xf32, #tpu.memory_space<vmem>> -> memref<3128xf32, #tpu.memory_space<vmem>>
        %dma_wait3A_276 = tpu.memref_slice %arg20[%add3A_245] : memref<100000xf32, #tpu.memory_space<vmem_shared>> -> memref<3128xf32, #tpu.memory_space<vmem_shared>>
        %dma_wait3A_277 = arith.constant 0 : i32
        %dma_wait3A_278 = tpu.memref_slice %arg43[%dma_wait3A_277] : memref<3128xf32, #tpu.memory_space<vmem>> -> memref<3128xf32, #tpu.memory_space<vmem>>
        %dma_wait3A_279 = tpu.memref_slice %arg20[%add3A_245] : memref<100000xf32, #tpu.memory_space<vmem_shared>> -> memref<3128xf32, #tpu.memory_space<vmem_shared>>
        tpu.wait_dma2 semaphore(%run_scoped3A : memref<!tpu.dma_semaphore, #tpu.memory_space<semaphore_mem>>) src(%dma_wait3A_279 : memref<3128xf32, #tpu.memory_space<vmem_shared>>) dst(%dma_wait3A_278 : memref<3128xf32, #tpu.memory_space<vmem>>)
        tpu.yield
      }) : () -> ()
      %add3A_246 = arith.constant 100000 : i32
      %add3A_247 = arith.addi %add3A_246, %multiple_of3A_231 : i32
      %add3A_248 = arith.constant 0 : i32
      %add3A_249 = arith.addi %add3A_247, %add3A_248 : i32
      "tpu.region"() ({
        %run_scoped3A = tpu.sem_alloc : memref<!tpu.dma_semaphore, #tpu.memory_space<semaphore_mem>>
        %dma_start3A_268 = arith.constant 0 : i32
        %dma_start3A_269 = tpu.memref_slice %arg43[%dma_start3A_268] : memref<3128xf32, #tpu.memory_space<vmem>> -> memref<3128xf32, #tpu.memory_space<vmem>>
        %dma_start3A_270 = tpu.memref_slice %arg13[%add3A_249] : memref<303104xf32, #tpu.memory_space<hbm>> -> memref<3128xf32, #tpu.memory_space<hbm>>
        %dma_start3A_271 = tpu.memref_slice %arg13[%add3A_249] : memref<303104xf32, #tpu.memory_space<hbm>> -> memref<3128xf32, #tpu.memory_space<hbm>>
        %dma_start3A_272 = arith.constant 0 : i32
        %dma_start3A_273 = tpu.memref_slice %arg43[%dma_start3A_272] : memref<3128xf32, #tpu.memory_space<vmem>> -> memref<3128xf32, #tpu.memory_space<vmem>>
        tpu.enqueue_dma source(%dma_start3A_273 : memref<3128xf32, #tpu.memory_space<vmem>>) target(%dma_start3A_271 : memref<3128xf32, #tpu.memory_space<hbm>>) target_semaphore(%run_scoped3A : memref<!tpu.dma_semaphore, #tpu.memory_space<semaphore_mem>>)
        %dma_wait3A_274 = arith.constant 0 : i32
        %dma_wait3A_275 = tpu.memref_slice %arg43[%dma_wait3A_274] : memref<3128xf32, #tpu.memory_space<vmem>> -> memref<3128xf32, #tpu.memory_space<vmem>>
        %dma_wait3A_276 = tpu.memref_slice %arg13[%add3A_249] : memref<303104xf32, #tpu.memory_space<hbm>> -> memref<3128xf32, #tpu.memory_space<hbm>>
        %dma_wait3A_277 = tpu.memref_slice %arg13[%add3A_249] : memref<303104xf32, #tpu.memory_space<hbm>> -> memref<3128xf32, #tpu.memory_space<hbm>>
        %dma_wait3A_278 = arith.constant 0 : i32
        %dma_wait3A_279 = tpu.memref_slice %arg43[%dma_wait3A_278] : memref<3128xf32, #tpu.memory_space<vmem>> -> memref<3128xf32, #tpu.memory_space<vmem>>
        tpu.wait_dma2 semaphore(%run_scoped3A : memref<!tpu.dma_semaphore, #tpu.memory_space<semaphore_mem>>) src(%dma_wait3A_279 : memref<3128xf32, #tpu.memory_space<vmem>>) dst(%dma_wait3A_277 : memref<3128xf32, #tpu.memory_space<hbm>>)
        tpu.yield
      }) : () -> ()
      %add3A_250 = arith.constant 3128 : i32
      %add3A_251 = arith.addi %multiple_of3A_231, %add3A_250 : i32
      "tpu.region"() ({
        %run_scoped3A = tpu.sem_alloc : memref<!tpu.dma_semaphore, #tpu.memory_space<semaphore_mem>>
        %dma_start3A_268 = arith.constant 0 : i32
        %dma_start3A_269 = tpu.memref_slice %arg43[%dma_start3A_268] : memref<3128xf32, #tpu.memory_space<vmem>> -> memref<3128xf32, #tpu.memory_space<vmem>>
        %dma_start3A_270 = tpu.memref_slice %arg20[%add3A_251] : memref<100000xf32, #tpu.memory_space<vmem_shared>> -> memref<3128xf32, #tpu.memory_space<vmem_shared>>
        %dma_start3A_271 = arith.constant 0 : i32
        %dma_start3A_272 = tpu.memref_slice %arg43[%dma_start3A_271] : memref<3128xf32, #tpu.memory_space<vmem>> -> memref<3128xf32, #tpu.memory_space<vmem>>
        %dma_start3A_273 = tpu.memref_slice %arg20[%add3A_251] : memref<100000xf32, #tpu.memory_space<vmem_shared>> -> memref<3128xf32, #tpu.memory_space<vmem_shared>>
        tpu.enqueue_dma source(%dma_start3A_273 : memref<3128xf32, #tpu.memory_space<vmem_shared>>) target(%dma_start3A_272 : memref<3128xf32, #tpu.memory_space<vmem>>) target_semaphore(%run_scoped3A : memref<!tpu.dma_semaphore, #tpu.memory_space<semaphore_mem>>)
        %dma_wait3A_274 = arith.constant 0 : i32
        %dma_wait3A_275 = tpu.memref_slice %arg43[%dma_wait3A_274] : memref<3128xf32, #tpu.memory_space<vmem>> -> memref<3128xf32, #tpu.memory_space<vmem>>
        %dma_wait3A_276 = tpu.memref_slice %arg20[%add3A_251] : memref<100000xf32, #tpu.memory_space<vmem_shared>> -> memref<3128xf32, #tpu.memory_space<vmem_shared>>
        %dma_wait3A_277 = arith.constant 0 : i32
        %dma_wait3A_278 = tpu.memref_slice %arg43[%dma_wait3A_277] : memref<3128xf32, #tpu.memory_space<vmem>> -> memref<3128xf32, #tpu.memory_space<vmem>>
        %dma_wait3A_279 = tpu.memref_slice %arg20[%add3A_251] : memref<100000xf32, #tpu.memory_space<vmem_shared>> -> memref<3128xf32, #tpu.memory_space<vmem_shared>>
        tpu.wait_dma2 semaphore(%run_scoped3A : memref<!tpu.dma_semaphore, #tpu.memory_space<semaphore_mem>>) src(%dma_wait3A_279 : memref<3128xf32, #tpu.memory_space<vmem_shared>>) dst(%dma_wait3A_278 : memref<3128xf32, #tpu.memory_space<vmem>>)
        tpu.yield
      }) : () -> ()
      %add3A_252 = arith.constant 100000 : i32
      %add3A_253 = arith.addi %add3A_252, %multiple_of3A_231 : i32
      %add3A_254 = arith.constant 3128 : i32
      %add3A_255 = arith.addi %add3A_253, %add3A_254 : i32
      "tpu.region"() ({
        %run_scoped3A = tpu.sem_alloc : memref<!tpu.dma_semaphore, #tpu.memory_space<semaphore_mem>>
        %dma_start3A_268 = arith.constant 0 : i32
        %dma_start3A_269 = tpu.memref_slice %arg43[%dma_start3A_268] : memref<3128xf32, #tpu.memory_space<vmem>> -> memref<3128xf32, #tpu.memory_space<vmem>>
        %dma_start3A_270 = tpu.memref_slice %arg13[%add3A_255] : memref<303104xf32, #tpu.memory_space<hbm>> -> memref<3128xf32, #tpu.memory_space<hbm>>
        %dma_start3A_271 = tpu.memref_slice %arg13[%add3A_255] : memref<303104xf32, #tpu.memory_space<hbm>> -> memref<3128xf32, #tpu.memory_space<hbm>>
        %dma_start3A_272 = arith.constant 0 : i32
        %dma_start3A_273 = tpu.memref_slice %arg43[%dma_start3A_272] : memref<3128xf32, #tpu.memory_space<vmem>> -> memref<3128xf32, #tpu.memory_space<vmem>>
        tpu.enqueue_dma source(%dma_start3A_273 : memref<3128xf32, #tpu.memory_space<vmem>>) target(%dma_start3A_271 : memref<3128xf32, #tpu.memory_space<hbm>>) target_semaphore(%run_scoped3A : memref<!tpu.dma_semaphore, #tpu.memory_space<semaphore_mem>>)
        %dma_wait3A_274 = arith.constant 0 : i32
        %dma_wait3A_275 = tpu.memref_slice %arg43[%dma_wait3A_274] : memref<3128xf32, #tpu.memory_space<vmem>> -> memref<3128xf32, #tpu.memory_space<vmem>>
        %dma_wait3A_276 = tpu.memref_slice %arg13[%add3A_255] : memref<303104xf32, #tpu.memory_space<hbm>> -> memref<3128xf32, #tpu.memory_space<hbm>>
        %dma_wait3A_277 = tpu.memref_slice %arg13[%add3A_255] : memref<303104xf32, #tpu.memory_space<hbm>> -> memref<3128xf32, #tpu.memory_space<hbm>>
        %dma_wait3A_278 = arith.constant 0 : i32
        %dma_wait3A_279 = tpu.memref_slice %arg43[%dma_wait3A_278] : memref<3128xf32, #tpu.memory_space<vmem>> -> memref<3128xf32, #tpu.memory_space<vmem>>
        tpu.wait_dma2 semaphore(%run_scoped3A : memref<!tpu.dma_semaphore, #tpu.memory_space<semaphore_mem>>) src(%dma_wait3A_279 : memref<3128xf32, #tpu.memory_space<vmem>>) dst(%dma_wait3A_277 : memref<3128xf32, #tpu.memory_space<hbm>>)
        tpu.yield
      }) : () -> ()
      %add3A_256 = arith.constant 0 : i32
      %add3A_257 = arith.addi %multiple_of3A_231, %add3A_256 : i32
      "tpu.region"() ({
        %run_scoped3A = tpu.sem_alloc : memref<!tpu.dma_semaphore, #tpu.memory_space<semaphore_mem>>
        %dma_start3A_268 = arith.constant 0 : i32
        %dma_start3A_269 = tpu.memref_slice %arg43[%dma_start3A_268] : memref<3128xf32, #tpu.memory_space<vmem>> -> memref<3128xf32, #tpu.memory_space<vmem>>
        %dma_start3A_270 = tpu.memref_slice %arg21[%add3A_257] : memref<100000xf32, #tpu.memory_space<vmem_shared>> -> memref<3128xf32, #tpu.memory_space<vmem_shared>>
        %dma_start3A_271 = arith.constant 0 : i32
        %dma_start3A_272 = tpu.memref_slice %arg43[%dma_start3A_271] : memref<3128xf32, #tpu.memory_space<vmem>> -> memref<3128xf32, #tpu.memory_space<vmem>>
        %dma_start3A_273 = tpu.memref_slice %arg21[%add3A_257] : memref<100000xf32, #tpu.memory_space<vmem_shared>> -> memref<3128xf32, #tpu.memory_space<vmem_shared>>
        tpu.enqueue_dma source(%dma_start3A_273 : memref<3128xf32, #tpu.memory_space<vmem_shared>>) target(%dma_start3A_272 : memref<3128xf32, #tpu.memory_space<vmem>>) target_semaphore(%run_scoped3A : memref<!tpu.dma_semaphore, #tpu.memory_space<semaphore_mem>>)
        %dma_wait3A_274 = arith.constant 0 : i32
        %dma_wait3A_275 = tpu.memref_slice %arg43[%dma_wait3A_274] : memref<3128xf32, #tpu.memory_space<vmem>> -> memref<3128xf32, #tpu.memory_space<vmem>>
        %dma_wait3A_276 = tpu.memref_slice %arg21[%add3A_257] : memref<100000xf32, #tpu.memory_space<vmem_shared>> -> memref<3128xf32, #tpu.memory_space<vmem_shared>>
        %dma_wait3A_277 = arith.constant 0 : i32
        %dma_wait3A_278 = tpu.memref_slice %arg43[%dma_wait3A_277] : memref<3128xf32, #tpu.memory_space<vmem>> -> memref<3128xf32, #tpu.memory_space<vmem>>
        %dma_wait3A_279 = tpu.memref_slice %arg21[%add3A_257] : memref<100000xf32, #tpu.memory_space<vmem_shared>> -> memref<3128xf32, #tpu.memory_space<vmem_shared>>
        tpu.wait_dma2 semaphore(%run_scoped3A : memref<!tpu.dma_semaphore, #tpu.memory_space<semaphore_mem>>) src(%dma_wait3A_279 : memref<3128xf32, #tpu.memory_space<vmem_shared>>) dst(%dma_wait3A_278 : memref<3128xf32, #tpu.memory_space<vmem>>)
        tpu.yield
      }) : () -> ()
      %add3A_258 = arith.constant 200000 : i32
      %add3A_259 = arith.addi %add3A_258, %multiple_of3A_231 : i32
      %add3A_260 = arith.constant 0 : i32
      %add3A_261 = arith.addi %add3A_259, %add3A_260 : i32
      "tpu.region"() ({
        %run_scoped3A = tpu.sem_alloc : memref<!tpu.dma_semaphore, #tpu.memory_space<semaphore_mem>>
        %dma_start3A_268 = arith.constant 0 : i32
        %dma_start3A_269 = tpu.memref_slice %arg43[%dma_start3A_268] : memref<3128xf32, #tpu.memory_space<vmem>> -> memref<3128xf32, #tpu.memory_space<vmem>>
        %dma_start3A_270 = tpu.memref_slice %arg13[%add3A_261] : memref<303104xf32, #tpu.memory_space<hbm>> -> memref<3128xf32, #tpu.memory_space<hbm>>
        %dma_start3A_271 = tpu.memref_slice %arg13[%add3A_261] : memref<303104xf32, #tpu.memory_space<hbm>> -> memref<3128xf32, #tpu.memory_space<hbm>>
        %dma_start3A_272 = arith.constant 0 : i32
        %dma_start3A_273 = tpu.memref_slice %arg43[%dma_start3A_272] : memref<3128xf32, #tpu.memory_space<vmem>> -> memref<3128xf32, #tpu.memory_space<vmem>>
        tpu.enqueue_dma source(%dma_start3A_273 : memref<3128xf32, #tpu.memory_space<vmem>>) target(%dma_start3A_271 : memref<3128xf32, #tpu.memory_space<hbm>>) target_semaphore(%run_scoped3A : memref<!tpu.dma_semaphore, #tpu.memory_space<semaphore_mem>>)
        %dma_wait3A_274 = arith.constant 0 : i32
        %dma_wait3A_275 = tpu.memref_slice %arg43[%dma_wait3A_274] : memref<3128xf32, #tpu.memory_space<vmem>> -> memref<3128xf32, #tpu.memory_space<vmem>>
        %dma_wait3A_276 = tpu.memref_slice %arg13[%add3A_261] : memref<303104xf32, #tpu.memory_space<hbm>> -> memref<3128xf32, #tpu.memory_space<hbm>>
        %dma_wait3A_277 = tpu.memref_slice %arg13[%add3A_261] : memref<303104xf32, #tpu.memory_space<hbm>> -> memref<3128xf32, #tpu.memory_space<hbm>>
        %dma_wait3A_278 = arith.constant 0 : i32
        %dma_wait3A_279 = tpu.memref_slice %arg43[%dma_wait3A_278] : memref<3128xf32, #tpu.memory_space<vmem>> -> memref<3128xf32, #tpu.memory_space<vmem>>
        tpu.wait_dma2 semaphore(%run_scoped3A : memref<!tpu.dma_semaphore, #tpu.memory_space<semaphore_mem>>) src(%dma_wait3A_279 : memref<3128xf32, #tpu.memory_space<vmem>>) dst(%dma_wait3A_277 : memref<3128xf32, #tpu.memory_space<hbm>>)
        tpu.yield
      }) : () -> ()
      %add3A_262 = arith.constant 3128 : i32
      %add3A_263 = arith.addi %multiple_of3A_231, %add3A_262 : i32
      "tpu.region"() ({
        %run_scoped3A = tpu.sem_alloc : memref<!tpu.dma_semaphore, #tpu.memory_space<semaphore_mem>>
        %dma_start3A_268 = arith.constant 0 : i32
        %dma_start3A_269 = tpu.memref_slice %arg43[%dma_start3A_268] : memref<3128xf32, #tpu.memory_space<vmem>> -> memref<3128xf32, #tpu.memory_space<vmem>>
        %dma_start3A_270 = tpu.memref_slice %arg21[%add3A_263] : memref<100000xf32, #tpu.memory_space<vmem_shared>> -> memref<3128xf32, #tpu.memory_space<vmem_shared>>
        %dma_start3A_271 = arith.constant 0 : i32
        %dma_start3A_272 = tpu.memref_slice %arg43[%dma_start3A_271] : memref<3128xf32, #tpu.memory_space<vmem>> -> memref<3128xf32, #tpu.memory_space<vmem>>
        %dma_start3A_273 = tpu.memref_slice %arg21[%add3A_263] : memref<100000xf32, #tpu.memory_space<vmem_shared>> -> memref<3128xf32, #tpu.memory_space<vmem_shared>>
        tpu.enqueue_dma source(%dma_start3A_273 : memref<3128xf32, #tpu.memory_space<vmem_shared>>) target(%dma_start3A_272 : memref<3128xf32, #tpu.memory_space<vmem>>) target_semaphore(%run_scoped3A : memref<!tpu.dma_semaphore, #tpu.memory_space<semaphore_mem>>)
        %dma_wait3A_274 = arith.constant 0 : i32
        %dma_wait3A_275 = tpu.memref_slice %arg43[%dma_wait3A_274] : memref<3128xf32, #tpu.memory_space<vmem>> -> memref<3128xf32, #tpu.memory_space<vmem>>
        %dma_wait3A_276 = tpu.memref_slice %arg21[%add3A_263] : memref<100000xf32, #tpu.memory_space<vmem_shared>> -> memref<3128xf32, #tpu.memory_space<vmem_shared>>
        %dma_wait3A_277 = arith.constant 0 : i32
        %dma_wait3A_278 = tpu.memref_slice %arg43[%dma_wait3A_277] : memref<3128xf32, #tpu.memory_space<vmem>> -> memref<3128xf32, #tpu.memory_space<vmem>>
        %dma_wait3A_279 = tpu.memref_slice %arg21[%add3A_263] : memref<100000xf32, #tpu.memory_space<vmem_shared>> -> memref<3128xf32, #tpu.memory_space<vmem_shared>>
        tpu.wait_dma2 semaphore(%run_scoped3A : memref<!tpu.dma_semaphore, #tpu.memory_space<semaphore_mem>>) src(%dma_wait3A_279 : memref<3128xf32, #tpu.memory_space<vmem_shared>>) dst(%dma_wait3A_278 : memref<3128xf32, #tpu.memory_space<vmem>>)
        tpu.yield
      }) : () -> ()
      %add3A_264 = arith.constant 200000 : i32
      %add3A_265 = arith.addi %add3A_264, %multiple_of3A_231 : i32
      %add3A_266 = arith.constant 3128 : i32
      %add3A_267 = arith.addi %add3A_265, %add3A_266 : i32
      "tpu.region"() ({
        %run_scoped3A = tpu.sem_alloc : memref<!tpu.dma_semaphore, #tpu.memory_space<semaphore_mem>>
        %dma_start3A_268 = arith.constant 0 : i32
        %dma_start3A_269 = tpu.memref_slice %arg43[%dma_start3A_268] : memref<3128xf32, #tpu.memory_space<vmem>> -> memref<3128xf32, #tpu.memory_space<vmem>>
        %dma_start3A_270 = tpu.memref_slice %arg13[%add3A_267] : memref<303104xf32, #tpu.memory_space<hbm>> -> memref<3128xf32, #tpu.memory_space<hbm>>
        %dma_start3A_271 = tpu.memref_slice %arg13[%add3A_267] : memref<303104xf32, #tpu.memory_space<hbm>> -> memref<3128xf32, #tpu.memory_space<hbm>>
        %dma_start3A_272 = arith.constant 0 : i32
        %dma_start3A_273 = tpu.memref_slice %arg43[%dma_start3A_272] : memref<3128xf32, #tpu.memory_space<vmem>> -> memref<3128xf32, #tpu.memory_space<vmem>>
        tpu.enqueue_dma source(%dma_start3A_273 : memref<3128xf32, #tpu.memory_space<vmem>>) target(%dma_start3A_271 : memref<3128xf32, #tpu.memory_space<hbm>>) target_semaphore(%run_scoped3A : memref<!tpu.dma_semaphore, #tpu.memory_space<semaphore_mem>>)
        %dma_wait3A_274 = arith.constant 0 : i32
        %dma_wait3A_275 = tpu.memref_slice %arg43[%dma_wait3A_274] : memref<3128xf32, #tpu.memory_space<vmem>> -> memref<3128xf32, #tpu.memory_space<vmem>>
        %dma_wait3A_276 = tpu.memref_slice %arg13[%add3A_267] : memref<303104xf32, #tpu.memory_space<hbm>> -> memref<3128xf32, #tpu.memory_space<hbm>>
        %dma_wait3A_277 = tpu.memref_slice %arg13[%add3A_267] : memref<303104xf32, #tpu.memory_space<hbm>> -> memref<3128xf32, #tpu.memory_space<hbm>>
        %dma_wait3A_278 = arith.constant 0 : i32
        %dma_wait3A_279 = tpu.memref_slice %arg43[%dma_wait3A_278] : memref<3128xf32, #tpu.memory_space<vmem>> -> memref<3128xf32, #tpu.memory_space<vmem>>
        tpu.wait_dma2 semaphore(%run_scoped3A : memref<!tpu.dma_semaphore, #tpu.memory_space<semaphore_mem>>) src(%dma_wait3A_279 : memref<3128xf32, #tpu.memory_space<vmem>>) dst(%dma_wait3A_277 : memref<3128xf32, #tpu.memory_space<hbm>>)
        tpu.yield
      }) : () -> ()
    } else {
    }
    %eq3A_221 = arith.constant 1 : i32
    %eq3A_222 = arith.cmpi eq, %arg0, %eq3A_221 : i32
    %eq3A_223 = arith.constant 15 : i32
    %eq3A_224 = arith.cmpi eq, %arg1, %eq3A_223 : i32
    %and3A_225 = arith.andi %eq3A_222, %eq3A_224 : i1
    %convert_element_type3A_226 = arith.extui %and3A_225 : i1 to i32
    %cond3A_227 = arith.constant 0 : i32
    %cond3A_228 = arith.cmpi ne, %convert_element_type3A_226, %cond3A_227 : i32
    scf.if %cond3A_228 {
      "tpu.region"() ({
        %run_scoped3A = tpu.sem_alloc : memref<!tpu.dma_semaphore, #tpu.memory_space<semaphore_mem>>
        %dma_start3A_229 = arith.constant 0 : i32
        %dma_start3A_230 = tpu.memref_slice %arg43[%dma_start3A_229] : memref<3128xf32, #tpu.memory_space<vmem>> -> memref<3128xf32, #tpu.memory_space<vmem>>
        %dma_start3A_231 = arith.constant 93840 : i32
        %dma_start3A_232 = tpu.memref_slice %arg19[%dma_start3A_231] : memref<100000xf32, #tpu.memory_space<vmem_shared>> -> memref<3128xf32, #tpu.memory_space<vmem_shared>>
        %dma_start3A_233 = arith.constant 0 : i32
        %dma_start3A_234 = tpu.memref_slice %arg43[%dma_start3A_233] : memref<3128xf32, #tpu.memory_space<vmem>> -> memref<3128xf32, #tpu.memory_space<vmem>>
        %dma_start3A_235 = arith.constant 93840 : i32
        %dma_start3A_236 = tpu.memref_slice %arg19[%dma_start3A_235] : memref<100000xf32, #tpu.memory_space<vmem_shared>> -> memref<3128xf32, #tpu.memory_space<vmem_shared>>
        tpu.enqueue_dma source(%dma_start3A_236 : memref<3128xf32, #tpu.memory_space<vmem_shared>>) target(%dma_start3A_234 : memref<3128xf32, #tpu.memory_space<vmem>>) target_semaphore(%run_scoped3A : memref<!tpu.dma_semaphore, #tpu.memory_space<semaphore_mem>>)
        %dma_wait3A_237 = arith.constant 0 : i32
        %dma_wait3A_238 = tpu.memref_slice %arg43[%dma_wait3A_237] : memref<3128xf32, #tpu.memory_space<vmem>> -> memref<3128xf32, #tpu.memory_space<vmem>>
        %dma_wait3A_239 = arith.constant 93840 : i32
        %dma_wait3A_240 = tpu.memref_slice %arg19[%dma_wait3A_239] : memref<100000xf32, #tpu.memory_space<vmem_shared>> -> memref<3128xf32, #tpu.memory_space<vmem_shared>>
        %dma_wait3A_241 = arith.constant 0 : i32
        %dma_wait3A_242 = tpu.memref_slice %arg43[%dma_wait3A_241] : memref<3128xf32, #tpu.memory_space<vmem>> -> memref<3128xf32, #tpu.memory_space<vmem>>
        %dma_wait3A_243 = arith.constant 93840 : i32
        %dma_wait3A_244 = tpu.memref_slice %arg19[%dma_wait3A_243] : memref<100000xf32, #tpu.memory_space<vmem_shared>> -> memref<3128xf32, #tpu.memory_space<vmem_shared>>
        tpu.wait_dma2 semaphore(%run_scoped3A : memref<!tpu.dma_semaphore, #tpu.memory_space<semaphore_mem>>) src(%dma_wait3A_244 : memref<3128xf32, #tpu.memory_space<vmem_shared>>) dst(%dma_wait3A_242 : memref<3128xf32, #tpu.memory_space<vmem>>)
        tpu.yield
      }) : () -> ()
      "tpu.region"() ({
        %run_scoped3A = tpu.sem_alloc : memref<!tpu.dma_semaphore, #tpu.memory_space<semaphore_mem>>
        %dma_start3A_229 = arith.constant 0 : i32
        %dma_start3A_230 = tpu.memref_slice %arg43[%dma_start3A_229] : memref<3128xf32, #tpu.memory_space<vmem>> -> memref<3128xf32, #tpu.memory_space<vmem>>
        %dma_start3A_231 = arith.constant 93840 : i32
        %dma_start3A_232 = tpu.memref_slice %arg13[%dma_start3A_231] : memref<303104xf32, #tpu.memory_space<hbm>> -> memref<3128xf32, #tpu.memory_space<hbm>>
        %dma_start3A_233 = arith.constant 93840 : i32
        %dma_start3A_234 = tpu.memref_slice %arg13[%dma_start3A_233] : memref<303104xf32, #tpu.memory_space<hbm>> -> memref<3128xf32, #tpu.memory_space<hbm>>
        %dma_start3A_235 = arith.constant 0 : i32
        %dma_start3A_236 = tpu.memref_slice %arg43[%dma_start3A_235] : memref<3128xf32, #tpu.memory_space<vmem>> -> memref<3128xf32, #tpu.memory_space<vmem>>
        tpu.enqueue_dma source(%dma_start3A_236 : memref<3128xf32, #tpu.memory_space<vmem>>) target(%dma_start3A_234 : memref<3128xf32, #tpu.memory_space<hbm>>) target_semaphore(%run_scoped3A : memref<!tpu.dma_semaphore, #tpu.memory_space<semaphore_mem>>)
        %dma_wait3A_237 = arith.constant 0 : i32
        %dma_wait3A_238 = tpu.memref_slice %arg43[%dma_wait3A_237] : memref<3128xf32, #tpu.memory_space<vmem>> -> memref<3128xf32, #tpu.memory_space<vmem>>
        %dma_wait3A_239 = arith.constant 93840 : i32
        %dma_wait3A_240 = tpu.memref_slice %arg13[%dma_wait3A_239] : memref<303104xf32, #tpu.memory_space<hbm>> -> memref<3128xf32, #tpu.memory_space<hbm>>
        %dma_wait3A_241 = arith.constant 93840 : i32
        %dma_wait3A_242 = tpu.memref_slice %arg13[%dma_wait3A_241] : memref<303104xf32, #tpu.memory_space<hbm>> -> memref<3128xf32, #tpu.memory_space<hbm>>
        %dma_wait3A_243 = arith.constant 0 : i32
        %dma_wait3A_244 = tpu.memref_slice %arg43[%dma_wait3A_243] : memref<3128xf32, #tpu.memory_space<vmem>> -> memref<3128xf32, #tpu.memory_space<vmem>>
        tpu.wait_dma2 semaphore(%run_scoped3A : memref<!tpu.dma_semaphore, #tpu.memory_space<semaphore_mem>>) src(%dma_wait3A_244 : memref<3128xf32, #tpu.memory_space<vmem>>) dst(%dma_wait3A_242 : memref<3128xf32, #tpu.memory_space<hbm>>)
        tpu.yield
      }) : () -> ()
      "tpu.region"() ({
        %run_scoped3A = tpu.sem_alloc : memref<!tpu.dma_semaphore, #tpu.memory_space<semaphore_mem>>
        %dma_start3A_229 = arith.constant 0 : i32
        %dma_start3A_230 = tpu.memref_slice %arg43[%dma_start3A_229] : memref<3128xf32, #tpu.memory_space<vmem>> -> memref<3032xf32, #tpu.memory_space<vmem>>
        %dma_start3A_231 = arith.constant 96968 : i32
        %dma_start3A_232 = tpu.memref_slice %arg19[%dma_start3A_231] : memref<100000xf32, #tpu.memory_space<vmem_shared>> -> memref<3032xf32, #tpu.memory_space<vmem_shared>>
        %dma_start3A_233 = arith.constant 0 : i32
        %dma_start3A_234 = tpu.memref_slice %arg43[%dma_start3A_233] : memref<3128xf32, #tpu.memory_space<vmem>> -> memref<3032xf32, #tpu.memory_space<vmem>>
        %dma_start3A_235 = arith.constant 96968 : i32
        %dma_start3A_236 = tpu.memref_slice %arg19[%dma_start3A_235] : memref<100000xf32, #tpu.memory_space<vmem_shared>> -> memref<3032xf32, #tpu.memory_space<vmem_shared>>
        tpu.enqueue_dma source(%dma_start3A_236 : memref<3032xf32, #tpu.memory_space<vmem_shared>>) target(%dma_start3A_234 : memref<3032xf32, #tpu.memory_space<vmem>>) target_semaphore(%run_scoped3A : memref<!tpu.dma_semaphore, #tpu.memory_space<semaphore_mem>>)
        %dma_wait3A_237 = arith.constant 0 : i32
        %dma_wait3A_238 = tpu.memref_slice %arg43[%dma_wait3A_237] : memref<3128xf32, #tpu.memory_space<vmem>> -> memref<3032xf32, #tpu.memory_space<vmem>>
        %dma_wait3A_239 = arith.constant 96968 : i32
        %dma_wait3A_240 = tpu.memref_slice %arg19[%dma_wait3A_239] : memref<100000xf32, #tpu.memory_space<vmem_shared>> -> memref<3032xf32, #tpu.memory_space<vmem_shared>>
        %dma_wait3A_241 = arith.constant 0 : i32
        %dma_wait3A_242 = tpu.memref_slice %arg43[%dma_wait3A_241] : memref<3128xf32, #tpu.memory_space<vmem>> -> memref<3032xf32, #tpu.memory_space<vmem>>
        %dma_wait3A_243 = arith.constant 96968 : i32
        %dma_wait3A_244 = tpu.memref_slice %arg19[%dma_wait3A_243] : memref<100000xf32, #tpu.memory_space<vmem_shared>> -> memref<3032xf32, #tpu.memory_space<vmem_shared>>
        tpu.wait_dma2 semaphore(%run_scoped3A : memref<!tpu.dma_semaphore, #tpu.memory_space<semaphore_mem>>) src(%dma_wait3A_244 : memref<3032xf32, #tpu.memory_space<vmem_shared>>) dst(%dma_wait3A_242 : memref<3032xf32, #tpu.memory_space<vmem>>)
        tpu.yield
      }) : () -> ()
      "tpu.region"() ({
        %run_scoped3A = tpu.sem_alloc : memref<!tpu.dma_semaphore, #tpu.memory_space<semaphore_mem>>
        %dma_start3A_229 = arith.constant 0 : i32
        %dma_start3A_230 = tpu.memref_slice %arg43[%dma_start3A_229] : memref<3128xf32, #tpu.memory_space<vmem>> -> memref<3032xf32, #tpu.memory_space<vmem>>
        %dma_start3A_231 = arith.constant 96968 : i32
        %dma_start3A_232 = tpu.memref_slice %arg13[%dma_start3A_231] : memref<303104xf32, #tpu.memory_space<hbm>> -> memref<3032xf32, #tpu.memory_space<hbm>>
        %dma_start3A_233 = arith.constant 96968 : i32
        %dma_start3A_234 = tpu.memref_slice %arg13[%dma_start3A_233] : memref<303104xf32, #tpu.memory_space<hbm>> -> memref<3032xf32, #tpu.memory_space<hbm>>
        %dma_start3A_235 = arith.constant 0 : i32
        %dma_start3A_236 = tpu.memref_slice %arg43[%dma_start3A_235] : memref<3128xf32, #tpu.memory_space<vmem>> -> memref<3032xf32, #tpu.memory_space<vmem>>
        tpu.enqueue_dma source(%dma_start3A_236 : memref<3032xf32, #tpu.memory_space<vmem>>) target(%dma_start3A_234 : memref<3032xf32, #tpu.memory_space<hbm>>) target_semaphore(%run_scoped3A : memref<!tpu.dma_semaphore, #tpu.memory_space<semaphore_mem>>)
        %dma_wait3A_237 = arith.constant 0 : i32
        %dma_wait3A_238 = tpu.memref_slice %arg43[%dma_wait3A_237] : memref<3128xf32, #tpu.memory_space<vmem>> -> memref<3032xf32, #tpu.memory_space<vmem>>
        %dma_wait3A_239 = arith.constant 96968 : i32
        %dma_wait3A_240 = tpu.memref_slice %arg13[%dma_wait3A_239] : memref<303104xf32, #tpu.memory_space<hbm>> -> memref<3032xf32, #tpu.memory_space<hbm>>
        %dma_wait3A_241 = arith.constant 96968 : i32
        %dma_wait3A_242 = tpu.memref_slice %arg13[%dma_wait3A_241] : memref<303104xf32, #tpu.memory_space<hbm>> -> memref<3032xf32, #tpu.memory_space<hbm>>
        %dma_wait3A_243 = arith.constant 0 : i32
        %dma_wait3A_244 = tpu.memref_slice %arg43[%dma_wait3A_243] : memref<3128xf32, #tpu.memory_space<vmem>> -> memref<3032xf32, #tpu.memory_space<vmem>>
        tpu.wait_dma2 semaphore(%run_scoped3A : memref<!tpu.dma_semaphore, #tpu.memory_space<semaphore_mem>>) src(%dma_wait3A_244 : memref<3032xf32, #tpu.memory_space<vmem>>) dst(%dma_wait3A_242 : memref<3032xf32, #tpu.memory_space<hbm>>)
        tpu.yield
      }) : () -> ()
      "tpu.region"() ({
        %run_scoped3A = tpu.sem_alloc : memref<!tpu.dma_semaphore, #tpu.memory_space<semaphore_mem>>
        %dma_start3A_229 = arith.constant 0 : i32
        %dma_start3A_230 = tpu.memref_slice %arg43[%dma_start3A_229] : memref<3128xf32, #tpu.memory_space<vmem>> -> memref<3128xf32, #tpu.memory_space<vmem>>
        %dma_start3A_231 = arith.constant 93840 : i32
        %dma_start3A_232 = tpu.memref_slice %arg20[%dma_start3A_231] : memref<100000xf32, #tpu.memory_space<vmem_shared>> -> memref<3128xf32, #tpu.memory_space<vmem_shared>>
        %dma_start3A_233 = arith.constant 0 : i32
        %dma_start3A_234 = tpu.memref_slice %arg43[%dma_start3A_233] : memref<3128xf32, #tpu.memory_space<vmem>> -> memref<3128xf32, #tpu.memory_space<vmem>>
        %dma_start3A_235 = arith.constant 93840 : i32
        %dma_start3A_236 = tpu.memref_slice %arg20[%dma_start3A_235] : memref<100000xf32, #tpu.memory_space<vmem_shared>> -> memref<3128xf32, #tpu.memory_space<vmem_shared>>
        tpu.enqueue_dma source(%dma_start3A_236 : memref<3128xf32, #tpu.memory_space<vmem_shared>>) target(%dma_start3A_234 : memref<3128xf32, #tpu.memory_space<vmem>>) target_semaphore(%run_scoped3A : memref<!tpu.dma_semaphore, #tpu.memory_space<semaphore_mem>>)
        %dma_wait3A_237 = arith.constant 0 : i32
        %dma_wait3A_238 = tpu.memref_slice %arg43[%dma_wait3A_237] : memref<3128xf32, #tpu.memory_space<vmem>> -> memref<3128xf32, #tpu.memory_space<vmem>>
        %dma_wait3A_239 = arith.constant 93840 : i32
        %dma_wait3A_240 = tpu.memref_slice %arg20[%dma_wait3A_239] : memref<100000xf32, #tpu.memory_space<vmem_shared>> -> memref<3128xf32, #tpu.memory_space<vmem_shared>>
        %dma_wait3A_241 = arith.constant 0 : i32
        %dma_wait3A_242 = tpu.memref_slice %arg43[%dma_wait3A_241] : memref<3128xf32, #tpu.memory_space<vmem>> -> memref<3128xf32, #tpu.memory_space<vmem>>
        %dma_wait3A_243 = arith.constant 93840 : i32
        %dma_wait3A_244 = tpu.memref_slice %arg20[%dma_wait3A_243] : memref<100000xf32, #tpu.memory_space<vmem_shared>> -> memref<3128xf32, #tpu.memory_space<vmem_shared>>
        tpu.wait_dma2 semaphore(%run_scoped3A : memref<!tpu.dma_semaphore, #tpu.memory_space<semaphore_mem>>) src(%dma_wait3A_244 : memref<3128xf32, #tpu.memory_space<vmem_shared>>) dst(%dma_wait3A_242 : memref<3128xf32, #tpu.memory_space<vmem>>)
        tpu.yield
      }) : () -> ()
      "tpu.region"() ({
        %run_scoped3A = tpu.sem_alloc : memref<!tpu.dma_semaphore, #tpu.memory_space<semaphore_mem>>
        %dma_start3A_229 = arith.constant 0 : i32
        %dma_start3A_230 = tpu.memref_slice %arg43[%dma_start3A_229] : memref<3128xf32, #tpu.memory_space<vmem>> -> memref<3128xf32, #tpu.memory_space<vmem>>
        %dma_start3A_231 = arith.constant 193840 : i32
        %dma_start3A_232 = tpu.memref_slice %arg13[%dma_start3A_231] : memref<303104xf32, #tpu.memory_space<hbm>> -> memref<3128xf32, #tpu.memory_space<hbm>>
        %dma_start3A_233 = arith.constant 193840 : i32
        %dma_start3A_234 = tpu.memref_slice %arg13[%dma_start3A_233] : memref<303104xf32, #tpu.memory_space<hbm>> -> memref<3128xf32, #tpu.memory_space<hbm>>
        %dma_start3A_235 = arith.constant 0 : i32
        %dma_start3A_236 = tpu.memref_slice %arg43[%dma_start3A_235] : memref<3128xf32, #tpu.memory_space<vmem>> -> memref<3128xf32, #tpu.memory_space<vmem>>
        tpu.enqueue_dma source(%dma_start3A_236 : memref<3128xf32, #tpu.memory_space<vmem>>) target(%dma_start3A_234 : memref<3128xf32, #tpu.memory_space<hbm>>) target_semaphore(%run_scoped3A : memref<!tpu.dma_semaphore, #tpu.memory_space<semaphore_mem>>)
        %dma_wait3A_237 = arith.constant 0 : i32
        %dma_wait3A_238 = tpu.memref_slice %arg43[%dma_wait3A_237] : memref<3128xf32, #tpu.memory_space<vmem>> -> memref<3128xf32, #tpu.memory_space<vmem>>
        %dma_wait3A_239 = arith.constant 193840 : i32
        %dma_wait3A_240 = tpu.memref_slice %arg13[%dma_wait3A_239] : memref<303104xf32, #tpu.memory_space<hbm>> -> memref<3128xf32, #tpu.memory_space<hbm>>
        %dma_wait3A_241 = arith.constant 193840 : i32
        %dma_wait3A_242 = tpu.memref_slice %arg13[%dma_wait3A_241] : memref<303104xf32, #tpu.memory_space<hbm>> -> memref<3128xf32, #tpu.memory_space<hbm>>
        %dma_wait3A_243 = arith.constant 0 : i32
        %dma_wait3A_244 = tpu.memref_slice %arg43[%dma_wait3A_243] : memref<3128xf32, #tpu.memory_space<vmem>> -> memref<3128xf32, #tpu.memory_space<vmem>>
        tpu.wait_dma2 semaphore(%run_scoped3A : memref<!tpu.dma_semaphore, #tpu.memory_space<semaphore_mem>>) src(%dma_wait3A_244 : memref<3128xf32, #tpu.memory_space<vmem>>) dst(%dma_wait3A_242 : memref<3128xf32, #tpu.memory_space<hbm>>)
        tpu.yield
      }) : () -> ()
      "tpu.region"() ({
        %run_scoped3A = tpu.sem_alloc : memref<!tpu.dma_semaphore, #tpu.memory_space<semaphore_mem>>
        %dma_start3A_229 = arith.constant 0 : i32
        %dma_start3A_230 = tpu.memref_slice %arg43[%dma_start3A_229] : memref<3128xf32, #tpu.memory_space<vmem>> -> memref<3032xf32, #tpu.memory_space<vmem>>
        %dma_start3A_231 = arith.constant 96968 : i32
        %dma_start3A_232 = tpu.memref_slice %arg20[%dma_start3A_231] : memref<100000xf32, #tpu.memory_space<vmem_shared>> -> memref<3032xf32, #tpu.memory_space<vmem_shared>>
        %dma_start3A_233 = arith.constant 0 : i32
        %dma_start3A_234 = tpu.memref_slice %arg43[%dma_start3A_233] : memref<3128xf32, #tpu.memory_space<vmem>> -> memref<3032xf32, #tpu.memory_space<vmem>>
        %dma_start3A_235 = arith.constant 96968 : i32
        %dma_start3A_236 = tpu.memref_slice %arg20[%dma_start3A_235] : memref<100000xf32, #tpu.memory_space<vmem_shared>> -> memref<3032xf32, #tpu.memory_space<vmem_shared>>
        tpu.enqueue_dma source(%dma_start3A_236 : memref<3032xf32, #tpu.memory_space<vmem_shared>>) target(%dma_start3A_234 : memref<3032xf32, #tpu.memory_space<vmem>>) target_semaphore(%run_scoped3A : memref<!tpu.dma_semaphore, #tpu.memory_space<semaphore_mem>>)
        %dma_wait3A_237 = arith.constant 0 : i32
        %dma_wait3A_238 = tpu.memref_slice %arg43[%dma_wait3A_237] : memref<3128xf32, #tpu.memory_space<vmem>> -> memref<3032xf32, #tpu.memory_space<vmem>>
        %dma_wait3A_239 = arith.constant 96968 : i32
        %dma_wait3A_240 = tpu.memref_slice %arg20[%dma_wait3A_239] : memref<100000xf32, #tpu.memory_space<vmem_shared>> -> memref<3032xf32, #tpu.memory_space<vmem_shared>>
        %dma_wait3A_241 = arith.constant 0 : i32
        %dma_wait3A_242 = tpu.memref_slice %arg43[%dma_wait3A_241] : memref<3128xf32, #tpu.memory_space<vmem>> -> memref<3032xf32, #tpu.memory_space<vmem>>
        %dma_wait3A_243 = arith.constant 96968 : i32
        %dma_wait3A_244 = tpu.memref_slice %arg20[%dma_wait3A_243] : memref<100000xf32, #tpu.memory_space<vmem_shared>> -> memref<3032xf32, #tpu.memory_space<vmem_shared>>
        tpu.wait_dma2 semaphore(%run_scoped3A : memref<!tpu.dma_semaphore, #tpu.memory_space<semaphore_mem>>) src(%dma_wait3A_244 : memref<3032xf32, #tpu.memory_space<vmem_shared>>) dst(%dma_wait3A_242 : memref<3032xf32, #tpu.memory_space<vmem>>)
        tpu.yield
      }) : () -> ()
      "tpu.region"() ({
        %run_scoped3A = tpu.sem_alloc : memref<!tpu.dma_semaphore, #tpu.memory_space<semaphore_mem>>
        %dma_start3A_229 = arith.constant 0 : i32
        %dma_start3A_230 = tpu.memref_slice %arg43[%dma_start3A_229] : memref<3128xf32, #tpu.memory_space<vmem>> -> memref<3032xf32, #tpu.memory_space<vmem>>
        %dma_start3A_231 = arith.constant 196968 : i32
        %dma_start3A_232 = tpu.memref_slice %arg13[%dma_start3A_231] : memref<303104xf32, #tpu.memory_space<hbm>> -> memref<3032xf32, #tpu.memory_space<hbm>>
        %dma_start3A_233 = arith.constant 196968 : i32
        %dma_start3A_234 = tpu.memref_slice %arg13[%dma_start3A_233] : memref<303104xf32, #tpu.memory_space<hbm>> -> memref<3032xf32, #tpu.memory_space<hbm>>
        %dma_start3A_235 = arith.constant 0 : i32
        %dma_start3A_236 = tpu.memref_slice %arg43[%dma_start3A_235] : memref<3128xf32, #tpu.memory_space<vmem>> -> memref<3032xf32, #tpu.memory_space<vmem>>
        tpu.enqueue_dma source(%dma_start3A_236 : memref<3032xf32, #tpu.memory_space<vmem>>) target(%dma_start3A_234 : memref<3032xf32, #tpu.memory_space<hbm>>) target_semaphore(%run_scoped3A : memref<!tpu.dma_semaphore, #tpu.memory_space<semaphore_mem>>)
        %dma_wait3A_237 = arith.constant 0 : i32
        %dma_wait3A_238 = tpu.memref_slice %arg43[%dma_wait3A_237] : memref<3128xf32, #tpu.memory_space<vmem>> -> memref<3032xf32, #tpu.memory_space<vmem>>
        %dma_wait3A_239 = arith.constant 196968 : i32
        %dma_wait3A_240 = tpu.memref_slice %arg13[%dma_wait3A_239] : memref<303104xf32, #tpu.memory_space<hbm>> -> memref<3032xf32, #tpu.memory_space<hbm>>
        %dma_wait3A_241 = arith.constant 196968 : i32
        %dma_wait3A_242 = tpu.memref_slice %arg13[%dma_wait3A_241] : memref<303104xf32, #tpu.memory_space<hbm>> -> memref<3032xf32, #tpu.memory_space<hbm>>
        %dma_wait3A_243 = arith.constant 0 : i32
        %dma_wait3A_244 = tpu.memref_slice %arg43[%dma_wait3A_243] : memref<3128xf32, #tpu.memory_space<vmem>> -> memref<3032xf32, #tpu.memory_space<vmem>>
        tpu.wait_dma2 semaphore(%run_scoped3A : memref<!tpu.dma_semaphore, #tpu.memory_space<semaphore_mem>>) src(%dma_wait3A_244 : memref<3032xf32, #tpu.memory_space<vmem>>) dst(%dma_wait3A_242 : memref<3032xf32, #tpu.memory_space<hbm>>)
        tpu.yield
      }) : () -> ()
      "tpu.region"() ({
        %run_scoped3A = tpu.sem_alloc : memref<!tpu.dma_semaphore, #tpu.memory_space<semaphore_mem>>
        %dma_start3A_229 = arith.constant 0 : i32
        %dma_start3A_230 = tpu.memref_slice %arg43[%dma_start3A_229] : memref<3128xf32, #tpu.memory_space<vmem>> -> memref<3128xf32, #tpu.memory_space<vmem>>
        %dma_start3A_231 = arith.constant 93840 : i32
        %dma_start3A_232 = tpu.memref_slice %arg21[%dma_start3A_231] : memref<100000xf32, #tpu.memory_space<vmem_shared>> -> memref<3128xf32, #tpu.memory_space<vmem_shared>>
        %dma_start3A_233 = arith.constant 0 : i32
        %dma_start3A_234 = tpu.memref_slice %arg43[%dma_start3A_233] : memref<3128xf32, #tpu.memory_space<vmem>> -> memref<3128xf32, #tpu.memory_space<vmem>>
        %dma_start3A_235 = arith.constant 93840 : i32
        %dma_start3A_236 = tpu.memref_slice %arg21[%dma_start3A_235] : memref<100000xf32, #tpu.memory_space<vmem_shared>> -> memref<3128xf32, #tpu.memory_space<vmem_shared>>
        tpu.enqueue_dma source(%dma_start3A_236 : memref<3128xf32, #tpu.memory_space<vmem_shared>>) target(%dma_start3A_234 : memref<3128xf32, #tpu.memory_space<vmem>>) target_semaphore(%run_scoped3A : memref<!tpu.dma_semaphore, #tpu.memory_space<semaphore_mem>>)
        %dma_wait3A_237 = arith.constant 0 : i32
        %dma_wait3A_238 = tpu.memref_slice %arg43[%dma_wait3A_237] : memref<3128xf32, #tpu.memory_space<vmem>> -> memref<3128xf32, #tpu.memory_space<vmem>>
        %dma_wait3A_239 = arith.constant 93840 : i32
        %dma_wait3A_240 = tpu.memref_slice %arg21[%dma_wait3A_239] : memref<100000xf32, #tpu.memory_space<vmem_shared>> -> memref<3128xf32, #tpu.memory_space<vmem_shared>>
        %dma_wait3A_241 = arith.constant 0 : i32
        %dma_wait3A_242 = tpu.memref_slice %arg43[%dma_wait3A_241] : memref<3128xf32, #tpu.memory_space<vmem>> -> memref<3128xf32, #tpu.memory_space<vmem>>
        %dma_wait3A_243 = arith.constant 93840 : i32
        %dma_wait3A_244 = tpu.memref_slice %arg21[%dma_wait3A_243] : memref<100000xf32, #tpu.memory_space<vmem_shared>> -> memref<3128xf32, #tpu.memory_space<vmem_shared>>
        tpu.wait_dma2 semaphore(%run_scoped3A : memref<!tpu.dma_semaphore, #tpu.memory_space<semaphore_mem>>) src(%dma_wait3A_244 : memref<3128xf32, #tpu.memory_space<vmem_shared>>) dst(%dma_wait3A_242 : memref<3128xf32, #tpu.memory_space<vmem>>)
        tpu.yield
      }) : () -> ()
      "tpu.region"() ({
        %run_scoped3A = tpu.sem_alloc : memref<!tpu.dma_semaphore, #tpu.memory_space<semaphore_mem>>
        %dma_start3A_229 = arith.constant 0 : i32
        %dma_start3A_230 = tpu.memref_slice %arg43[%dma_start3A_229] : memref<3128xf32, #tpu.memory_space<vmem>> -> memref<3128xf32, #tpu.memory_space<vmem>>
        %dma_start3A_231 = arith.constant 293840 : i32
        %dma_start3A_232 = tpu.memref_slice %arg13[%dma_start3A_231] : memref<303104xf32, #tpu.memory_space<hbm>> -> memref<3128xf32, #tpu.memory_space<hbm>>
        %dma_start3A_233 = arith.constant 293840 : i32
        %dma_start3A_234 = tpu.memref_slice %arg13[%dma_start3A_233] : memref<303104xf32, #tpu.memory_space<hbm>> -> memref<3128xf32, #tpu.memory_space<hbm>>
        %dma_start3A_235 = arith.constant 0 : i32
        %dma_start3A_236 = tpu.memref_slice %arg43[%dma_start3A_235] : memref<3128xf32, #tpu.memory_space<vmem>> -> memref<3128xf32, #tpu.memory_space<vmem>>
        tpu.enqueue_dma source(%dma_start3A_236 : memref<3128xf32, #tpu.memory_space<vmem>>) target(%dma_start3A_234 : memref<3128xf32, #tpu.memory_space<hbm>>) target_semaphore(%run_scoped3A : memref<!tpu.dma_semaphore, #tpu.memory_space<semaphore_mem>>)
        %dma_wait3A_237 = arith.constant 0 : i32
        %dma_wait3A_238 = tpu.memref_slice %arg43[%dma_wait3A_237] : memref<3128xf32, #tpu.memory_space<vmem>> -> memref<3128xf32, #tpu.memory_space<vmem>>
        %dma_wait3A_239 = arith.constant 293840 : i32
        %dma_wait3A_240 = tpu.memref_slice %arg13[%dma_wait3A_239] : memref<303104xf32, #tpu.memory_space<hbm>> -> memref<3128xf32, #tpu.memory_space<hbm>>
        %dma_wait3A_241 = arith.constant 293840 : i32
        %dma_wait3A_242 = tpu.memref_slice %arg13[%dma_wait3A_241] : memref<303104xf32, #tpu.memory_space<hbm>> -> memref<3128xf32, #tpu.memory_space<hbm>>
        %dma_wait3A_243 = arith.constant 0 : i32
        %dma_wait3A_244 = tpu.memref_slice %arg43[%dma_wait3A_243] : memref<3128xf32, #tpu.memory_space<vmem>> -> memref<3128xf32, #tpu.memory_space<vmem>>
        tpu.wait_dma2 semaphore(%run_scoped3A : memref<!tpu.dma_semaphore, #tpu.memory_space<semaphore_mem>>) src(%dma_wait3A_244 : memref<3128xf32, #tpu.memory_space<vmem>>) dst(%dma_wait3A_242 : memref<3128xf32, #tpu.memory_space<hbm>>)
        tpu.yield
      }) : () -> ()
      "tpu.region"() ({
        %run_scoped3A = tpu.sem_alloc : memref<!tpu.dma_semaphore, #tpu.memory_space<semaphore_mem>>
        %dma_start3A_229 = arith.constant 0 : i32
        %dma_start3A_230 = tpu.memref_slice %arg43[%dma_start3A_229] : memref<3128xf32, #tpu.memory_space<vmem>> -> memref<3032xf32, #tpu.memory_space<vmem>>
        %dma_start3A_231 = arith.constant 96968 : i32
        %dma_start3A_232 = tpu.memref_slice %arg21[%dma_start3A_231] : memref<100000xf32, #tpu.memory_space<vmem_shared>> -> memref<3032xf32, #tpu.memory_space<vmem_shared>>
        %dma_start3A_233 = arith.constant 0 : i32
        %dma_start3A_234 = tpu.memref_slice %arg43[%dma_start3A_233] : memref<3128xf32, #tpu.memory_space<vmem>> -> memref<3032xf32, #tpu.memory_space<vmem>>
        %dma_start3A_235 = arith.constant 96968 : i32
        %dma_start3A_236 = tpu.memref_slice %arg21[%dma_start3A_235] : memref<100000xf32, #tpu.memory_space<vmem_shared>> -> memref<3032xf32, #tpu.memory_space<vmem_shared>>
        tpu.enqueue_dma source(%dma_start3A_236 : memref<3032xf32, #tpu.memory_space<vmem_shared>>) target(%dma_start3A_234 : memref<3032xf32, #tpu.memory_space<vmem>>) target_semaphore(%run_scoped3A : memref<!tpu.dma_semaphore, #tpu.memory_space<semaphore_mem>>)
        %dma_wait3A_237 = arith.constant 0 : i32
        %dma_wait3A_238 = tpu.memref_slice %arg43[%dma_wait3A_237] : memref<3128xf32, #tpu.memory_space<vmem>> -> memref<3032xf32, #tpu.memory_space<vmem>>
        %dma_wait3A_239 = arith.constant 96968 : i32
        %dma_wait3A_240 = tpu.memref_slice %arg21[%dma_wait3A_239] : memref<100000xf32, #tpu.memory_space<vmem_shared>> -> memref<3032xf32, #tpu.memory_space<vmem_shared>>
        %dma_wait3A_241 = arith.constant 0 : i32
        %dma_wait3A_242 = tpu.memref_slice %arg43[%dma_wait3A_241] : memref<3128xf32, #tpu.memory_space<vmem>> -> memref<3032xf32, #tpu.memory_space<vmem>>
        %dma_wait3A_243 = arith.constant 96968 : i32
        %dma_wait3A_244 = tpu.memref_slice %arg21[%dma_wait3A_243] : memref<100000xf32, #tpu.memory_space<vmem_shared>> -> memref<3032xf32, #tpu.memory_space<vmem_shared>>
        tpu.wait_dma2 semaphore(%run_scoped3A : memref<!tpu.dma_semaphore, #tpu.memory_space<semaphore_mem>>) src(%dma_wait3A_244 : memref<3032xf32, #tpu.memory_space<vmem_shared>>) dst(%dma_wait3A_242 : memref<3032xf32, #tpu.memory_space<vmem>>)
        tpu.yield
      }) : () -> ()
      "tpu.region"() ({
        %run_scoped3A = tpu.sem_alloc : memref<!tpu.dma_semaphore, #tpu.memory_space<semaphore_mem>>
        %dma_start3A_229 = arith.constant 0 : i32
        %dma_start3A_230 = tpu.memref_slice %arg43[%dma_start3A_229] : memref<3128xf32, #tpu.memory_space<vmem>> -> memref<3032xf32, #tpu.memory_space<vmem>>
        %dma_start3A_231 = arith.constant 296968 : i32
        %dma_start3A_232 = tpu.memref_slice %arg13[%dma_start3A_231] : memref<303104xf32, #tpu.memory_space<hbm>> -> memref<3032xf32, #tpu.memory_space<hbm>>
        %dma_start3A_233 = arith.constant 296968 : i32
        %dma_start3A_234 = tpu.memref_slice %arg13[%dma_start3A_233] : memref<303104xf32, #tpu.memory_space<hbm>> -> memref<3032xf32, #tpu.memory_space<hbm>>
        %dma_start3A_235 = arith.constant 0 : i32
        %dma_start3A_236 = tpu.memref_slice %arg43[%dma_start3A_235] : memref<3128xf32, #tpu.memory_space<vmem>> -> memref<3032xf32, #tpu.memory_space<vmem>>
        tpu.enqueue_dma source(%dma_start3A_236 : memref<3032xf32, #tpu.memory_space<vmem>>) target(%dma_start3A_234 : memref<3032xf32, #tpu.memory_space<hbm>>) target_semaphore(%run_scoped3A : memref<!tpu.dma_semaphore, #tpu.memory_space<semaphore_mem>>)
        %dma_wait3A_237 = arith.constant 0 : i32
        %dma_wait3A_238 = tpu.memref_slice %arg43[%dma_wait3A_237] : memref<3128xf32, #tpu.memory_space<vmem>> -> memref<3032xf32, #tpu.memory_space<vmem>>
        %dma_wait3A_239 = arith.constant 296968 : i32
        %dma_wait3A_240 = tpu.memref_slice %arg13[%dma_wait3A_239] : memref<303104xf32, #tpu.memory_space<hbm>> -> memref<3032xf32, #tpu.memory_space<hbm>>
        %dma_wait3A_241 = arith.constant 296968 : i32
        %dma_wait3A_242 = tpu.memref_slice %arg13[%dma_wait3A_241] : memref<303104xf32, #tpu.memory_space<hbm>> -> memref<3032xf32, #tpu.memory_space<hbm>>
        %dma_wait3A_243 = arith.constant 0 : i32
        %dma_wait3A_244 = tpu.memref_slice %arg43[%dma_wait3A_243] : memref<3128xf32, #tpu.memory_space<vmem>> -> memref<3032xf32, #tpu.memory_space<vmem>>
        tpu.wait_dma2 semaphore(%run_scoped3A : memref<!tpu.dma_semaphore, #tpu.memory_space<semaphore_mem>>) src(%dma_wait3A_244 : memref<3032xf32, #tpu.memory_space<vmem>>) dst(%dma_wait3A_242 : memref<3032xf32, #tpu.memory_space<hbm>>)
        tpu.yield
      }) : () -> ()
    } else {
    }
    return
  }
}

module attributes {stable_mosaic.version = 14 : i64} {
  func.func @body(%arg0: i32, %arg1: memref<10000x4xf32, #tpu.memory_space<vmem>>, %arg2: memref<1x4xf32, #tpu.memory_space<vmem>>, %arg3: memref<10000x4xf32, #tpu.memory_space<vmem>>) attributes {dimension_semantics = [#tpu.dimension_semantics<arbitrary>], iteration_bounds = array<i64: 10>, scalar_prefetch = 0 : i64, scratch_operands = 0 : i64, tpu.core_type = #tpu.core_type<tc>, window_params = [{transform_indices = @transform_0, window_bounds = array<i64: 10000, 4>}, {pipeline_mode = #tpu.pipeline_mode<synchronous>, transform_indices = @transform_1, window_bounds = array<i64: 1, 4>}, {transform_indices = @transform_2, window_bounds = array<i64: 10000, 4>}]} {
    %get3A = arith.constant 0 : index
    %get3A_0 = arith.constant 0 : index
    %get3A_1 = vector.load %arg1[%get3A, %get3A_0] : memref<10000x4xf32, #tpu.memory_space<vmem>>, vector<10000x4xf32>
    %get3A_2 = arith.constant 0 : index
    %get3A_3 = arith.constant 0 : index
    %get3A_4 = vector.load %arg2[%get3A_2, %get3A_3] : memref<1x4xf32, #tpu.memory_space<vmem>>, vector<1x4xf32>
    %mul3A = vector.broadcast %get3A_4 : vector<1x4xf32> to vector<10000x4xf32>
    %mul3A_5 = arith.mulf %get3A_1, %mul3A : vector<10000x4xf32>
    %swap3A = arith.constant 0 : index
    %swap3A_6 = arith.constant 0 : index
    %swap3A_7 = vector.load %arg3[%swap3A, %swap3A_6] : memref<10000x4xf32, #tpu.memory_space<vmem>>, vector<10000x4xf32>
    tpu.vector_store %arg3[%swap3A, %swap3A_6], %mul3A_5 {strides = array<i32>} : memref<10000x4xf32, #tpu.memory_space<vmem>>, vector<10000x4xf32>,
    return
  }
  func.func @transform_0(%arg0: i32) -> (i32, i32) {
    %c0_i32 = arith.constant 0 : i32
    %c0_i32_0 = arith.constant 0 : i32
    return %arg0, %c0_i32 : i32, i32
  }
  func.func @transform_1(%arg0: i32) -> (i32, i32) {
    %c0_i32 = arith.constant 0 : i32
    %c0_i32_0 = arith.constant 0 : i32
    %c0_i32_1 = arith.constant 0 : i32
    return %c0_i32, %c0_i32_0 : i32, i32
  }
  func.func @transform_2(%arg0: i32) -> (i32, i32) {
    %c0_i32 = arith.constant 0 : i32
    %c0_i32_0 = arith.constant 0 : i32
    return %arg0, %c0_i32 : i32, i32
  }
}

module attributes {stable_mosaic.version = 14 : i64} {
  func.func @body(%arg0: i32, %arg1: memref<37888xf32, #tpu.memory_space<vmem>>, %arg2: memref<37888xf32, #tpu.memory_space<vmem>>, %arg3: memref<37888xf32, #tpu.memory_space<vmem>>) attributes {dimension_semantics = [#tpu.dimension_semantics<arbitrary>], iteration_bounds = array<i64: 8>, scalar_prefetch = 0 : i64, scratch_operands = 0 : i64, tpu.core_type = #tpu.core_type<tc>, window_params = [{transform_indices = @transform_0, window_bounds = array<i64: 37888>}, {transform_indices = @transform_1, window_bounds = array<i64: 37888>}, {transform_indices = @transform_2, window_bounds = array<i64: 37888>}]} {
    %get3A = arith.constant 0 : index
    %get3A_0 = vector.load %arg1[%get3A] : memref<37888xf32, #tpu.memory_space<vmem>>, vector<37888xf32>
    %get3A_1 = arith.constant 0 : index
    %get3A_2 = vector.load %arg2[%get3A_1] : memref<37888xf32, #tpu.memory_space<vmem>>, vector<37888xf32>
    %add3A = arith.addf %get3A_0, %get3A_2 : vector<37888xf32>
    %swap3A = arith.constant 0 : index
    %swap3A_3 = vector.load %arg3[%swap3A] : memref<37888xf32, #tpu.memory_space<vmem>>, vector<37888xf32>
    tpu.vector_store %arg3[%swap3A], %add3A {strides = array<i32>} : memref<37888xf32, #tpu.memory_space<vmem>>, vector<37888xf32>,
    return
  }
  func.func @transform_0(%arg0: i32) -> i32 {
    %c0_i32 = arith.constant 0 : i32
    return %arg0 : i32
  }
  func.func @transform_1(%arg0: i32) -> i32 {
    %c0_i32 = arith.constant 0 : i32
    return %arg0 : i32
  }
  func.func @transform_2(%arg0: i32) -> i32 {
    %c0_i32 = arith.constant 0 : i32
    return %arg0 : i32
  }
}

</mosaic_0001>

<sc_bundles>
// kernel: kernel.5.cloned.1.call-start
scs
__scs_entry_jumppad:
0x0: {  	(pc) =	sbr.rel $0x88, $3  }
0x1: {  	(tag) =	ssettag $0x0;
	lr =	simm.s32 $0x1  }
0x2: {  	[smem:$0x3F98] =	sst lr;
	_ =	strace $0xD0000000  }
0x3: {  	_ = 	snop  }
0x4: {  	_ = 	snop  }
0x5: {  	_ = 	snop  }
0x6: {  	_ = 	snop  }
0x7: {  	_ = 	snop  }
__scs_overlays_trampoline_lowered:
0x8: {  	[smem:$0x3FA7] =	sst s0  }
0x9: {  	[smem:$0x3FA8] =	sst s1  }
0xa: {  	[smem:$0x3FA9] =	sst s2  }
0xb: {  	[smem:$0x3FAA] =	sst s3  }
0xc: {  	[smem:$0x3FAB] =	sst s4  }
0xd: {  	[smem:$0x3FAC] =	sst s5  }
0xe: {  	[smem:$0x3FAD] =	sst s6  }
0xf: {  	[smem:$0x3FAE] =	sst s7  }
0x10: {  	[smem:$0x3FAF] =	sst s8  }
0x11: {  	[smem:$0x3FB0] =	sst s9;
	s0 =	simm.s32 @!p0 $0x0  }
0x12: {  	s1 =	sld [smem:$0x3F96];
	s0 =	simm.s32 @p0 $0x1  }
0x13: {  	[smem:$0x3FB1] =	sst s0;
	s0 =	simm.s32 @!p1 $0x0  }
0x14: {  	s2 =	sld [smem:$0x3F95];
	s0 =	simm.s32 @p1 $0x1  }
0x15: {  	[smem:$0x3FB2] =	sst s0;
	s0 =	simm.s32 @!p2 $0x0  }
0x16: {  	s3 =	sld [smem:$0x3FDB];
	s0 =	simm.s32 @p2 $0x1  }
0x17: {  	s4 =	simm.s32 $0x1BF5;
	[smem:$0x3FB4] =	sst s0  }
0x18: {  	s0 =	sld [smem:$0x3F97];
	_ =	swait.ge [sflag:s4], $0x0  }
0x19: {  	s7 =	sld [smem:$0x3F98]  }
0x1a: {  	s8 =	sadd.s32 $0xFFFFE003, lr  }
0x1b: {  	s9 =	sadd.s32 $0xFFFFFEF7, lr;
	s5 =	simm.s32 $0xFFFFFFFF;
	p2 =	slt.u32 s8, $0xFFFFF086  }
0x1c: {  	p1 =	slt.u32 s9, $0xF7A;
	s5 =	simm.s32 @!p2 $0x0  }
0x1d: {  	s5 =	simm.s32 @p1 $0x1;
	p0 =	seq.s32 s7, s2  }
0x1e: {  	s7 =	smul.u32 @!p0 $0xF7A, s2;
	p2 =	seq.s32 @!p0 s5, $0x0  }
0x1f: {  	s9 =	smul.u32 $0xF7A, s1;
	s8 =	simm.s32 @!p0 $0x1BF5;
	p2 =	por !p2, p0  }
0x20: {  	[sflag:s8] =	ssyncset.s32 @!p0 $0xFFFFF086;
	s6 =	sadd.s32 @!p0 s3, s7;
	s7 =	simm.s32 @!p0 $0x108  }
0x21: {  	s3 =	sadd.s32 s3, s9;
	s6 =	sadd.s32 @!p0 $0x88, s6;
	s7 =	simm.s32 @p2 $0x1082  }
0x22: {  	[simem:s7], [sflag:s8] =	dma.local @!p0 [hbm:s6], $0xF7A  }
0x23: {  	s9 =	sor.u32 $0xD0000000, s2;
	s6 =	simm.s32 $0x108;
	_ =	swait.ge @!p0 [sflag:s8], $0x0  }
0x24: {  	s3 =	sadd.s32 $0x88, s3;
	s6 =	simm.s32 @!p1 $0x1082;
	[sflag:s4] =	ssyncset.s32 $0xFFFFF086  }
0x25: {  	[simem:s6], [sflag:s4] =	dma.local [hbm:s3], $0xF7A  }
0x26: {  	[smem:$0x3F98] =	sst s1;
	(tag) =	ssettag s2;
	_ =	strace s9  }
0x27: {  	s1 =	sld [smem:$0x3FA8]  }
0x28: {  	s2 =	sld [smem:$0x3FA9]  }
0x29: {  	s4 =	sld [smem:$0x3FAB]  }
0x2a: {  	p0 =	seq.s32 s5, $0x0;
	s5 =	sld [smem:$0x3FAC]  }
0x2b: {  	s6 =	sld [smem:$0x3FAD]  }
0x2c: {  	s7 =	sld [smem:$0x3FAE]  }
0x2d: {  	s3 =	simm.s32 $0x108;
	s8 =	sld [smem:$0x3FAF]  }
0x2e: {  	s3 =	simm.s32 @!p0 $0x1082;
	s9 =	sld [smem:$0x3FB0]  }
0x2f: {  	lr =	sadd.s32 s0, s3;
	s0 =	sld [smem:$0x3FA7]  }
0x30: {  	s3 =	sld [smem:$0x3FAA]  }
0x31: {  	[smem:$0x3FB3] =	sst s10  }
0x32: {  	s10 =	sld [smem:$0x3FB1];
	_ =	sdelay $0x3  }
0x33: {  	p0 =	seq.s32 s10, $0x1;
	s10 =	sld [smem:$0x3FB3];
	_ =	sdelay $0x3  }
0x34: {  	[smem:$0x3FB3] =	sst s10  }
0x35: {  	s10 =	sld [smem:$0x3FB2];
	_ =	sdelay $0x3  }
0x36: {  	p1 =	seq.s32 s10, $0x1;
	s10 =	sld [smem:$0x3FB3];
	_ =	sdelay $0x3  }
0x37: {  	[smem:$0x3FB3] =	sst s10  }
0x38: {  	s10 =	sld [smem:$0x3FB4]  }
0x39: {  	_ = 	snop;
	(pc) =	sbr.ind lr, $3  }
0x3a: {  	_ = 	snop  }
0x3b: {  	_ = 	snop  }
0x3c: {  	p2 =	seq.s32 s10, $0x1;
	s10 =	sld [smem:$0x3FB3]  }
0x3d: {  	_ =	shalt  }
0x3e: {  	_ =	shalt  }
0x3f: {  	_ =	shalt  }
0x40: {  	_ =	shalt  }
0x41: {  	_ =	shalt  }
0x42: {  	_ =	shalt  }
0x43: {  	_ =	shalt  }
0x44: {  	_ =	shalt  }
0x45: {  	_ =	shalt  }
0x46: {  	_ =	shalt  }
0x47: {  	_ =	shalt  }
0x48: {  	_ =	shalt  }
0x49: {  	_ =	shalt  }
0x4a: {  	_ =	shalt  }
0x4b: {  	_ =	shalt  }
0x4c: {  	_ =	shalt  }
0x4d: {  	_ =	shalt  }
0x4e: {  	_ =	shalt  }
0x4f: {  	_ =	shalt  }
0x50: {  	_ =	shalt  }
0x51: {  	_ =	shalt  }
0x52: {  	_ =	shalt  }
0x53: {  	_ =	shalt  }
0x54: {  	_ =	shalt  }
0x55: {  	_ =	shalt  }
0x56: {  	_ =	shalt  }
0x57: {  	_ =	shalt  }
0x58: {  	_ =	shalt  }
0x59: {  	_ =	shalt  }
0x5a: {  	_ =	shalt  }
0x5b: {  	_ =	shalt  }
0x5c: {  	_ =	shalt  }
0x5d: {  	_ =	shalt  }
0x5e: {  	_ =	shalt  }
0x5f: {  	_ =	shalt  }
0x60: {  	_ =	shalt  }
0x61: {  	_ =	shalt  }
0x62: {  	_ =	shalt  }
0x63: {  	_ =	shalt  }
0x64: {  	_ =	shalt  }
0x65: {  	_ =	shalt  }
0x66: {  	_ =	shalt  }
0x67: {  	_ =	shalt  }
0x68: {  	_ =	shalt  }
0x69: {  	_ =	shalt  }
0x6a: {  	_ =	shalt  }
0x6b: {  	_ =	shalt  }
0x6c: {  	_ =	shalt  }
0x6d: {  	_ =	shalt  }
0x6e: {  	_ =	shalt  }
0x6f: {  	_ =	shalt  }
0x70: {  	_ =	shalt  }
0x71: {  	_ =	shalt  }
0x72: {  	_ =	shalt  }
0x73: {  	_ =	shalt  }
0x74: {  	_ =	shalt  }
0x75: {  	_ =	shalt  }
0x76: {  	_ =	shalt  }
0x77: {  	_ =	shalt  }
0x78: {  	_ =	shalt  }
0x79: {  	_ =	shalt  }
0x7a: {  	_ =	shalt  }
0x7b: {  	_ =	shalt  }
0x7c: {  	_ =	shalt  }
0x7d: {  	_ =	shalt  }
0x7e: {  	_ =	shalt  }
0x7f: {  	_ =	shalt  }
0x80: {  	_ =	shalt  }
0x81: {  	_ =	shalt  }
0x82: {  	_ =	shalt  }
0x83: {  	_ =	shalt  }
0x84: {  	_ =	shalt  }
0x85: {  	_ =	shalt  }
0x86: {  	_ =	shalt  }
0x87: {  	_ =	shalt  }
.Lfunc_end0:
.L_simem_size_0:
called_computation_lowered:
.L_overlay_start_0:
0x88: {  	s2 =	sld [smem:$0x3FD9]  }
0x89: {  	s3 =	sld [smem:$0x3FFE];
	_ =	sdelay $0x1  }
0x8a: {  	s1 =	srdreg.scid  }
0x8b: {  	s0 =	sand.u32 $0x1, s1  }
0x8c: {  	s29 =	sshll.u32 s0, $0xA;
	s2 =	sadd.s32 s3, s2  }
0x8d: {  	s2 =	sadd.s32 s2, s29  }
0x8e: {  	[smem:$0x3FBF] =	sst s2  }
0x8f: {  	_ = 	snop  }
0x90: {  	s5 =	sld [smem:$0x3FD0]  }
0x91: {  	s2 =	sld [smem:$0x3FC6]  }
0x92: {  	s30 =	sld [smem:$0x3FC5]  }
0x93: {  	s6 =	simm.s32 $0xA;
	s7 =	simm.s32 $0x10;
	s4 =	sld [smem:$0x3FC4]  }
0x94: {  	[smem:s7], [sflag:s6] =	dma.local [hbm:s5], $0x1  }
0x95: {  	_ =	swait.eq [sflag:s6], $0x1  }
0x96: {  	[sflag:s6] =	ssyncset.done $0x0  }
0x97: {  	s31 =	sld [smem:$0x10];
	[sflag:s6] =	ssyncadd.s32 $0xFFFFFFFF  }
0x98: {  	s12 =	sld [smem:$0x11];
	(tm) =	ssettm $0x1  }
0x99: {  	s13 =	sld [smem:$0x3FFB];
	_ =	sdelay $0x3  }
0x9a: {  	_ =	strace s13  }
0x9b: {  	s6 =	sld [smem:$0x3FFC];
	_ =	sdelay $0x3  }
0x9c: {  	_ =	strace s6  }
0x9d: {  	s6 =	sld [smem:$0x3FFD];
	_ =	sdelay $0x3  }
0x9e: {  	_ =	strace s6  }
0x9f: {  	_ =	strace $0x8FFFFFFF  }
0xa0: {  	s14 =	sld [smem:$0x3FDB];
	_ =	sdelay $0x1  }
0xa1: {  	s8 =	simm.s32 $_scs_section_size  }
0xa2: {  	s9 =	simm.s32 $_size__tile_task_arg_handler_lowered;
	s10 =	simm.s32 $_tile_task_arg_handler_lowered  }
0xa3: {  	s17 =	simm.s32 $0x1BFF;
	s16 =	sshll.u32 s10, $0x1;
	s8 =	sadd.s32 s8, s14  }
0xa4: {  	s11 =	simm.s32 $0x60;
	s15 =	sshll.u32 s9, $0x1;
	s9 =	sadd.s32 s16, s8  }
0xa5: {  	[timem:s11], [sflag:s17] =	dma.local [hbm:s9], s15  }
0xa6: {  	_ =	swait.ge [sflag:s17], s15  }
0xa7: {  	s18 =	simm.s32 $_tile_overlayer_lowered;
	s6 =	ssub.s32 $0x0, s15;
	[sflag:s17] =	ssyncset.done $0x0  }
0xa8: {  	s19 =	simm.s32 $_size__tile_overlayer_lowered;
	s9 =	sshll.u32 s18, $0x1;
	[sflag:s17] =	ssyncadd.s32 s6  }
0xa9: {  	s21 =	simm.s32 $0x0;
	s20 =	sshll.u32 s19, $0x1;
	s9 =	sadd.s32 s9, s8  }
0xaa: {  	[timem:s21], [sflag:s17] =	dma.local [hbm:s9], s20  }
0xab: {  	_ =	swait.ge [sflag:s17], s20  }
0xac: {  	s22 =	ssub.s32 $0x0, s20;
	[sflag:s17] =	ssyncset.done $0x0  }
0xad: {  	[sflag:s17] =	ssyncadd.s32 s22;
	_ =	sdelay $0x1  }
0xae: {  	s23 =	simm.s32 $0x1B8B  }
0xaf: {  	_ =	swait.ge [sflag:s23], $0x1  }
0xb0: {  	[sflag:s23] =	ssyncset.done $0x0  }
0xb1: {  	s25 =	simm.s32 $0x1B8E;
	s24 =	sld [smem:$0x3FFE];
	[sflag:s23] =	ssyncadd.s32 $0xFFFFFFFF  }
0xb2: {  	s26 =	simm.s32 $execute0_lowered;
	[smem:$0x3FD2] =	sst s25  }
0xb3: {  	s10 =	sshll.u32 s26, $0x1;
	_ =	strace $0x80000046;
	[dreg:$0x1] =	wrdreg $0xFFFFFFFF  }
0xb4: {  	s28 =	simm.s32 $_size_execute0_lowered;
	s8 =	sadd.s32 s8, s10;
	[dreg:$0x0] =	wrdreg $0x0  }
0xb5: {  	s10 =	sshll.u32 s28, $0x1;
	[dreg:$0x2] =	wrdreg s8  }
0xb6: {  	[dreg:$0x3] =	wrdreg s10  }
0xb7: {  	[dreg:$0x4] =	wrdreg $0xC0  }
0xb8: {  	_ =	task [dreg:s21], $0x5FFFF  }
0xb9: {  	[dreg:$0x1] =	wrdreg $0xFFFFFFFF  }
0xba: {  	[dreg:$0x0] =	wrdreg $0x30  }
0xbb: {  	[dreg:$0x2] =	wrdreg $0x0  }
0xbc: {  	[dreg:$0x3] =	wrdreg $0x9  }
0xbd: {  	_ =	task [dreg:s21], $0x4FFFF  }
0xbe: {  	[dreg:$0x1] =	wrdreg $0xFFFFFFFF  }
0xbf: {  	[dreg:$0x0] =	wrdreg $0x60  }
0xc0: {  	[dreg:$0x2] =	wrdreg s24  }
0xc1: {  	[dreg:$0x3] =	wrdreg s2  }
0xc2: {  	[dreg:$0x4] =	wrdreg s30  }
0xc3: {  	[dreg:$0x5] =	wrdreg s4  }
0xc4: {  	[dreg:$0x6] =	wrdreg s12  }
0xc5: {  	[dreg:$0x7] =	wrdreg s31  }
0xc6: {  	[dreg:$0x8] =	wrdreg $0x0  }
0xc7: {  	[dreg:$0x9] =	wrdreg $0x18700  }
0xc8: {  	[dreg:$0xa] =	wrdreg $0x30E00  }
0xc9: {  	[dreg:$0xb] =	wrdreg $0x49500  }
0xca: {  	[dreg:$0xc] =	wrdreg $0x61C00  }
0xcb: {  	[dreg:$0xd] =	wrdreg $0x7A300  }
0xcc: {  	[dreg:$0xe] =	wrdreg $0x92A00  }
0xcd: {  	[dreg:$0xf] =	wrdreg $0xAB100  }
0xce: {  	_ =	task.clear_ibuf [dreg:s21], $0x10FFFF;
	_ =	strace $0x90000046  }
0xcf: {  	s29 =	simm.s32 $0x9;
	_ =	strace $0x80000048  }
0xd0: {  	_ =	swait.ge [sflag:s29], $0x1  }
0xd1: {  	[sflag:s29] =	ssyncadd.s32 $0xFFFFFFFF  }
0xd2: {  	_ =	strace $0x90000048  }
0xd3: {  	_ =	sfence  }
0xd4: {  	s30 =	sld [smem:$0x0];
	_ =	sdelay $0x2  }
0xd5: {  	s31 =	sshll.u32 s1, $0xD;
	s1 =	sshrl.u32 s1, $0x2  }
0xd6: {  	s3 =	sand.u32 $0x4000, s31;
	s1 =	sadd.s32 s1, s30  }
0xd7: {  	s0 =	sor.u32 s3, s0;
	s1 =	sshll.u32 s1, $0x11  }
0xd8: {  	s0 =	sor.u32 s1, s0  }
0xd9: {  	s0 =	sadd.s32 $0x8F2B, s0  }
0xda: {  	[sflag:s0] =	ssyncadd.remote.s32 $0x1  }
0xdb: {  	_ =	sfence.sel $0xFFFF  }
0xdc: {  	[dreg:$0x0] =	wrdreg $0xFFFFFFFF;
	(pc) =	sbr.abs _section_cstart, $3  }
0xdd: {  	[dreg:$0x1] =	wrdreg $0xFFFFFFFF  }
0xde: {  	_ =	task.clear_ibuf [dreg:s21], $0x2FFFF;
	_ =	strace $0x9FFFFFFF  }
0xdf: {  	(tm) =	ssettm $0x7FFFFFFF  }
tec
_tile_task_arg_handler_lowered:
.L_overlay_start_1:
0x0: {  	(tag) =	ssettag $0x1  }
0x1: {  	s0 =	rddreg [dreg:$0x0]  }
0x2: {  	s1 =	rddreg [dreg:$0x1]  }
0x3: {  	s2 =	rddreg [dreg:$0x2]  }
0x4: {  	s3 =	rddreg [dreg:$0x3]  }
0x5: {  	s4 =	rddreg [dreg:$0x4]  }
0x6: {  	s5 =	rddreg [dreg:$0x5]  }
0x7: {  	s6 =	rddreg [dreg:$0x6]  }
0x8: {  	s7 =	rddreg [dreg:$0x7]  }
0x9: {  	s8 =	rddreg [dreg:$0x8]  }
0xa: {  	s9 =	rddreg [dreg:$0x9]  }
0xb: {  	s10 =	rddreg [dreg:$0xa]  }
0xc: {  	s11 =	rddreg [dreg:$0xb]  }
0xd: {  	s12 =	rddreg [dreg:$0xc]  }
0xe: {  	s13 =	rddreg [dreg:$0xd]  }
0xf: {  	[smem:s0] =	sst s1  }
0x10: {  	[smem:s0+$0x1] =	sst s2  }
0x11: {  	[smem:s0+$0x2] =	sst s3  }
0x12: {  	[smem:s0+$0x3] =	sst s4  }
0x13: {  	[smem:s0+$0x4] =	sst s5  }
0x14: {  	[smem:s0+$0x5] =	sst s6  }
0x15: {  	[smem:s0+$0x6] =	sst s7  }
0x16: {  	[smem:s0+$0x7] =	sst s8  }
0x17: {  	[smem:s0+$0x8] =	sst s9  }
0x18: {  	[smem:s0+$0x9] =	sst s10  }
0x19: {  	[smem:s0+$0xA] =	sst s11  }
0x1a: {  	[smem:s0+$0xB] =	sst s12  }
0x1b: {  	[smem:s0+$0xC] =	sst s13;
	_ =	shalt  }
.Lfunc_end2:
execute0_lowered:
.L_overlay_start_2:
0x1c: {  	(tag) =	ssettag $0x2  }
0x1d: {  	s18 =	rddreg [dreg:$0x0]  }
0x1e: {  	s20 =	rddreg [dreg:$0x1]  }
0x1f: {  	s3 =	rddreg [dreg:$0x2]  }
0x20: {  	s19 =	rddreg [dreg:$0x3]  }
0x21: {  	s21 =	rddreg [dreg:$0x4]  }
0x22: {  	s22 =	rddreg [dreg:$0x5]  }
0x23: {  	s6 =	rddreg [dreg:$0x6]  }
0x24: {  	s7 =	rddreg [dreg:$0x7]  }
0x25: {  	s8 =	rddreg [dreg:$0x8]  }
0x26: {  	s9 =	rddreg [dreg:$0x9]  }
0x27: {  	s10 =	rddreg [dreg:$0xa]  }
0x28: {  	s12 =	rddreg [dreg:$0xb]  }
0x29: {  	s13 =	rddreg [dreg:$0xc]  }
0x2a: {  	s14 =	rddreg [dreg:$0xd]  }
0x2b: {  	s0 =	simm.s32 $0x0;
	s1 =	srdreg.scid;
	s24 =	stileid.u32  }
0x2c: {  	[smem:$0x7FF] =	sst s0;
	s4 =	sand.u32 $0x1, s1;
	s5 =	sadd.s32 $0x190200, s18  }
0x2d: {  	s11 =	smul.u32 $0x1870, s24;
	s15 =	sadd.s32 $0x193400, s18;
	p0 =	seq.s32 s24, $0xF  }
0x2e: {  	s0 =	sld [smem:$0x0];
	s1 =	ssub.s32 $0x2, s4;
	s25 =	sshll.u32 s4, $0x4  }
0x2f: {  	p4 =	seq.s32 s4, $0x0;
	p1 =	seq.s32 s4, $0x1;
	s2 =	sshrl.u32 s1, $0x1  }
0x30: {  	s17 =	sadd.s32 $0xC38, s11;
	s1 =	ssub.s32 s1, s2;
	s2 =	sshrl.u32 s11, $0x3  }
0x31: {  	s4 =	sshrl.u32 s17, $0x3;
	[dreg:$0xe] =	wrdreg s0;
	s26 =	sadd.s32 s5, s2  }
0x32: {  	s5 =	sadd.s32 s5, s4;
	_ =	strace $0x80000047;
	[dreg:$0xf] =	wrdreg s26  }
0x33: {  	p3 =	sne.s32 s24, $0xF;
	s23 =	sadd.s32 s15, s2;
	[dreg:$0x10] =	wrdreg s5  }
0x34: {  	s16 =	sor.u32 s24, s25;
	s24 =	sadd.s32 s15, s4;
	[dreg:$0x11] =	wrdreg s23  }
0x35: {  	s15 =	sadd.s32 s17, s6;
	[dreg:$0x12] =	wrdreg s24  }
0x36: {  	s25 =	sadd.s32 $0x189E00, s18;
	s1 =	smax.u32 s1, $0x1;
	[dreg:$0x19] =	wrdreg s15  }
0x37: {  	s24 =	sadd.s32 s25, s2;
	[smem:$0x7E6] =	sst s1  }
0x38: {  	s5 =	sadd.s32 $0x18D000, s18;
	s25 =	sadd.s32 s25, s4;
	[dreg:$0x15] =	wrdreg s24  }
0x39: {  	s26 =	sadd.s32 s5, s2;
	[dreg:$0x16] =	wrdreg s25  }
0x3a: {  	s5 =	sadd.s32 s5, s4;
	[dreg:$0x13] =	wrdreg s26  }
0x3b: {  	s24 =	sadd.s32 s17, s9;
	[dreg:$0x14] =	wrdreg s5  }
0x3c: {  	s23 =	sadd.s32 $0x186C00, s18;
	s25 =	sadd.s32 s17, s10;
	[dreg:$0x1c] =	wrdreg s24  }
0x3d: {  	s26 =	sadd.s32 s23, s2;
	[dreg:$0x1d] =	wrdreg s25  }
0x3e: {  	s5 =	sadd.s32 s23, s4;
	[dreg:$0x17] =	wrdreg s26  }
0x3f: {  	s23 =	sadd.s32 s17, s8;
	[dreg:$0x18] =	wrdreg s5  }
0x40: {  	s24 =	sadd.s32 s17, s12;
	[dreg:$0x1b] =	wrdreg s23  }
0x41: {  	s5 =	smul.u32 $0x30D40, s16;
	s16 =	sadd.s32 s17, s7;
	[dreg:$0x1e] =	wrdreg s24  }
0x42: {  	s28 =	sadd.s32 $0xC3600, s18;
	s26 =	sadd.s32 s17, s13;
	[dreg:$0x1a] =	wrdreg s16  }
0x43: {  	s17 =	sadd.s32 s17, s14;
	[dreg:$0x1f] =	wrdreg s26;
	s15 =	sshrl.u32 s5, $0x3  }
0x44: {  	[smem:$0x7FD] =	sst s17;
	s16 =	sadd.s32 s28, s15  }
0x45: {  	s23 =	sadd.s32 s18, s15;
	[smem:$0x7C2] =	sst s16  }
0x46: {  	s25 =	sadd.s32 s20, s15;
	[smem:$0x7C3] =	sst s23  }
0x47: {  	s26 =	sadd.s32 s3, s15;
	[smem:$0x7C4] =	sst s25  }
0x48: {  	s16 =	sadd.s32 $0xFA, s15;
	[smem:$0x7C5] =	sst s26;
	s23 =	sadd.s32 s19, s15  }
0x49: {  	[smem:$0x7C6] =	sst s23;
	s25 =	sadd.s32 s28, s16  }
0x4a: {  	s26 =	sadd.s32 s18, s16;
	[smem:$0x7C7] =	sst s25  }
0x4b: {  	s15 =	sadd.s32 s20, s16;
	[smem:$0x7C8] =	sst s26  }
0x4c: {  	s0 =	smov.u32 s3;
	s3 =	sadd.s32 s3, s16;
	[smem:$0x7C9] =	sst s15  }
0x4d: {  	s16 =	sadd.s32 s19, s16;
	[smem:$0x7CA] =	sst s3  }
0x4e: {  	s31 =	smov.u32 s19;
	s19 =	sadd.s32 $0xFA0, s5;
	[smem:$0x7CB] =	sst s16  }
0x4f: {  	s23 =	sadd.s32 $0x1770, s5;
	[smem:$0x7CC] =	sst s19  }
0x50: {  	[smem:$0x7CD] =	sst s23;
	s26 =	sadd.s32 s11, s6  }
0x51: {  	s15 =	sadd.s32 s11, s7;
	[smem:$0x7CE] =	sst s26  }
0x52: {  	s16 =	sadd.s32 s11, s8;
	[smem:$0x7CF] =	sst s15  }
0x53: {  	s19 =	sadd.s32 s11, s9;
	[smem:$0x7D0] =	sst s16  }
0x54: {  	s25 =	sadd.s32 $0x192D8, s11;
	s23 =	sadd.s32 s11, s10;
	[smem:$0x7D1] =	sst s19  }
0x55: {  	s5 =	sshrl.u32 s25, $0x3;
	[smem:$0x7D2] =	sst s23;
	s25 =	sadd.s32 s11, s12  }
0x56: {  	s26 =	sadd.s32 s11, s13;
	[smem:$0x7D3] =	sst s25  }
0x57: {  	s15 =	sadd.s32 s11, s14;
	[smem:$0x7D4] =	sst s26  }
0x58: {  	s16 =	sadd.s32 s21, s2;
	[smem:$0x7D5] =	sst s15  }
0x59: {  	s19 =	sadd.s32 $0x30D4, s2;
	s23 =	sadd.s32 s21, s4;
	[smem:$0x7D6] =	sst s16  }
0x5a: {  	s16 =	sadd.s32 $0x61A8, s2;
	s2 =	sadd.s32 s22, s2;
	[smem:$0x7D8] =	sst s23  }
0x5b: {  	s25 =	sadd.s32 s22, s4;
	[smem:$0x7D7] =	sst s2  }
0x5c: {  	s26 =	sadd.s32 s21, s19;
	[smem:$0x7D9] =	sst s25  }
0x5d: {  	s3 =	sadd.s32 s22, s19;
	[smem:$0x7DA] =	sst s26  }
0x5e: {  	s4 =	sadd.s32 s21, s5;
	[smem:$0x7DB] =	sst s3  }
0x5f: {  	s15 =	sadd.s32 s22, s5;
	[smem:$0x7DC] =	sst s4  }
0x60: {  	s5 =	sadd.s32 $0x193159, s18;
	[smem:$0x7DD] =	sst s15  }
0x61: {  	s11 =	sadd.s32 $0x31978, s11;
	s19 =	sadd.s32 s21, s16;
	[smem:$0x7E4] =	sst s5  }
0x62: {  	s11 =	sshrl.u32 s11, $0x3;
	s23 =	sadd.s32 s22, s16;
	[smem:$0x7DE] =	sst s19  }
0x63: {  	s25 =	sadd.s32 s21, s11;
	[smem:$0x7DF] =	sst s23  }
0x64: {  	s26 =	sadd.s32 s22, s11;
	[smem:$0x7E0] =	sst s25  }
0x65: {  	s3 =	sadd.s32 $0x192FD2, s18;
	[smem:$0x7E1] =	sst s26  }
0x66: {  	s4 =	sadd.s32 $0x16E90, s6;
	[smem:$0x7E2] =	sst s3  }
0x67: {  	s11 =	sadd.s32 $0x17AC8, s6;
	[smem:$0x7E3] =	sst s4  }
0x68: {  	s15 =	sadd.s32 $0x1961D2, s18;
	[smem:$0x7E5] =	sst s11  }
0x69: {  	s16 =	sadd.s32 $0x196359, s18;
	[smem:$0x7E7] =	sst s15  }
0x6a: {  	s21 =	sadd.s32 $0x17AC8, s7;
	[smem:$0x7E8] =	sst s16  }
0x6b: {  	s22 =	sadd.s32 $0x18FDD2, s18;
	[smem:$0x7EA] =	sst s21  }
0x6c: {  	s2 =	sadd.s32 $0x18CBD2, s18;
	[smem:$0x7EB] =	sst s22  }
0x6d: {  	s5 =	sadd.s32 $0x17AC8, s9;
	[smem:$0x7EF] =	sst s2  }
0x6e: {  	s19 =	sadd.s32 $0x16E90, s7;
	[smem:$0x7F2] =	sst s5  }
0x6f: {  	s29 =	simm.s32 $0x1;
	s23 =	sadd.s32 $0x16E90, s8;
	[smem:$0x7E9] =	sst s19  }
0x70: {  	s30 =	smov.u32 s18;
	s25 =	sadd.s32 $0x18FF59, s18;
	[smem:$0x7EC] =	sst s23  }
0x71: {  	p2 =	por !p4, !p3;
	s26 =	sadd.s32 $0x17AC8, s8;
	[smem:$0x7ED] =	sst s25  }
0x72: {  	p4 =	por !p4, !p0;
	s3 =	sadd.s32 $0x18CD59, s18;
	[smem:$0x7EE] =	sst s26  }
0x73: {  	p5 =	por !p3, !p1;
	s4 =	sadd.s32 $0x16E90, s9;
	[smem:$0x7F0] =	sst s3  }
0x74: {  	p2 =	por !p2, !p2;
	s11 =	sadd.s32 $0x1899D2, s18;
	[smem:$0x7F1] =	sst s4  }
0x75: {  	p3 =	por !p4, !p4;
	s15 =	sadd.s32 $0x16E90, s10;
	[smem:$0x7F3] =	sst s11  }
0x76: {  	p6 =	por !p5, !p5;
	s16 =	sadd.s32 $0x189B59, s18;
	[smem:$0x7F4] =	sst s15  }
0x77: {  	p4 =	por !p6, p3;
	s18 =	sadd.s32 $0x17AC8, s10;
	[smem:$0x7F5] =	sst s16  }
0x78: {  	s21 =	sadd.s32 $0x17AC8, s12;
	s22 =	sadd.s32 $0x16E90, s13;
	[smem:$0x7F6] =	sst s18  }
0x79: {  	s5 =	simm.s32 $0x1D380;
	s19 =	sadd.s32 $0x16E90, s12;
	[smem:$0x7F8] =	sst s21  }
0x7a: {  	[smem:$0x7F9] =	sst s22;
	s23 =	sadd.s32 $0x17AC8, s13;
	s25 =	sadd.s32 $0x16E90, s14  }
.Ltmp0:
0x7b: {  	s26 =	sadd.s32 $0x17AC8, s14;
	[smem:$0x7F7] =	sst s19;
	(pc) =	sbr.rel .LBB3_1-.Ltmp0, $4  }
0x7c: {  	s21 =	simm.s32 $0x4;
	s22 =	simm.s32 $0xC380;
	[smem:$0x7FA] =	sst s23  }
0x7d: {  	s18 =	simm.s32 $0xD380;
	s4 =	simm.s32 $0x1C380;
	[smem:$0x7FB] =	sst s25  }
0x7e: {  	s15 =	simm.s32 $0x0;
	[smem:$0x7FC] =	sst s26;
	s19 =	simm.s32 $0xFA0  }
0x7f: {  	v0 =	vimm.f32 $0.0e+00;
	s25 =	simm.s32 $0x2;
	s26 =	simm.s32 $0x1B380;
	s23 =	simm.s32 $0x3  }
.LBB3_18:
0x80: {  	s1 =	sld [smem:$0x7E6];
	_ =	sdelay $0x1  }
0x81: {  	s15 =	sadd.s32 $0x1, s15  }
0x82: {  	p5 =	sne.s32 s15, s1  }
.Ltmp1:
0x83: {  	_ = 	snop;
	(pc) =	sbr.rel @!p5 .LBB3_19-.Ltmp1, $4  }
0x84: {  	_ = 	snop  }
0x85: {  	s6 =	rddreg [dreg:$0x6]  }
0x86: {  	s24 =	smov.u32 s7;
	s7 =	rddreg [dreg:$0x7]  }
0x87: {  	s8 =	rddreg [dreg:$0x8]  }
.LBB3_1:
.Ltmp2:
0x88: {  	(pc) =	sbr.rel @p0 .LBB3_3-.Ltmp2, $2  }
0x89: {  	_ =	sdelay $0x2  }
0x8a: {  	[smem:$0x7C1] =	sst s15;
	s1 =	simm.s32 $0x0  }
0x8b: {  	s2 =	rddreg [dreg:$0xf];
	s3 =	simm.s32 $0x1E380  }
0x8c: {  	[tilespmem:s3], [sflag:$0x4] =	stream.linear.gather [hbm4b:s2+s1], $0xC38, $0x38;
	[tilespmem:$0x1F000] =	vst v63  }
0x8d: {  	_ =	swait.ge [sflag:s21], $0xC38  }
0x8e: {  	s16 =	sld [smem:$0x7CE]  }
0x8f: {  	[sflag:s21] =	ssyncset.done $0x0  }
0x90: {  	[sflag:s21] =	ssyncadd.s32 $0xFFFFF3C8  }
0x91: {  	[spmem:s16] =	stream.linear.scatter [tilespmem:s3], [sflag:$0x4], $0xC38, $0x38;
	[tilespmem:$0x1F000] =	vst v63  }
0x92: {  	_ =	swait.ge [sflag:s21], $0xC38  }
0x93: {  	[sflag:s21] =	ssyncset.done $0x0  }
0x94: {  	s11 =	rddreg [dreg:$0x10];
	[sflag:s21] =	ssyncadd.s32 $0xFFFFF3C8  }
0x95: {  	[tilespmem:s3], [sflag:$0x4] =	stream.linear.gather [hbm4b:s11+s1], $0xC38, $0x38;
	[tilespmem:$0x1F000] =	vst v63  }
0x96: {  	_ =	swait.ge [sflag:s21], $0xC38  }
0x97: {  	[sflag:s21] =	ssyncset.done $0x0  }
0x98: {  	s15 =	rddreg [dreg:$0x19];
	[sflag:s21] =	ssyncadd.s32 $0xFFFFF3C8  }
0x99: {  	[spmem:s15] =	stream.linear.scatter [tilespmem:s3], [sflag:$0x4], $0xC38, $0x38;
	[tilespmem:$0x1F000] =	vst v63  }
0x9a: {  	_ =	swait.ge [sflag:s21], $0xC38  }
0x9b: {  	[sflag:s21] =	ssyncset.done $0x0  }
0x9c: {  	s16 =	rddreg [dreg:$0x11];
	[sflag:s21] =	ssyncadd.s32 $0xFFFFF3C8  }
0x9d: {  	[tilespmem:s3], [sflag:$0x4] =	stream.linear.gather [hbm4b:s16+s1], $0xC38, $0x38;
	[tilespmem:$0x1F000] =	vst v63  }
0x9e: {  	_ =	swait.ge [sflag:s21], $0xC38  }
0x9f: {  	s11 =	sld [smem:$0x7CF]  }
0xa0: {  	[sflag:s21] =	ssyncset.done $0x0  }
0xa1: {  	[sflag:s21] =	ssyncadd.s32 $0xFFFFF3C8  }
0xa2: {  	[spmem:s11] =	stream.linear.scatter [tilespmem:s3], [sflag:$0x4], $0xC38, $0x38;
	[tilespmem:$0x1F000] =	vst v63  }
0xa3: {  	_ =	swait.ge [sflag:s21], $0xC38  }
0xa4: {  	[sflag:s21] =	ssyncset.done $0x0  }
0xa5: {  	s15 =	rddreg [dreg:$0x12];
	[sflag:s21] =	ssyncadd.s32 $0xFFFFF3C8  }
0xa6: {  	[tilespmem:s3], [sflag:$0x4] =	stream.linear.gather [hbm4b:s15+s1], $0xC38, $0x38;
	[tilespmem:$0x1F000] =	vst v63  }
0xa7: {  	_ =	swait.ge [sflag:s21], $0xC38  }
0xa8: {  	[sflag:s21] =	ssyncset.done $0x0  }
0xa9: {  	s16 =	rddreg [dreg:$0x1a];
	[sflag:s21] =	ssyncadd.s32 $0xFFFFF3C8  }
0xaa: {  	[spmem:s16] =	stream.linear.scatter [tilespmem:s3], [sflag:$0x4], $0xC38, $0x38;
	[tilespmem:$0x1F000] =	vst v63  }
0xab: {  	_ =	swait.ge [sflag:s21], $0xC38  }
0xac: {  	[sflag:s21] =	ssyncset.done $0x0  }
0xad: {  	s11 =	rddreg [dreg:$0x13];
	[sflag:s21] =	ssyncadd.s32 $0xFFFFF3C8  }
0xae: {  	[tilespmem:s3], [sflag:$0x4] =	stream.linear.gather [hbm4b:s11+s1], $0xC38, $0x38;
	[tilespmem:$0x1F000] =	vst v63  }
0xaf: {  	_ =	swait.ge [sflag:s21], $0xC38  }
0xb0: {  	s15 =	sld [smem:$0x7D0]  }
0xb1: {  	[sflag:s21] =	ssyncset.done $0x0  }
0xb2: {  	[sflag:s21] =	ssyncadd.s32 $0xFFFFF3C8  }
0xb3: {  	[spmem:s15] =	stream.linear.scatter [tilespmem:s3], [sflag:$0x4], $0xC38, $0x38;
	[tilespmem:$0x1F000] =	vst v63  }
0xb4: {  	_ =	swait.ge [sflag:s21], $0xC38  }
0xb5: {  	[sflag:s21] =	ssyncset.done $0x0  }
0xb6: {  	s16 =	rddreg [dreg:$0x14];
	[sflag:s21] =	ssyncadd.s32 $0xFFFFF3C8  }
0xb7: {  	[tilespmem:s3], [sflag:$0x4] =	stream.linear.gather [hbm4b:s16+s1], $0xC38, $0x38;
	[tilespmem:$0x1F000] =	vst v63  }
0xb8: {  	_ =	swait.ge [sflag:s21], $0xC38  }
0xb9: {  	[sflag:s21] =	ssyncset.done $0x0  }
0xba: {  	s11 =	rddreg [dreg:$0x1b];
	[sflag:s21] =	ssyncadd.s32 $0xFFFFF3C8  }
0xbb: {  	[spmem:s11] =	stream.linear.scatter [tilespmem:s3], [sflag:$0x4], $0xC38, $0x38;
	[tilespmem:$0x1F000] =	vst v63  }
0xbc: {  	_ =	swait.ge [sflag:s21], $0xC38  }
0xbd: {  	[sflag:s21] =	ssyncset.done $0x0  }
0xbe: {  	s15 =	rddreg [dreg:$0x15];
	[sflag:s21] =	ssyncadd.s32 $0xFFFFF3C8  }
0xbf: {  	[tilespmem:s3], [sflag:$0x4] =	stream.linear.gather [hbm4b:s15+s1], $0xC38, $0x38;
	[tilespmem:$0x1F000] =	vst v63  }
0xc0: {  	_ =	swait.ge [sflag:s21], $0xC38  }
0xc1: {  	s16 =	sld [smem:$0x7D1]  }
0xc2: {  	[sflag:s21] =	ssyncset.done $0x0  }
0xc3: {  	[sflag:s21] =	ssyncadd.s32 $0xFFFFF3C8  }
0xc4: {  	[spmem:s16] =	stream.linear.scatter [tilespmem:s3], [sflag:$0x4], $0xC38, $0x38;
	[tilespmem:$0x1F000] =	vst v63  }
0xc5: {  	_ =	swait.ge [sflag:s21], $0xC38  }
0xc6: {  	[sflag:s21] =	ssyncset.done $0x0  }
0xc7: {  	s11 =	rddreg [dreg:$0x16];
	[sflag:s21] =	ssyncadd.s32 $0xFFFFF3C8  }
0xc8: {  	[tilespmem:s3], [sflag:$0x4] =	stream.linear.gather [hbm4b:s11+s1], $0xC38, $0x38;
	[tilespmem:$0x1F000] =	vst v63  }
0xc9: {  	_ =	swait.ge [sflag:s21], $0xC38  }
0xca: {  	[sflag:s21] =	ssyncset.done $0x0  }
0xcb: {  	s15 =	rddreg [dreg:$0x1c];
	[sflag:s21] =	ssyncadd.s32 $0xFFFFF3C8  }
0xcc: {  	[spmem:s15] =	stream.linear.scatter [tilespmem:s3], [sflag:$0x4], $0xC38, $0x38;
	[tilespmem:$0x1F000] =	vst v63  }
0xcd: {  	_ =	swait.ge [sflag:s21], $0xC38  }
0xce: {  	[sflag:s21] =	ssyncset.done $0x0  }
0xcf: {  	s16 =	rddreg [dreg:$0x17];
	[sflag:s21] =	ssyncadd.s32 $0xFFFFF3C8  }
0xd0: {  	[tilespmem:s3], [sflag:$0x4] =	stream.linear.gather [hbm4b:s16+s1], $0xC38, $0x38;
	[tilespmem:$0x1F000] =	vst v63  }
0xd1: {  	_ =	swait.ge [sflag:s21], $0xC38  }
0xd2: {  	s11 =	sld [smem:$0x7D2]  }
0xd3: {  	[sflag:s21] =	ssyncset.done $0x0  }
0xd4: {  	[sflag:s21] =	ssyncadd.s32 $0xFFFFF3C8  }
0xd5: {  	[spmem:s11] =	stream.linear.scatter [tilespmem:s3], [sflag:$0x4], $0xC38, $0x38;
	[tilespmem:$0x1F000] =	vst v63  }
0xd6: {  	_ =	swait.ge [sflag:s21], $0xC38  }
0xd7: {  	[sflag:s21] =	ssyncset.done $0x0  }
0xd8: {  	s15 =	rddreg [dreg:$0x18];
	[sflag:s21] =	ssyncadd.s32 $0xFFFFF3C8  }
0xd9: {  	[tilespmem:s3], [sflag:$0x4] =	stream.linear.gather [hbm4b:s15+s1], $0xC38, $0x38;
	[tilespmem:$0x1F000] =	vst v63  }
0xda: {  	_ =	swait.ge [sflag:s21], $0xC38  }
0xdb: {  	[sflag:s21] =	ssyncset.done $0x0  }
.Ltmp3:
0xdc: {  	s16 =	rddreg [dreg:$0x1d];
	[sflag:s21] =	ssyncadd.s32 $0xFFFFF3C8;
	(pc) =	sbr.rel .LBB3_4-.Ltmp3, $4  }
0xdd: {  	[spmem:s16] =	stream.linear.scatter [tilespmem:s3], [sflag:$0x4], $0xC38, $0x38;
	[tilespmem:$0x1F000] =	vst v63  }
0xde: {  	_ =	swait.ge [sflag:s21], $0xC38  }
0xdf: {  	[sflag:s21] =	ssyncset.done $0x0  }
0xe0: {  	[sflag:s21] =	ssyncadd.s32 $0xFFFFF3C8  }
.LBB3_3:
0xe1: {  	s2 =	sld [smem:$0x7E2];
	_ =	sdelay $0x1  }
0xe2: {  	s3 =	simm.s32 $0x1E380  }
0xe3: {  	[tilespmem:s3], [sflag:$0x4] =	stream.linear.gather [hbm4b:s2+s1], $0xC38, $0x38;
	[tilespmem:$0x1F000] =	vst v63  }
0xe4: {  	_ =	swait.ge [sflag:s21], $0xC38  }
0xe5: {  	s16 =	sld [smem:$0x7E3]  }
0xe6: {  	[sflag:s21] =	ssyncset.done $0x0  }
0xe7: {  	[sflag:s21] =	ssyncadd.s32 $0xFFFFF3C8  }
0xe8: {  	[spmem:s16] =	stream.linear.scatter [tilespmem:s3], [sflag:$0x4], $0xC38, $0x38;
	[tilespmem:$0x1F000] =	vst v63  }
0xe9: {  	_ =	swait.ge [sflag:s21], $0xC38  }
0xea: {  	s11 =	sld [smem:$0x7E4]  }
0xeb: {  	[sflag:s21] =	ssyncset.done $0x0  }
0xec: {  	[sflag:s21] =	ssyncadd.s32 $0xFFFFF3C8  }
0xed: {  	[tilespmem:s3], [sflag:$0x4] =	stream.linear.gather [hbm4b:s11+s1], $0xBD8, $0x38;
	[tilespmem:$0x1F000] =	vst v63  }
0xee: {  	_ =	swait.ge [sflag:s21], $0xBD8  }
0xef: {  	s15 =	sld [smem:$0x7E5]  }
0xf0: {  	[sflag:s21] =	ssyncset.done $0x0  }
0xf1: {  	[sflag:s21] =	ssyncadd.s32 $0xFFFFF428  }
0xf2: {  	[spmem:s15] =	stream.linear.scatter [tilespmem:s3], [sflag:$0x4], $0xBD8, $0x38;
	[tilespmem:$0x1F000] =	vst v63  }
0xf3: {  	_ =	swait.ge [sflag:s21], $0xBD8  }
0xf4: {  	s16 =	sld [smem:$0x7E7]  }
0xf5: {  	[sflag:s21] =	ssyncset.done $0x0  }
0xf6: {  	[sflag:s21] =	ssyncadd.s32 $0xFFFFF428  }
0xf7: {  	[tilespmem:s3], [sflag:$0x4] =	stream.linear.gather [hbm4b:s16+s1], $0xC38, $0x38;
	[tilespmem:$0x1F000] =	vst v63  }
0xf8: {  	_ =	swait.ge [sflag:s21], $0xC38  }
0xf9: {  	s11 =	sld [smem:$0x7E9]  }
0xfa: {  	[sflag:s21] =	ssyncset.done $0x0  }
0xfb: {  	[sflag:s21] =	ssyncadd.s32 $0xFFFFF3C8  }
0xfc: {  	[spmem:s11] =	stream.linear.scatter [tilespmem:s3], [sflag:$0x4], $0xC38, $0x38;
	[tilespmem:$0x1F000] =	vst v63  }
0xfd: {  	_ =	swait.ge [sflag:s21], $0xC38  }
0xfe: {  	s15 =	sld [smem:$0x7E8]  }
0xff: {  	[sflag:s21] =	ssyncset.done $0x0  }
0x100: {  	[sflag:s21] =	ssyncadd.s32 $0xFFFFF3C8  }
0x101: {  	[tilespmem:s3], [sflag:$0x4] =	stream.linear.gather [hbm4b:s15+s1], $0xBD8, $0x38;
	[tilespmem:$0x1F000] =	vst v63  }
0x102: {  	_ =	swait.ge [sflag:s21], $0xBD8  }
0x103: {  	s16 =	sld [smem:$0x7EA]  }
0x104: {  	[sflag:s21] =	ssyncset.done $0x0  }
0x105: {  	[sflag:s21] =	ssyncadd.s32 $0xFFFFF428  }
0x106: {  	[spmem:s16] =	stream.linear.scatter [tilespmem:s3], [sflag:$0x4], $0xBD8, $0x38;
	[tilespmem:$0x1F000] =	vst v63  }
0x107: {  	_ =	swait.ge [sflag:s21], $0xBD8  }
0x108: {  	s11 =	sld [smem:$0x7EB]  }
0x109: {  	[sflag:s21] =	ssyncset.done $0x0  }
0x10a: {  	[sflag:s21] =	ssyncadd.s32 $0xFFFFF428  }
0x10b: {  	[tilespmem:s3], [sflag:$0x4] =	stream.linear.gather [hbm4b:s11+s1], $0xC38, $0x38;
	[tilespmem:$0x1F000] =	vst v63  }
0x10c: {  	_ =	swait.ge [sflag:s21], $0xC38  }
0x10d: {  	s15 =	sld [smem:$0x7EC]  }
0x10e: {  	[sflag:s21] =	ssyncset.done $0x0  }
0x10f: {  	[sflag:s21] =	ssyncadd.s32 $0xFFFFF3C8  }
0x110: {  	[spmem:s15] =	stream.linear.scatter [tilespmem:s3], [sflag:$0x4], $0xC38, $0x38;
	[tilespmem:$0x1F000] =	vst v63  }
0x111: {  	_ =	swait.ge [sflag:s21], $0xC38  }
0x112: {  	s16 =	sld [smem:$0x7ED]  }
0x113: {  	[sflag:s21] =	ssyncset.done $0x0  }
0x114: {  	[sflag:s21] =	ssyncadd.s32 $0xFFFFF3C8  }
0x115: {  	[tilespmem:s3], [sflag:$0x4] =	stream.linear.gather [hbm4b:s16+s1], $0xBD8, $0x38;
	[tilespmem:$0x1F000] =	vst v63  }
0x116: {  	_ =	swait.ge [sflag:s21], $0xBD8  }
0x117: {  	s11 =	sld [smem:$0x7EE]  }
0x118: {  	[sflag:s21] =	ssyncset.done $0x0  }
0x119: {  	[sflag:s21] =	ssyncadd.s32 $0xFFFFF428  }
0x11a: {  	[spmem:s11] =	stream.linear.scatter [tilespmem:s3], [sflag:$0x4], $0xBD8, $0x38;
	[tilespmem:$0x1F000] =	vst v63  }
0x11b: {  	_ =	swait.ge [sflag:s21], $0xBD8  }
0x11c: {  	s15 =	sld [smem:$0x7EF]  }
0x11d: {  	[sflag:s21] =	ssyncset.done $0x0  }
0x11e: {  	[sflag:s21] =	ssyncadd.s32 $0xFFFFF428  }
0x11f: {  	[tilespmem:s3], [sflag:$0x4] =	stream.linear.gather [hbm4b:s15+s1], $0xC38, $0x38;
	[tilespmem:$0x1F000] =	vst v63  }
0x120: {  	_ =	swait.ge [sflag:s21], $0xC38  }
0x121: {  	s16 =	sld [smem:$0x7F1]  }
0x122: {  	[sflag:s21] =	ssyncset.done $0x0  }
0x123: {  	[sflag:s21] =	ssyncadd.s32 $0xFFFFF3C8  }
0x124: {  	[spmem:s16] =	stream.linear.scatter [tilespmem:s3], [sflag:$0x4], $0xC38, $0x38;
	[tilespmem:$0x1F000] =	vst v63  }
0x125: {  	_ =	swait.ge [sflag:s21], $0xC38  }
0x126: {  	s11 =	sld [smem:$0x7F0]  }
0x127: {  	[sflag:s21] =	ssyncset.done $0x0  }
0x128: {  	[sflag:s21] =	ssyncadd.s32 $0xFFFFF3C8  }
0x129: {  	[tilespmem:s3], [sflag:$0x4] =	stream.linear.gather [hbm4b:s11+s1], $0xBD8, $0x38;
	[tilespmem:$0x1F000] =	vst v63  }
0x12a: {  	_ =	swait.ge [sflag:s21], $0xBD8  }
0x12b: {  	s15 =	sld [smem:$0x7F2]  }
0x12c: {  	[sflag:s21] =	ssyncset.done $0x0  }
0x12d: {  	[sflag:s21] =	ssyncadd.s32 $0xFFFFF428  }
0x12e: {  	[spmem:s15] =	stream.linear.scatter [tilespmem:s3], [sflag:$0x4], $0xBD8, $0x38;
	[tilespmem:$0x1F000] =	vst v63  }
0x12f: {  	_ =	swait.ge [sflag:s21], $0xBD8  }
0x130: {  	s16 =	sld [smem:$0x7F3]  }
0x131: {  	[sflag:s21] =	ssyncset.done $0x0  }
0x132: {  	[sflag:s21] =	ssyncadd.s32 $0xFFFFF428  }
0x133: {  	[tilespmem:s3], [sflag:$0x4] =	stream.linear.gather [hbm4b:s16+s1], $0xC38, $0x38;
	[tilespmem:$0x1F000] =	vst v63  }
0x134: {  	_ =	swait.ge [sflag:s21], $0xC38  }
0x135: {  	s11 =	sld [smem:$0x7F4]  }
0x136: {  	[sflag:s21] =	ssyncset.done $0x0  }
0x137: {  	[sflag:s21] =	ssyncadd.s32 $0xFFFFF3C8  }
0x138: {  	[spmem:s11] =	stream.linear.scatter [tilespmem:s3], [sflag:$0x4], $0xC38, $0x38;
	[tilespmem:$0x1F000] =	vst v63  }
0x139: {  	_ =	swait.ge [sflag:s21], $0xC38  }
0x13a: {  	s15 =	sld [smem:$0x7F5]  }
0x13b: {  	[sflag:s21] =	ssyncset.done $0x0  }
0x13c: {  	[sflag:s21] =	ssyncadd.s32 $0xFFFFF3C8  }
0x13d: {  	[tilespmem:s3], [sflag:$0x4] =	stream.linear.gather [hbm4b:s15+s1], $0xBD8, $0x38;
	[tilespmem:$0x1F000] =	vst v63  }
0x13e: {  	_ =	swait.ge [sflag:s21], $0xBD8  }
0x13f: {  	s16 =	sld [smem:$0x7F6]  }
0x140: {  	[sflag:s21] =	ssyncset.done $0x0  }
0x141: {  	[sflag:s21] =	ssyncadd.s32 $0xFFFFF428  }
0x142: {  	[spmem:s16] =	stream.linear.scatter [tilespmem:s3], [sflag:$0x4], $0xBD8, $0x38;
	[tilespmem:$0x1F000] =	vst v63  }
0x143: {  	_ =	swait.ge [sflag:s21], $0xBD8  }
0x144: {  	[sflag:s21] =	ssyncset.done $0x0  }
0x145: {  	[sflag:s21] =	ssyncadd.s32 $0xFFFFF428  }
.LBB3_4:
0x146: {  	s1 =	simm.s32 $0x40;
	s2 =	simm.s32 $0x0  }
.LBB3_5:
0x147: {  	p5 =	sne.s32 s1, $0x3080;
	[tilespmem:s2+$0x1E380] =	vst v0;
	s2 =	smov.u32 s1;
	s1 =	sadd.s32 $0x40, s1  }
.Ltmp4:
0x148: {  	(pc) =	sbr.rel @p5 .LBB3_5-.Ltmp4, $2  }
0x149: {  	_ =	sdelay $0x2  }
0x14a: {  	s2 =	sshra.s32 s2, $0x2  }
0x14b: {  	[tilespmem:s2+$0x1E380] =	vst v0;
	s2 =	sld [smem:$0x7F7];
	_ =	sdelay $0x1  }
0x14c: {  	s1 =	simm.s32 @p0 $0x1E380  }
0x14d: {  	[spmem:s2] =	stream.linear.scatter @p0 [tilespmem:s1], [sflag:$0x4], $0xC38, $0x38;
	[tilespmem:$0x1F000] =	vst v63  }
0x14e: {  	s2 =	simm.s32 @p0 $0x4  }
0x14f: {  	_ =	swait.ge @p0 [sflag:s2], $0xC38  }
0x150: {  	s3 =	sld [smem:$0x7F8]  }
0x151: {  	[sflag:s2] =	ssyncset.done @p0 $0x0  }
0x152: {  	[sflag:s2] =	ssyncadd.s32 @p0 $0xFFFFF3C8  }
0x153: {  	[spmem:s3] =	stream.linear.scatter @p0 [tilespmem:s1], [sflag:$0x4], $0xBD8, $0x38;
	[tilespmem:$0x1F000] =	vst v63  }
0x154: {  	_ =	swait.ge @p0 [sflag:s2], $0xBD8  }
0x155: {  	s3 =	sld [smem:$0x7F9]  }
0x156: {  	[sflag:s2] =	ssyncset.done @p0 $0x0  }
0x157: {  	[sflag:s2] =	ssyncadd.s32 @p0 $0xFFFFF428  }
0x158: {  	[spmem:s3] =	stream.linear.scatter @p0 [tilespmem:s1], [sflag:$0x4], $0xC38, $0x38;
	[tilespmem:$0x1F000] =	vst v63  }
0x159: {  	_ =	swait.ge @p0 [sflag:s2], $0xC38  }
0x15a: {  	s3 =	sld [smem:$0x7FA]  }
0x15b: {  	[sflag:s2] =	ssyncset.done @p0 $0x0  }
0x15c: {  	[sflag:s2] =	ssyncadd.s32 @p0 $0xFFFFF3C8  }
0x15d: {  	[spmem:s3] =	stream.linear.scatter @p0 [tilespmem:s1], [sflag:$0x4], $0xBD8, $0x38;
	[tilespmem:$0x1F000] =	vst v63  }
0x15e: {  	_ =	swait.ge @p0 [sflag:s2], $0xBD8  }
0x15f: {  	s3 =	sld [smem:$0x7FB]  }
0x160: {  	[sflag:s2] =	ssyncset.done @p0 $0x0  }
0x161: {  	[sflag:s2] =	ssyncadd.s32 @p0 $0xFFFFF428  }
0x162: {  	[spmem:s3] =	stream.linear.scatter @p0 [tilespmem:s1], [sflag:$0x4], $0xC38, $0x38;
	[tilespmem:$0x1F000] =	vst v63  }
0x163: {  	_ =	swait.ge @p0 [sflag:s2], $0xC38  }
0x164: {  	s3 =	sld [smem:$0x7FC]  }
0x165: {  	[sflag:s2] =	ssyncset.done @p0 $0x0  }
0x166: {  	[sflag:s2] =	ssyncadd.s32 @p0 $0xFFFFF3C8  }
0x167: {  	[spmem:s3] =	stream.linear.scatter @p0 [tilespmem:s1], [sflag:$0x4], $0xBD8, $0x38;
	[tilespmem:$0x1F000] =	vst v63  }
0x168: {  	_ =	swait.ge @p0 [sflag:s2], $0xBD8  }
0x169: {  	[sflag:s2] =	ssyncset.done @p0 $0x0  }
0x16a: {  	[sflag:s2] =	ssyncadd.s32 @p0 $0xFFFFF428;
	s2 =	sld [smem:$0x7D3];
	_ =	sdelay $0x1  }
0x16b: {  	s1 =	simm.s32 @!p0 $0x1E380  }
0x16c: {  	[spmem:s2] =	stream.linear.scatter @!p0 [tilespmem:s1], [sflag:$0x4], $0xC38, $0x38;
	[tilespmem:$0x1F000] =	vst v63  }
0x16d: {  	s2 =	simm.s32 @!p0 $0x4  }
0x16e: {  	_ =	swait.ge @!p0 [sflag:s2], $0xC38  }
0x16f: {  	[sflag:s2] =	ssyncset.done @!p0 $0x0  }
0x170: {  	[sflag:s2] =	ssyncadd.s32 @!p0 $0xFFFFF3C8  }
0x171: {  	[spmem:s24] =	stream.linear.scatter @!p0 [tilespmem:s1], [sflag:$0x4], $0xC38, $0x38;
	[tilespmem:$0x1F000] =	vst v63  }
0x172: {  	_ =	swait.ge @!p0 [sflag:s2], $0xC38  }
0x173: {  	s3 =	sld [smem:$0x7D4]  }
0x174: {  	[sflag:s2] =	ssyncset.done @!p0 $0x0  }
0x175: {  	[sflag:s2] =	ssyncadd.s32 @!p0 $0xFFFFF3C8  }
0x176: {  	[spmem:s3] =	stream.linear.scatter @!p0 [tilespmem:s1], [sflag:$0x4], $0xC38, $0x38;
	[tilespmem:$0x1F000] =	vst v63  }
0x177: {  	_ =	swait.ge @!p0 [sflag:s2], $0xC38  }
0x178: {  	[sflag:s2] =	ssyncset.done @!p0 $0x0  }
0x179: {  	s3 =	rddreg [dreg:$0x1f];
	[sflag:s2] =	ssyncadd.s32 @!p0 $0xFFFFF3C8  }
0x17a: {  	[spmem:s3] =	stream.linear.scatter @!p0 [tilespmem:s1], [sflag:$0x4], $0xC38, $0x38;
	[tilespmem:$0x1F000] =	vst v63  }
0x17b: {  	_ =	swait.ge @!p0 [sflag:s2], $0xC38  }
0x17c: {  	s3 =	sld [smem:$0x7D5]  }
0x17d: {  	[sflag:s2] =	ssyncset.done @!p0 $0x0  }
0x17e: {  	[sflag:s2] =	ssyncadd.s32 @!p0 $0xFFFFF3C8  }
0x17f: {  	[spmem:s3] =	stream.linear.scatter @!p0 [tilespmem:s1], [sflag:$0x4], $0xC38, $0x38;
	[tilespmem:$0x1F000] =	vst v63  }
0x180: {  	_ =	swait.ge @!p0 [sflag:s2], $0xC38  }
0x181: {  	[sflag:s2] =	ssyncset.done @!p0 $0x0  }
0x182: {  	[sflag:s2] =	ssyncadd.s32 @!p0 $0xFFFFF3C8  }
0x183: {  	[spmem:s17] =	stream.linear.scatter @!p0 [tilespmem:s1], [sflag:$0x4], $0xC38, $0x38;
	[tilespmem:$0x1F000] =	vst v63  }
0x184: {  	_ =	swait.ge @!p0 [sflag:s2], $0xC38  }
0x185: {  	[sflag:s2] =	ssyncset.done @!p0 $0x0  }
0x186: {  	[sflag:s2] =	ssyncadd.s32 @!p0 $0xFFFFF3C8  }
0x187: {  	[bflag:$0x0] =	sbarrier.arrive $0xFFFF  }
0x188: {  	s11 =	sld [smem:$0x7C2];
	_ =	sdelay $0x1  }
0x189: {  	s1 =	simm.s32 $0x0;
	s15 =	sld [smem:$0x7C3]  }
0x18a: {  	[tilespmem:s22], [sflag:$0x1] =	stream.linear.gather [hbm4b:s11+s1], $0x7D0, $0x38;
	[tilespmem:$0x1F000] =	vst v63  }
0x18b: {  	s16 =	simm.s32 $0xCB50;
	s17 =	sld [smem:$0x7C4]  }
0x18c: {  	[tilespmem:s16], [sflag:$0x1] =	stream.linear.gather [hbm4b:s15+s1], $0x7D0, $0x38;
	[tilespmem:$0x1F000] =	vst v63  }
0x18d: {  	s24 =	simm.s32 $0xE380;
	s3 =	sld [smem:$0x7C5]  }
0x18e: {  	[tilespmem:s24], [sflag:$0x1] =	stream.linear.gather [hbm4b:s17+s1], $0x7D0, $0x38;
	[tilespmem:$0x1F000] =	vst v63  }
0x18f: {  	s11 =	simm.s32 $0xF380;
	s15 =	sld [smem:$0x7C6]  }
0x190: {  	[tilespmem:s11], [sflag:$0x1] =	stream.linear.gather [hbm4b:s3+s1], $0x7D0, $0x38;
	[tilespmem:$0x1F000] =	vst v63  }
0x191: {  	s16 =	simm.s32 $0x10380  }
0x192: {  	[tilespmem:s16], [sflag:$0x1] =	stream.linear.gather [hbm4b:s15+s1], $0x7D0, $0x38;
	[tilespmem:$0x1F000] =	vst v63  }
0x193: {  	_ =	swait.ge [sflag:s29], $0x7D0  }
0x194: {  	[sflag:s29] =	ssyncset.done $0x0  }
0x195: {  	[sflag:s29] =	ssyncadd.s32 $0xFFFFF830  }
0x196: {  	_ =	swait.ge [sflag:s29], $0x7D0  }
0x197: {  	[sflag:s29] =	ssyncset.done $0x0  }
0x198: {  	[sflag:s29] =	ssyncadd.s32 $0xFFFFF830  }
0x199: {  	_ =	swait.ge [sflag:s29], $0x7D0  }
0x19a: {  	[sflag:s29] =	ssyncset.done $0x0  }
0x19b: {  	[sflag:s29] =	ssyncadd.s32 $0xFFFFF830  }
0x19c: {  	_ =	swait.ge [sflag:s29], $0x7D0  }
0x19d: {  	[sflag:s29] =	ssyncset.done $0x0  }
0x19e: {  	[sflag:s29] =	ssyncadd.s32 $0xFFFFF830  }
0x19f: {  	_ =	swait.ge [sflag:s29], $0x7D0  }
0x1a0: {  	[sflag:s29] =	ssyncset.done $0x0  }
0x1a1: {  	s17 =	simm.s32 $0x11380;
	[sflag:s29] =	ssyncadd.s32 $0xFFFFF830  }
0x1a2: {  	[tilespmem:s17], [sflag:$0x2] =	stream.indirect.gather [spmem:s6], $0x1, s22, s19, $0xb8;
	[tilespmem:$0x1F000] =	vst v63  }
0x1a3: {  	s24 =	simm.s32 $0x13380  }
0x1a4: {  	[tilespmem:s24], [sflag:$0x2] =	stream.indirect.gather [spmem:s7], $0x1, s22, s19, $0xb8;
	[tilespmem:$0x1F000] =	vst v63  }
0x1a5: {  	s3 =	simm.s32 $0x15380  }
0x1a6: {  	[tilespmem:s3], [sflag:$0x2] =	stream.indirect.gather [spmem:s8], $0x1, s22, s19, $0xb8;
	[tilespmem:$0x1F000] =	vst v63  }
0x1a7: {  	s11 =	simm.s32 $0x17380  }
0x1a8: {  	[tilespmem:s11], [sflag:$0x2] =	stream.indirect.gather [spmem:s9], $0x1, s22, s19, $0xb8;
	[tilespmem:$0x1F000] =	vst v63  }
0x1a9: {  	s15 =	simm.s32 $0x19380;
	s16 =	sld [smem:$0x7C7]  }
0x1aa: {  	[tilespmem:s15], [sflag:$0x2] =	stream.indirect.gather [spmem:s10], $0x1, s22, s19, $0xb8;
	[tilespmem:$0x1F000] =	vst v63  }
0x1ab: {  	s17 =	sld [smem:$0x7C8]  }
0x1ac: {  	[tilespmem:s18], [sflag:$0x1] =	stream.linear.gather [hbm4b:s16+s1], $0x7D0, $0x38;
	[tilespmem:$0x1F000] =	vst v63  }
0x1ad: {  	s24 =	simm.s32 $0xDB50;
	s3 =	sld [smem:$0x7C9]  }
0x1ae: {  	[tilespmem:s24], [sflag:$0x1] =	stream.linear.gather [hbm4b:s17+s1], $0x7D0, $0x38;
	[tilespmem:$0x1F000] =	vst v63  }
0x1af: {  	s11 =	simm.s32 $0xEB80;
	s15 =	sld [smem:$0x7CA]  }
0x1b0: {  	[tilespmem:s11], [sflag:$0x1] =	stream.linear.gather [hbm4b:s3+s1], $0x7D0, $0x38;
	[tilespmem:$0x1F000] =	vst v63  }
0x1b1: {  	s16 =	simm.s32 $0xFB80;
	s17 =	sld [smem:$0x7CB]  }
0x1b2: {  	[tilespmem:s16], [sflag:$0x1] =	stream.linear.gather [hbm4b:s15+s1], $0x7D0, $0x38;
	[tilespmem:$0x1F000] =	vst v63  }
0x1b3: {  	s24 =	simm.s32 $0x10B80  }
0x1b4: {  	[tilespmem:s24], [sflag:$0x1] =	stream.linear.gather [hbm4b:s17+s1], $0x7D0, $0x38;
	[tilespmem:$0x1F000] =	vst v63  }
0x1b5: {  	_ =	swait.ge [sflag:s25], $0xFA0  }
0x1b6: {  	[sflag:s25] =	ssyncset.done $0x0  }
0x1b7: {  	[sflag:s25] =	ssyncadd.s32 $0xFFFFF060  }
0x1b8: {  	_ =	swait.ge [sflag:s25], $0xFA0  }
0x1b9: {  	[sflag:s25] =	ssyncset.done $0x0  }
0x1ba: {  	[sflag:s25] =	ssyncadd.s32 $0xFFFFF060  }
0x1bb: {  	_ =	swait.ge [sflag:s25], $0xFA0  }
0x1bc: {  	[sflag:s25] =	ssyncset.done $0x0  }
0x1bd: {  	[sflag:s25] =	ssyncadd.s32 $0xFFFFF060  }
0x1be: {  	_ =	swait.ge [sflag:s25], $0xFA0  }
0x1bf: {  	[sflag:s25] =	ssyncset.done $0x0  }
0x1c0: {  	[sflag:s25] =	ssyncadd.s32 $0xFFFFF060  }
0x1c1: {  	_ =	swait.ge [sflag:s25], $0xFA0  }
0x1c2: {  	[sflag:s25] =	ssyncset.done $0x0  }
0x1c3: {  	s15 =	simm.s32 $0x0;
	[sflag:s25] =	ssyncadd.s32 $0xFFFFF060  }
0x1c4: {  	v1 =	vld [tilespmem:s15+$0x11380]  }
0x1c5: {  	v2 =	vld [tilespmem:s15+$0x11B50]  }
0x1c6: {  	v3 =	vld [tilespmem:s15+$0x13380]  }
0x1c7: {  	v4 =	vld [tilespmem:s15+$0x13B50];
	_ =	sdelay $0x4  }
0x1c8: {  	v2 =	vsub.f32 v2, v1;
	v9 =	vsub.f32 v4, v3;
	_ =	sdelay $0x1  }
0x1c9: {  	v1 =	vmul.f32 v2, v2;
	v3 =	vmul.f32 v9, v9;
	_ =	sdelay $0x1  }
0x1ca: {  	v1 =	vadd.f32 v3, v1;
	_ =	sdelay $0x1  }
0x1cb: {  	v1 =	vadd.f32 $1.000000010e-10, v1;
	_ =	sdelay $0x1  }
0x1cc: {  	v3 =	vshra.s32 v1, $0x1;
	v4 =	vmul.f32 $5.000000000e-01, v1  }
0x1cd: {  	v3 =	vsub.s32 $0x5F3759DF, v3  }
0x1ce: {  	v5 =	vmul.f32 v3, v4;
	_ =	sdelay $0x1  }
0x1cf: {  	v5 =	vmul.f32 v3, v5  }
0x1d0: {  	s16 =	simm.s32 $0x10  }
0x1d1: {  	v6 =	vld [tilespmem:s16+$0x11380];
	v5 =	vsub.f32 $1.500000000e+00, v5  }
0x1d2: {  	v8 =	vld [tilespmem:s16+$0x13380]  }
0x1d3: {  	v10 =	vld [tilespmem:s16+$0x13B50];
	v5 =	vmul.f32 v3, v5  }
0x1d4: {  	v7 =	vld [tilespmem:s16+$0x11B50]  }
0x1d5: {  	v3 =	vmul.f32 v5, v4;
	_ =	sdelay $0x1  }
0x1d6: {  	v11 =	vmul.f32 v3, v5  }
0x1d7: {  	v4 =	vsub.f32 v10, v8  }
0x1d8: {  	v3 =	vsub.f32 v7, v6;
	v6 =	vsub.f32 $1.500000000e+00, v11  }
0x1d9: {  	v8 =	vmul.f32 v4, v4  }
0x1da: {  	v7 =	vmul.f32 v3, v3;
	v5 =	vmul.f32 v6, v5;
	_ =	sdelay $0x1  }
0x1db: {  	v6 =	vadd.f32 v8, v7;
	v1 =	vmul.f32 v5, v1;
	_ =	sdelay $0x1  }
0x1dc: {  	v17 =	vld [tilespmem:s15+$0x19B50];
	v5 =	vadd.f32 $1.000000010e-10, v6;
	v7 =	vmul.f32 v1, v1  }
0x1dd: {  	v15 =	vld [tilespmem:s15+$0xE380];
	v8 =	vadd.f32 $1.000000010e-10, v1  }
0x1de: {  	v18 =	vld [tilespmem:s15+$0x10380];
	v11 =	vshra.s32 v5, $0x1;
	v12 =	vmul.f32 $5.000000000e-01, v5;
	v13 =	vadd.f32 $1.000000010e-10, v7  }
0x1df: {  	s11 =	simm.s32 $0x20;
	v19 =	vld [tilespmem:s15+$0x15380];
	v11 =	vsub.s32 $0x5F3759DF, v11;
	(erf) = vrcp.f32 v8  }
0x1e0: {  	v8 =	vld [tilespmem:s11+$0x11380];
	v14 =	vmul.f32 v11, v12;
	(erf) = vrcp.f32 v13  }
0x1e1: {  	v1 =	vmul.f32 v7, v1;
	v13 =	vld [tilespmem:s11+$0x11B50]  }
0x1e2: {  	v6 =	vld [tilespmem:s15+$0xF380];
	v7 =	vmul.f32 v11, v14  }
0x1e3: {  	v20 =	vld [tilespmem:s15+$0x17380];
	v1 =	vadd.f32 $1.000000010e-10, v1  }
0x1e4: {  	v21 =	vld [tilespmem:s15+$0x15B50];
	v7 =	vsub.f32 $1.500000000e+00, v7  }
0x1e5: {  	v10 =	vld [tilespmem:s15+$0x19380];
	(erf) = vrcp.f32 v1  }
0x1e6: {  	v22 =	vld [tilespmem:s11+$0x13380];
	v14 =	vmul.f32 v11, v7;
	v1 =	vsub.f32 v13, v8  }
0x1e7: {  	v23 =	vld [tilespmem:s11+$0x13B50];
	v16 =	vmul.f32 v6, v15;
	v6 =	vmul.f32 v18, v15  }
0x1e8: {  	v11 =	vmul.f32 v14, v12;
	v12 =	vld [tilespmem:s15+$0x17B50];
	v15 =	vmul.f32 v1, v1;
	v7 =	vpop (erf)  }
0x1e9: {  	v8 =	vmul.f32 v7, v2;
	v9 =	vmul.f32 v7, v9;
	v2 =	vpop (erf)  }
0x1ea: {  	v13 =	vsub.f32 $0.0e+00, v10;
	v18 =	vmul.f32 v11, v14;
	v24 =	vmul.f32 v2, v6  }
0x1eb: {  	v11 =	vsub.f32 $0.0e+00, v17;
	v10 =	vmul.f32 v8, v19;
	v25 =	vmul.f32 v9, v20  }
0x1ec: {  	v2 =	vsub.f32 v23, v22;
	v20 =	vmul.f32 v8, v20;
	v19 =	vmul.f32 v9, v19  }
0x1ed: {  	v23 =	vmul.f32 v9, v21;
	v17 =	vadd.f32 v11, v13;
	v22 =	vmul.f32 v8, v12  }
0x1ee: {  	v18 =	vsub.f32 $1.500000000e+00, v18;
	v21 =	vmul.f32 v8, v21;
	v12 =	vmul.f32 v9, v12;
	v26 =	vpop (erf)  }
0x1ef: {  	v26 =	vmul.f32 v26, v6;
	v27 =	vsub.f32 v20, v19;
	v22 =	vsub.f32 v22, v23  }
0x1f0: {  	v19 =	vmul.f32 v2, v2;
	v20 =	vadd.f32 v25, v10;
	v21 =	vadd.f32 v12, v21  }
0x1f1: {  	s17 =	simm.s32 $0xC0;
	v12 =	vmul.f32 $6.000000000e+00, v24;
	v10 =	vsub.f32 v27, v22;
	v22 =	vmul.f32 $1.200000000e+01, v26  }
.LBB3_7:
0x1f2: {  	p5 =	sne.s32 s17, $0x1F00;
	v14 =	vmul.f32 v18, v14;
	v16 =	vmul.f32 v7, v16;
	v18 =	vadd.f32 v11, v11  }
0x1f3: {  	v20 =	vsub.f32 v20, v21;
	v21 =	vmul.f32 v10, v22;
	v17 =	vmul.f32 v12, v17  }
0x1f4: {  	v15 =	vadd.f32 v19, v15;
	v19 =	vmul.f32 $4.000000000e+00, v13;
	v14 =	vmul.f32 v14, v5  }
0x1f5: {  	v13 =	vadd.f32 v13, v13;
	v16 =	vmul.f32 v20, v16;
	v17 =	vadd.f32 v21, v17  }
0x1f6: {  	v11 =	vmul.f32 $4.000000000e+00, v11;
	v5 =	vadd.f32 $1.000000010e-10, v15;
	v15 =	vld [tilespmem:s16+$0xF380];
	v20 =	vmul.f32 v14, v14  }
0x1f7: {  	v22 =	vadd.f32 $1.000000010e-10, v14;
	v23 =	vmul.f32 v16, v9;
	v21 =	vld [tilespmem:s16+$0x19380];
	v24 =	vmul.f32 v17, v8  }
0x1f8: {  	v25 =	vshra.s32 v5, $0x1;
	v26 =	vmul.f32 $5.000000000e-01, v5;
	v27 =	vld [tilespmem:s16+$0x19B50];
	v28 =	vadd.f32 $1.000000010e-10, v20  }
0x1f9: {  	s1 =	sshra.s32 s17, $0x2;
	v25 =	vsub.s32 $0x5F3759DF, v25;
	v29 =	vld [tilespmem:s16+$0xE380];
	(erf) = vrcp.f32 v22;
	v22 =	vadd.f32 v24, v23  }
0x1fa: {  	v18 =	vadd.f32 v18, v19;
	v24 =	vmul.f32 v25, v26;
	v23 =	vld [tilespmem:s1+$0x11380];
	(erf) = vrcp.f32 v28  }
0x1fb: {  	v9 =	vmul.f32 v17, v9;
	v14 =	vmul.f32 v20, v14;
	v19 =	vld [tilespmem:s1+$0x11B50];
	[tilespmem:s15+$0x1C380] =	vst v22;
	v17 =	vsub.f32 $0.0e+00, v22  }
0x1fc: {  	v11 =	vadd.f32 v11, v13;
	v8 =	vmul.f32 v16, v8;
	v20 =	vmul.f32 v25, v24;
	v22 =	vld [tilespmem:s16+$0x10380]  }
0x1fd: {  	v6 =	vmul.f32 v7, v6;
	v10 =	vmul.f32 v10, v12;
	v13 =	vadd.f32 $1.000000010e-10, v14;
	v24 =	vld [tilespmem:s16+$0x15380];
	[tilespmem:s15+$0x1CB50] =	vst v17  }
0x1fe: {  	v8 =	vsub.f32 v8, v9;
	v7 =	vsub.f32 $1.500000000e+00, v20;
	v12 =	vld [tilespmem:s16+$0x17380]  }
0x1ff: {  	v9 =	vmul.f32 v6, v18;
	v20 =	vld [tilespmem:s16+$0x15B50];
	(erf) = vrcp.f32 v13  }
0x200: {  	v11 =	vmul.f32 v6, v11;
	v14 =	vmul.f32 v25, v7;
	v17 =	vld [tilespmem:s1+$0x13380];
	v18 =	vsub.f32 v19, v23;
	[tilespmem:s15+$0x1B380] =	vst v8  }
0x201: {  	v16 =	vmul.f32 v15, v29;
	v13 =	vsub.f32 $0.0e+00, v8;
	v19 =	vld [tilespmem:s1+$0x13B50];
	v6 =	vmul.f32 v22, v29  }
0x202: {  	v25 =	vadd.f32 v10, v9;
	v22 =	vmul.f32 v14, v26;
	v15 =	vmul.f32 v18, v18;
	v23 =	vld [tilespmem:s16+$0x17B50];
	v7 =	vpop (erf)  }
0x203: {  	v28 =	vadd.f32 v10, v11;
	v8 =	vmul.f32 v7, v3;
	v9 =	vmul.f32 v7, v4;
	v3 =	vpop (erf);
	[tilespmem:s15+$0x1BB50] =	vst v13  }
0x204: {  	v10 =	vmul.f32 v22, v14;
	v13 =	vsub.f32 $0.0e+00, v21;
	v26 =	vmul.f32 v3, v6;
	[tilespmem:s15+$0x1D380] =	vst v25;
	v3 =	vmovc v1  }
0x205: {  	v11 =	vsub.f32 $0.0e+00, v27;
	v1 =	vmovc v18;
	v21 =	vmul.f32 v8, v24;
	v22 =	vmul.f32 v9, v12;
	[tilespmem:s15+$0x1DB50] =	vst v28;
	s15 =	smov.u32 s16;
	s16 =	smov.u32 s11;
	s11 =	smov.u32 s1  }
0x206: {  	v4 =	vmovc v2;
	v12 =	vmul.f32 v8, v12;
	v24 =	vmul.f32 v9, v24;
	v2 =	vsub.f32 v19, v17  }
.Ltmp5:
0x207: {  	v25 =	vmul.f32 v9, v20;
	v17 =	vadd.f32 v11, v13;
	v19 =	vmul.f32 v8, v23;
	(pc) =	sbr.rel @p5 .LBB3_7-.Ltmp5, $4  }
0x208: {  	v18 =	vsub.f32 $1.500000000e+00, v10;
	v10 =	vmul.f32 v8, v20;
	v23 =	vmul.f32 v9, v23;
	v20 =	vpop (erf)  }
0x209: {  	v12 =	vsub.f32 v12, v24;
	v27 =	vmul.f32 v20, v6;
	v24 =	vsub.f32 v19, v25  }
0x20a: {  	v19 =	vmul.f32 v2, v2;
	v20 =	vadd.f32 v22, v21;
	v21 =	vadd.f32 v23, v10  }
0x20b: {  	s17 =	sadd.s32 $0x40, s17;
	v10 =	vsub.f32 v12, v24;
	v22 =	vmul.f32 $1.200000000e+01, v27;
	v12 =	vmul.f32 $6.000000000e+00, v26  }
0x20c: {  	v14 =	vmul.f32 v18, v14;
	v16 =	vmul.f32 v7, v16  }
0x20d: {  	v51 =	vsub.f32 v20, v21;
	v15 =	vadd.f32 v19, v15;
	v52 =	vmul.f32 v10, v22  }
0x20e: {  	v17 =	vmul.f32 v12, v17;
	v5 =	vmul.f32 v14, v5  }
0x20f: {  	v53 =	vmul.f32 v51, v16;
	v15 =	vadd.f32 $1.000000010e-10, v15  }
0x210: {  	v55 =	vmul.f32 $4.000000000e+00, v13;
	v54 =	vadd.f32 v52, v17;
	v56 =	vmul.f32 v5, v5  }
0x211: {  	v58 =	vadd.f32 $1.000000010e-10, v5;
	v59 =	vmul.f32 v53, v9;
	v24 =	vshra.s32 v15, $0x1  }
0x212: {  	v25 =	vmul.f32 $5.000000000e-01, v15;
	v60 =	vmul.f32 v54, v8;
	v26 =	vadd.f32 $1.000000010e-10, v56  }
0x213: {  	v57 =	vld [tilespmem:s16+$0xF380];
	v32 =	vmul.f32 $4.000000000e+00, v11;
	v24 =	vsub.s32 $0x5F3759DF, v24;
	(erf) = vrcp.f32 v58  }
0x214: {  	v23 =	vld [tilespmem:s16+$0x19380];
	v28 =	vmul.f32 v24, v25;
	v61 =	vadd.f32 v60, v59;
	(erf) = vrcp.f32 v26  }
0x215: {  	v27 =	vld [tilespmem:s16+$0x19B50];
	v62 =	vadd.f32 v11, v11;
	v6 =	vmul.f32 v7, v6;
	v5 =	vmul.f32 v56, v5  }
0x216: {  	v63 =	vld [tilespmem:s16+$0xE380];
	v31 =	vadd.f32 v13, v13;
	v37 =	vmul.f32 v53, v8;
	v34 =	vmul.f32 v24, v28;
	[tilespmem:s15+$0x1C380] =	vst v61  }
0x217: {  	v36 =	vmul.f32 v54, v9;
	v5 =	vadd.f32 $1.000000010e-10, v5;
	v33 =	vsub.f32 $0.0e+00, v61;
	v35 =	vld [tilespmem:s16+$0x10380]  }
0x218: {  	v41 =	vmul.f32 v10, v12;
	v17 =	vadd.f32 v62, v55;
	v39 =	vsub.f32 $1.500000000e+00, v34  }
0x219: {  	v11 =	vadd.f32 v32, v31;
	v8 =	vsub.f32 v37, v36;
	v38 =	vld [tilespmem:s16+$0x15380];
	(erf) = vrcp.f32 v5;
	[tilespmem:s15+$0x1CB50] =	vst v33  }
0x21a: {  	v44 =	vmul.f32 v6, v17;
	v40 =	vld [tilespmem:s16+$0x17380];
	v43 =	vmul.f32 v24, v39  }
0x21b: {  	v6 =	vmul.f32 v6, v11;
	v19 =	vmul.f32 v57, v63;
	v42 =	vld [tilespmem:s16+$0x15B50];
	[tilespmem:s15+$0x1B380] =	vst v8  }
0x21c: {  	v45 =	vld [tilespmem:s16+$0x17B50];
	v13 =	vmul.f32 v43, v25;
	v11 =	vmul.f32 v35, v63;
	v17 =	vpop (erf)  }
0x21d: {  	v47 =	vsub.f32 $0.0e+00, v23;
	v3 =	vmul.f32 v17, v3;
	v4 =	vmul.f32 v17, v4;
	v46 =	vpop (erf)  }
0x21e: {  	v48 =	vsub.f32 $0.0e+00, v27;
	v13 =	vmul.f32 v13, v43;
	v18 =	vmul.f32 v46, v11  }
0x21f: {  	v49 =	vmul.f32 v3, v38;
	v50 =	vmul.f32 v4, v40  }
0x220: {  	v27 =	vadd.f32 v48, v47;
	v7 =	vmul.f32 v3, v40;
	v14 =	vmul.f32 v4, v38  }
0x221: {  	v12 =	vadd.f32 v41, v44;
	v51 =	vmul.f32 v3, v45;
	v52 =	vmul.f32 v4, v42  }
0x222: {  	v13 =	vsub.f32 $1.500000000e+00, v13;
	v9 =	vmul.f32 v3, v42;
	v16 =	vmul.f32 v4, v45;
	v53 =	vpop (erf)  }
0x223: {  	v28 =	vmul.f32 v53, v11;
	v7 =	vsub.f32 v7, v14;
	v54 =	vsub.f32 v51, v52  }
0x224: {  	v55 =	vadd.f32 v50, v49;
	v9 =	vadd.f32 v16, v9;
	v10 =	vmul.f32 v13, v43  }
0x225: {  	v57 =	vmul.f32 $6.000000000e+00, v18;
	v7 =	vsub.f32 v7, v54;
	v56 =	vmul.f32 $1.200000000e+01, v28  }
0x226: {  	v5 =	vadd.f32 v41, v6;
	v58 =	vmul.f32 v17, v19;
	v59 =	vmul.f32 v10, v15  }
0x227: {  	v9 =	vsub.f32 v55, v9;
	v18 =	vmul.f32 v57, v27;
	v14 =	vmul.f32 v7, v56  }
0x228: {  	v8 =	vsub.f32 $0.0e+00, v8;
	v28 =	vadd.f32 $1.000000010e-10, v59  }
0x229: {  	[tilespmem:s15+$0x1D380] =	vst v12;
	v60 =	vmul.f32 v9, v58;
	v62 =	vmul.f32 v59, v59;
	v61 =	vadd.f32 v14, v18  }
0x22a: {  	[tilespmem:s15+$0x1DB50] =	vst v5;
	(erf) = vrcp.f32 v28  }
0x22b: {  	[tilespmem:s15+$0x1BB50] =	vst v8;
	v13 =	vmul.f32 v60, v4;
	v30 =	vadd.f32 $1.000000010e-10, v62;
	v14 =	vmul.f32 v61, v3  }
0x22c: {  	v63 =	vld [tilespmem:s11+$0xF380];
	v5 =	vmul.f32 v62, v59  }
0x22d: {  	v29 =	vld [tilespmem:s11+$0x19380];
	(erf) = vrcp.f32 v30;
	v32 =	vadd.f32 v14, v13  }
0x22e: {  	v31 =	vld [tilespmem:s11+$0x19B50];
	v5 =	vadd.f32 $1.000000010e-10, v5  }
0x22f: {  	v33 =	vld [tilespmem:s11+$0xE380];
	v4 =	vmul.f32 v61, v4;
	v3 =	vmul.f32 v60, v3;
	[tilespmem:s16+$0x1C380] =	vst v32;
	v34 =	vsub.f32 $0.0e+00, v32  }
0x230: {  	(erf) = vrcp.f32 v5;
	v35 =	vld [tilespmem:s11+$0x10380]  }
0x231: {  	v3 =	vsub.f32 v3, v4;
	v36 =	vld [tilespmem:s11+$0x15380];
	[tilespmem:s16+$0x1CB50] =	vst v34  }
0x232: {  	v6 =	vld [tilespmem:s11+$0x17380]  }
0x233: {  	v21 =	vmul.f32 $4.000000000e+00, v48;
	v38 =	vmul.f32 $4.000000000e+00, v47;
	v37 =	vld [tilespmem:s11+$0x15B50];
	[tilespmem:s16+$0x1B380] =	vst v3;
	v41 =	vpop (erf)  }
0x234: {  	v11 =	vmul.f32 v17, v11;
	v40 =	vld [tilespmem:s11+$0x17B50];
	v1 =	vmul.f32 v41, v1  }
0x235: {  	v2 =	vmul.f32 v41, v2;
	v39 =	vmul.f32 v35, v33  }
0x236: {  	v20 =	vadd.f32 v47, v47;
	v10 =	vmul.f32 v63, v33;
	v18 =	vpop (erf);
	v43 =	vmul.f32 v1, v36  }
0x237: {  	v42 =	vadd.f32 v48, v48;
	v8 =	vmul.f32 v2, v36;
	v18 =	vmul.f32 v18, v39  }
0x238: {  	v19 =	vsub.f32 $0.0e+00, v31;
	v44 =	vmul.f32 v2, v6;
	v6 =	vmul.f32 v1, v6  }
0x239: {  	v15 =	vsub.f32 $0.0e+00, v29;
	v48 =	vpop (erf);
	v46 =	vmul.f32 v2, v37;
	v45 =	vmul.f32 v1, v40  }
0x23a: {  	v54 =	vadd.f32 v21, v20;
	v4 =	vmul.f32 v1, v37;
	v28 =	vmul.f32 v48, v39  }
0x23b: {  	v12 =	vmul.f32 v2, v40;
	v6 =	vsub.f32 v6, v8;
	v49 =	vsub.f32 v45, v46  }
0x23c: {  	v47 =	vadd.f32 v19, v15;
	v50 =	vadd.f32 v44, v43;
	v51 =	vmul.f32 $1.200000000e+01, v28  }
0x23d: {  	v52 =	vmul.f32 $6.000000000e+00, v18;
	v4 =	vadd.f32 v12, v4;
	v6 =	vsub.f32 v6, v49  }
0x23e: {  	v7 =	vmul.f32 v7, v57;
	v5 =	vadd.f32 v42, v38;
	v10 =	vmul.f32 v41, v10  }
0x23f: {  	v53 =	vmul.f32 v52, v47;
	v4 =	vsub.f32 v50, v4;
	v8 =	vmul.f32 v6, v51  }
0x240: {  	v55 =	vmul.f32 v11, v54;
	v57 =	vadd.f32 v19, v19;
	v5 =	vmul.f32 v11, v5  }
0x241: {  	v58 =	vmul.f32 $4.000000000e+00, v15;
	v4 =	vmul.f32 v4, v10;
	v8 =	vadd.f32 v8, v53  }
0x242: {  	v59 =	vmul.f32 $4.000000000e+00, v19;
	v5 =	vadd.f32 v7, v5;
	v3 =	vsub.f32 $0.0e+00, v3  }
0x243: {  	v7 =	vadd.f32 v7, v55;
	v56 =	vmul.f32 v4, v2;
	v13 =	vmul.f32 v8, v1  }
0x244: {  	[tilespmem:s16+$0x1BB50] =	vst v3;
	v3 =	vadd.f32 v15, v15;
	v2 =	vmul.f32 v8, v2;
	v1 =	vmul.f32 v4, v1  }
0x245: {  	v60 =	vadd.f32 v57, v58;
	[tilespmem:s16+$0x1D380] =	vst v5;
	v62 =	vmul.f32 v41, v39;
	v11 =	vadd.f32 v13, v56  }
0x246: {  	[tilespmem:s16+$0x1DB50] =	vst v7;
	v3 =	vadd.f32 v59, v3;
	v1 =	vsub.f32 v1, v2  }
0x247: {  	v4 =	vmul.f32 v62, v60;
	v2 =	vmul.f32 v6, v52;
	v61 =	vsub.f32 $0.0e+00, v11;
	[tilespmem:s11+$0x1C380] =	vst v11  }
0x248: {  	v3 =	vmul.f32 v62, v3;
	v63 =	vsub.f32 $0.0e+00, v1;
	[tilespmem:s11+$0x1B380] =	vst v1  }
0x249: {  	v1 =	vadd.f32 v2, v4;
	[tilespmem:s11+$0x1CB50] =	vst v61  }
0x24a: {  	v2 =	vadd.f32 v2, v3;
	[tilespmem:s11+$0x1BB50] =	vst v63  }
0x24b: {  	[tilespmem:s11+$0x1D380] =	vst v1  }
0x24c: {  	[tilespmem:s11+$0x1DB50] =	vst v2  }
0x24d: {  	[spmem:s12] =	stream.indirect.scatter.add.f32 [tilespmem:s26], [sflag:$0x3], $0x1, s22, s19, $0xb8;
	[tilespmem:$0x1F000] =	vst v63  }
0x24e: {  	_ = 	snop  }
0x24f: {  	[spmem:s13] =	stream.indirect.scatter.add.f32 [tilespmem:s4], [sflag:$0x3], $0x1, s22, s19, $0xb8;
	[tilespmem:$0x1F000] =	vst v63  }
0x250: {  	_ = 	snop  }
0x251: {  	[spmem:s14] =	stream.indirect.scatter.add.f32 [tilespmem:s5], [sflag:$0x3], $0x1, s22, s19, $0xb8;
	[tilespmem:$0x1F000] =	vst v63  }
0x252: {  	_ =	swait.ge [sflag:s29], $0x7D0  }
0x253: {  	[sflag:s29] =	ssyncset.done $0x0  }
0x254: {  	[sflag:s29] =	ssyncadd.s32 $0xFFFFF830  }
0x255: {  	_ =	swait.ge [sflag:s29], $0x7D0  }
0x256: {  	[sflag:s29] =	ssyncset.done $0x0  }
0x257: {  	[sflag:s29] =	ssyncadd.s32 $0xFFFFF830  }
0x258: {  	_ =	swait.ge [sflag:s29], $0x7D0  }
0x259: {  	[sflag:s29] =	ssyncset.done $0x0  }
0x25a: {  	[sflag:s29] =	ssyncadd.s32 $0xFFFFF830  }
0x25b: {  	_ =	swait.ge [sflag:s29], $0x7D0  }
0x25c: {  	[sflag:s29] =	ssyncset.done $0x0  }
0x25d: {  	[sflag:s29] =	ssyncadd.s32 $0xFFFFF830  }
0x25e: {  	_ =	swait.ge [sflag:s29], $0x7D0  }
0x25f: {  	[sflag:s29] =	ssyncset.done $0x0  }
0x260: {  	s1 =	simm.s32 $0x12380;
	[sflag:s29] =	ssyncadd.s32 $0xFFFFF830  }
0x261: {  	[tilespmem:s1], [sflag:$0x2] =	stream.indirect.gather [spmem:s6], $0x1, s18, s19, $0xb8;
	[tilespmem:$0x1F000] =	vst v63  }
0x262: {  	s15 =	simm.s32 $0x14380  }
0x263: {  	[tilespmem:s15], [sflag:$0x2] =	stream.indirect.gather [spmem:s7], $0x1, s18, s19, $0xb8;
	[tilespmem:$0x1F000] =	vst v63  }
0x264: {  	s16 =	simm.s32 $0x16380  }
0x265: {  	[tilespmem:s16], [sflag:$0x2] =	stream.indirect.gather [spmem:s8], $0x1, s18, s19, $0xb8;
	[tilespmem:$0x1F000] =	vst v63  }
0x266: {  	s17 =	simm.s32 $0x18380  }
0x267: {  	[tilespmem:s17], [sflag:$0x2] =	stream.indirect.gather [spmem:s9], $0x1, s18, s19, $0xb8;
	[tilespmem:$0x1F000] =	vst v63  }
0x268: {  	s24 =	simm.s32 $0x1A380  }
0x269: {  	[tilespmem:s24], [sflag:$0x2] =	stream.indirect.gather [spmem:s10], $0x1, s18, s19, $0xb8;
	[tilespmem:$0x1F000] =	vst v63  }
0x26a: {  	s17 =	simm.s32 $0x0;
	s24 =	simm.s32 $0x0  }
.LBB3_9:
0x26b: {  	_ =	swait.ge [sflag:s23], $0xFA0  }
0x26c: {  	[sflag:s23] =	ssyncset.done $0x0  }
0x26d: {  	[sflag:s23] =	ssyncadd.s32 $0xFFFFF060  }
0x26e: {  	_ =	swait.ge [sflag:s23], $0xFA0  }
0x26f: {  	[sflag:s23] =	ssyncset.done $0x0  }
0x270: {  	[sflag:s23] =	ssyncadd.s32 $0xFFFFF060  }
0x271: {  	_ =	swait.ge [sflag:s23], $0xFA0  }
0x272: {  	s1 =	sld [smem:$0x7CC]  }
0x273: {  	s16 =	smul.u32 $0xFA0, s17;
	_ =	sdelay $0x1  }
0x274: {  	s1 =	sadd.s32 s16, s1  }
0x275: {  	[sflag:s23] =	ssyncset.done $0x0;
	s1 =	sshrl.u32 s1, $0x3  }
0x276: {  	[sflag:s23] =	ssyncadd.s32 $0xFFFFF060;
	s2 =	sadd.s32 s28, s1  }
0x277: {  	[tilespmem:s22], [sflag:$0x1] =	stream.linear.gather [hbm4b:s2+s24], $0x7D0, $0x38;
	[tilespmem:$0x1F000] =	vst v63  }
0x278: {  	s3 =	simm.s32 $0xCB50;
	s15 =	sadd.s32 s30, s1  }
0x279: {  	[tilespmem:s3], [sflag:$0x1] =	stream.linear.gather [hbm4b:s15+s24], $0x7D0, $0x38;
	[tilespmem:$0x1F000] =	vst v63  }
0x27a: {  	s11 =	simm.s32 $0xE380;
	s3 =	smov.u32 s20;
	s20 =	sadd.s32 s20, s1  }
0x27b: {  	[tilespmem:s11], [sflag:$0x1] =	stream.linear.gather [hbm4b:s20+s24], $0x7D0, $0x38;
	[tilespmem:$0x1F000] =	vst v63  }
0x27c: {  	s15 =	simm.s32 $0xF380;
	s11 =	sadd.s32 s0, s1  }
0x27d: {  	[tilespmem:s15], [sflag:$0x1] =	stream.linear.gather [hbm4b:s11+s24], $0x7D0, $0x38;
	[tilespmem:$0x1F000] =	vst v63  }
0x27e: {  	s1 =	sadd.s32 s31, s1;
	s20 =	simm.s32 $0x10380  }
0x27f: {  	[tilespmem:s20], [sflag:$0x1] =	stream.linear.gather [hbm4b:s1+s24], $0x7D0, $0x38;
	[tilespmem:$0x1F000] =	vst v63  }
0x280: {  	_ =	swait.ge [sflag:s25], $0xFA0  }
0x281: {  	[sflag:s25] =	ssyncset.done $0x0  }
0x282: {  	[sflag:s25] =	ssyncadd.s32 $0xFFFFF060  }
0x283: {  	_ =	swait.ge [sflag:s25], $0xFA0  }
0x284: {  	[sflag:s25] =	ssyncset.done $0x0  }
0x285: {  	[sflag:s25] =	ssyncadd.s32 $0xFFFFF060  }
0x286: {  	_ =	swait.ge [sflag:s25], $0xFA0  }
0x287: {  	[sflag:s25] =	ssyncset.done $0x0  }
0x288: {  	[sflag:s25] =	ssyncadd.s32 $0xFFFFF060  }
0x289: {  	_ =	swait.ge [sflag:s25], $0xFA0  }
0x28a: {  	[sflag:s25] =	ssyncset.done $0x0  }
0x28b: {  	[sflag:s25] =	ssyncadd.s32 $0xFFFFF060  }
0x28c: {  	_ =	swait.ge [sflag:s25], $0xFA0  }
0x28d: {  	[sflag:s25] =	ssyncset.done $0x0  }
0x28e: {  	s20 =	simm.s32 $0x0;
	[sflag:s25] =	ssyncadd.s32 $0xFFFFF060  }
0x28f: {  	v1 =	vld [tilespmem:s20+$0x12380]  }
0x290: {  	v2 =	vld [tilespmem:s20+$0x12B50]  }
0x291: {  	v3 =	vld [tilespmem:s20+$0x14380]  }
0x292: {  	v4 =	vld [tilespmem:s20+$0x14B50];
	_ =	sdelay $0x4  }
0x293: {  	v2 =	vsub.f32 v2, v1;
	v9 =	vsub.f32 v4, v3;
	_ =	sdelay $0x1  }
0x294: {  	v1 =	vmul.f32 v2, v2;
	v3 =	vmul.f32 v9, v9;
	_ =	sdelay $0x1  }
0x295: {  	v1 =	vadd.f32 v3, v1;
	_ =	sdelay $0x1  }
0x296: {  	v1 =	vadd.f32 $1.000000010e-10, v1;
	_ =	sdelay $0x1  }
0x297: {  	v3 =	vshra.s32 v1, $0x1;
	v4 =	vmul.f32 $5.000000000e-01, v1  }
0x298: {  	v3 =	vsub.s32 $0x5F3759DF, v3  }
0x299: {  	v5 =	vmul.f32 v3, v4;
	_ =	sdelay $0x1  }
0x29a: {  	v5 =	vmul.f32 v3, v5  }
0x29b: {  	s11 =	simm.s32 $0x10  }
0x29c: {  	v6 =	vld [tilespmem:s11+$0x12380];
	v5 =	vsub.f32 $1.500000000e+00, v5  }
0x29d: {  	v8 =	vld [tilespmem:s11+$0x14380]  }
0x29e: {  	v10 =	vld [tilespmem:s11+$0x14B50];
	v5 =	vmul.f32 v3, v5  }
0x29f: {  	v7 =	vld [tilespmem:s11+$0x12B50]  }
0x2a0: {  	v3 =	vmul.f32 v5, v4;
	_ =	sdelay $0x1  }
0x2a1: {  	v11 =	vmul.f32 v3, v5  }
0x2a2: {  	v4 =	vsub.f32 v10, v8  }
0x2a3: {  	v3 =	vsub.f32 v7, v6;
	v6 =	vsub.f32 $1.500000000e+00, v11  }
0x2a4: {  	v8 =	vmul.f32 v4, v4  }
0x2a5: {  	v7 =	vmul.f32 v3, v3;
	v5 =	vmul.f32 v6, v5;
	_ =	sdelay $0x1  }
0x2a6: {  	v6 =	vadd.f32 v8, v7;
	v1 =	vmul.f32 v5, v1;
	_ =	sdelay $0x1  }
0x2a7: {  	v17 =	vld [tilespmem:s20+$0x1AB50];
	v5 =	vadd.f32 $1.000000010e-10, v6;
	v7 =	vmul.f32 v1, v1  }
0x2a8: {  	v15 =	vld [tilespmem:s20+$0xEB80];
	v8 =	vadd.f32 $1.000000010e-10, v1  }
0x2a9: {  	v18 =	vld [tilespmem:s20+$0x10B80];
	v11 =	vshra.s32 v5, $0x1;
	v12 =	vmul.f32 $5.000000000e-01, v5;
	v13 =	vadd.f32 $1.000000010e-10, v7  }
0x2aa: {  	s15 =	simm.s32 $0x20;
	v19 =	vld [tilespmem:s20+$0x16380];
	v11 =	vsub.s32 $0x5F3759DF, v11;
	(erf) = vrcp.f32 v8  }
0x2ab: {  	v8 =	vld [tilespmem:s15+$0x12380];
	v14 =	vmul.f32 v11, v12;
	(erf) = vrcp.f32 v13  }
0x2ac: {  	v1 =	vmul.f32 v7, v1;
	v13 =	vld [tilespmem:s15+$0x12B50]  }
0x2ad: {  	v6 =	vld [tilespmem:s20+$0xFB80];
	v7 =	vmul.f32 v11, v14  }
0x2ae: {  	v20 =	vld [tilespmem:s20+$0x18380];
	v1 =	vadd.f32 $1.000000010e-10, v1  }
0x2af: {  	v21 =	vld [tilespmem:s20+$0x16B50];
	v7 =	vsub.f32 $1.500000000e+00, v7  }
0x2b0: {  	v10 =	vld [tilespmem:s20+$0x1A380];
	(erf) = vrcp.f32 v1  }
0x2b1: {  	v22 =	vld [tilespmem:s15+$0x14380];
	v14 =	vmul.f32 v11, v7;
	v1 =	vsub.f32 v13, v8  }
0x2b2: {  	v23 =	vld [tilespmem:s15+$0x14B50];
	v16 =	vmul.f32 v6, v15;
	v6 =	vmul.f32 v18, v15  }
0x2b3: {  	v11 =	vmul.f32 v14, v12;
	v12 =	vld [tilespmem:s20+$0x18B50];
	v15 =	vmul.f32 v1, v1;
	v7 =	vpop (erf)  }
0x2b4: {  	v8 =	vmul.f32 v7, v2;
	v9 =	vmul.f32 v7, v9;
	v2 =	vpop (erf)  }
0x2b5: {  	v13 =	vsub.f32 $0.0e+00, v10;
	v18 =	vmul.f32 v11, v14;
	v24 =	vmul.f32 v2, v6  }
0x2b6: {  	v11 =	vsub.f32 $0.0e+00, v17;
	v10 =	vmul.f32 v8, v19;
	v25 =	vmul.f32 v9, v20  }
0x2b7: {  	v2 =	vsub.f32 v23, v22;
	v20 =	vmul.f32 v8, v20;
	v19 =	vmul.f32 v9, v19  }
0x2b8: {  	v23 =	vmul.f32 v9, v21;
	v17 =	vadd.f32 v11, v13;
	v22 =	vmul.f32 v8, v12  }
0x2b9: {  	v18 =	vsub.f32 $1.500000000e+00, v18;
	v21 =	vmul.f32 v8, v21;
	v12 =	vmul.f32 v9, v12;
	v26 =	vpop (erf)  }
0x2ba: {  	v26 =	vmul.f32 v26, v6;
	v27 =	vsub.f32 v20, v19;
	v22 =	vsub.f32 v22, v23  }
0x2bb: {  	v19 =	vmul.f32 v2, v2;
	v20 =	vadd.f32 v25, v10;
	v21 =	vadd.f32 v12, v21  }
0x2bc: {  	s1 =	simm.s32 $0xC0;
	v12 =	vmul.f32 $6.000000000e+00, v24;
	v10 =	vsub.f32 v27, v22;
	v22 =	vmul.f32 $1.200000000e+01, v26  }
.LBB3_10:
0x2bd: {  	p5 =	sne.s32 s1, $0x1F00;
	v14 =	vmul.f32 v18, v14;
	v16 =	vmul.f32 v7, v16;
	v18 =	vadd.f32 v11, v11  }
0x2be: {  	v20 =	vsub.f32 v20, v21;
	v21 =	vmul.f32 v10, v22;
	v17 =	vmul.f32 v12, v17  }
0x2bf: {  	v15 =	vadd.f32 v19, v15;
	v19 =	vmul.f32 $4.000000000e+00, v13;
	v14 =	vmul.f32 v14, v5  }
0x2c0: {  	v13 =	vadd.f32 v13, v13;
	v16 =	vmul.f32 v20, v16;
	v17 =	vadd.f32 v21, v17  }
0x2c1: {  	v11 =	vmul.f32 $4.000000000e+00, v11;
	v5 =	vadd.f32 $1.000000010e-10, v15;
	v15 =	vld [tilespmem:s11+$0xFB80];
	v20 =	vmul.f32 v14, v14  }
0x2c2: {  	v22 =	vadd.f32 $1.000000010e-10, v14;
	v23 =	vmul.f32 v16, v9;
	v21 =	vld [tilespmem:s11+$0x1A380];
	v24 =	vmul.f32 v17, v8  }
0x2c3: {  	v25 =	vshra.s32 v5, $0x1;
	v26 =	vmul.f32 $5.000000000e-01, v5;
	v27 =	vld [tilespmem:s11+$0x1AB50];
	v28 =	vadd.f32 $1.000000010e-10, v20  }
0x2c4: {  	s2 =	sshra.s32 s1, $0x2;
	v25 =	vsub.s32 $0x5F3759DF, v25;
	v29 =	vld [tilespmem:s11+$0xEB80];
	(erf) = vrcp.f32 v22;
	v22 =	vadd.f32 v24, v23  }
0x2c5: {  	v18 =	vadd.f32 v18, v19;
	v24 =	vmul.f32 v25, v26;
	v23 =	vld [tilespmem:s2+$0x12380];
	(erf) = vrcp.f32 v28  }
0x2c6: {  	v9 =	vmul.f32 v17, v9;
	v14 =	vmul.f32 v20, v14;
	v19 =	vld [tilespmem:s2+$0x12B50];
	[tilespmem:s20+$0x1C380] =	vst v22;
	v17 =	vsub.f32 $0.0e+00, v22  }
0x2c7: {  	v11 =	vadd.f32 v11, v13;
	v8 =	vmul.f32 v16, v8;
	v20 =	vmul.f32 v25, v24;
	v22 =	vld [tilespmem:s11+$0x10B80]  }
0x2c8: {  	v6 =	vmul.f32 v7, v6;
	v10 =	vmul.f32 v10, v12;
	v13 =	vadd.f32 $1.000000010e-10, v14;
	v24 =	vld [tilespmem:s11+$0x16380];
	[tilespmem:s20+$0x1CB50] =	vst v17  }
0x2c9: {  	v8 =	vsub.f32 v8, v9;
	v7 =	vsub.f32 $1.500000000e+00, v20;
	v12 =	vld [tilespmem:s11+$0x18380]  }
0x2ca: {  	v9 =	vmul.f32 v6, v18;
	v20 =	vld [tilespmem:s11+$0x16B50];
	(erf) = vrcp.f32 v13  }
0x2cb: {  	v11 =	vmul.f32 v6, v11;
	v14 =	vmul.f32 v25, v7;
	v17 =	vld [tilespmem:s2+$0x14380];
	v18 =	vsub.f32 v19, v23;
	[tilespmem:s20+$0x1B380] =	vst v8  }
0x2cc: {  	v16 =	vmul.f32 v15, v29;
	v13 =	vsub.f32 $0.0e+00, v8;
	v19 =	vld [tilespmem:s2+$0x14B50];
	v6 =	vmul.f32 v22, v29  }
0x2cd: {  	v25 =	vadd.f32 v10, v9;
	v22 =	vmul.f32 v14, v26;
	v15 =	vmul.f32 v18, v18;
	v23 =	vld [tilespmem:s11+$0x18B50];
	v7 =	vpop (erf)  }
0x2ce: {  	v28 =	vadd.f32 v10, v11;
	v8 =	vmul.f32 v7, v3;
	v9 =	vmul.f32 v7, v4;
	v3 =	vpop (erf);
	[tilespmem:s20+$0x1BB50] =	vst v13  }
0x2cf: {  	v10 =	vmul.f32 v22, v14;
	v13 =	vsub.f32 $0.0e+00, v21;
	v26 =	vmul.f32 v3, v6;
	[tilespmem:s20+$0x1D380] =	vst v25;
	v3 =	vmovc v1  }
0x2d0: {  	v11 =	vsub.f32 $0.0e+00, v27;
	v1 =	vmovc v18;
	v21 =	vmul.f32 v8, v24;
	v22 =	vmul.f32 v9, v12;
	[tilespmem:s20+$0x1DB50] =	vst v28;
	s20 =	smov.u32 s11;
	s11 =	smov.u32 s15;
	s15 =	smov.u32 s2  }
0x2d1: {  	v4 =	vmovc v2;
	v12 =	vmul.f32 v8, v12;
	v24 =	vmul.f32 v9, v24;
	v2 =	vsub.f32 v19, v17  }
.Ltmp6:
0x2d2: {  	v25 =	vmul.f32 v9, v20;
	v17 =	vadd.f32 v11, v13;
	v19 =	vmul.f32 v8, v23;
	(pc) =	sbr.rel @p5 .LBB3_10-.Ltmp6, $4  }
0x2d3: {  	v18 =	vsub.f32 $1.500000000e+00, v10;
	v10 =	vmul.f32 v8, v20;
	v23 =	vmul.f32 v9, v23;
	v20 =	vpop (erf)  }
0x2d4: {  	v12 =	vsub.f32 v12, v24;
	v27 =	vmul.f32 v20, v6;
	v24 =	vsub.f32 v19, v25  }
0x2d5: {  	v19 =	vmul.f32 v2, v2;
	v20 =	vadd.f32 v22, v21;
	v21 =	vadd.f32 v23, v10  }
0x2d6: {  	s1 =	sadd.s32 $0x40, s1;
	v10 =	vsub.f32 v12, v24;
	v22 =	vmul.f32 $1.200000000e+01, v27;
	v12 =	vmul.f32 $6.000000000e+00, v26  }
0x2d7: {  	v14 =	vmul.f32 v18, v14;
	v16 =	vmul.f32 v7, v16  }
0x2d8: {  	v18 =	vsub.f32 v20, v21;
	v15 =	vadd.f32 v19, v15;
	v20 =	vmul.f32 v10, v22  }
0x2d9: {  	v17 =	vmul.f32 v12, v17;
	v5 =	vmul.f32 v14, v5  }
0x2da: {  	v14 =	vmul.f32 v18, v16;
	v15 =	vadd.f32 $1.000000010e-10, v15  }
0x2db: {  	v16 =	vadd.f32 v20, v17;
	v17 =	vmul.f32 $4.000000000e+00, v13;
	v18 =	vmul.f32 v5, v5  }
0x2dc: {  	v20 =	vadd.f32 $1.000000010e-10, v5;
	v21 =	vmul.f32 v14, v9;
	v24 =	vshra.s32 v15, $0x1  }
0x2dd: {  	v25 =	vmul.f32 $5.000000000e-01, v15;
	v22 =	vmul.f32 v16, v8;
	v26 =	vadd.f32 $1.000000010e-10, v18  }
0x2de: {  	v19 =	vld [tilespmem:s11+$0xFB80];
	v13 =	vadd.f32 v13, v13;
	v24 =	vsub.s32 $0x5F3759DF, v24;
	(erf) = vrcp.f32 v20  }
0x2df: {  	v23 =	vld [tilespmem:s11+$0x1A380];
	v28 =	vmul.f32 v24, v25;
	v20 =	vadd.f32 v22, v21;
	(erf) = vrcp.f32 v26  }
0x2e0: {  	v27 =	vld [tilespmem:s11+$0x1AB50];
	v9 =	vmul.f32 v16, v9;
	v5 =	vmul.f32 v18, v5;
	v21 =	vadd.f32 v11, v11  }
0x2e1: {  	v22 =	vld [tilespmem:s11+$0xEB80];
	v11 =	vmul.f32 $4.000000000e+00, v11;
	[tilespmem:s20+$0x1C380] =	vst v20;
	v18 =	vsub.f32 $0.0e+00, v20;
	v20 =	vmul.f32 v24, v28  }
0x2e2: {  	v8 =	vmul.f32 v14, v8;
	v5 =	vadd.f32 $1.000000010e-10, v5;
	v17 =	vadd.f32 v21, v17;
	v21 =	vld [tilespmem:s11+$0x10B80]  }
0x2e3: {  	v6 =	vmul.f32 v7, v6;
	v11 =	vadd.f32 v11, v13;
	v13 =	vsub.f32 $1.500000000e+00, v20  }
0x2e4: {  	v8 =	vsub.f32 v8, v9;
	v14 =	vld [tilespmem:s11+$0x16380];
	(erf) = vrcp.f32 v5;
	v5 =	vmul.f32 v10, v12;
	[tilespmem:s20+$0x1CB50] =	vst v18  }
0x2e5: {  	v12 =	vmul.f32 v6, v17;
	v7 =	vld [tilespmem:s11+$0x18380];
	v10 =	vmul.f32 v24, v13  }
0x2e6: {  	v6 =	vmul.f32 v6, v11;
	v9 =	vld [tilespmem:s11+$0x16B50];
	[tilespmem:s20+$0x1B380] =	vst v8;
	v19 =	vmul.f32 v19, v22  }
0x2e7: {  	v16 =	vld [tilespmem:s11+$0x18B50];
	v11 =	vmul.f32 v21, v22;
	v13 =	vmul.f32 v10, v25;
	v17 =	vpop (erf)  }
0x2e8: {  	v20 =	vsub.f32 $0.0e+00, v23;
	v3 =	vmul.f32 v17, v3;
	v4 =	vmul.f32 v17, v4;
	v18 =	vpop (erf)  }
0x2e9: {  	v8 =	vsub.f32 $0.0e+00, v8;
	v13 =	vmul.f32 v13, v10;
	v18 =	vmul.f32 v18, v11  }
0x2ea: {  	v21 =	vsub.f32 $0.0e+00, v27;
	v23 =	vmul.f32 v3, v14;
	v51 =	vmul.f32 v4, v7  }
0x2eb: {  	v12 =	vadd.f32 v5, v12;
	v7 =	vmul.f32 v3, v7;
	v14 =	vmul.f32 v4, v14  }
0x2ec: {  	v27 =	vadd.f32 v21, v20;
	v52 =	vmul.f32 v3, v16;
	v53 =	vmul.f32 v4, v9  }
0x2ed: {  	v9 =	vmul.f32 v3, v9;
	v16 =	vmul.f32 v4, v16;
	v13 =	vsub.f32 $1.500000000e+00, v13;
	v54 =	vpop (erf)  }
0x2ee: {  	v28 =	vmul.f32 v54, v11;
	v7 =	vsub.f32 v7, v14;
	v14 =	vsub.f32 v52, v53  }
0x2ef: {  	v22 =	vadd.f32 v51, v23;
	v9 =	vadd.f32 v16, v9;
	v16 =	vmul.f32 $6.000000000e+00, v18  }
0x2f0: {  	v10 =	vmul.f32 v13, v10;
	v7 =	vsub.f32 v7, v14;
	v14 =	vmul.f32 $1.200000000e+01, v28  }
0x2f1: {  	v13 =	vmul.f32 v17, v19;
	v9 =	vsub.f32 v22, v9;
	v18 =	vmul.f32 v16, v27  }
0x2f2: {  	v5 =	vadd.f32 v5, v6;
	v6 =	vmul.f32 v10, v15;
	v14 =	vmul.f32 v7, v14  }
0x2f3: {  	[tilespmem:s20+$0x1BB50] =	vst v8;
	v8 =	vmul.f32 v9, v13  }
0x2f4: {  	[tilespmem:s20+$0x1D380] =	vst v12;
	v12 =	vadd.f32 $1.000000010e-10, v6;
	v9 =	vadd.f32 v14, v18  }
0x2f5: {  	[tilespmem:s20+$0x1DB50] =	vst v5;
	v5 =	vmul.f32 v6, v6;
	v13 =	vmul.f32 v8, v4  }
0x2f6: {  	(erf) = vrcp.f32 v12;
	v14 =	vmul.f32 v9, v3  }
0x2f7: {  	v19 =	vld [tilespmem:s15+$0x1AB50];
	v18 =	vadd.f32 $1.000000010e-10, v5  }
0x2f8: {  	v10 =	vld [tilespmem:s15+$0xFB80];
	v12 =	vadd.f32 v14, v13  }
0x2f9: {  	v15 =	vld [tilespmem:s15+$0x1A380];
	v5 =	vmul.f32 v5, v6;
	(erf) = vrcp.f32 v18  }
0x2fa: {  	v4 =	vmul.f32 v9, v4;
	v13 =	vld [tilespmem:s15+$0xEB80];
	[tilespmem:s11+$0x1C380] =	vst v12  }
0x2fb: {  	v3 =	vmul.f32 v8, v3;
	v5 =	vadd.f32 $1.000000010e-10, v5;
	v6 =	vsub.f32 $0.0e+00, v12;
	v12 =	vld [tilespmem:s15+$0x10B80];
	_ =	sdelay $0x1  }
0x2fc: {  	v3 =	vsub.f32 v3, v4;
	(erf) = vrcp.f32 v5;
	v8 =	vld [tilespmem:s15+$0x16380];
	[tilespmem:s11+$0x1CB50] =	vst v6  }
0x2fd: {  	v6 =	vld [tilespmem:s15+$0x18380]  }
0x2fe: {  	v11 =	vmul.f32 v17, v11;
	v4 =	vld [tilespmem:s15+$0x16B50];
	[tilespmem:s11+$0x1B380] =	vst v3;
	v14 =	vpop (erf)  }
0x2ff: {  	v1 =	vmul.f32 v14, v1;
	v9 =	vmul.f32 v12, v13;
	v12 =	vld [tilespmem:s15+$0x18B50]  }
0x300: {  	v22 =	vadd.f32 v21, v21;
	v21 =	vmul.f32 $4.000000000e+00, v21;
	v2 =	vmul.f32 v14, v2  }
0x301: {  	v5 =	vmul.f32 $4.000000000e+00, v20;
	v18 =	vpop (erf);
	v23 =	vmul.f32 v1, v8  }
0x302: {  	v19 =	vsub.f32 $0.0e+00, v19;
	v8 =	vmul.f32 v2, v8;
	v18 =	vmul.f32 v18, v9  }
0x303: {  	v15 =	vsub.f32 $0.0e+00, v15;
	v55 =	vmul.f32 v2, v6;
	v6 =	vmul.f32 v1, v6  }
0x304: {  	v57 =	vmul.f32 v2, v4;
	v56 =	vmul.f32 v1, v12  }
0x305: {  	v58 =	vadd.f32 v19, v15;
	v4 =	vmul.f32 v1, v4;
	v59 =	vpop (erf);
	v12 =	vmul.f32 v2, v12  }
0x306: {  	v28 =	vmul.f32 v59, v9;
	v6 =	vsub.f32 v6, v8;
	v8 =	vsub.f32 v56, v57  }
0x307: {  	v10 =	vmul.f32 v10, v13;
	v13 =	vadd.f32 v55, v23;
	v4 =	vadd.f32 v12, v4  }
0x308: {  	v12 =	vmul.f32 $6.000000000e+00, v18;
	v6 =	vsub.f32 v6, v8;
	v8 =	vmul.f32 $1.200000000e+01, v28  }
0x309: {  	v20 =	vadd.f32 v20, v20;
	v5 =	vadd.f32 v22, v5;
	v10 =	vmul.f32 v14, v10  }
0x30a: {  	v4 =	vsub.f32 v13, v4;
	v13 =	vmul.f32 v12, v58;
	v8 =	vmul.f32 v6, v8  }
0x30b: {  	v7 =	vmul.f32 v7, v16;
	v17 =	vadd.f32 v21, v20;
	v5 =	vmul.f32 v11, v5  }
0x30c: {  	v3 =	vsub.f32 $0.0e+00, v3;
	v4 =	vmul.f32 v4, v10;
	v8 =	vadd.f32 v8, v13  }
0x30d: {  	v16 =	vmul.f32 $4.000000000e+00, v15;
	v5 =	vadd.f32 v7, v5;
	v10 =	vmul.f32 v11, v17  }
0x30e: {  	[tilespmem:s11+$0x1BB50] =	vst v3;
	v3 =	vadd.f32 v15, v15;
	v11 =	vmul.f32 v4, v2;
	v13 =	vmul.f32 v8, v1  }
0x30f: {  	v17 =	vmul.f32 $4.000000000e+00, v19;
	v7 =	vadd.f32 v7, v10;
	v10 =	vadd.f32 v19, v19  }
0x310: {  	v2 =	vmul.f32 v8, v2;
	v1 =	vmul.f32 v4, v1;
	v11 =	vadd.f32 v13, v11  }
0x311: {  	[tilespmem:s11+$0x1D380] =	vst v5;
	v3 =	vadd.f32 v17, v3;
	v4 =	vadd.f32 v10, v16;
	v8 =	vmul.f32 v14, v9  }
0x312: {  	[tilespmem:s11+$0x1DB50] =	vst v7;
	v1 =	vsub.f32 v1, v2;
	v5 =	vsub.f32 $0.0e+00, v11  }
0x313: {  	v2 =	vmul.f32 v6, v12;
	v4 =	vmul.f32 v8, v4;
	[tilespmem:s15+$0x1C380] =	vst v11  }
0x314: {  	v3 =	vmul.f32 v8, v3;
	[tilespmem:s15+$0x1CB50] =	vst v5;
	v5 =	vsub.f32 $0.0e+00, v1  }
0x315: {  	[tilespmem:s15+$0x1B380] =	vst v1;
	v1 =	vadd.f32 v2, v4  }
0x316: {  	v2 =	vadd.f32 v2, v3;
	[tilespmem:s15+$0x1BB50] =	vst v5  }
0x317: {  	[tilespmem:s15+$0x1D380] =	vst v1  }
0x318: {  	[tilespmem:s15+$0x1DB50] =	vst v2  }
0x319: {  	[spmem:s12] =	stream.indirect.scatter.add.f32 [tilespmem:s26], [sflag:$0x3], $0x1, s18, s19, $0xb8;
	[tilespmem:$0x1F000] =	vst v63  }
0x31a: {  	_ = 	snop  }
0x31b: {  	[spmem:s13] =	stream.indirect.scatter.add.f32 [tilespmem:s4], [sflag:$0x3], $0x1, s18, s19, $0xb8;
	[tilespmem:$0x1F000] =	vst v63  }
0x31c: {  	_ = 	snop  }
0x31d: {  	[spmem:s14] =	stream.indirect.scatter.add.f32 [tilespmem:s5], [sflag:$0x3], $0x1, s18, s19, $0xb8;
	[tilespmem:$0x1F000] =	vst v63  }
0x31e: {  	_ =	swait.ge [sflag:s29], $0x7D0  }
0x31f: {  	[sflag:s29] =	ssyncset.done $0x0  }
0x320: {  	[sflag:s29] =	ssyncadd.s32 $0xFFFFF830  }
0x321: {  	_ =	swait.ge [sflag:s29], $0x7D0  }
0x322: {  	[sflag:s29] =	ssyncset.done $0x0  }
0x323: {  	[sflag:s29] =	ssyncadd.s32 $0xFFFFF830  }
0x324: {  	_ =	swait.ge [sflag:s29], $0x7D0  }
0x325: {  	[sflag:s29] =	ssyncset.done $0x0  }
0x326: {  	[sflag:s29] =	ssyncadd.s32 $0xFFFFF830  }
0x327: {  	_ =	swait.ge [sflag:s29], $0x7D0  }
0x328: {  	[sflag:s29] =	ssyncset.done $0x0  }
0x329: {  	[sflag:s29] =	ssyncadd.s32 $0xFFFFF830  }
0x32a: {  	_ =	swait.ge [sflag:s29], $0x7D0  }
0x32b: {  	[sflag:s29] =	ssyncset.done $0x0  }
0x32c: {  	s1 =	simm.s32 $0x11380;
	[sflag:s29] =	ssyncadd.s32 $0xFFFFF830  }
0x32d: {  	[tilespmem:s1], [sflag:$0x2] =	stream.indirect.gather [spmem:s6], $0x1, s22, s19, $0xb8;
	[tilespmem:$0x1F000] =	vst v63  }
0x32e: {  	s15 =	simm.s32 $0x13380  }
0x32f: {  	[tilespmem:s15], [sflag:$0x2] =	stream.indirect.gather [spmem:s7], $0x1, s22, s19, $0xb8;
	[tilespmem:$0x1F000] =	vst v63  }
0x330: {  	s20 =	simm.s32 $0x15380  }
0x331: {  	[tilespmem:s20], [sflag:$0x2] =	stream.indirect.gather [spmem:s8], $0x1, s22, s19, $0xb8;
	[tilespmem:$0x1F000] =	vst v63  }
0x332: {  	s2 =	simm.s32 $0x17380  }
0x333: {  	[tilespmem:s2], [sflag:$0x2] =	stream.indirect.gather [spmem:s9], $0x1, s22, s19, $0xb8;
	[tilespmem:$0x1F000] =	vst v63  }
0x334: {  	s11 =	simm.s32 $0x19380  }
0x335: {  	[tilespmem:s11], [sflag:$0x2] =	stream.indirect.gather [spmem:s10], $0x1, s22, s19, $0xb8;
	[tilespmem:$0x1F000] =	vst v63  }
0x336: {  	_ =	swait.ge [sflag:s23], $0xFA0  }
0x337: {  	[sflag:s23] =	ssyncset.done $0x0  }
0x338: {  	[sflag:s23] =	ssyncadd.s32 $0xFFFFF060  }
0x339: {  	_ =	swait.ge [sflag:s23], $0xFA0  }
0x33a: {  	[sflag:s23] =	ssyncset.done $0x0  }
0x33b: {  	[sflag:s23] =	ssyncadd.s32 $0xFFFFF060  }
0x33c: {  	_ =	swait.ge [sflag:s23], $0xFA0  }
0x33d: {  	s15 =	sld [smem:$0x7CD];
	_ =	sdelay $0x2  }
0x33e: {  	s1 =	sadd.s32 s16, s15  }
0x33f: {  	[sflag:s23] =	ssyncset.done $0x0;
	s1 =	sshrl.u32 s1, $0x3  }
0x340: {  	s11 =	simm.s32 $0x0;
	[sflag:s23] =	ssyncadd.s32 $0xFFFFF060;
	s2 =	sadd.s32 s28, s1  }
0x341: {  	[tilespmem:s18], [sflag:$0x1] =	stream.linear.gather [hbm4b:s2+s11], $0x7D0, $0x38;
	[tilespmem:$0x1F000] =	vst v63  }
0x342: {  	s20 =	simm.s32 $0xDB50;
	s16 =	sadd.s32 s30, s1  }
0x343: {  	[tilespmem:s20], [sflag:$0x1] =	stream.linear.gather [hbm4b:s16+s11], $0x7D0, $0x38;
	[tilespmem:$0x1F000] =	vst v63  }
0x344: {  	s15 =	sadd.s32 s3, s1;
	s16 =	simm.s32 $0xEB80  }
0x345: {  	[tilespmem:s16], [sflag:$0x1] =	stream.linear.gather [hbm4b:s15+s11], $0x7D0, $0x38;
	[tilespmem:$0x1F000] =	vst v63  }
0x346: {  	s20 =	smov.u32 s3;
	s3 =	sadd.s32 s0, s1;
	s15 =	simm.s32 $0xFB80  }
0x347: {  	[tilespmem:s15], [sflag:$0x1] =	stream.linear.gather [hbm4b:s3+s11], $0x7D0, $0x38;
	[tilespmem:$0x1F000] =	vst v63  }
0x348: {  	s1 =	sadd.s32 s31, s1;
	s16 =	simm.s32 $0x10B80  }
0x349: {  	[tilespmem:s16], [sflag:$0x1] =	stream.linear.gather [hbm4b:s1+s11], $0x7D0, $0x38;
	[tilespmem:$0x1F000] =	vst v63  }
0x34a: {  	_ =	swait.ge [sflag:s25], $0xFA0  }
0x34b: {  	[sflag:s25] =	ssyncset.done $0x0  }
0x34c: {  	[sflag:s25] =	ssyncadd.s32 $0xFFFFF060  }
0x34d: {  	_ =	swait.ge [sflag:s25], $0xFA0  }
0x34e: {  	[sflag:s25] =	ssyncset.done $0x0  }
0x34f: {  	[sflag:s25] =	ssyncadd.s32 $0xFFFFF060  }
0x350: {  	_ =	swait.ge [sflag:s25], $0xFA0  }
0x351: {  	[sflag:s25] =	ssyncset.done $0x0  }
0x352: {  	[sflag:s25] =	ssyncadd.s32 $0xFFFFF060  }
0x353: {  	_ =	swait.ge [sflag:s25], $0xFA0  }
0x354: {  	[sflag:s25] =	ssyncset.done $0x0  }
0x355: {  	[sflag:s25] =	ssyncadd.s32 $0xFFFFF060  }
0x356: {  	_ =	swait.ge [sflag:s25], $0xFA0  }
0x357: {  	[sflag:s25] =	ssyncset.done $0x0  }
0x358: {  	s16 =	simm.s32 $0x0;
	[sflag:s25] =	ssyncadd.s32 $0xFFFFF060  }
0x359: {  	v1 =	vld [tilespmem:s16+$0x11380]  }
0x35a: {  	v2 =	vld [tilespmem:s16+$0x11B50]  }
0x35b: {  	v3 =	vld [tilespmem:s16+$0x13380]  }
0x35c: {  	v4 =	vld [tilespmem:s16+$0x13B50];
	_ =	sdelay $0x4  }
0x35d: {  	v2 =	vsub.f32 v2, v1;
	v9 =	vsub.f32 v4, v3;
	_ =	sdelay $0x1  }
0x35e: {  	v1 =	vmul.f32 v2, v2;
	v3 =	vmul.f32 v9, v9;
	_ =	sdelay $0x1  }
0x35f: {  	v1 =	vadd.f32 v3, v1;
	_ =	sdelay $0x1  }
0x360: {  	v1 =	vadd.f32 $1.000000010e-10, v1;
	_ =	sdelay $0x1  }
0x361: {  	v3 =	vshra.s32 v1, $0x1;
	v4 =	vmul.f32 $5.000000000e-01, v1  }
0x362: {  	v3 =	vsub.s32 $0x5F3759DF, v3  }
0x363: {  	v5 =	vmul.f32 v3, v4;
	_ =	sdelay $0x1  }
0x364: {  	v5 =	vmul.f32 v3, v5  }
0x365: {  	s11 =	simm.s32 $0x10  }
0x366: {  	v6 =	vld [tilespmem:s11+$0x11380];
	v5 =	vsub.f32 $1.500000000e+00, v5  }
0x367: {  	v8 =	vld [tilespmem:s11+$0x13380]  }
0x368: {  	v10 =	vld [tilespmem:s11+$0x13B50];
	v5 =	vmul.f32 v3, v5  }
0x369: {  	v7 =	vld [tilespmem:s11+$0x11B50]  }
0x36a: {  	v3 =	vmul.f32 v5, v4;
	_ =	sdelay $0x1  }
0x36b: {  	v11 =	vmul.f32 v3, v5  }
0x36c: {  	v4 =	vsub.f32 v10, v8  }
0x36d: {  	v3 =	vsub.f32 v7, v6;
	v6 =	vsub.f32 $1.500000000e+00, v11  }
0x36e: {  	v8 =	vmul.f32 v4, v4  }
0x36f: {  	v7 =	vmul.f32 v3, v3;
	v5 =	vmul.f32 v6, v5;
	_ =	sdelay $0x1  }
0x370: {  	v6 =	vadd.f32 v8, v7;
	v1 =	vmul.f32 v5, v1;
	_ =	sdelay $0x1  }
0x371: {  	v17 =	vld [tilespmem:s16+$0x19B50];
	v5 =	vadd.f32 $1.000000010e-10, v6;
	v7 =	vmul.f32 v1, v1  }
0x372: {  	v15 =	vld [tilespmem:s16+$0xE380];
	v8 =	vadd.f32 $1.000000010e-10, v1  }
0x373: {  	v18 =	vld [tilespmem:s16+$0x10380];
	v11 =	vshra.s32 v5, $0x1;
	v12 =	vmul.f32 $5.000000000e-01, v5;
	v13 =	vadd.f32 $1.000000010e-10, v7  }
0x374: {  	s15 =	simm.s32 $0x20;
	v19 =	vld [tilespmem:s16+$0x15380];
	v11 =	vsub.s32 $0x5F3759DF, v11;
	(erf) = vrcp.f32 v8  }
0x375: {  	v8 =	vld [tilespmem:s15+$0x11380];
	v14 =	vmul.f32 v11, v12;
	(erf) = vrcp.f32 v13  }
0x376: {  	v1 =	vmul.f32 v7, v1;
	v13 =	vld [tilespmem:s15+$0x11B50]  }
0x377: {  	v6 =	vld [tilespmem:s16+$0xF380];
	v7 =	vmul.f32 v11, v14  }
0x378: {  	v20 =	vld [tilespmem:s16+$0x17380];
	v1 =	vadd.f32 $1.000000010e-10, v1  }
0x379: {  	v21 =	vld [tilespmem:s16+$0x15B50];
	v7 =	vsub.f32 $1.500000000e+00, v7  }
0x37a: {  	v10 =	vld [tilespmem:s16+$0x19380];
	(erf) = vrcp.f32 v1  }
0x37b: {  	v22 =	vld [tilespmem:s15+$0x13380];
	v14 =	vmul.f32 v11, v7;
	v1 =	vsub.f32 v13, v8  }
0x37c: {  	v23 =	vld [tilespmem:s15+$0x13B50];
	v16 =	vmul.f32 v6, v15;
	v6 =	vmul.f32 v18, v15  }
0x37d: {  	v11 =	vmul.f32 v14, v12;
	v12 =	vld [tilespmem:s16+$0x17B50];
	v15 =	vmul.f32 v1, v1;
	v7 =	vpop (erf)  }
0x37e: {  	v8 =	vmul.f32 v7, v2;
	v9 =	vmul.f32 v7, v9;
	v2 =	vpop (erf)  }
0x37f: {  	v13 =	vsub.f32 $0.0e+00, v10;
	v18 =	vmul.f32 v11, v14;
	v60 =	vmul.f32 v2, v6  }
0x380: {  	v11 =	vsub.f32 $0.0e+00, v17;
	v10 =	vmul.f32 v8, v19;
	v61 =	vmul.f32 v9, v20  }
0x381: {  	v2 =	vsub.f32 v23, v22;
	v20 =	vmul.f32 v8, v20;
	v19 =	vmul.f32 v9, v19  }
0x382: {  	v23 =	vmul.f32 v9, v21;
	v17 =	vadd.f32 v11, v13;
	v22 =	vmul.f32 v8, v12  }
0x383: {  	v18 =	vsub.f32 $1.500000000e+00, v18;
	v21 =	vmul.f32 v8, v21;
	v12 =	vmul.f32 v9, v12;
	v62 =	vpop (erf)  }
0x384: {  	v26 =	vmul.f32 v62, v6;
	v63 =	vsub.f32 v20, v19;
	v22 =	vsub.f32 v22, v23  }
0x385: {  	v19 =	vmul.f32 v2, v2;
	v20 =	vadd.f32 v61, v10;
	v21 =	vadd.f32 v12, v21  }
0x386: {  	s1 =	simm.s32 $0xC0;
	v12 =	vmul.f32 $6.000000000e+00, v60;
	v10 =	vsub.f32 v63, v22;
	v22 =	vmul.f32 $1.200000000e+01, v26  }
.LBB3_12:
0x387: {  	p5 =	sne.s32 s1, $0x1F00;
	v14 =	vmul.f32 v18, v14;
	v16 =	vmul.f32 v7, v16;
	v18 =	vadd.f32 v11, v11  }
0x388: {  	v20 =	vsub.f32 v20, v21;
	v21 =	vmul.f32 v10, v22;
	v17 =	vmul.f32 v12, v17  }
0x389: {  	v15 =	vadd.f32 v19, v15;
	v19 =	vmul.f32 $4.000000000e+00, v13;
	v14 =	vmul.f32 v14, v5  }
0x38a: {  	v13 =	vadd.f32 v13, v13;
	v16 =	vmul.f32 v20, v16;
	v17 =	vadd.f32 v21, v17  }
0x38b: {  	v11 =	vmul.f32 $4.000000000e+00, v11;
	v5 =	vadd.f32 $1.000000010e-10, v15;
	v15 =	vld [tilespmem:s11+$0xF380];
	v20 =	vmul.f32 v14, v14  }
0x38c: {  	v22 =	vadd.f32 $1.000000010e-10, v14;
	v23 =	vmul.f32 v16, v9;
	v21 =	vld [tilespmem:s11+$0x19380];
	v24 =	vmul.f32 v17, v8  }
0x38d: {  	v25 =	vshra.s32 v5, $0x1;
	v26 =	vmul.f32 $5.000000000e-01, v5;
	v27 =	vld [tilespmem:s11+$0x19B50];
	v28 =	vadd.f32 $1.000000010e-10, v20  }
0x38e: {  	s2 =	sshra.s32 s1, $0x2;
	v25 =	vsub.s32 $0x5F3759DF, v25;
	v29 =	vld [tilespmem:s11+$0xE380];
	(erf) = vrcp.f32 v22;
	v22 =	vadd.f32 v24, v23  }
0x38f: {  	v18 =	vadd.f32 v18, v19;
	v24 =	vmul.f32 v25, v26;
	v23 =	vld [tilespmem:s2+$0x11380];
	(erf) = vrcp.f32 v28  }
0x390: {  	v9 =	vmul.f32 v17, v9;
	v14 =	vmul.f32 v20, v14;
	v19 =	vld [tilespmem:s2+$0x11B50];
	[tilespmem:s16+$0x1C380] =	vst v22;
	v17 =	vsub.f32 $0.0e+00, v22  }
0x391: {  	v11 =	vadd.f32 v11, v13;
	v8 =	vmul.f32 v16, v8;
	v20 =	vmul.f32 v25, v24;
	v22 =	vld [tilespmem:s11+$0x10380]  }
0x392: {  	v6 =	vmul.f32 v7, v6;
	v10 =	vmul.f32 v10, v12;
	v13 =	vadd.f32 $1.000000010e-10, v14;
	v24 =	vld [tilespmem:s11+$0x15380];
	[tilespmem:s16+$0x1CB50] =	vst v17  }
0x393: {  	v8 =	vsub.f32 v8, v9;
	v7 =	vsub.f32 $1.500000000e+00, v20;
	v12 =	vld [tilespmem:s11+$0x17380]  }
0x394: {  	v9 =	vmul.f32 v6, v18;
	v20 =	vld [tilespmem:s11+$0x15B50];
	(erf) = vrcp.f32 v13  }
0x395: {  	v11 =	vmul.f32 v6, v11;
	v14 =	vmul.f32 v25, v7;
	v17 =	vld [tilespmem:s2+$0x13380];
	v18 =	vsub.f32 v19, v23;
	[tilespmem:s16+$0x1B380] =	vst v8  }
0x396: {  	v16 =	vmul.f32 v15, v29;
	v13 =	vsub.f32 $0.0e+00, v8;
	v19 =	vld [tilespmem:s2+$0x13B50];
	v6 =	vmul.f32 v22, v29  }
0x397: {  	v25 =	vadd.f32 v10, v9;
	v22 =	vmul.f32 v14, v26;
	v15 =	vmul.f32 v18, v18;
	v23 =	vld [tilespmem:s11+$0x17B50];
	v7 =	vpop (erf)  }
0x398: {  	v28 =	vadd.f32 v10, v11;
	v8 =	vmul.f32 v7, v3;
	v9 =	vmul.f32 v7, v4;
	v3 =	vpop (erf);
	[tilespmem:s16+$0x1BB50] =	vst v13  }
0x399: {  	v10 =	vmul.f32 v22, v14;
	v13 =	vsub.f32 $0.0e+00, v21;
	v26 =	vmul.f32 v3, v6;
	[tilespmem:s16+$0x1D380] =	vst v25;
	v3 =	vmovc v1  }
0x39a: {  	v11 =	vsub.f32 $0.0e+00, v27;
	v1 =	vmovc v18;
	v21 =	vmul.f32 v8, v24;
	v22 =	vmul.f32 v9, v12;
	[tilespmem:s16+$0x1DB50] =	vst v28;
	s16 =	smov.u32 s11;
	s11 =	smov.u32 s15;
	s15 =	smov.u32 s2  }
0x39b: {  	v4 =	vmovc v2;
	v12 =	vmul.f32 v8, v12;
	v24 =	vmul.f32 v9, v24;
	v2 =	vsub.f32 v19, v17  }
.Ltmp7:
0x39c: {  	v25 =	vmul.f32 v9, v20;
	v17 =	vadd.f32 v11, v13;
	v19 =	vmul.f32 v8, v23;
	(pc) =	sbr.rel @p5 .LBB3_12-.Ltmp7, $4  }
0x39d: {  	v18 =	vsub.f32 $1.500000000e+00, v10;
	v10 =	vmul.f32 v8, v20;
	v23 =	vmul.f32 v9, v23;
	v20 =	vpop (erf)  }
0x39e: {  	v12 =	vsub.f32 v12, v24;
	v27 =	vmul.f32 v20, v6;
	v24 =	vsub.f32 v19, v25  }
0x39f: {  	v19 =	vmul.f32 v2, v2;
	v20 =	vadd.f32 v22, v21;
	v21 =	vadd.f32 v23, v10  }
0x3a0: {  	s1 =	sadd.s32 $0x40, s1;
	v10 =	vsub.f32 v12, v24;
	v22 =	vmul.f32 $1.200000000e+01, v27;
	v12 =	vmul.f32 $6.000000000e+00, v26  }
0x3a1: {  	v14 =	vmul.f32 v18, v14;
	v16 =	vmul.f32 v7, v16  }
0x3a2: {  	v51 =	vsub.f32 v20, v21;
	v15 =	vadd.f32 v19, v15;
	v52 =	vmul.f32 v10, v22  }
0x3a3: {  	v17 =	vmul.f32 v12, v17;
	v5 =	vmul.f32 v14, v5  }
0x3a4: {  	v53 =	vmul.f32 v51, v16;
	v15 =	vadd.f32 $1.000000010e-10, v15  }
0x3a5: {  	v55 =	vmul.f32 $4.000000000e+00, v13;
	v54 =	vadd.f32 v52, v17;
	v56 =	vmul.f32 v5, v5  }
0x3a6: {  	v58 =	vadd.f32 $1.000000010e-10, v5;
	v59 =	vmul.f32 v53, v9;
	v24 =	vshra.s32 v15, $0x1  }
0x3a7: {  	v25 =	vmul.f32 $5.000000000e-01, v15;
	v60 =	vmul.f32 v54, v8;
	v26 =	vadd.f32 $1.000000010e-10, v56  }
0x3a8: {  	v57 =	vld [tilespmem:s11+$0xF380];
	v32 =	vmul.f32 $4.000000000e+00, v11;
	v24 =	vsub.s32 $0x5F3759DF, v24;
	(erf) = vrcp.f32 v58  }
0x3a9: {  	v23 =	vld [tilespmem:s11+$0x19380];
	v28 =	vmul.f32 v24, v25;
	v61 =	vadd.f32 v60, v59;
	(erf) = vrcp.f32 v26  }
0x3aa: {  	v27 =	vld [tilespmem:s11+$0x19B50];
	v62 =	vadd.f32 v11, v11;
	v6 =	vmul.f32 v7, v6;
	v5 =	vmul.f32 v56, v5  }
0x3ab: {  	v63 =	vld [tilespmem:s11+$0xE380];
	v31 =	vadd.f32 v13, v13;
	v37 =	vmul.f32 v53, v8;
	v34 =	vmul.f32 v24, v28;
	[tilespmem:s16+$0x1C380] =	vst v61  }
0x3ac: {  	v36 =	vmul.f32 v54, v9;
	v5 =	vadd.f32 $1.000000010e-10, v5;
	v33 =	vsub.f32 $0.0e+00, v61;
	v35 =	vld [tilespmem:s11+$0x10380]  }
0x3ad: {  	v41 =	vmul.f32 v10, v12;
	v17 =	vadd.f32 v62, v55;
	v39 =	vsub.f32 $1.500000000e+00, v34  }
0x3ae: {  	v11 =	vadd.f32 v32, v31;
	v8 =	vsub.f32 v37, v36;
	v38 =	vld [tilespmem:s11+$0x15380];
	(erf) = vrcp.f32 v5;
	[tilespmem:s16+$0x1CB50] =	vst v33  }
0x3af: {  	v44 =	vmul.f32 v6, v17;
	v40 =	vld [tilespmem:s11+$0x17380];
	v43 =	vmul.f32 v24, v39  }
0x3b0: {  	v6 =	vmul.f32 v6, v11;
	v19 =	vmul.f32 v57, v63;
	v42 =	vld [tilespmem:s11+$0x15B50];
	[tilespmem:s16+$0x1B380] =	vst v8  }
0x3b1: {  	v45 =	vld [tilespmem:s11+$0x17B50];
	v13 =	vmul.f32 v43, v25;
	v11 =	vmul.f32 v35, v63;
	v17 =	vpop (erf)  }
0x3b2: {  	v47 =	vsub.f32 $0.0e+00, v23;
	v3 =	vmul.f32 v17, v3;
	v4 =	vmul.f32 v17, v4;
	v46 =	vpop (erf)  }
0x3b3: {  	v48 =	vsub.f32 $0.0e+00, v27;
	v13 =	vmul.f32 v13, v43;
	v18 =	vmul.f32 v46, v11  }
0x3b4: {  	v49 =	vmul.f32 v3, v38;
	v50 =	vmul.f32 v4, v40  }
0x3b5: {  	v27 =	vadd.f32 v48, v47;
	v7 =	vmul.f32 v3, v40;
	v14 =	vmul.f32 v4, v38  }
0x3b6: {  	v12 =	vadd.f32 v41, v44;
	v51 =	vmul.f32 v3, v45;
	v52 =	vmul.f32 v4, v42  }
0x3b7: {  	v13 =	vsub.f32 $1.500000000e+00, v13;
	v9 =	vmul.f32 v3, v42;
	v16 =	vmul.f32 v4, v45;
	v53 =	vpop (erf)  }
0x3b8: {  	v28 =	vmul.f32 v53, v11;
	v7 =	vsub.f32 v7, v14;
	v54 =	vsub.f32 v51, v52  }
0x3b9: {  	v55 =	vadd.f32 v50, v49;
	v9 =	vadd.f32 v16, v9;
	v10 =	vmul.f32 v13, v43  }
0x3ba: {  	v57 =	vmul.f32 $6.000000000e+00, v18;
	v7 =	vsub.f32 v7, v54;
	v56 =	vmul.f32 $1.200000000e+01, v28  }
0x3bb: {  	v5 =	vadd.f32 v41, v6;
	v58 =	vmul.f32 v17, v19;
	v59 =	vmul.f32 v10, v15  }
0x3bc: {  	v9 =	vsub.f32 v55, v9;
	v18 =	vmul.f32 v57, v27;
	v14 =	vmul.f32 v7, v56  }
0x3bd: {  	v8 =	vsub.f32 $0.0e+00, v8;
	v28 =	vadd.f32 $1.000000010e-10, v59  }
0x3be: {  	[tilespmem:s16+$0x1D380] =	vst v12;
	v60 =	vmul.f32 v9, v58;
	v62 =	vmul.f32 v59, v59;
	v61 =	vadd.f32 v14, v18  }
0x3bf: {  	[tilespmem:s16+$0x1DB50] =	vst v5;
	(erf) = vrcp.f32 v28  }
0x3c0: {  	[tilespmem:s16+$0x1BB50] =	vst v8;
	v13 =	vmul.f32 v60, v4;
	v30 =	vadd.f32 $1.000000010e-10, v62;
	v14 =	vmul.f32 v61, v3  }
0x3c1: {  	v63 =	vld [tilespmem:s15+$0xF380];
	v5 =	vmul.f32 v62, v59  }
0x3c2: {  	v29 =	vld [tilespmem:s15+$0x19380];
	(erf) = vrcp.f32 v30;
	v32 =	vadd.f32 v14, v13  }
0x3c3: {  	v31 =	vld [tilespmem:s15+$0x19B50];
	v5 =	vadd.f32 $1.000000010e-10, v5  }
0x3c4: {  	v33 =	vld [tilespmem:s15+$0xE380];
	v4 =	vmul.f32 v61, v4;
	v3 =	vmul.f32 v60, v3;
	[tilespmem:s11+$0x1C380] =	vst v32;
	v34 =	vsub.f32 $0.0e+00, v32  }
0x3c5: {  	(erf) = vrcp.f32 v5;
	v35 =	vld [tilespmem:s15+$0x10380]  }
0x3c6: {  	v3 =	vsub.f32 v3, v4;
	v36 =	vld [tilespmem:s15+$0x15380];
	[tilespmem:s11+$0x1CB50] =	vst v34  }
0x3c7: {  	v6 =	vld [tilespmem:s15+$0x17380]  }
0x3c8: {  	v21 =	vmul.f32 $4.000000000e+00, v48;
	v38 =	vmul.f32 $4.000000000e+00, v47;
	v37 =	vld [tilespmem:s15+$0x15B50];
	[tilespmem:s11+$0x1B380] =	vst v3;
	v41 =	vpop (erf)  }
0x3c9: {  	v11 =	vmul.f32 v17, v11;
	v40 =	vld [tilespmem:s15+$0x17B50];
	v1 =	vmul.f32 v41, v1  }
0x3ca: {  	v2 =	vmul.f32 v41, v2;
	v39 =	vmul.f32 v35, v33  }
0x3cb: {  	v20 =	vadd.f32 v47, v47;
	v10 =	vmul.f32 v63, v33;
	v18 =	vpop (erf);
	v43 =	vmul.f32 v1, v36  }
0x3cc: {  	v42 =	vadd.f32 v48, v48;
	v8 =	vmul.f32 v2, v36;
	v18 =	vmul.f32 v18, v39  }
0x3cd: {  	v19 =	vsub.f32 $0.0e+00, v31;
	v44 =	vmul.f32 v2, v6;
	v6 =	vmul.f32 v1, v6  }
0x3ce: {  	v15 =	vsub.f32 $0.0e+00, v29;
	v48 =	vpop (erf);
	v46 =	vmul.f32 v2, v37;
	v45 =	vmul.f32 v1, v40  }
0x3cf: {  	v54 =	vadd.f32 v21, v20;
	v4 =	vmul.f32 v1, v37;
	v28 =	vmul.f32 v48, v39  }
0x3d0: {  	v12 =	vmul.f32 v2, v40;
	v6 =	vsub.f32 v6, v8;
	v49 =	vsub.f32 v45, v46  }
0x3d1: {  	v47 =	vadd.f32 v19, v15;
	v50 =	vadd.f32 v44, v43;
	v51 =	vmul.f32 $1.200000000e+01, v28  }
0x3d2: {  	v52 =	vmul.f32 $6.000000000e+00, v18;
	v4 =	vadd.f32 v12, v4;
	v6 =	vsub.f32 v6, v49  }
0x3d3: {  	v7 =	vmul.f32 v7, v57;
	v5 =	vadd.f32 v42, v38;
	v10 =	vmul.f32 v41, v10  }
0x3d4: {  	v53 =	vmul.f32 v52, v47;
	v4 =	vsub.f32 v50, v4;
	v8 =	vmul.f32 v6, v51  }
0x3d5: {  	v55 =	vmul.f32 v11, v54;
	v57 =	vadd.f32 v19, v19;
	v5 =	vmul.f32 v11, v5  }
0x3d6: {  	v58 =	vmul.f32 $4.000000000e+00, v15;
	v4 =	vmul.f32 v4, v10;
	v8 =	vadd.f32 v8, v53  }
0x3d7: {  	v59 =	vmul.f32 $4.000000000e+00, v19;
	v5 =	vadd.f32 v7, v5;
	v3 =	vsub.f32 $0.0e+00, v3  }
0x3d8: {  	v7 =	vadd.f32 v7, v55;
	v56 =	vmul.f32 v4, v2;
	v13 =	vmul.f32 v8, v1  }
0x3d9: {  	[tilespmem:s11+$0x1BB50] =	vst v3;
	v3 =	vadd.f32 v15, v15;
	v2 =	vmul.f32 v8, v2;
	v1 =	vmul.f32 v4, v1  }
0x3da: {  	v60 =	vadd.f32 v57, v58;
	[tilespmem:s11+$0x1D380] =	vst v5;
	v62 =	vmul.f32 v41, v39;
	v11 =	vadd.f32 v13, v56  }
0x3db: {  	[tilespmem:s11+$0x1DB50] =	vst v7;
	v3 =	vadd.f32 v59, v3;
	v1 =	vsub.f32 v1, v2  }
0x3dc: {  	v4 =	vmul.f32 v62, v60;
	v2 =	vmul.f32 v6, v52;
	v61 =	vsub.f32 $0.0e+00, v11;
	[tilespmem:s15+$0x1C380] =	vst v11  }
0x3dd: {  	v3 =	vmul.f32 v62, v3;
	v63 =	vsub.f32 $0.0e+00, v1;
	[tilespmem:s15+$0x1B380] =	vst v1  }
0x3de: {  	v1 =	vadd.f32 v2, v4;
	[tilespmem:s15+$0x1CB50] =	vst v61  }
0x3df: {  	v2 =	vadd.f32 v2, v3;
	[tilespmem:s15+$0x1BB50] =	vst v63  }
0x3e0: {  	[tilespmem:s15+$0x1D380] =	vst v1  }
0x3e1: {  	[tilespmem:s15+$0x1DB50] =	vst v2  }
0x3e2: {  	[spmem:s12] =	stream.indirect.scatter.add.f32 [tilespmem:s26], [sflag:$0x3], $0x1, s22, s19, $0xb8;
	[tilespmem:$0x1F000] =	vst v63  }
0x3e3: {  	_ = 	snop  }
0x3e4: {  	[spmem:s13] =	stream.indirect.scatter.add.f32 [tilespmem:s4], [sflag:$0x3], $0x1, s22, s19, $0xb8;
	[tilespmem:$0x1F000] =	vst v63  }
0x3e5: {  	_ = 	snop  }
0x3e6: {  	[spmem:s14] =	stream.indirect.scatter.add.f32 [tilespmem:s5], [sflag:$0x3], $0x1, s22, s19, $0xb8;
	[tilespmem:$0x1F000] =	vst v63  }
0x3e7: {  	_ =	swait.ge [sflag:s29], $0x7D0  }
0x3e8: {  	[sflag:s29] =	ssyncset.done $0x0  }
0x3e9: {  	[sflag:s29] =	ssyncadd.s32 $0xFFFFF830  }
0x3ea: {  	_ =	swait.ge [sflag:s29], $0x7D0  }
0x3eb: {  	[sflag:s29] =	ssyncset.done $0x0  }
0x3ec: {  	[sflag:s29] =	ssyncadd.s32 $0xFFFFF830  }
0x3ed: {  	_ =	swait.ge [sflag:s29], $0x7D0  }
0x3ee: {  	[sflag:s29] =	ssyncset.done $0x0  }
0x3ef: {  	[sflag:s29] =	ssyncadd.s32 $0xFFFFF830  }
0x3f0: {  	_ =	swait.ge [sflag:s29], $0x7D0  }
0x3f1: {  	[sflag:s29] =	ssyncset.done $0x0  }
0x3f2: {  	[sflag:s29] =	ssyncadd.s32 $0xFFFFF830  }
0x3f3: {  	_ =	swait.ge [sflag:s29], $0x7D0  }
0x3f4: {  	[sflag:s29] =	ssyncset.done $0x0  }
0x3f5: {  	s1 =	simm.s32 $0x12380;
	[sflag:s29] =	ssyncadd.s32 $0xFFFFF830  }
0x3f6: {  	[tilespmem:s1], [sflag:$0x2] =	stream.indirect.gather [spmem:s6], $0x1, s18, s19, $0xb8;
	[tilespmem:$0x1F000] =	vst v63  }
0x3f7: {  	s3 =	simm.s32 $0x14380;
	s17 =	sadd.s32 $0x1, s17  }
0x3f8: {  	[tilespmem:s3], [sflag:$0x2] =	stream.indirect.gather [spmem:s7], $0x1, s18, s19, $0xb8;
	[tilespmem:$0x1F000] =	vst v63  }
0x3f9: {  	p5 =	sne.s32 s17, $0x31;
	s11 =	simm.s32 $0x16380  }
0x3fa: {  	[tilespmem:s11], [sflag:$0x2] =	stream.indirect.gather [spmem:s8], $0x1, s18, s19, $0xb8;
	[tilespmem:$0x1F000] =	vst v63  }
.Ltmp8:
0x3fb: {  	_ = 	snop;
	(pc) =	sbr.rel @p5 .LBB3_9-.Ltmp8, $4  }
0x3fc: {  	s15 =	simm.s32 $0x18380  }
0x3fd: {  	[tilespmem:s15], [sflag:$0x2] =	stream.indirect.gather [spmem:s9], $0x1, s18, s19, $0xb8;
	[tilespmem:$0x1F000] =	vst v63  }
0x3fe: {  	s16 =	simm.s32 $0x1A380  }
0x3ff: {  	[tilespmem:s16], [sflag:$0x2] =	stream.indirect.gather [spmem:s10], $0x1, s18, s19, $0xb8;
	[tilespmem:$0x1F000] =	vst v63  }
0x400: {  	_ =	swait.ge [sflag:s23], $0xFA0  }
0x401: {  	[sflag:s23] =	ssyncset.done $0x0  }
0x402: {  	[sflag:s23] =	ssyncadd.s32 $0xFFFFF060  }
0x403: {  	_ =	swait.ge [sflag:s23], $0xFA0  }
0x404: {  	[sflag:s23] =	ssyncset.done $0x0  }
0x405: {  	[sflag:s23] =	ssyncadd.s32 $0xFFFFF060  }
0x406: {  	_ =	swait.ge [sflag:s23], $0xFA0  }
0x407: {  	[sflag:s23] =	ssyncset.done $0x0  }
0x408: {  	[sflag:s23] =	ssyncadd.s32 $0xFFFFF060  }
0x409: {  	_ =	swait.ge [sflag:s25], $0xFA0  }
0x40a: {  	[sflag:s25] =	ssyncset.done $0x0  }
0x40b: {  	[sflag:s25] =	ssyncadd.s32 $0xFFFFF060  }
0x40c: {  	_ =	swait.ge [sflag:s25], $0xFA0  }
0x40d: {  	[sflag:s25] =	ssyncset.done $0x0  }
0x40e: {  	[sflag:s25] =	ssyncadd.s32 $0xFFFFF060  }
0x40f: {  	_ =	swait.ge [sflag:s25], $0xFA0  }
0x410: {  	[sflag:s25] =	ssyncset.done $0x0  }
0x411: {  	[sflag:s25] =	ssyncadd.s32 $0xFFFFF060  }
0x412: {  	_ =	swait.ge [sflag:s25], $0xFA0  }
0x413: {  	[sflag:s25] =	ssyncset.done $0x0  }
0x414: {  	[sflag:s25] =	ssyncadd.s32 $0xFFFFF060  }
0x415: {  	_ =	swait.ge [sflag:s25], $0xFA0  }
0x416: {  	[sflag:s25] =	ssyncset.done $0x0  }
0x417: {  	s16 =	simm.s32 $0x0;
	[sflag:s25] =	ssyncadd.s32 $0xFFFFF060  }
0x418: {  	v1 =	vld [tilespmem:s16+$0x12380]  }
0x419: {  	v2 =	vld [tilespmem:s16+$0x12B50]  }
0x41a: {  	v3 =	vld [tilespmem:s16+$0x14380]  }
0x41b: {  	v4 =	vld [tilespmem:s16+$0x14B50];
	_ =	sdelay $0x4  }
0x41c: {  	v2 =	vsub.f32 v2, v1;
	v9 =	vsub.f32 v4, v3;
	_ =	sdelay $0x1  }
0x41d: {  	v1 =	vmul.f32 v2, v2;
	v3 =	vmul.f32 v9, v9;
	_ =	sdelay $0x1  }
0x41e: {  	v1 =	vadd.f32 v3, v1;
	_ =	sdelay $0x1  }
0x41f: {  	v1 =	vadd.f32 $1.000000010e-10, v1;
	_ =	sdelay $0x1  }
0x420: {  	v3 =	vshra.s32 v1, $0x1;
	v4 =	vmul.f32 $5.000000000e-01, v1  }
0x421: {  	v3 =	vsub.s32 $0x5F3759DF, v3  }
0x422: {  	v5 =	vmul.f32 v3, v4;
	_ =	sdelay $0x1  }
0x423: {  	v5 =	vmul.f32 v3, v5  }
0x424: {  	s11 =	simm.s32 $0x10  }
0x425: {  	v6 =	vld [tilespmem:s11+$0x12380];
	v5 =	vsub.f32 $1.500000000e+00, v5  }
0x426: {  	v8 =	vld [tilespmem:s11+$0x14380]  }
0x427: {  	v10 =	vld [tilespmem:s11+$0x14B50];
	v5 =	vmul.f32 v3, v5  }
0x428: {  	v7 =	vld [tilespmem:s11+$0x12B50]  }
0x429: {  	v3 =	vmul.f32 v5, v4;
	_ =	sdelay $0x1  }
0x42a: {  	v11 =	vmul.f32 v3, v5  }
0x42b: {  	v4 =	vsub.f32 v10, v8  }
0x42c: {  	v3 =	vsub.f32 v7, v6;
	v6 =	vsub.f32 $1.500000000e+00, v11  }
0x42d: {  	v8 =	vmul.f32 v4, v4  }
0x42e: {  	v7 =	vmul.f32 v3, v3;
	v5 =	vmul.f32 v6, v5;
	_ =	sdelay $0x1  }
0x42f: {  	v6 =	vadd.f32 v8, v7;
	v1 =	vmul.f32 v5, v1;
	_ =	sdelay $0x1  }
0x430: {  	v17 =	vld [tilespmem:s16+$0x1AB50];
	v5 =	vadd.f32 $1.000000010e-10, v6;
	v7 =	vmul.f32 v1, v1  }
0x431: {  	v15 =	vld [tilespmem:s16+$0xEB80];
	v8 =	vadd.f32 $1.000000010e-10, v1  }
0x432: {  	v18 =	vld [tilespmem:s16+$0x10B80];
	v11 =	vshra.s32 v5, $0x1;
	v12 =	vmul.f32 $5.000000000e-01, v5;
	v13 =	vadd.f32 $1.000000010e-10, v7  }
0x433: {  	s15 =	simm.s32 $0x20;
	v19 =	vld [tilespmem:s16+$0x16380];
	v11 =	vsub.s32 $0x5F3759DF, v11;
	(erf) = vrcp.f32 v8  }
0x434: {  	v8 =	vld [tilespmem:s15+$0x12380];
	v14 =	vmul.f32 v11, v12;
	(erf) = vrcp.f32 v13  }
0x435: {  	v1 =	vmul.f32 v7, v1;
	v13 =	vld [tilespmem:s15+$0x12B50]  }
0x436: {  	v6 =	vld [tilespmem:s16+$0xFB80];
	v7 =	vmul.f32 v11, v14  }
0x437: {  	v20 =	vld [tilespmem:s16+$0x18380];
	v1 =	vadd.f32 $1.000000010e-10, v1  }
0x438: {  	v21 =	vld [tilespmem:s16+$0x16B50];
	v7 =	vsub.f32 $1.500000000e+00, v7  }
0x439: {  	v10 =	vld [tilespmem:s16+$0x1A380];
	(erf) = vrcp.f32 v1  }
0x43a: {  	v22 =	vld [tilespmem:s15+$0x14380];
	v14 =	vmul.f32 v11, v7;
	v1 =	vsub.f32 v13, v8  }
0x43b: {  	v23 =	vld [tilespmem:s15+$0x14B50];
	v16 =	vmul.f32 v6, v15;
	v6 =	vmul.f32 v18, v15  }
0x43c: {  	v11 =	vmul.f32 v14, v12;
	v12 =	vld [tilespmem:s16+$0x18B50];
	v15 =	vmul.f32 v1, v1;
	v7 =	vpop (erf)  }
0x43d: {  	v8 =	vmul.f32 v7, v2;
	v9 =	vmul.f32 v7, v9;
	v2 =	vpop (erf)  }
0x43e: {  	v13 =	vsub.f32 $0.0e+00, v10;
	v18 =	vmul.f32 v11, v14;
	v24 =	vmul.f32 v2, v6  }
0x43f: {  	v11 =	vsub.f32 $0.0e+00, v17;
	v10 =	vmul.f32 v8, v19;
	v25 =	vmul.f32 v9, v20  }
0x440: {  	v2 =	vsub.f32 v23, v22;
	v20 =	vmul.f32 v8, v20;
	v19 =	vmul.f32 v9, v19  }
0x441: {  	v23 =	vmul.f32 v9, v21;
	v17 =	vadd.f32 v11, v13;
	v22 =	vmul.f32 v8, v12  }
0x442: {  	v18 =	vsub.f32 $1.500000000e+00, v18;
	v21 =	vmul.f32 v8, v21;
	v12 =	vmul.f32 v9, v12;
	v26 =	vpop (erf)  }
0x443: {  	v26 =	vmul.f32 v26, v6;
	v27 =	vsub.f32 v20, v19;
	v22 =	vsub.f32 v22, v23  }
0x444: {  	v19 =	vmul.f32 v2, v2;
	v20 =	vadd.f32 v25, v10;
	v21 =	vadd.f32 v12, v21  }
0x445: {  	s1 =	simm.s32 $0xC0;
	v12 =	vmul.f32 $6.000000000e+00, v24;
	v10 =	vsub.f32 v27, v22;
	v22 =	vmul.f32 $1.200000000e+01, v26  }
.LBB3_15:
0x446: {  	p5 =	sne.s32 s1, $0x1F00;
	v14 =	vmul.f32 v18, v14;
	v16 =	vmul.f32 v7, v16;
	v18 =	vadd.f32 v11, v11  }
0x447: {  	v20 =	vsub.f32 v20, v21;
	v21 =	vmul.f32 v10, v22;
	v17 =	vmul.f32 v12, v17  }
0x448: {  	v15 =	vadd.f32 v19, v15;
	v19 =	vmul.f32 $4.000000000e+00, v13;
	v14 =	vmul.f32 v14, v5  }
0x449: {  	v13 =	vadd.f32 v13, v13;
	v16 =	vmul.f32 v20, v16;
	v17 =	vadd.f32 v21, v17  }
0x44a: {  	v11 =	vmul.f32 $4.000000000e+00, v11;
	v5 =	vadd.f32 $1.000000010e-10, v15;
	v15 =	vld [tilespmem:s11+$0xFB80];
	v20 =	vmul.f32 v14, v14  }
0x44b: {  	v22 =	vadd.f32 $1.000000010e-10, v14;
	v23 =	vmul.f32 v16, v9;
	v21 =	vld [tilespmem:s11+$0x1A380];
	v24 =	vmul.f32 v17, v8  }
0x44c: {  	v25 =	vshra.s32 v5, $0x1;
	v26 =	vmul.f32 $5.000000000e-01, v5;
	v27 =	vld [tilespmem:s11+$0x1AB50];
	v28 =	vadd.f32 $1.000000010e-10, v20  }
0x44d: {  	s2 =	sshra.s32 s1, $0x2;
	v25 =	vsub.s32 $0x5F3759DF, v25;
	v29 =	vld [tilespmem:s11+$0xEB80];
	(erf) = vrcp.f32 v22;
	v22 =	vadd.f32 v24, v23  }
0x44e: {  	v18 =	vadd.f32 v18, v19;
	v24 =	vmul.f32 v25, v26;
	v23 =	vld [tilespmem:s2+$0x12380];
	(erf) = vrcp.f32 v28  }
0x44f: {  	v9 =	vmul.f32 v17, v9;
	v14 =	vmul.f32 v20, v14;
	v19 =	vld [tilespmem:s2+$0x12B50];
	[tilespmem:s16+$0x1C380] =	vst v22;
	v17 =	vsub.f32 $0.0e+00, v22  }
0x450: {  	v11 =	vadd.f32 v11, v13;
	v8 =	vmul.f32 v16, v8;
	v20 =	vmul.f32 v25, v24;
	v22 =	vld [tilespmem:s11+$0x10B80]  }
0x451: {  	v6 =	vmul.f32 v7, v6;
	v10 =	vmul.f32 v10, v12;
	v13 =	vadd.f32 $1.000000010e-10, v14;
	v24 =	vld [tilespmem:s11+$0x16380];
	[tilespmem:s16+$0x1CB50] =	vst v17  }
0x452: {  	v8 =	vsub.f32 v8, v9;
	v7 =	vsub.f32 $1.500000000e+00, v20;
	v12 =	vld [tilespmem:s11+$0x18380]  }
0x453: {  	v9 =	vmul.f32 v6, v18;
	v20 =	vld [tilespmem:s11+$0x16B50];
	(erf) = vrcp.f32 v13  }
0x454: {  	v11 =	vmul.f32 v6, v11;
	v14 =	vmul.f32 v25, v7;
	v17 =	vld [tilespmem:s2+$0x14380];
	v18 =	vsub.f32 v19, v23;
	[tilespmem:s16+$0x1B380] =	vst v8  }
0x455: {  	v16 =	vmul.f32 v15, v29;
	v13 =	vsub.f32 $0.0e+00, v8;
	v19 =	vld [tilespmem:s2+$0x14B50];
	v6 =	vmul.f32 v22, v29  }
0x456: {  	v25 =	vadd.f32 v10, v9;
	v22 =	vmul.f32 v14, v26;
	v15 =	vmul.f32 v18, v18;
	v23 =	vld [tilespmem:s11+$0x18B50];
	v7 =	vpop (erf)  }
0x457: {  	v28 =	vadd.f32 v10, v11;
	v8 =	vmul.f32 v7, v3;
	v9 =	vmul.f32 v7, v4;
	v3 =	vpop (erf);
	[tilespmem:s16+$0x1BB50] =	vst v13  }
0x458: {  	v10 =	vmul.f32 v22, v14;
	v13 =	vsub.f32 $0.0e+00, v21;
	v26 =	vmul.f32 v3, v6;
	[tilespmem:s16+$0x1D380] =	vst v25;
	v3 =	vmovc v1  }
0x459: {  	v11 =	vsub.f32 $0.0e+00, v27;
	v1 =	vmovc v18;
	v21 =	vmul.f32 v8, v24;
	v22 =	vmul.f32 v9, v12;
	[tilespmem:s16+$0x1DB50] =	vst v28;
	s16 =	smov.u32 s11;
	s11 =	smov.u32 s15;
	s15 =	smov.u32 s2  }
0x45a: {  	v4 =	vmovc v2;
	v12 =	vmul.f32 v8, v12;
	v24 =	vmul.f32 v9, v24;
	v2 =	vsub.f32 v19, v17  }
.Ltmp9:
0x45b: {  	v25 =	vmul.f32 v9, v20;
	v17 =	vadd.f32 v11, v13;
	v19 =	vmul.f32 v8, v23;
	(pc) =	sbr.rel @p5 .LBB3_15-.Ltmp9, $4  }
0x45c: {  	v18 =	vsub.f32 $1.500000000e+00, v10;
	v10 =	vmul.f32 v8, v20;
	v23 =	vmul.f32 v9, v23;
	v20 =	vpop (erf)  }
0x45d: {  	v12 =	vsub.f32 v12, v24;
	v27 =	vmul.f32 v20, v6;
	v24 =	vsub.f32 v19, v25  }
0x45e: {  	v19 =	vmul.f32 v2, v2;
	v20 =	vadd.f32 v22, v21;
	v21 =	vadd.f32 v23, v10  }
0x45f: {  	s1 =	sadd.s32 $0x40, s1;
	v10 =	vsub.f32 v12, v24;
	v22 =	vmul.f32 $1.200000000e+01, v27;
	v12 =	vmul.f32 $6.000000000e+00, v26  }
0x460: {  	v14 =	vmul.f32 v18, v14;
	v16 =	vmul.f32 v7, v16  }
0x461: {  	v51 =	vsub.f32 v20, v21;
	v15 =	vadd.f32 v19, v15;
	v52 =	vmul.f32 v10, v22  }
0x462: {  	v17 =	vmul.f32 v12, v17;
	v5 =	vmul.f32 v14, v5  }
0x463: {  	v53 =	vmul.f32 v51, v16;
	v15 =	vadd.f32 $1.000000010e-10, v15  }
0x464: {  	v55 =	vmul.f32 $4.000000000e+00, v13;
	v54 =	vadd.f32 v52, v17;
	v56 =	vmul.f32 v5, v5  }
0x465: {  	v58 =	vadd.f32 $1.000000010e-10, v5;
	v59 =	vmul.f32 v53, v9;
	v24 =	vshra.s32 v15, $0x1  }
0x466: {  	v25 =	vmul.f32 $5.000000000e-01, v15;
	v60 =	vmul.f32 v54, v8;
	v26 =	vadd.f32 $1.000000010e-10, v56  }
0x467: {  	v57 =	vld [tilespmem:s11+$0xFB80];
	v32 =	vmul.f32 $4.000000000e+00, v11;
	v24 =	vsub.s32 $0x5F3759DF, v24;
	(erf) = vrcp.f32 v58  }
0x468: {  	v23 =	vld [tilespmem:s11+$0x1A380];
	v28 =	vmul.f32 v24, v25;
	v61 =	vadd.f32 v60, v59;
	(erf) = vrcp.f32 v26  }
0x469: {  	v27 =	vld [tilespmem:s11+$0x1AB50];
	v62 =	vadd.f32 v11, v11;
	v6 =	vmul.f32 v7, v6;
	v5 =	vmul.f32 v56, v5  }
0x46a: {  	v63 =	vld [tilespmem:s11+$0xEB80];
	v31 =	vadd.f32 v13, v13;
	v37 =	vmul.f32 v53, v8;
	v34 =	vmul.f32 v24, v28;
	[tilespmem:s16+$0x1C380] =	vst v61  }
0x46b: {  	v36 =	vmul.f32 v54, v9;
	v5 =	vadd.f32 $1.000000010e-10, v5;
	v33 =	vsub.f32 $0.0e+00, v61;
	v35 =	vld [tilespmem:s11+$0x10B80]  }
0x46c: {  	v41 =	vmul.f32 v10, v12;
	v17 =	vadd.f32 v62, v55;
	v39 =	vsub.f32 $1.500000000e+00, v34  }
0x46d: {  	v11 =	vadd.f32 v32, v31;
	v8 =	vsub.f32 v37, v36;
	v38 =	vld [tilespmem:s11+$0x16380];
	(erf) = vrcp.f32 v5;
	[tilespmem:s16+$0x1CB50] =	vst v33  }
0x46e: {  	v44 =	vmul.f32 v6, v17;
	v40 =	vld [tilespmem:s11+$0x18380];
	v43 =	vmul.f32 v24, v39  }
0x46f: {  	v6 =	vmul.f32 v6, v11;
	v19 =	vmul.f32 v57, v63;
	v42 =	vld [tilespmem:s11+$0x16B50];
	[tilespmem:s16+$0x1B380] =	vst v8  }
0x470: {  	v45 =	vld [tilespmem:s11+$0x18B50];
	v13 =	vmul.f32 v43, v25;
	v11 =	vmul.f32 v35, v63;
	v17 =	vpop (erf)  }
0x471: {  	v47 =	vsub.f32 $0.0e+00, v23;
	v3 =	vmul.f32 v17, v3;
	v4 =	vmul.f32 v17, v4;
	v46 =	vpop (erf)  }
0x472: {  	v48 =	vsub.f32 $0.0e+00, v27;
	v13 =	vmul.f32 v13, v43;
	v18 =	vmul.f32 v46, v11  }
0x473: {  	v49 =	vmul.f32 v3, v38;
	v50 =	vmul.f32 v4, v40  }
0x474: {  	v27 =	vadd.f32 v48, v47;
	v7 =	vmul.f32 v3, v40;
	v14 =	vmul.f32 v4, v38  }
0x475: {  	v12 =	vadd.f32 v41, v44;
	v51 =	vmul.f32 v3, v45;
	v52 =	vmul.f32 v4, v42  }
0x476: {  	v13 =	vsub.f32 $1.500000000e+00, v13;
	v9 =	vmul.f32 v3, v42;
	v16 =	vmul.f32 v4, v45;
	v53 =	vpop (erf)  }
0x477: {  	v28 =	vmul.f32 v53, v11;
	v7 =	vsub.f32 v7, v14;
	v54 =	vsub.f32 v51, v52  }
0x478: {  	v55 =	vadd.f32 v50, v49;
	v9 =	vadd.f32 v16, v9;
	v10 =	vmul.f32 v13, v43  }
0x479: {  	v57 =	vmul.f32 $6.000000000e+00, v18;
	v7 =	vsub.f32 v7, v54;
	v56 =	vmul.f32 $1.200000000e+01, v28  }
0x47a: {  	v5 =	vadd.f32 v41, v6;
	v58 =	vmul.f32 v17, v19;
	v59 =	vmul.f32 v10, v15  }
0x47b: {  	v9 =	vsub.f32 v55, v9;
	v18 =	vmul.f32 v57, v27;
	v14 =	vmul.f32 v7, v56  }
0x47c: {  	v8 =	vsub.f32 $0.0e+00, v8;
	v28 =	vadd.f32 $1.000000010e-10, v59  }
0x47d: {  	[tilespmem:s16+$0x1D380] =	vst v12;
	v60 =	vmul.f32 v9, v58;
	v62 =	vmul.f32 v59, v59;
	v61 =	vadd.f32 v14, v18  }
0x47e: {  	[tilespmem:s16+$0x1DB50] =	vst v5;
	(erf) = vrcp.f32 v28  }
0x47f: {  	[tilespmem:s16+$0x1BB50] =	vst v8;
	v13 =	vmul.f32 v60, v4;
	v30 =	vadd.f32 $1.000000010e-10, v62;
	v14 =	vmul.f32 v61, v3  }
0x480: {  	v63 =	vld [tilespmem:s15+$0xFB80];
	v5 =	vmul.f32 v62, v59  }
0x481: {  	v29 =	vld [tilespmem:s15+$0x1A380];
	(erf) = vrcp.f32 v30;
	v32 =	vadd.f32 v14, v13  }
0x482: {  	v31 =	vld [tilespmem:s15+$0x1AB50];
	v5 =	vadd.f32 $1.000000010e-10, v5  }
0x483: {  	v33 =	vld [tilespmem:s15+$0xEB80];
	v4 =	vmul.f32 v61, v4;
	v3 =	vmul.f32 v60, v3;
	[tilespmem:s11+$0x1C380] =	vst v32;
	v34 =	vsub.f32 $0.0e+00, v32  }
0x484: {  	(erf) = vrcp.f32 v5;
	v35 =	vld [tilespmem:s15+$0x10B80]  }
0x485: {  	v3 =	vsub.f32 v3, v4;
	v36 =	vld [tilespmem:s15+$0x16380];
	[tilespmem:s11+$0x1CB50] =	vst v34  }
0x486: {  	v6 =	vld [tilespmem:s15+$0x18380]  }
0x487: {  	v21 =	vmul.f32 $4.000000000e+00, v48;
	v38 =	vmul.f32 $4.000000000e+00, v47;
	v37 =	vld [tilespmem:s15+$0x16B50];
	[tilespmem:s11+$0x1B380] =	vst v3;
	v41 =	vpop (erf)  }
0x488: {  	v11 =	vmul.f32 v17, v11;
	v40 =	vld [tilespmem:s15+$0x18B50];
	v1 =	vmul.f32 v41, v1  }
0x489: {  	v2 =	vmul.f32 v41, v2;
	v39 =	vmul.f32 v35, v33  }
0x48a: {  	v20 =	vadd.f32 v47, v47;
	v10 =	vmul.f32 v63, v33;
	v18 =	vpop (erf);
	v43 =	vmul.f32 v1, v36  }
0x48b: {  	v42 =	vadd.f32 v48, v48;
	v8 =	vmul.f32 v2, v36;
	v18 =	vmul.f32 v18, v39  }
0x48c: {  	v19 =	vsub.f32 $0.0e+00, v31;
	v44 =	vmul.f32 v2, v6;
	v6 =	vmul.f32 v1, v6  }
0x48d: {  	v15 =	vsub.f32 $0.0e+00, v29;
	v48 =	vpop (erf);
	v46 =	vmul.f32 v2, v37;
	v45 =	vmul.f32 v1, v40  }
0x48e: {  	v54 =	vadd.f32 v21, v20;
	v4 =	vmul.f32 v1, v37;
	v28 =	vmul.f32 v48, v39  }
0x48f: {  	v12 =	vmul.f32 v2, v40;
	v6 =	vsub.f32 v6, v8;
	v49 =	vsub.f32 v45, v46  }
0x490: {  	v47 =	vadd.f32 v19, v15;
	v50 =	vadd.f32 v44, v43;
	v51 =	vmul.f32 $1.200000000e+01, v28  }
0x491: {  	v52 =	vmul.f32 $6.000000000e+00, v18;
	v4 =	vadd.f32 v12, v4;
	v6 =	vsub.f32 v6, v49  }
0x492: {  	v7 =	vmul.f32 v7, v57;
	v5 =	vadd.f32 v42, v38;
	v10 =	vmul.f32 v41, v10  }
0x493: {  	v53 =	vmul.f32 v52, v47;
	v4 =	vsub.f32 v50, v4;
	v8 =	vmul.f32 v6, v51  }
0x494: {  	v55 =	vmul.f32 v11, v54;
	v57 =	vadd.f32 v19, v19;
	v5 =	vmul.f32 v11, v5  }
0x495: {  	v58 =	vmul.f32 $4.000000000e+00, v15;
	v4 =	vmul.f32 v4, v10;
	v8 =	vadd.f32 v8, v53  }
0x496: {  	v59 =	vmul.f32 $4.000000000e+00, v19;
	v5 =	vadd.f32 v7, v5;
	v3 =	vsub.f32 $0.0e+00, v3  }
0x497: {  	v7 =	vadd.f32 v7, v55;
	v56 =	vmul.f32 v4, v2;
	v13 =	vmul.f32 v8, v1  }
0x498: {  	[tilespmem:s11+$0x1BB50] =	vst v3;
	v3 =	vadd.f32 v15, v15;
	v2 =	vmul.f32 v8, v2;
	v1 =	vmul.f32 v4, v1  }
0x499: {  	v60 =	vadd.f32 v57, v58;
	[tilespmem:s11+$0x1D380] =	vst v5;
	v62 =	vmul.f32 v41, v39;
	v11 =	vadd.f32 v13, v56  }
0x49a: {  	[tilespmem:s11+$0x1DB50] =	vst v7;
	v3 =	vadd.f32 v59, v3;
	v1 =	vsub.f32 v1, v2  }
0x49b: {  	v4 =	vmul.f32 v62, v60;
	v2 =	vmul.f32 v6, v52;
	v61 =	vsub.f32 $0.0e+00, v11;
	[tilespmem:s15+$0x1C380] =	vst v11  }
0x49c: {  	v3 =	vmul.f32 v62, v3;
	v63 =	vsub.f32 $0.0e+00, v1;
	[tilespmem:s15+$0x1B380] =	vst v1  }
0x49d: {  	v1 =	vadd.f32 v2, v4;
	[tilespmem:s15+$0x1CB50] =	vst v61  }
0x49e: {  	v2 =	vadd.f32 v2, v3;
	[tilespmem:s15+$0x1BB50] =	vst v63  }
0x49f: {  	[tilespmem:s15+$0x1D380] =	vst v1  }
0x4a0: {  	[tilespmem:s15+$0x1DB50] =	vst v2  }
0x4a1: {  	[spmem:s12] =	stream.indirect.scatter.add.f32 [tilespmem:s26], [sflag:$0x3], $0x1, s18, s19, $0xb8;
	[tilespmem:$0x1F000] =	vst v63  }
0x4a2: {  	_ = 	snop  }
0x4a3: {  	[spmem:s13] =	stream.indirect.scatter.add.f32 [tilespmem:s4], [sflag:$0x3], $0x1, s18, s19, $0xb8;
	[tilespmem:$0x1F000] =	vst v63  }
0x4a4: {  	_ = 	snop  }
0x4a5: {  	[spmem:s14] =	stream.indirect.scatter.add.f32 [tilespmem:s5], [sflag:$0x3], $0x1, s18, s19, $0xb8;
	[tilespmem:$0x1F000] =	vst v63  }
0x4a6: {  	_ =	swait.ge [sflag:s23], $0xFA0  }
0x4a7: {  	[sflag:s23] =	ssyncset.done $0x0  }
0x4a8: {  	[sflag:s23] =	ssyncadd.s32 $0xFFFFF060  }
0x4a9: {  	_ =	swait.ge [sflag:s23], $0xFA0  }
0x4aa: {  	[sflag:s23] =	ssyncset.done $0x0  }
0x4ab: {  	[sflag:s23] =	ssyncadd.s32 $0xFFFFF060  }
0x4ac: {  	_ =	swait.ge [sflag:s23], $0xFA0  }
0x4ad: {  	[sflag:s23] =	ssyncset.done $0x0  }
0x4ae: {  	[sflag:s23] =	ssyncadd.s32 $0xFFFFF060  }
0x4af: {  	[bflag:$0x0] =	sbarrier.arrive $0xFFFF  }
0x4b0: {  	s15 =	sld [smem:$0x7D3];
	_ =	sdelay $0x1  }
0x4b1: {  	s1 =	simm.s32 @p2 $0x1E380;
	s2 =	simm.s32 @p2 $0x4  }
0x4b2: {  	[tilespmem:s1], [sflag:$0x4] =	stream.linear.gather @p2 [spmem:s15], $0xC38, $0x38;
	[tilespmem:$0x1F000] =	vst v63  }
0x4b3: {  	_ =	swait.ge @p2 [sflag:s2], $0xC38  }
0x4b4: {  	s3 =	sld [smem:$0x7D6]  }
0x4b5: {  	[sflag:s2] =	ssyncset.done @p2 $0x0  }
0x4b6: {  	s11 =	simm.s32 @p2 $0x0;
	[sflag:s2] =	ssyncadd.s32 @p2 $0xFFFFF3C8  }
0x4b7: {  	[hbm4b:s3+s11] =	stream.linear.scatter @p2 [tilespmem:s1], [sflag:$0x4], $0xC38, $0x38;
	[tilespmem:$0x1F000] =	vst v63  }
0x4b8: {  	_ =	swait.ge @p2 [sflag:s2], $0xC38  }
0x4b9: {  	[sflag:s2] =	ssyncset.done @p2 $0x0  }
0x4ba: {  	s6 =	rddreg [dreg:$0x1e];
	[sflag:s2] =	ssyncadd.s32 @p2 $0xFFFFF3C8  }
0x4bb: {  	[tilespmem:s1], [sflag:$0x4] =	stream.linear.gather @p2 [spmem:s6], $0xC38, $0x38;
	[tilespmem:$0x1F000] =	vst v63  }
0x4bc: {  	_ =	swait.ge @p2 [sflag:s2], $0xC38  }
0x4bd: {  	s3 =	sld [smem:$0x7D8]  }
0x4be: {  	[sflag:s2] =	ssyncset.done @p2 $0x0  }
0x4bf: {  	[sflag:s2] =	ssyncadd.s32 @p2 $0xFFFFF3C8  }
0x4c0: {  	[hbm4b:s3+s11] =	stream.linear.scatter @p2 [tilespmem:s1], [sflag:$0x4], $0xC38, $0x38;
	[tilespmem:$0x1F000] =	vst v63  }
0x4c1: {  	_ =	swait.ge @p2 [sflag:s2], $0xC38  }
0x4c2: {  	s8 =	sld [smem:$0x7D4]  }
0x4c3: {  	[sflag:s2] =	ssyncset.done @p2 $0x0  }
0x4c4: {  	[sflag:s2] =	ssyncadd.s32 @p2 $0xFFFFF3C8  }
0x4c5: {  	[tilespmem:s1], [sflag:$0x4] =	stream.linear.gather @p2 [spmem:s8], $0xC38, $0x38;
	[tilespmem:$0x1F000] =	vst v63  }
0x4c6: {  	_ =	swait.ge @p2 [sflag:s2], $0xC38  }
0x4c7: {  	s3 =	sld [smem:$0x7DA]  }
0x4c8: {  	[sflag:s2] =	ssyncset.done @p2 $0x0  }
0x4c9: {  	[sflag:s2] =	ssyncadd.s32 @p2 $0xFFFFF3C8  }
0x4ca: {  	[hbm4b:s3+s11] =	stream.linear.scatter @p2 [tilespmem:s1], [sflag:$0x4], $0xC38, $0x38;
	[tilespmem:$0x1F000] =	vst v63  }
0x4cb: {  	_ =	swait.ge @p2 [sflag:s2], $0xC38  }
0x4cc: {  	[sflag:s2] =	ssyncset.done @p2 $0x0  }
0x4cd: {  	s3 =	rddreg [dreg:$0x1f];
	[sflag:s2] =	ssyncadd.s32 @p2 $0xFFFFF3C8  }
0x4ce: {  	[tilespmem:s1], [sflag:$0x4] =	stream.linear.gather @p2 [spmem:s3], $0xC38, $0x38;
	[tilespmem:$0x1F000] =	vst v63  }
0x4cf: {  	_ =	swait.ge @p2 [sflag:s2], $0xC38  }
0x4d0: {  	s17 =	sld [smem:$0x7DC]  }
0x4d1: {  	[sflag:s2] =	ssyncset.done @p2 $0x0  }
0x4d2: {  	[sflag:s2] =	ssyncadd.s32 @p2 $0xFFFFF3C8  }
0x4d3: {  	[hbm4b:s17+s11] =	stream.linear.scatter @p2 [tilespmem:s1], [sflag:$0x4], $0xC38, $0x38;
	[tilespmem:$0x1F000] =	vst v63  }
0x4d4: {  	_ =	swait.ge @p2 [sflag:s2], $0xC38  }
0x4d5: {  	s24 =	sld [smem:$0x7D5]  }
0x4d6: {  	[sflag:s2] =	ssyncset.done @p2 $0x0  }
0x4d7: {  	[sflag:s2] =	ssyncadd.s32 @p2 $0xFFFFF3C8  }
0x4d8: {  	[tilespmem:s1], [sflag:$0x4] =	stream.linear.gather @p2 [spmem:s24], $0xC38, $0x38;
	[tilespmem:$0x1F000] =	vst v63  }
0x4d9: {  	_ =	swait.ge @p2 [sflag:s2], $0xC38  }
0x4da: {  	s17 =	sld [smem:$0x7DE]  }
0x4db: {  	[sflag:s2] =	ssyncset.done @p2 $0x0  }
0x4dc: {  	[sflag:s2] =	ssyncadd.s32 @p2 $0xFFFFF3C8  }
0x4dd: {  	[hbm4b:s17+s11] =	stream.linear.scatter @p2 [tilespmem:s1], [sflag:$0x4], $0xC38, $0x38;
	[tilespmem:$0x1F000] =	vst v63  }
0x4de: {  	_ =	swait.ge @p2 [sflag:s2], $0xC38  }
0x4df: {  	s16 =	sld [smem:$0x7FD]  }
0x4e0: {  	[sflag:s2] =	ssyncset.done @p2 $0x0  }
0x4e1: {  	[sflag:s2] =	ssyncadd.s32 @p2 $0xFFFFF3C8  }
0x4e2: {  	[tilespmem:s1], [sflag:$0x4] =	stream.linear.gather @p2 [spmem:s16], $0xC38, $0x38;
	[tilespmem:$0x1F000] =	vst v63  }
0x4e3: {  	_ =	swait.ge @p2 [sflag:s2], $0xC38  }
0x4e4: {  	s17 =	sld [smem:$0x7E0]  }
0x4e5: {  	[sflag:s2] =	ssyncset.done @p2 $0x0  }
0x4e6: {  	[sflag:s2] =	ssyncadd.s32 @p2 $0xFFFFF3C8  }
0x4e7: {  	[hbm4b:s17+s11] =	stream.linear.scatter @p2 [tilespmem:s1], [sflag:$0x4], $0xC38, $0x38;
	[tilespmem:$0x1F000] =	vst v63  }
0x4e8: {  	_ =	swait.ge @p2 [sflag:s2], $0xC38  }
0x4e9: {  	[sflag:s2] =	ssyncset.done @p2 $0x0  }
0x4ea: {  	s1 =	simm.s32 @!p4 $0x1E380;
	[sflag:s2] =	ssyncadd.s32 @p2 $0xFFFFF3C8;
	s2 =	simm.s32 @!p4 $0x4  }
0x4eb: {  	[tilespmem:s1], [sflag:$0x4] =	stream.linear.gather @!p4 [spmem:s15], $0xC38, $0x38;
	[tilespmem:$0x1F000] =	vst v63  }
0x4ec: {  	_ =	swait.ge @!p4 [sflag:s2], $0xC38  }
0x4ed: {  	s15 =	sld [smem:$0x7D7]  }
0x4ee: {  	[sflag:s2] =	ssyncset.done @!p4 $0x0  }
0x4ef: {  	s11 =	simm.s32 @!p4 $0x0;
	[sflag:s2] =	ssyncadd.s32 @!p4 $0xFFFFF3C8  }
0x4f0: {  	[hbm4b:s15+s11] =	stream.linear.scatter @!p4 [tilespmem:s1], [sflag:$0x4], $0xC38, $0x38;
	[tilespmem:$0x1F000] =	vst v63  }
0x4f1: {  	_ =	swait.ge @!p4 [sflag:s2], $0xC38  }
0x4f2: {  	[sflag:s2] =	ssyncset.done @!p4 $0x0  }
0x4f3: {  	[sflag:s2] =	ssyncadd.s32 @!p4 $0xFFFFF3C8  }
0x4f4: {  	[tilespmem:s1], [sflag:$0x4] =	stream.linear.gather @!p4 [spmem:s6], $0xC38, $0x38;
	[tilespmem:$0x1F000] =	vst v63  }
0x4f5: {  	_ =	swait.ge @!p4 [sflag:s2], $0xC38  }
0x4f6: {  	s15 =	sld [smem:$0x7D9]  }
0x4f7: {  	[sflag:s2] =	ssyncset.done @!p4 $0x0  }
0x4f8: {  	[sflag:s2] =	ssyncadd.s32 @!p4 $0xFFFFF3C8  }
0x4f9: {  	[hbm4b:s15+s11] =	stream.linear.scatter @!p4 [tilespmem:s1], [sflag:$0x4], $0xC38, $0x38;
	[tilespmem:$0x1F000] =	vst v63  }
0x4fa: {  	_ =	swait.ge @!p4 [sflag:s2], $0xC38  }
0x4fb: {  	[sflag:s2] =	ssyncset.done @!p4 $0x0  }
0x4fc: {  	[sflag:s2] =	ssyncadd.s32 @!p4 $0xFFFFF3C8  }
0x4fd: {  	[tilespmem:s1], [sflag:$0x4] =	stream.linear.gather @!p4 [spmem:s8], $0xC38, $0x38;
	[tilespmem:$0x1F000] =	vst v63  }
0x4fe: {  	_ =	swait.ge @!p4 [sflag:s2], $0xC38  }
0x4ff: {  	s15 =	sld [smem:$0x7DB]  }
0x500: {  	[sflag:s2] =	ssyncset.done @!p4 $0x0  }
0x501: {  	[sflag:s2] =	ssyncadd.s32 @!p4 $0xFFFFF3C8  }
0x502: {  	[hbm4b:s15+s11] =	stream.linear.scatter @!p4 [tilespmem:s1], [sflag:$0x4], $0xC38, $0x38;
	[tilespmem:$0x1F000] =	vst v63  }
0x503: {  	_ =	swait.ge @!p4 [sflag:s2], $0xC38  }
0x504: {  	[sflag:s2] =	ssyncset.done @!p4 $0x0  }
0x505: {  	[sflag:s2] =	ssyncadd.s32 @!p4 $0xFFFFF3C8  }
0x506: {  	[tilespmem:s1], [sflag:$0x4] =	stream.linear.gather @!p4 [spmem:s3], $0xC38, $0x38;
	[tilespmem:$0x1F000] =	vst v63  }
0x507: {  	_ =	swait.ge @!p4 [sflag:s2], $0xC38  }
0x508: {  	s3 =	sld [smem:$0x7DD]  }
0x509: {  	[sflag:s2] =	ssyncset.done @!p4 $0x0  }
0x50a: {  	[sflag:s2] =	ssyncadd.s32 @!p4 $0xFFFFF3C8  }
0x50b: {  	[hbm4b:s3+s11] =	stream.linear.scatter @!p4 [tilespmem:s1], [sflag:$0x4], $0xC38, $0x38;
	[tilespmem:$0x1F000] =	vst v63  }
0x50c: {  	_ =	swait.ge @!p4 [sflag:s2], $0xC38  }
0x50d: {  	[sflag:s2] =	ssyncset.done @!p4 $0x0  }
0x50e: {  	[sflag:s2] =	ssyncadd.s32 @!p4 $0xFFFFF3C8  }
0x50f: {  	[tilespmem:s1], [sflag:$0x4] =	stream.linear.gather @!p4 [spmem:s24], $0xC38, $0x38;
	[tilespmem:$0x1F000] =	vst v63  }
0x510: {  	_ =	swait.ge @!p4 [sflag:s2], $0xC38  }
0x511: {  	s3 =	sld [smem:$0x7DF]  }
0x512: {  	[sflag:s2] =	ssyncset.done @!p4 $0x0  }
0x513: {  	[sflag:s2] =	ssyncadd.s32 @!p4 $0xFFFFF3C8  }
0x514: {  	[hbm4b:s3+s11] =	stream.linear.scatter @!p4 [tilespmem:s1], [sflag:$0x4], $0xC38, $0x38;
	[tilespmem:$0x1F000] =	vst v63  }
0x515: {  	_ =	swait.ge @!p4 [sflag:s2], $0xC38  }
0x516: {  	p5 =	por @!p4 $0x1, $0x1;
	p6 =	por p1, p1;
	[sflag:s2] =	ssyncset.done @!p4 $0x0  }
0x517: {  	p6 =	por @!p4 p5, p5;
	[sflag:s2] =	ssyncadd.s32 @!p4 $0xFFFFF3C8  }
0x518: {  	[tilespmem:s1], [sflag:$0x4] =	stream.linear.gather @!p4 [spmem:s16], $0xC38, $0x38;
	[tilespmem:$0x1F000] =	vst v63  }
0x519: {  	p5 =	por @!p3 !p6, !p0;
	_ =	swait.ge @!p4 [sflag:s2], $0xC38  }
0x51a: {  	p5 =	por @!p3 !p5, !p5;
	s3 =	sld [smem:$0x7E1]  }
0x51b: {  	p5 =	por p3, p5;
	[sflag:s2] =	ssyncset.done @!p4 $0x0  }
.Ltmp10:
0x51c: {  	[sflag:s2] =	ssyncadd.s32 @!p4 $0xFFFFF3C8;
	(pc) =	sbr.rel @!p5 .LBB3_18-.Ltmp10, $4  }
0x51d: {  	[hbm4b:s3+s11] =	stream.linear.scatter @!p4 [tilespmem:s1], [sflag:$0x4], $0xC38, $0x38;
	[tilespmem:$0x1F000] =	vst v63  }
0x51e: {  	_ =	swait.ge @!p4 [sflag:s2], $0xC38  }
0x51f: {  	s7 =	smov.u32 s6;
	[sflag:s2] =	ssyncset.done @!p4 $0x0  }
0x520: {  	s17 =	smov.u32 s16;
	s15 =	sld [smem:$0x7C1];
	[sflag:s2] =	ssyncadd.s32 @!p4 $0xFFFFF3C8  }
0x521: {  	s1 =	sld [smem:$0x7F7];
	_ =	sdelay $0x1  }
0x522: {  	s11 =	simm.s32 $0x1E380  }
0x523: {  	[tilespmem:s11], [sflag:$0x4] =	stream.linear.gather [spmem:s1], $0xC38, $0x38;
	[tilespmem:$0x1F000] =	vst v63  }
0x524: {  	s1 =	rddreg [dreg:$0x5];
	_ =	swait.ge [sflag:s21], $0xC38  }
0x525: {  	s2 =	rddreg [dreg:$0x4]  }
0x526: {  	[sflag:s21] =	ssyncset.done $0x0;
	s1 =	smov.u32 @p3 s2  }
0x527: {  	s3 =	simm.s32 $0x0;
	[sflag:s21] =	ssyncadd.s32 $0xFFFFF3C8;
	s2 =	sadd.s32 $0x2DD2, s1  }
0x528: {  	[hbm4b:s2+s3] =	stream.linear.scatter [tilespmem:s11], [sflag:$0x4], $0xC38, $0x38;
	[tilespmem:$0x1F000] =	vst v63  }
0x529: {  	_ =	swait.ge [sflag:s21], $0xC38  }
0x52a: {  	s24 =	sld [smem:$0x7F8]  }
0x52b: {  	[sflag:s21] =	ssyncset.done $0x0  }
0x52c: {  	[sflag:s21] =	ssyncadd.s32 $0xFFFFF3C8  }
0x52d: {  	[tilespmem:s11], [sflag:$0x4] =	stream.linear.gather [spmem:s24], $0xBD8, $0x38;
	[tilespmem:$0x1F000] =	vst v63  }
0x52e: {  	_ =	swait.ge [sflag:s21], $0xBD8  }
0x52f: {  	[sflag:s21] =	ssyncset.done $0x0  }
0x530: {  	s6 =	sadd.s32 $0x2F59, s1;
	[sflag:s21] =	ssyncadd.s32 $0xFFFFF428  }
0x531: {  	[hbm4b:s6+s3] =	stream.linear.scatter [tilespmem:s11], [sflag:$0x4], $0xBD8, $0x38;
	[tilespmem:$0x1F000] =	vst v63  }
0x532: {  	_ =	swait.ge [sflag:s21], $0xBD8  }
0x533: {  	s8 =	sld [smem:$0x7F9]  }
0x534: {  	[sflag:s21] =	ssyncset.done $0x0  }
0x535: {  	[sflag:s21] =	ssyncadd.s32 $0xFFFFF428  }
0x536: {  	[tilespmem:s11], [sflag:$0x4] =	stream.linear.gather [spmem:s8], $0xC38, $0x38;
	[tilespmem:$0x1F000] =	vst v63  }
0x537: {  	_ =	swait.ge [sflag:s21], $0xC38  }
0x538: {  	[sflag:s21] =	ssyncset.done $0x0  }
0x539: {  	s16 =	sadd.s32 $0x5EA6, s1;
	[sflag:s21] =	ssyncadd.s32 $0xFFFFF3C8  }
0x53a: {  	[hbm4b:s16+s3] =	stream.linear.scatter [tilespmem:s11], [sflag:$0x4], $0xC38, $0x38;
	[tilespmem:$0x1F000] =	vst v63  }
0x53b: {  	_ =	swait.ge [sflag:s21], $0xC38  }
0x53c: {  	s24 =	sld [smem:$0x7FA]  }
0x53d: {  	[sflag:s21] =	ssyncset.done $0x0  }
0x53e: {  	[sflag:s21] =	ssyncadd.s32 $0xFFFFF3C8  }
0x53f: {  	[tilespmem:s11], [sflag:$0x4] =	stream.linear.gather [spmem:s24], $0xBD8, $0x38;
	[tilespmem:$0x1F000] =	vst v63  }
0x540: {  	_ =	swait.ge [sflag:s21], $0xBD8  }
0x541: {  	[sflag:s21] =	ssyncset.done $0x0  }
0x542: {  	s6 =	sadd.s32 $0x602D, s1;
	[sflag:s21] =	ssyncadd.s32 $0xFFFFF428  }
0x543: {  	[hbm4b:s6+s3] =	stream.linear.scatter [tilespmem:s11], [sflag:$0x4], $0xBD8, $0x38;
	[tilespmem:$0x1F000] =	vst v63  }
0x544: {  	_ =	swait.ge [sflag:s21], $0xBD8  }
0x545: {  	s8 =	sld [smem:$0x7FB]  }
0x546: {  	[sflag:s21] =	ssyncset.done $0x0  }
0x547: {  	[sflag:s21] =	ssyncadd.s32 $0xFFFFF428  }
0x548: {  	[tilespmem:s11], [sflag:$0x4] =	stream.linear.gather [spmem:s8], $0xC38, $0x38;
	[tilespmem:$0x1F000] =	vst v63  }
0x549: {  	_ =	swait.ge [sflag:s21], $0xC38  }
0x54a: {  	[sflag:s21] =	ssyncset.done $0x0  }
0x54b: {  	s16 =	sadd.s32 $0x8F7A, s1;
	[sflag:s21] =	ssyncadd.s32 $0xFFFFF3C8  }
0x54c: {  	[hbm4b:s16+s3] =	stream.linear.scatter [tilespmem:s11], [sflag:$0x4], $0xC38, $0x38;
	[tilespmem:$0x1F000] =	vst v63  }
0x54d: {  	_ =	swait.ge [sflag:s21], $0xC38  }
0x54e: {  	s24 =	sld [smem:$0x7FC]  }
0x54f: {  	[sflag:s21] =	ssyncset.done $0x0  }
0x550: {  	[sflag:s21] =	ssyncadd.s32 $0xFFFFF3C8  }
0x551: {  	[tilespmem:s11], [sflag:$0x4] =	stream.linear.gather [spmem:s24], $0xBD8, $0x38;
	[tilespmem:$0x1F000] =	vst v63  }
0x552: {  	_ =	swait.ge [sflag:s21], $0xBD8  }
0x553: {  	[sflag:s21] =	ssyncset.done $0x0  }
.Ltmp11:
0x554: {  	s1 =	sadd.s32 $0x9101, s1;
	[sflag:s21] =	ssyncadd.s32 $0xFFFFF428;
	(pc) =	sbr.rel .LBB3_18-.Ltmp11, $4  }
0x555: {  	[hbm4b:s1+s3] =	stream.linear.scatter [tilespmem:s11], [sflag:$0x4], $0xBD8, $0x38;
	[tilespmem:$0x1F000] =	vst v63  }
0x556: {  	_ =	swait.ge [sflag:s21], $0xBD8  }
0x557: {  	[sflag:s21] =	ssyncset.done $0x0  }
0x558: {  	[sflag:s21] =	ssyncadd.s32 $0xFFFFF428  }
.LBB3_19:
0x559: {  	_ =	sfence.sel $0x180000  }
0x55a: {  	[bflag:$0x0] =	sbarrier.arrive $0xFFFF  }
0x55b: {  	_ =	strace $0x90000047  }
0x55c: {  	s0 =	stileid.u32;
	[bflag:$0x2] =	sbarrier.arrive $0xFFFF  }
0x55d: {  	p0 =	sne.s32 s0, $0x0;
	s0 =	rddreg [dreg:$0xe]  }
0x55e: {  	s0 =	sadd.s32 @!p0 $0x100000, s0  }
0x55f: {  	[sflag:s0] =	ssyncadd.tile.s32 @!p0 $0x1;
	_ =	shalt  }
.Lfunc_end3:
_tile_overlayer_lowered:
.L_overlay_start_3:
0x560: {  	(tag) =	ssettag $0x3  }
0x561: {  	s0 =	rddreg [dreg:$0x0];
	s2 =	stileid.u32  }
0x562: {  	s1 =	rddreg [dreg:$0x1];
	p0 =	sne.s32 s2, $0x0  }
0x563: {  	s3 =	rddreg [dreg:$0x2];
	[bflag:$0x3] =	sbarrier.arrive $0xFFFF;
	s2 =	simm.s32 @!p0 $0x1C04  }
0x564: {  	[timem:s3], [sflag:s2] =	dma.local @!p0 [hbm:s0], s1  }
0x565: {  	s0 =	simm.s32 @!p0 $0x4  }
0x566: {  	_ =	swait.ge @!p0 [sflag:s0], s1  }
0x567: {  	s1 =	ssub.s32 @!p0 $0x0, s1;
	[sflag:s0] =	ssyncset.done @!p0 $0x0  }
0x568: {  	[sflag:s0] =	ssyncadd.s32 @!p0 s1  }
0x569: {  	[bflag:$0x3] =	sbarrier.arrive $0xFFFF  }
0x56a: {  	_ =	shalt  }

</sc_bundles>
